<compile_context>
chip_gen: v7x
topology: tpu7x:2x2x1
jax: 0.10.2.dev20260603
libtpu: 0.0.44.dev20260713+nightly
codegen_flags: <defaults>
</compile_context>

<pallas_src>
import functools

import jax
import jax.numpy as jnp
from jax import lax
from jax.experimental import pallas as pl
from jax.experimental.pallas import tpu as pltpu
from jax.experimental.pallas import tpu_sc as plsc

VOCAB = 100000
EMBED_DIM = 128
BATCH = 16384
NUM_FIELDS = 100

NC = 2
NS = 16
NW = NC * NS
NB = BATCH // NW
LANES = 16
AUG = 144
DC = EMBED_DIM // LANES
KB = 4
CH = KB * NUM_FIELDS
NCHUNK = NB // KB
SS = 8
NSUP = NCHUNK // SS


def _fm_kernel(idx_hbm, aug_hbm, bias_hbm, out_hbm,
               islot, rows_v, out_v, bias_v, sem0, sem1, isem):
    wid = lax.axis_index("s") * NC + lax.axis_index("c")
    fbase = wid * NB * NUM_FIELDS
    sems = (sem0, sem1)

    pltpu.sync_copy(bias_hbm, bias_v)
    bias_s = bias_v[pl.ds(0, LANES)][0]
    lane = lax.iota(jnp.int32, LANES)
    zero = jnp.zeros((LANES,), jnp.float32)

    def issue(c, s):
        ph = (c // SS) % 2
        off = (c % SS) * CH
        pltpu.async_copy(
            aug_hbm.at[islot.at[ph, pl.ds(off, CH)]], rows_v.at[s], sems[s])

    def drain(s):
        pltpu.make_async_copy(aug_hbm.at[pl.ds(0, CH)], rows_v.at[s],
                              sems[s]).wait()

    def compute(c, s):
        for j in range(KB):
            rbase = j * NUM_FIELDS

            def fbody(f, carry):
                svecs, qvecs, lwv = carry
                ns, nq = [], []
                r = rbase + f
                for dc in range(DC):
                    e = rows_v[s, r, pl.ds(dc * LANES, LANES)]
                    ns.append(svecs[dc] + e)
                    nq.append(qvecs[dc] + e * e)
                wv = rows_v[s, r, pl.ds(DC * LANES, LANES)]
                return (tuple(ns), tuple(nq), lwv + wv)

            svecs, qvecs, lwv = lax.fori_loop(
                0, NUM_FIELDS, fbody,
                (tuple(zero for _ in range(DC)),
                 tuple(zero for _ in range(DC)), zero),
                unroll=4)

            fmv = zero
            qv = zero
            for dc in range(DC):
                fmv = fmv + svecs[dc] * svecs[dc]
                qv = qv + qvecs[dc]
            cv = lwv + 0.5 * (fmv - qv)
            val = jnp.sum(cv) + bias_s
            plsc.store_scatter(out_v,
                               [jnp.full((LANES,), c * KB + j, jnp.int32)],
                               jnp.full((LANES,), val, jnp.float32),
                               mask=lane == 0)

    pltpu.sync_copy(idx_hbm.at[pl.ds(fbase, SS * CH)], islot.at[0])
    issue(0, 0)

    def body(u, carry):
        @pl.when(u + 1 < NSUP)
        def _():
            pltpu.async_copy(
                idx_hbm.at[pl.ds(fbase + (u + 1) * SS * CH, SS * CH)],
                islot.at[(u + 1) % 2], isem)

        def pair(p, carry2):
            c0 = u * SS + 2 * p
            issue(c0 + 1, 1)
            drain(0)
            compute(c0, 0)

            @pl.when(jnp.logical_and(p == SS // 2 - 1, u + 1 < NSUP))
            def _():
                pltpu.make_async_copy(idx_hbm.at[pl.ds(0, SS * CH)],
                                      islot.at[0], isem).wait()

            @pl.when(c0 + 2 < NCHUNK)
            def _():
                issue(c0 + 2, 0)
            drain(1)
            compute(c0 + 1, 1)
            return carry2

        lax.fori_loop(0, SS // 2, pair, 0)
        return carry

    lax.fori_loop(0, NSUP, body, 0)
    pltpu.sync_copy(out_v, out_hbm.at[pl.ds(wid * NB, NB)])


def kernel(interaction_pairs, emb_table, linear_weight, linear_bias):
    idx_flat = interaction_pairs.astype(jnp.int32).reshape(-1)
    aug = jnp.concatenate(
        [emb_table, linear_weight.astype(jnp.float32),
         jnp.zeros((VOCAB, AUG - EMBED_DIM - 1), jnp.float32)], axis=1)
    bias_pad = jnp.pad(linear_bias.astype(jnp.float32), (0, LANES - 1))
    mesh = plsc.VectorSubcoreMesh(core_axis_name="c", subcore_axis_name="s")
    fm = functools.partial(
        pl.kernel,
        mesh=mesh,
        compiler_params=pltpu.CompilerParams(needs_layout_passes=False,
                                             use_tc_tiling_on_sc=False),
        out_type=jax.ShapeDtypeStruct((BATCH,), jnp.float32),
        scratch_types=[
            pltpu.VMEM((2, SS * CH), jnp.int32),
            pltpu.VMEM((2, CH, AUG), jnp.float32),
            pltpu.VMEM((NB,), jnp.float32),
            pltpu.VMEM((LANES,), jnp.float32),
            pltpu.SemaphoreType.DMA,
            pltpu.SemaphoreType.DMA,
            pltpu.SemaphoreType.DMA,
        ],
    )(_fm_kernel)
    return fm(idx_flat, aug, bias_pad)

# --- scband reference (transcript-rebuilt; emitter-appended) ---
"""Pipeline reference for scband-factorization-machine-model-84980222919236 (READ-ONLY COPY).

The authoritative reference and input builder live on the scoring server;
editing this copy changes nothing except your own understanding.
"""

import jax, jax.numpy as jnp
import numpy as np

VOCAB = 100000
EMBED_DIM = 128
BATCH = 16384
NUM_FIELDS = 100


def setup_inputs(seed: int = 0) -> dict:
    key = jax.random.key(seed)
    k1, k2, k3 = jax.random.split(key, 3)
    interaction_pairs = jax.random.randint(k1, (BATCH, NUM_FIELDS), 0, VOCAB, dtype=jnp.int64 if jax.config.jax_enable_x64 else jnp.int32)
    # xavier_uniform init for embedding table: bound = sqrt(6 / (fan_in + fan_out))
    bound = float(np.sqrt(6.0 / (VOCAB + EMBED_DIM)))
    emb_table = jax.random.uniform(k2, (VOCAB, EMBED_DIM), dtype=jnp.float32, minval=-bound, maxval=bound)
    # FeaturesLinear: per-feature scalar weight (Embedding(field_dims, 1)) + bias
    lin_bound = float(np.sqrt(6.0 / (VOCAB + 1)))
    linear_weight = jax.random.uniform(k3, (VOCAB, 1), dtype=jnp.float32, minval=-lin_bound, maxval=lin_bound)
    linear_bias = jnp.zeros((1,), dtype=jnp.float32)
    return {
        "interaction_pairs": interaction_pairs,
        "emb_table": emb_table,
        "linear_weight": linear_weight,
        "linear_bias": linear_bias,
    }


def reference(interaction_pairs, emb_table, linear_weight, linear_bias):
    # FeaturesLinear: sum of per-feature scalar weights + bias -> (B, 1)
    lin = jnp.sum(jnp.take(linear_weight, interaction_pairs, axis=0), axis=1) + linear_bias
    # Embedding lookup -> (B, F, D)
    e = jnp.take(emb_table, interaction_pairs, axis=0)
    # FM_operation with reduce_sum=True, fm_operation=True:
    # 0.5 * sum_d[(sum_f e)^2 - sum_f e^2] -> (B, 1)
    square_of_sum = jnp.sum(e, axis=1) ** 2
    sum_of_square = jnp.sum(e ** 2, axis=1)
    ix = square_of_sum - sum_of_square
    fm = 0.5 * jnp.sum(ix, axis=1, keepdims=True)
    out = lin + fm
    return jnp.squeeze(out, axis=1)

if __name__ == "__main__":
    import jax
    _d = setup_inputs()
    print(jax.jit(kernel)(*tuple(_d.values())))

</pallas_src>

<mosaic_0001>
#map = affine_map<(d0, d1) -> (0)>
#map1 = affine_map<(d0, d1) -> (0, 0)>
module attributes {stable_mosaic.version = 14 : i64} {
  func.func @_fm_kernel(%arg0: i32, %arg1: i32, %arg2: memref<1638400xi32, #tpu.memory_space<hbm>>, %arg3: memref<100000x144xf32, #tpu.memory_space<hbm>>, %arg4: memref<16xf32, #tpu.memory_space<hbm>>, %arg5: memref<16384xf32, #tpu.memory_space<hbm>>, %arg6: memref<2x3200xi32, #tpu.memory_space<vmem>>, %arg7: memref<2x400x144xf32, #tpu.memory_space<vmem>>, %arg8: memref<512xf32, #tpu.memory_space<vmem>>, %arg9: memref<16xf32, #tpu.memory_space<vmem>>, %arg10: memref<!tpu.dma_semaphore, #tpu.memory_space<semaphore_mem>>, %arg11: memref<!tpu.dma_semaphore, #tpu.memory_space<semaphore_mem>>, %arg12: memref<!tpu.dma_semaphore, #tpu.memory_space<semaphore_mem>>) attributes {dimension_semantics = [#tpu.dimension_semantics<core_parallel>, #tpu.dimension_semantics<subcore_parallel>], iteration_bounds = array<i64: 2, 16>, scalar_prefetch = 0 : i64, scratch_operands = 7 : i64, tpu.core_type = #tpu.core_type<sc_vector_subcore>, window_params = [{transform_indices = #map}, {transform_indices = #map1}, {transform_indices = #map}, {transform_indices = #map}]} {
    %mul3A = arith.constant 2 : i32
    %mul3A_0 = arith.muli %arg1, %mul3A : i32
    %add3A = arith.addi %mul3A_0, %arg0 : i32
    %mul3A_1 = arith.constant 512 : i32
    %mul3A_2 = arith.muli %add3A, %mul3A_1 : i32
    %mul3A_3 = arith.constant 100 : i32
    %mul3A_4 = arith.muli %mul3A_2, %mul3A_3 : i32
    "tpu.region"() ({
      %run_scoped3A_25 = tpu.sem_alloc : memref<!tpu.dma_semaphore, #tpu.memory_space<semaphore_mem>>
      tpu.enqueue_dma source(%arg4 : memref<16xf32, #tpu.memory_space<hbm>>) target(%arg9 : memref<16xf32, #tpu.memory_space<vmem>>) target_semaphore(%run_scoped3A_25 : memref<!tpu.dma_semaphore, #tpu.memory_space<semaphore_mem>>)
      tpu.wait_dma2 semaphore(%run_scoped3A_25 : memref<!tpu.dma_semaphore, #tpu.memory_space<semaphore_mem>>) src(%arg4 : memref<16xf32, #tpu.memory_space<hbm>>) dst(%arg9 : memref<16xf32, #tpu.memory_space<vmem>>)
      tpu.yield
    }) : () -> ()
    %get3A = arith.constant 0 : index
    %get3A_5 = tpu.vector_load %arg9[%get3A] {strides = array<i32>} : memref<16xf32, #tpu.memory_space<vmem>>, vector<16xf32>,
    %slice3A = vector.extract_strided_slice %get3A_5 {offsets = [0], sizes = [1], strides = [1]} : vector<16xf32> to vector<1xf32>
    %squeeze3A = vector.extract %slice3A[0] : f32 from vector<1xf32>
    %iota3A = tpu.iota {dimensions = array<i32: 0>} : vector<16xi32>
    %broadcast_in_dim3A = arith.constant 0.000000e+00 : f32
    %broadcast_in_dim3A_6 = vector.broadcast %broadcast_in_dim3A : f32 to vector<16xf32>
    %run_scoped3A = arith.constant 0 : i32
    "tpu.region"() ({
      %run_scoped3A_25 = tpu.sem_alloc : memref<!tpu.dma_semaphore, #tpu.memory_space<semaphore_mem>>
      %dma_start3A_26 = arith.constant 0 : i32
      %dma_start3A_27 = tpu.memref_slice %arg6[%run_scoped3A, %dma_start3A_26] : memref<2x3200xi32, #tpu.memory_space<vmem>> -> memref<1x3200xi32, #tpu.memory_space<vmem>>
      %dma_start3A_28 = tpu.memref_squeeze %dma_start3A_27 : memref<1x3200xi32, #tpu.memory_space<vmem>> -> memref<3200xi32, #tpu.memory_space<vmem>>
      %dma_start3A_29 = tpu.memref_slice %arg2[%mul3A_4] : memref<1638400xi32, #tpu.memory_space<hbm>> -> memref<3200xi32, #tpu.memory_space<hbm>>
      %dma_start3A_30 = arith.constant 0 : i32
      %dma_start3A_31 = tpu.memref_slice %arg6[%run_scoped3A, %dma_start3A_30] : memref<2x3200xi32, #tpu.memory_space<vmem>> -> memref<1x3200xi32, #tpu.memory_space<vmem>>
      %dma_start3A_32 = tpu.memref_squeeze %dma_start3A_31 : memref<1x3200xi32, #tpu.memory_space<vmem>> -> memref<3200xi32, #tpu.memory_space<vmem>>
      %dma_start3A_33 = tpu.memref_slice %arg2[%mul3A_4] : memref<1638400xi32, #tpu.memory_space<hbm>> -> memref<3200xi32, #tpu.memory_space<hbm>>
      tpu.enqueue_dma source(%dma_start3A_33 : memref<3200xi32, #tpu.memory_space<hbm>>) target(%dma_start3A_32 : memref<3200xi32, #tpu.memory_space<vmem>>) target_semaphore(%run_scoped3A_25 : memref<!tpu.dma_semaphore, #tpu.memory_space<semaphore_mem>>)
      %dma_wait3A = arith.constant 0 : i32
      %dma_wait3A_34 = tpu.memref_slice %arg6[%run_scoped3A, %dma_wait3A] : memref<2x3200xi32, #tpu.memory_space<vmem>> -> memref<1x3200xi32, #tpu.memory_space<vmem>>
      %dma_wait3A_35 = tpu.memref_squeeze %dma_wait3A_34 : memref<1x3200xi32, #tpu.memory_space<vmem>> -> memref<3200xi32, #tpu.memory_space<vmem>>
      %dma_wait3A_36 = tpu.memref_slice %arg2[%mul3A_4] : memref<1638400xi32, #tpu.memory_space<hbm>> -> memref<3200xi32, #tpu.memory_space<hbm>>
      %dma_wait3A_37 = arith.constant 0 : i32
      %dma_wait3A_38 = tpu.memref_slice %arg6[%run_scoped3A, %dma_wait3A_37] : memref<2x3200xi32, #tpu.memory_space<vmem>> -> memref<1x3200xi32, #tpu.memory_space<vmem>>
      %dma_wait3A_39 = tpu.memref_squeeze %dma_wait3A_38 : memref<1x3200xi32, #tpu.memory_space<vmem>> -> memref<3200xi32, #tpu.memory_space<vmem>>
      %dma_wait3A_40 = tpu.memref_slice %arg2[%mul3A_4] : memref<1638400xi32, #tpu.memory_space<hbm>> -> memref<3200xi32, #tpu.memory_space<hbm>>
      tpu.wait_dma2 semaphore(%run_scoped3A_25 : memref<!tpu.dma_semaphore, #tpu.memory_space<semaphore_mem>>) src(%dma_wait3A_40 : memref<3200xi32, #tpu.memory_space<hbm>>) dst(%dma_wait3A_39 : memref<3200xi32, #tpu.memory_space<vmem>>)
      tpu.yield
    }) : () -> ()
    %dma_start3A = arith.constant 0 : i32
    %dma_start3A_7 = arith.constant 0 : i32
    %dma_start3A_8 = arith.constant 0 : i32
    %dma_start3A_9 = arith.constant 0 : i32
    %dma_start3A_10 = tpu.memref_slice %arg7[%dma_start3A_7, %dma_start3A_8, %dma_start3A_9] : memref<2x400x144xf32, #tpu.memory_space<vmem>> -> memref<1x400x144xf32, #tpu.memory_space<vmem>>
    %dma_start3A_11 = tpu.memref_squeeze %dma_start3A_10 : memref<1x400x144xf32, #tpu.memory_space<vmem>> -> memref<400x144xf32, #tpu.memory_space<vmem>>
    %dma_start3A_12 = arith.constant 0 : i32
    %dma_start3A_13 = tpu.memref_slice %arg6[%dma_start3A, %dma_start3A_12] : memref<2x3200xi32, #tpu.memory_space<vmem>> -> memref<1x400xi32, #tpu.memory_space<vmem>>
    %dma_start3A_14 = tpu.memref_squeeze %dma_start3A_13 : memref<1x400xi32, #tpu.memory_space<vmem>> -> memref<400xi32, #tpu.memory_space<vmem>>
    %dma_start3A_15 = arith.constant 0 : i32
    %dma_start3A_16 = arith.constant 0 : i32
    %dma_start3A_17 = tpu.memref_slice %arg3[%dma_start3A_15, %dma_start3A_16] : memref<100000x144xf32, #tpu.memory_space<hbm>> -> memref<100000x144xf32, #tpu.memory_space<hbm>>
    tpu.enqueue_indirect_dma source(%dma_start3A_17 : memref<100000x144xf32, #tpu.memory_space<hbm>>) target(%dma_start3A_11 : memref<400x144xf32, #tpu.memory_space<vmem>>) offsets(%dma_start3A_14 : memref<400xi32, #tpu.memory_space<vmem>>) semaphore(%arg10 : memref<!tpu.dma_semaphore, #tpu.memory_space<semaphore_mem>>)
    %scan3A = arith.constant 0 : i32
    %scan3A_18 = arith.constant 0 : i32
    %scan3A_19 = arith.constant 16 : i32
    %scan3A_20 = arith.addi %scan3A_18, %scan3A_19 : i32
    %scan3A_21 = arith.constant 1 : i32
    scf.for %scan3A_25 = %scan3A_18 to %scan3A_20 step %scan3A_21  : i32 {
      %add3A_26 = arith.constant 1 : i32
      %add3A_27 = arith.addi %scan3A_25, %add3A_26 : i32
      %lt3A = arith.constant 16 : i32
      %lt3A_28 = arith.cmpi slt, %add3A_27, %lt3A : i32
      %convert_element_type3A = arith.extui %lt3A_28 : i1 to i32
      %cond3A = arith.constant 0 : i32
      %cond3A_29 = arith.cmpi ne, %convert_element_type3A, %cond3A : i32
      scf.if %cond3A_29 {
        %add3A_36 = arith.constant 1 : i32
        %add3A_37 = arith.addi %scan3A_25, %add3A_36 : i32
        %mul3A_38 = arith.constant 8 : i32
        %mul3A_39 = arith.muli %add3A_37, %mul3A_38 : i32
        %mul3A_40 = arith.constant 400 : i32
        %mul3A_41 = arith.muli %mul3A_39, %mul3A_40 : i32
        %add3A_42 = arith.addi %mul3A_4, %mul3A_41 : i32
        %add3A_43 = arith.constant 1 : i32
        %add3A_44 = arith.addi %scan3A_25, %add3A_43 : i32
        %jit3A = arith.constant 2 : i32
        %eq3A = arith.constant 0 : i32
        %eq3A_45 = arith.cmpi eq, %jit3A, %eq3A : i32
        %jit3A_46 = arith.constant 1 : i32
        %select_n3A = arith.select %eq3A_45, %jit3A_46, %jit3A : i32
        %rem3A = arith.remsi %add3A_44, %select_n3A : i32
        %ne3A = arith.constant 0 : i32
        %ne3A_47 = arith.cmpi ne, %rem3A, %ne3A : i32
        %lt3A_48 = arith.constant 0 : i32
        %lt3A_49 = arith.cmpi slt, %rem3A, %lt3A_48 : i32
        %lt3A_50 = arith.constant 0 : i32
        %lt3A_51 = arith.cmpi slt, %select_n3A, %lt3A_50 : i32
        %ne3A_52 = arith.xori %lt3A_49, %lt3A_51 : i1
        %and3A = arith.andi %ne3A_52, %ne3A_47 : i1
        %add3A_53 = arith.addi %rem3A, %select_n3A : i32
        %select_n3A_54 = arith.select %and3A, %add3A_53, %rem3A : i32
        %dma_start3A_55 = arith.constant 0 : i32
        %dma_start3A_56 = tpu.memref_slice %arg6[%select_n3A_54, %dma_start3A_55] : memref<2x3200xi32, #tpu.memory_space<vmem>> -> memref<1x3200xi32, #tpu.memory_space<vmem>>
        %dma_start3A_57 = tpu.memref_squeeze %dma_start3A_56 : memref<1x3200xi32, #tpu.memory_space<vmem>> -> memref<3200xi32, #tpu.memory_space<vmem>>
        %dma_start3A_58 = tpu.memref_slice %arg2[%add3A_42] : memref<1638400xi32, #tpu.memory_space<hbm>> -> memref<3200xi32, #tpu.memory_space<hbm>>
        %dma_start3A_59 = arith.constant 0 : i32
        %dma_start3A_60 = tpu.memref_slice %arg6[%select_n3A_54, %dma_start3A_59] : memref<2x3200xi32, #tpu.memory_space<vmem>> -> memref<1x3200xi32, #tpu.memory_space<vmem>>
        %dma_start3A_61 = tpu.memref_squeeze %dma_start3A_60 : memref<1x3200xi32, #tpu.memory_space<vmem>> -> memref<3200xi32, #tpu.memory_space<vmem>>
        %dma_start3A_62 = tpu.memref_slice %arg2[%add3A_42] : memref<1638400xi32, #tpu.memory_space<hbm>> -> memref<3200xi32, #tpu.memory_space<hbm>>
        tpu.enqueue_dma source(%dma_start3A_62 : memref<3200xi32, #tpu.memory_space<hbm>>) target(%dma_start3A_61 : memref<3200xi32, #tpu.memory_space<vmem>>) target_semaphore(%arg12 : memref<!tpu.dma_semaphore, #tpu.memory_space<semaphore_mem>>)
      } else {
      }
      %scan3A_30 = arith.constant 0 : i32
      %scan3A_31 = arith.constant 0 : i32
      %scan3A_32 = arith.constant 4 : i32
      %scan3A_33 = arith.addi %scan3A_31, %scan3A_32 : i32
      %scan3A_34 = arith.constant 1 : i32
      scf.for %scan3A_36 = %scan3A_31 to %scan3A_33 step %scan3A_34  : i32 {
        %mul3A_37 = arith.constant 8 : i32
        %mul3A_38 = arith.muli %scan3A_25, %mul3A_37 : i32
        %mul3A_39 = arith.constant 2 : i32
        %mul3A_40 = arith.muli %mul3A_39, %scan3A_36 : i32
        %add3A_41 = arith.addi %mul3A_38, %mul3A_40 : i32
        %add3A_42 = arith.constant 1 : i32
        %add3A_43 = arith.addi %add3A_41, %add3A_42 : i32
        %jit3A = arith.constant 8 : i32
        %div3A = arith.divsi %add3A_43, %jit3A : i32
        %sign3A = arith.constant 0 : i32
        %sign3A_44 = arith.cmpi sgt, %add3A_43, %sign3A : i32
        %sign3A_45 = arith.extui %sign3A_44 : i1 to i32
        %sign3A_46 = arith.constant 0 : i32
        %sign3A_47 = arith.cmpi slt, %add3A_43, %sign3A_46 : i32
        %sign3A_48 = arith.extui %sign3A_47 : i1 to i32
        %sign3A_49 = arith.subi %sign3A_45, %sign3A_48 : i32
        %sign3A_50 = arith.constant 0 : i32
        %sign3A_51 = arith.cmpi sgt, %jit3A, %sign3A_50 : i32
        %sign3A_52 = arith.extui %sign3A_51 : i1 to i32
        %sign3A_53 = arith.constant 0 : i32
        %sign3A_54 = arith.cmpi slt, %jit3A, %sign3A_53 : i32
        %sign3A_55 = arith.extui %sign3A_54 : i1 to i32
        %sign3A_56 = arith.subi %sign3A_52, %sign3A_55 : i32
        %ne3A = arith.cmpi ne, %sign3A_49, %sign3A_56 : i32
        %rem3A = arith.remsi %add3A_43, %jit3A : i32
        %ne3A_57 = arith.constant 0 : i32
        %ne3A_58 = arith.cmpi ne, %rem3A, %ne3A_57 : i32
        %and3A = arith.andi %ne3A, %ne3A_58 : i1
        %sub3A = arith.constant 1 : i32
        %sub3A_59 = arith.subi %div3A, %sub3A : i32
        %select_n3A = arith.select %and3A, %sub3A_59, %div3A : i32
        %jit3A_60 = arith.constant 2 : i32
        %eq3A = arith.constant 0 : i32
        %eq3A_61 = arith.cmpi eq, %jit3A_60, %eq3A : i32
        %jit3A_62 = arith.constant 1 : i32
        %select_n3A_63 = arith.select %eq3A_61, %jit3A_62, %jit3A_60 : i32
        %rem3A_64 = arith.remsi %select_n3A, %select_n3A_63 : i32
        %ne3A_65 = arith.constant 0 : i32
        %ne3A_66 = arith.cmpi ne, %rem3A_64, %ne3A_65 : i32
        %lt3A_67 = arith.constant 0 : i32
        %lt3A_68 = arith.cmpi slt, %rem3A_64, %lt3A_67 : i32
        %lt3A_69 = arith.constant 0 : i32
        %lt3A_70 = arith.cmpi slt, %select_n3A_63, %lt3A_69 : i32
        %ne3A_71 = arith.xori %lt3A_68, %lt3A_70 : i1
        %and3A_72 = arith.andi %ne3A_71, %ne3A_66 : i1
        %add3A_73 = arith.addi %rem3A_64, %select_n3A_63 : i32
        %select_n3A_74 = arith.select %and3A_72, %add3A_73, %rem3A_64 : i32
        %jit3A_75 = arith.constant 8 : i32
        %eq3A_76 = arith.constant 0 : i32
        %eq3A_77 = arith.cmpi eq, %jit3A_75, %eq3A_76 : i32
        %jit3A_78 = arith.constant 1 : i32
        %select_n3A_79 = arith.select %eq3A_77, %jit3A_78, %jit3A_75 : i32
        %rem3A_80 = arith.remsi %add3A_43, %select_n3A_79 : i32
        %ne3A_81 = arith.constant 0 : i32
        %ne3A_82 = arith.cmpi ne, %rem3A_80, %ne3A_81 : i32
        %lt3A_83 = arith.constant 0 : i32
        %lt3A_84 = arith.cmpi slt, %rem3A_80, %lt3A_83 : i32
        %lt3A_85 = arith.constant 0 : i32
        %lt3A_86 = arith.cmpi slt, %select_n3A_79, %lt3A_85 : i32
        %ne3A_87 = arith.xori %lt3A_84, %lt3A_86 : i1
        %and3A_88 = arith.andi %ne3A_87, %ne3A_82 : i1
        %add3A_89 = arith.addi %rem3A_80, %select_n3A_79 : i32
        %select_n3A_90 = arith.select %and3A_88, %add3A_89, %rem3A_80 : i32
        %mul3A_91 = arith.constant 400 : i32
        %mul3A_92 = arith.muli %select_n3A_90, %mul3A_91 : i32
        %dma_start3A_93 = arith.constant 1 : i32
        %dma_start3A_94 = arith.constant 0 : i32
        %dma_start3A_95 = arith.constant 0 : i32
        %dma_start3A_96 = tpu.memref_slice %arg7[%dma_start3A_93, %dma_start3A_94, %dma_start3A_95] : memref<2x400x144xf32, #tpu.memory_space<vmem>> -> memref<1x400x144xf32, #tpu.memory_space<vmem>>
        %dma_start3A_97 = tpu.memref_squeeze %dma_start3A_96 : memref<1x400x144xf32, #tpu.memory_space<vmem>> -> memref<400x144xf32, #tpu.memory_space<vmem>>
        %dma_start3A_98 = tpu.memref_slice %arg6[%select_n3A_74, %mul3A_92] : memref<2x3200xi32, #tpu.memory_space<vmem>> -> memref<1x400xi32, #tpu.memory_space<vmem>>
        %dma_start3A_99 = tpu.memref_squeeze %dma_start3A_98 : memref<1x400xi32, #tpu.memory_space<vmem>> -> memref<400xi32, #tpu.memory_space<vmem>>
        %dma_start3A_100 = arith.constant 0 : i32
        %dma_start3A_101 = arith.constant 0 : i32
        %dma_start3A_102 = tpu.memref_slice %arg3[%dma_start3A_100, %dma_start3A_101] : memref<100000x144xf32, #tpu.memory_space<hbm>> -> memref<100000x144xf32, #tpu.memory_space<hbm>>
        tpu.enqueue_indirect_dma source(%dma_start3A_102 : memref<100000x144xf32, #tpu.memory_space<hbm>>) target(%dma_start3A_97 : memref<400x144xf32, #tpu.memory_space<vmem>>) offsets(%dma_start3A_99 : memref<400xi32, #tpu.memory_space<vmem>>) semaphore(%arg11 : memref<!tpu.dma_semaphore, #tpu.memory_space<semaphore_mem>>)
        %dma_wait3A = arith.constant 0 : i32
        %dma_wait3A_103 = arith.constant 0 : i32
        %dma_wait3A_104 = arith.constant 0 : i32
        %dma_wait3A_105 = tpu.memref_slice %arg7[%dma_wait3A, %dma_wait3A_103, %dma_wait3A_104] : memref<2x400x144xf32, #tpu.memory_space<vmem>> -> memref<1x400x144xf32, #tpu.memory_space<vmem>>
        %dma_wait3A_106 = tpu.memref_squeeze %dma_wait3A_105 : memref<1x400x144xf32, #tpu.memory_space<vmem>> -> memref<400x144xf32, #tpu.memory_space<vmem>>
        %dma_wait3A_107 = arith.constant 0 : i32
        %dma_wait3A_108 = arith.constant 0 : i32
        %dma_wait3A_109 = tpu.memref_slice %arg3[%dma_wait3A_107, %dma_wait3A_108] : memref<100000x144xf32, #tpu.memory_space<hbm>> -> memref<400x144xf32, #tpu.memory_space<hbm>>
        %dma_wait3A_110 = arith.constant 0 : i32
        %dma_wait3A_111 = arith.constant 0 : i32
        %dma_wait3A_112 = tpu.memref_slice %arg7[%dma_wait3A, %dma_wait3A_110, %dma_wait3A_111] : memref<2x400x144xf32, #tpu.memory_space<vmem>> -> memref<1x400x144xf32, #tpu.memory_space<vmem>>
        %dma_wait3A_113 = tpu.memref_squeeze %dma_wait3A_112 : memref<1x400x144xf32, #tpu.memory_space<vmem>> -> memref<400x144xf32, #tpu.memory_space<vmem>>
        %dma_wait3A_114 = arith.constant 0 : i32
        %dma_wait3A_115 = arith.constant 0 : i32
        %dma_wait3A_116 = tpu.memref_slice %arg3[%dma_wait3A_114, %dma_wait3A_115] : memref<100000x144xf32, #tpu.memory_space<hbm>> -> memref<400x144xf32, #tpu.memory_space<hbm>>
        tpu.wait_dma2 semaphore(%arg10 : memref<!tpu.dma_semaphore, #tpu.memory_space<semaphore_mem>>) src(%dma_wait3A_116 : memref<400x144xf32, #tpu.memory_space<hbm>>) dst(%dma_wait3A_113 : memref<400x144xf32, #tpu.memory_space<vmem>>)
        %scan3A_117 = arith.constant 0 : i32
        %scan3A_118 = arith.constant 100 : i32
        %scan3A_119 = arith.addi %scan3A_117, %scan3A_118 : i32
        %scan3A_120 = arith.constant 4 : i32
        %scan3A_121:17 = scf.for %scan3A_542 = %scan3A_117 to %scan3A_119 step %scan3A_120 iter_args(%scan3A_543 = %broadcast_in_dim3A_6, %scan3A_544 = %broadcast_in_dim3A_6, %scan3A_545 = %broadcast_in_dim3A_6, %scan3A_546 = %broadcast_in_dim3A_6, %scan3A_547 = %broadcast_in_dim3A_6, %scan3A_548 = %broadcast_in_dim3A_6, %scan3A_549 = %broadcast_in_dim3A_6, %scan3A_550 = %broadcast_in_dim3A_6, %scan3A_551 = %broadcast_in_dim3A_6, %scan3A_552 = %broadcast_in_dim3A_6, %scan3A_553 = %broadcast_in_dim3A_6, %scan3A_554 = %broadcast_in_dim3A_6, %scan3A_555 = %broadcast_in_dim3A_6, %scan3A_556 = %broadcast_in_dim3A_6, %scan3A_557 = %broadcast_in_dim3A_6, %scan3A_558 = %broadcast_in_dim3A_6, %scan3A_559 = %broadcast_in_dim3A_6) -> (vector<16xf32>, vector<16xf32>, vector<16xf32>, vector<16xf32>, vector<16xf32>, vector<16xf32>, vector<16xf32>, vector<16xf32>, vector<16xf32>, vector<16xf32>, vector<16xf32>, vector<16xf32>, vector<16xf32>, vector<16xf32>, vector<16xf32>, vector<16xf32>, vector<16xf32>)  : i32 {
          %add3A_560 = arith.constant 0 : i32
          %add3A_561 = arith.addi %add3A_560, %scan3A_542 : i32
          %get3A_562 = arith.constant 0 : i32
          %get3A_563 = arith.index_cast %get3A_562 : i32 to index
          %get3A_564 = arith.index_cast %add3A_561 : i32 to index
          %get3A_565 = arith.constant 0 : index
          %get3A_566 = tpu.vector_load %arg7[%get3A_563, %get3A_564, %get3A_565] {strides = array<i32>} : memref<2x400x144xf32, #tpu.memory_space<vmem>>, vector<16xf32>,
          %add3A_567 = arith.addf %scan3A_543, %get3A_566 : vector<16xf32>
          %mul3A_568 = arith.mulf %get3A_566, %get3A_566 : vector<16xf32>
          %add3A_569 = arith.addf %scan3A_551, %mul3A_568 : vector<16xf32>
          %get3A_570 = arith.constant 0 : i32
          %get3A_571 = arith.index_cast %get3A_570 : i32 to index
          %get3A_572 = arith.index_cast %add3A_561 : i32 to index
          %get3A_573 = arith.constant 16 : index
          %get3A_574 = tpu.vector_load %arg7[%get3A_571, %get3A_572, %get3A_573] {strides = array<i32>} : memref<2x400x144xf32, #tpu.memory_space<vmem>>, vector<16xf32>,
          %add3A_575 = arith.addf %scan3A_544, %get3A_574 : vector<16xf32>
          %mul3A_576 = arith.mulf %get3A_574, %get3A_574 : vector<16xf32>
          %add3A_577 = arith.addf %scan3A_552, %mul3A_576 : vector<16xf32>
          %get3A_578 = arith.constant 0 : i32
          %get3A_579 = arith.index_cast %get3A_578 : i32 to index
          %get3A_580 = arith.index_cast %add3A_561 : i32 to index
          %get3A_581 = arith.constant 32 : index
          %get3A_582 = tpu.vector_load %arg7[%get3A_579, %get3A_580, %get3A_581] {strides = array<i32>} : memref<2x400x144xf32, #tpu.memory_space<vmem>>, vector<16xf32>,
          %add3A_583 = arith.addf %scan3A_545, %get3A_582 : vector<16xf32>
          %mul3A_584 = arith.mulf %get3A_582, %get3A_582 : vector<16xf32>
          %add3A_585 = arith.addf %scan3A_553, %mul3A_584 : vector<16xf32>
          %get3A_586 = arith.constant 0 : i32
          %get3A_587 = arith.index_cast %get3A_586 : i32 to index
          %get3A_588 = arith.index_cast %add3A_561 : i32 to index
          %get3A_589 = arith.constant 48 : index
          %get3A_590 = tpu.vector_load %arg7[%get3A_587, %get3A_588, %get3A_589] {strides = array<i32>} : memref<2x400x144xf32, #tpu.memory_space<vmem>>, vector<16xf32>,
          %add3A_591 = arith.addf %scan3A_546, %get3A_590 : vector<16xf32>
          %mul3A_592 = arith.mulf %get3A_590, %get3A_590 : vector<16xf32>
          %add3A_593 = arith.addf %scan3A_554, %mul3A_592 : vector<16xf32>
          %get3A_594 = arith.constant 0 : i32
          %get3A_595 = arith.index_cast %get3A_594 : i32 to index
          %get3A_596 = arith.index_cast %add3A_561 : i32 to index
          %get3A_597 = arith.constant 64 : index
          %get3A_598 = tpu.vector_load %arg7[%get3A_595, %get3A_596, %get3A_597] {strides = array<i32>} : memref<2x400x144xf32, #tpu.memory_space<vmem>>, vector<16xf32>,
          %add3A_599 = arith.addf %scan3A_547, %get3A_598 : vector<16xf32>
          %mul3A_600 = arith.mulf %get3A_598, %get3A_598 : vector<16xf32>
          %add3A_601 = arith.addf %scan3A_555, %mul3A_600 : vector<16xf32>
          %get3A_602 = arith.constant 0 : i32
          %get3A_603 = arith.index_cast %get3A_602 : i32 to index
          %get3A_604 = arith.index_cast %add3A_561 : i32 to index
          %get3A_605 = arith.constant 80 : index
          %get3A_606 = tpu.vector_load %arg7[%get3A_603, %get3A_604, %get3A_605] {strides = array<i32>} : memref<2x400x144xf32, #tpu.memory_space<vmem>>, vector<16xf32>,
          %add3A_607 = arith.addf %scan3A_548, %get3A_606 : vector<16xf32>
          %mul3A_608 = arith.mulf %get3A_606, %get3A_606 : vector<16xf32>
          %add3A_609 = arith.addf %scan3A_556, %mul3A_608 : vector<16xf32>
          %get3A_610 = arith.constant 0 : i32
          %get3A_611 = arith.index_cast %get3A_610 : i32 to index
          %get3A_612 = arith.index_cast %add3A_561 : i32 to index
          %get3A_613 = arith.constant 96 : index
          %get3A_614 = tpu.vector_load %arg7[%get3A_611, %get3A_612, %get3A_613] {strides = array<i32>} : memref<2x400x144xf32, #tpu.memory_space<vmem>>, vector<16xf32>,
          %add3A_615 = arith.addf %scan3A_549, %get3A_614 : vector<16xf32>
          %mul3A_616 = arith.mulf %get3A_614, %get3A_614 : vector<16xf32>
          %add3A_617 = arith.addf %scan3A_557, %mul3A_616 : vector<16xf32>
          %get3A_618 = arith.constant 0 : i32
          %get3A_619 = arith.index_cast %get3A_618 : i32 to index
          %get3A_620 = arith.index_cast %add3A_561 : i32 to index
          %get3A_621 = arith.constant 112 : index
          %get3A_622 = tpu.vector_load %arg7[%get3A_619, %get3A_620, %get3A_621] {strides = array<i32>} : memref<2x400x144xf32, #tpu.memory_space<vmem>>, vector<16xf32>,
          %add3A_623 = arith.addf %scan3A_550, %get3A_622 : vector<16xf32>
          %mul3A_624 = arith.mulf %get3A_622, %get3A_622 : vector<16xf32>
          %add3A_625 = arith.addf %scan3A_558, %mul3A_624 : vector<16xf32>
          %get3A_626 = arith.constant 0 : i32
          %get3A_627 = arith.index_cast %get3A_626 : i32 to index
          %get3A_628 = arith.index_cast %add3A_561 : i32 to index
          %get3A_629 = arith.constant 128 : index
          %get3A_630 = tpu.vector_load %arg7[%get3A_627, %get3A_628, %get3A_629] {strides = array<i32>} : memref<2x400x144xf32, #tpu.memory_space<vmem>>, vector<16xf32>,
          %add3A_631 = arith.addf %scan3A_559, %get3A_630 : vector<16xf32>
          %scan3A_632 = arith.constant 1 : i32
          %scan3A_633 = arith.addi %scan3A_542, %scan3A_632 : i32
          %add3A_634 = arith.constant 0 : i32
          %add3A_635 = arith.addi %add3A_634, %scan3A_633 : i32
          %get3A_636 = arith.constant 0 : i32
          %get3A_637 = arith.index_cast %get3A_636 : i32 to index
          %get3A_638 = arith.index_cast %add3A_635 : i32 to index
          %get3A_639 = arith.constant 0 : index
          %get3A_640 = tpu.vector_load %arg7[%get3A_637, %get3A_638, %get3A_639] {strides = array<i32>} : memref<2x400x144xf32, #tpu.memory_space<vmem>>, vector<16xf32>,
          %add3A_641 = arith.addf %add3A_567, %get3A_640 : vector<16xf32>
          %mul3A_642 = arith.mulf %get3A_640, %get3A_640 : vector<16xf32>
          %add3A_643 = arith.addf %add3A_569, %mul3A_642 : vector<16xf32>
          %get3A_644 = arith.constant 0 : i32
          %get3A_645 = arith.index_cast %get3A_644 : i32 to index
          %get3A_646 = arith.index_cast %add3A_635 : i32 to index
          %get3A_647 = arith.constant 16 : index
          %get3A_648 = tpu.vector_load %arg7[%get3A_645, %get3A_646, %get3A_647] {strides = array<i32>} : memref<2x400x144xf32, #tpu.memory_space<vmem>>, vector<16xf32>,
          %add3A_649 = arith.addf %add3A_575, %get3A_648 : vector<16xf32>
          %mul3A_650 = arith.mulf %get3A_648, %get3A_648 : vector<16xf32>
          %add3A_651 = arith.addf %add3A_577, %mul3A_650 : vector<16xf32>
          %get3A_652 = arith.constant 0 : i32
          %get3A_653 = arith.index_cast %get3A_652 : i32 to index
          %get3A_654 = arith.index_cast %add3A_635 : i32 to index
          %get3A_655 = arith.constant 32 : index
          %get3A_656 = tpu.vector_load %arg7[%get3A_653, %get3A_654, %get3A_655] {strides = array<i32>} : memref<2x400x144xf32, #tpu.memory_space<vmem>>, vector<16xf32>,
          %add3A_657 = arith.addf %add3A_583, %get3A_656 : vector<16xf32>
          %mul3A_658 = arith.mulf %get3A_656, %get3A_656 : vector<16xf32>
          %add3A_659 = arith.addf %add3A_585, %mul3A_658 : vector<16xf32>
          %get3A_660 = arith.constant 0 : i32
          %get3A_661 = arith.index_cast %get3A_660 : i32 to index
          %get3A_662 = arith.index_cast %add3A_635 : i32 to index
          %get3A_663 = arith.constant 48 : index
          %get3A_664 = tpu.vector_load %arg7[%get3A_661, %get3A_662, %get3A_663] {strides = array<i32>} : memref<2x400x144xf32, #tpu.memory_space<vmem>>, vector<16xf32>,
          %add3A_665 = arith.addf %add3A_591, %get3A_664 : vector<16xf32>
          %mul3A_666 = arith.mulf %get3A_664, %get3A_664 : vector<16xf32>
          %add3A_667 = arith.addf %add3A_593, %mul3A_666 : vector<16xf32>
          %get3A_668 = arith.constant 0 : i32
          %get3A_669 = arith.index_cast %get3A_668 : i32 to index
          %get3A_670 = arith.index_cast %add3A_635 : i32 to index
          %get3A_671 = arith.constant 64 : index
          %get3A_672 = tpu.vector_load %arg7[%get3A_669, %get3A_670, %get3A_671] {strides = array<i32>} : memref<2x400x144xf32, #tpu.memory_space<vmem>>, vector<16xf32>,
          %add3A_673 = arith.addf %add3A_599, %get3A_672 : vector<16xf32>
          %mul3A_674 = arith.mulf %get3A_672, %get3A_672 : vector<16xf32>
          %add3A_675 = arith.addf %add3A_601, %mul3A_674 : vector<16xf32>
          %get3A_676 = arith.constant 0 : i32
          %get3A_677 = arith.index_cast %get3A_676 : i32 to index
          %get3A_678 = arith.index_cast %add3A_635 : i32 to index
          %get3A_679 = arith.constant 80 : index
          %get3A_680 = tpu.vector_load %arg7[%get3A_677, %get3A_678, %get3A_679] {strides = array<i32>} : memref<2x400x144xf32, #tpu.memory_space<vmem>>, vector<16xf32>,
          %add3A_681 = arith.addf %add3A_607, %get3A_680 : vector<16xf32>
          %mul3A_682 = arith.mulf %get3A_680, %get3A_680 : vector<16xf32>
          %add3A_683 = arith.addf %add3A_609, %mul3A_682 : vector<16xf32>
          %get3A_684 = arith.constant 0 : i32
          %get3A_685 = arith.index_cast %get3A_684 : i32 to index
          %get3A_686 = arith.index_cast %add3A_635 : i32 to index
          %get3A_687 = arith.constant 96 : index
          %get3A_688 = tpu.vector_load %arg7[%get3A_685, %get3A_686, %get3A_687] {strides = array<i32>} : memref<2x400x144xf32, #tpu.memory_space<vmem>>, vector<16xf32>,
          %add3A_689 = arith.addf %add3A_615, %get3A_688 : vector<16xf32>
          %mul3A_690 = arith.mulf %get3A_688, %get3A_688 : vector<16xf32>
          %add3A_691 = arith.addf %add3A_617, %mul3A_690 : vector<16xf32>
          %get3A_692 = arith.constant 0 : i32
          %get3A_693 = arith.index_cast %get3A_692 : i32 to index
          %get3A_694 = arith.index_cast %add3A_635 : i32 to index
          %get3A_695 = arith.constant 112 : index
          %get3A_696 = tpu.vector_load %arg7[%get3A_693, %get3A_694, %get3A_695] {strides = array<i32>} : memref<2x400x144xf32, #tpu.memory_space<vmem>>, vector<16xf32>,
          %add3A_697 = arith.addf %add3A_623, %get3A_696 : vector<16xf32>
          %mul3A_698 = arith.mulf %get3A_696, %get3A_696 : vector<16xf32>
          %add3A_699 = arith.addf %add3A_625, %mul3A_698 : vector<16xf32>
          %get3A_700 = arith.constant 0 : i32
          %get3A_701 = arith.index_cast %get3A_700 : i32 to index
          %get3A_702 = arith.index_cast %add3A_635 : i32 to index
          %get3A_703 = arith.constant 128 : index
          %get3A_704 = tpu.vector_load %arg7[%get3A_701, %get3A_702, %get3A_703] {strides = array<i32>} : memref<2x400x144xf32, #tpu.memory_space<vmem>>, vector<16xf32>,
          %add3A_705 = arith.addf %add3A_631, %get3A_704 : vector<16xf32>
          %scan3A_706 = arith.constant 2 : i32
          %scan3A_707 = arith.addi %scan3A_542, %scan3A_706 : i32
          %add3A_708 = arith.constant 0 : i32
          %add3A_709 = arith.addi %add3A_708, %scan3A_707 : i32
          %get3A_710 = arith.constant 0 : i32
          %get3A_711 = arith.index_cast %get3A_710 : i32 to index
          %get3A_712 = arith.index_cast %add3A_709 : i32 to index
          %get3A_713 = arith.constant 0 : index
          %get3A_714 = tpu.vector_load %arg7[%get3A_711, %get3A_712, %get3A_713] {strides = array<i32>} : memref<2x400x144xf32, #tpu.memory_space<vmem>>, vector<16xf32>,
          %add3A_715 = arith.addf %add3A_641, %get3A_714 : vector<16xf32>
          %mul3A_716 = arith.mulf %get3A_714, %get3A_714 : vector<16xf32>
          %add3A_717 = arith.addf %add3A_643, %mul3A_716 : vector<16xf32>
          %get3A_718 = arith.constant 0 : i32
          %get3A_719 = arith.index_cast %get3A_718 : i32 to index
          %get3A_720 = arith.index_cast %add3A_709 : i32 to index
          %get3A_721 = arith.constant 16 : index
          %get3A_722 = tpu.vector_load %arg7[%get3A_719, %get3A_720, %get3A_721] {strides = array<i32>} : memref<2x400x144xf32, #tpu.memory_space<vmem>>, vector<16xf32>,
          %add3A_723 = arith.addf %add3A_649, %get3A_722 : vector<16xf32>
          %mul3A_724 = arith.mulf %get3A_722, %get3A_722 : vector<16xf32>
          %add3A_725 = arith.addf %add3A_651, %mul3A_724 : vector<16xf32>
          %get3A_726 = arith.constant 0 : i32
          %get3A_727 = arith.index_cast %get3A_726 : i32 to index
          %get3A_728 = arith.index_cast %add3A_709 : i32 to index
          %get3A_729 = arith.constant 32 : index
          %get3A_730 = tpu.vector_load %arg7[%get3A_727, %get3A_728, %get3A_729] {strides = array<i32>} : memref<2x400x144xf32, #tpu.memory_space<vmem>>, vector<16xf32>,
          %add3A_731 = arith.addf %add3A_657, %get3A_730 : vector<16xf32>
          %mul3A_732 = arith.mulf %get3A_730, %get3A_730 : vector<16xf32>
          %add3A_733 = arith.addf %add3A_659, %mul3A_732 : vector<16xf32>
          %get3A_734 = arith.constant 0 : i32
          %get3A_735 = arith.index_cast %get3A_734 : i32 to index
          %get3A_736 = arith.index_cast %add3A_709 : i32 to index
          %get3A_737 = arith.constant 48 : index
          %get3A_738 = tpu.vector_load %arg7[%get3A_735, %get3A_736, %get3A_737] {strides = array<i32>} : memref<2x400x144xf32, #tpu.memory_space<vmem>>, vector<16xf32>,
          %add3A_739 = arith.addf %add3A_665, %get3A_738 : vector<16xf32>
          %mul3A_740 = arith.mulf %get3A_738, %get3A_738 : vector<16xf32>
          %add3A_741 = arith.addf %add3A_667, %mul3A_740 : vector<16xf32>
          %get3A_742 = arith.constant 0 : i32
          %get3A_743 = arith.index_cast %get3A_742 : i32 to index
          %get3A_744 = arith.index_cast %add3A_709 : i32 to index
          %get3A_745 = arith.constant 64 : index
          %get3A_746 = tpu.vector_load %arg7[%get3A_743, %get3A_744, %get3A_745] {strides = array<i32>} : memref<2x400x144xf32, #tpu.memory_space<vmem>>, vector<16xf32>,
          %add3A_747 = arith.addf %add3A_673, %get3A_746 : vector<16xf32>
          %mul3A_748 = arith.mulf %get3A_746, %get3A_746 : vector<16xf32>
          %add3A_749 = arith.addf %add3A_675, %mul3A_748 : vector<16xf32>
          %get3A_750 = arith.constant 0 : i32
          %get3A_751 = arith.index_cast %get3A_750 : i32 to index
          %get3A_752 = arith.index_cast %add3A_709 : i32 to index
          %get3A_753 = arith.constant 80 : index
          %get3A_754 = tpu.vector_load %arg7[%get3A_751, %get3A_752, %get3A_753] {strides = array<i32>} : memref<2x400x144xf32, #tpu.memory_space<vmem>>, vector<16xf32>,
          %add3A_755 = arith.addf %add3A_681, %get3A_754 : vector<16xf32>
          %mul3A_756 = arith.mulf %get3A_754, %get3A_754 : vector<16xf32>
          %add3A_757 = arith.addf %add3A_683, %mul3A_756 : vector<16xf32>
          %get3A_758 = arith.constant 0 : i32
          %get3A_759 = arith.index_cast %get3A_758 : i32 to index
          %get3A_760 = arith.index_cast %add3A_709 : i32 to index
          %get3A_761 = arith.constant 96 : index
          %get3A_762 = tpu.vector_load %arg7[%get3A_759, %get3A_760, %get3A_761] {strides = array<i32>} : memref<2x400x144xf32, #tpu.memory_space<vmem>>, vector<16xf32>,
          %add3A_763 = arith.addf %add3A_689, %get3A_762 : vector<16xf32>
          %mul3A_764 = arith.mulf %get3A_762, %get3A_762 : vector<16xf32>
          %add3A_765 = arith.addf %add3A_691, %mul3A_764 : vector<16xf32>
          %get3A_766 = arith.constant 0 : i32
          %get3A_767 = arith.index_cast %get3A_766 : i32 to index
          %get3A_768 = arith.index_cast %add3A_709 : i32 to index
          %get3A_769 = arith.constant 112 : index
          %get3A_770 = tpu.vector_load %arg7[%get3A_767, %get3A_768, %get3A_769] {strides = array<i32>} : memref<2x400x144xf32, #tpu.memory_space<vmem>>, vector<16xf32>,
          %add3A_771 = arith.addf %add3A_697, %get3A_770 : vector<16xf32>
          %mul3A_772 = arith.mulf %get3A_770, %get3A_770 : vector<16xf32>
          %add3A_773 = arith.addf %add3A_699, %mul3A_772 : vector<16xf32>
          %get3A_774 = arith.constant 0 : i32
          %get3A_775 = arith.index_cast %get3A_774 : i32 to index
          %get3A_776 = arith.index_cast %add3A_709 : i32 to index
          %get3A_777 = arith.constant 128 : index
          %get3A_778 = tpu.vector_load %arg7[%get3A_775, %get3A_776, %get3A_777] {strides = array<i32>} : memref<2x400x144xf32, #tpu.memory_space<vmem>>, vector<16xf32>,
          %add3A_779 = arith.addf %add3A_705, %get3A_778 : vector<16xf32>
          %scan3A_780 = arith.constant 3 : i32
          %scan3A_781 = arith.addi %scan3A_542, %scan3A_780 : i32
          %add3A_782 = arith.constant 0 : i32
          %add3A_783 = arith.addi %add3A_782, %scan3A_781 : i32
          %get3A_784 = arith.constant 0 : i32
          %get3A_785 = arith.index_cast %get3A_784 : i32 to index
          %get3A_786 = arith.index_cast %add3A_783 : i32 to index
          %get3A_787 = arith.constant 0 : index
          %get3A_788 = tpu.vector_load %arg7[%get3A_785, %get3A_786, %get3A_787] {strides = array<i32>} : memref<2x400x144xf32, #tpu.memory_space<vmem>>, vector<16xf32>,
          %add3A_789 = arith.addf %add3A_715, %get3A_788 : vector<16xf32>
          %mul3A_790 = arith.mulf %get3A_788, %get3A_788 : vector<16xf32>
          %add3A_791 = arith.addf %add3A_717, %mul3A_790 : vector<16xf32>
          %get3A_792 = arith.constant 0 : i32
          %get3A_793 = arith.index_cast %get3A_792 : i32 to index
          %get3A_794 = arith.index_cast %add3A_783 : i32 to index
          %get3A_795 = arith.constant 16 : index
          %get3A_796 = tpu.vector_load %arg7[%get3A_793, %get3A_794, %get3A_795] {strides = array<i32>} : memref<2x400x144xf32, #tpu.memory_space<vmem>>, vector<16xf32>,
          %add3A_797 = arith.addf %add3A_723, %get3A_796 : vector<16xf32>
          %mul3A_798 = arith.mulf %get3A_796, %get3A_796 : vector<16xf32>
          %add3A_799 = arith.addf %add3A_725, %mul3A_798 : vector<16xf32>
          %get3A_800 = arith.constant 0 : i32
          %get3A_801 = arith.index_cast %get3A_800 : i32 to index
          %get3A_802 = arith.index_cast %add3A_783 : i32 to index
          %get3A_803 = arith.constant 32 : index
          %get3A_804 = tpu.vector_load %arg7[%get3A_801, %get3A_802, %get3A_803] {strides = array<i32>} : memref<2x400x144xf32, #tpu.memory_space<vmem>>, vector<16xf32>,
          %add3A_805 = arith.addf %add3A_731, %get3A_804 : vector<16xf32>
          %mul3A_806 = arith.mulf %get3A_804, %get3A_804 : vector<16xf32>
          %add3A_807 = arith.addf %add3A_733, %mul3A_806 : vector<16xf32>
          %get3A_808 = arith.constant 0 : i32
          %get3A_809 = arith.index_cast %get3A_808 : i32 to index
          %get3A_810 = arith.index_cast %add3A_783 : i32 to index
          %get3A_811 = arith.constant 48 : index
          %get3A_812 = tpu.vector_load %arg7[%get3A_809, %get3A_810, %get3A_811] {strides = array<i32>} : memref<2x400x144xf32, #tpu.memory_space<vmem>>, vector<16xf32>,
          %add3A_813 = arith.addf %add3A_739, %get3A_812 : vector<16xf32>
          %mul3A_814 = arith.mulf %get3A_812, %get3A_812 : vector<16xf32>
          %add3A_815 = arith.addf %add3A_741, %mul3A_814 : vector<16xf32>
          %get3A_816 = arith.constant 0 : i32
          %get3A_817 = arith.index_cast %get3A_816 : i32 to index
          %get3A_818 = arith.index_cast %add3A_783 : i32 to index
          %get3A_819 = arith.constant 64 : index
          %get3A_820 = tpu.vector_load %arg7[%get3A_817, %get3A_818, %get3A_819] {strides = array<i32>} : memref<2x400x144xf32, #tpu.memory_space<vmem>>, vector<16xf32>,
          %add3A_821 = arith.addf %add3A_747, %get3A_820 : vector<16xf32>
          %mul3A_822 = arith.mulf %get3A_820, %get3A_820 : vector<16xf32>
          %add3A_823 = arith.addf %add3A_749, %mul3A_822 : vector<16xf32>
          %get3A_824 = arith.constant 0 : i32
          %get3A_825 = arith.index_cast %get3A_824 : i32 to index
          %get3A_826 = arith.index_cast %add3A_783 : i32 to index
          %get3A_827 = arith.constant 80 : index
          %get3A_828 = tpu.vector_load %arg7[%get3A_825, %get3A_826, %get3A_827] {strides = array<i32>} : memref<2x400x144xf32, #tpu.memory_space<vmem>>, vector<16xf32>,
          %add3A_829 = arith.addf %add3A_755, %get3A_828 : vector<16xf32>
          %mul3A_830 = arith.mulf %get3A_828, %get3A_828 : vector<16xf32>
          %add3A_831 = arith.addf %add3A_757, %mul3A_830 : vector<16xf32>
          %get3A_832 = arith.constant 0 : i32
          %get3A_833 = arith.index_cast %get3A_832 : i32 to index
          %get3A_834 = arith.index_cast %add3A_783 : i32 to index
          %get3A_835 = arith.constant 96 : index
          %get3A_836 = tpu.vector_load %arg7[%get3A_833, %get3A_834, %get3A_835] {strides = array<i32>} : memref<2x400x144xf32, #tpu.memory_space<vmem>>, vector<16xf32>,
          %add3A_837 = arith.addf %add3A_763, %get3A_836 : vector<16xf32>
          %mul3A_838 = arith.mulf %get3A_836, %get3A_836 : vector<16xf32>
          %add3A_839 = arith.addf %add3A_765, %mul3A_838 : vector<16xf32>
          %get3A_840 = arith.constant 0 : i32
          %get3A_841 = arith.index_cast %get3A_840 : i32 to index
          %get3A_842 = arith.index_cast %add3A_783 : i32 to index
          %get3A_843 = arith.constant 112 : index
          %get3A_844 = tpu.vector_load %arg7[%get3A_841, %get3A_842, %get3A_843] {strides = array<i32>} : memref<2x400x144xf32, #tpu.memory_space<vmem>>, vector<16xf32>,
          %add3A_845 = arith.addf %add3A_771, %get3A_844 : vector<16xf32>
          %mul3A_846 = arith.mulf %get3A_844, %get3A_844 : vector<16xf32>
          %add3A_847 = arith.addf %add3A_773, %mul3A_846 : vector<16xf32>
          %get3A_848 = arith.constant 0 : i32
          %get3A_849 = arith.index_cast %get3A_848 : i32 to index
          %get3A_850 = arith.index_cast %add3A_783 : i32 to index
          %get3A_851 = arith.constant 128 : index
          %get3A_852 = tpu.vector_load %arg7[%get3A_849, %get3A_850, %get3A_851] {strides = array<i32>} : memref<2x400x144xf32, #tpu.memory_space<vmem>>, vector<16xf32>,
          %add3A_853 = arith.addf %add3A_779, %get3A_852 : vector<16xf32>
          scf.yield %add3A_789, %add3A_797, %add3A_805, %add3A_813, %add3A_821, %add3A_829, %add3A_837, %add3A_845, %add3A_791, %add3A_799, %add3A_807, %add3A_815, %add3A_823, %add3A_831, %add3A_839, %add3A_847, %add3A_853 : vector<16xf32>, vector<16xf32>, vector<16xf32>, vector<16xf32>, vector<16xf32>, vector<16xf32>, vector<16xf32>, vector<16xf32>, vector<16xf32>, vector<16xf32>, vector<16xf32>, vector<16xf32>, vector<16xf32>, vector<16xf32>, vector<16xf32>, vector<16xf32>, vector<16xf32>
        }
        %scan3A_122 = arith.constant 100 : i32
        %mul3A_123 = arith.mulf %scan3A_121#0, %scan3A_121#0 : vector<16xf32>
        %add3A_124 = arith.addf %broadcast_in_dim3A_6, %mul3A_123 : vector<16xf32>
        %add3A_125 = arith.addf %broadcast_in_dim3A_6, %scan3A_121#8 : vector<16xf32>
        %mul3A_126 = arith.mulf %scan3A_121#1, %scan3A_121#1 : vector<16xf32>
        %add3A_127 = arith.addf %add3A_124, %mul3A_126 : vector<16xf32>
        %add3A_128 = arith.addf %add3A_125, %scan3A_121#9 : vector<16xf32>
        %mul3A_129 = arith.mulf %scan3A_121#2, %scan3A_121#2 : vector<16xf32>
        %add3A_130 = arith.addf %add3A_127, %mul3A_129 : vector<16xf32>
        %add3A_131 = arith.addf %add3A_128, %scan3A_121#10 : vector<16xf32>
        %mul3A_132 = arith.mulf %scan3A_121#3, %scan3A_121#3 : vector<16xf32>
        %add3A_133 = arith.addf %add3A_130, %mul3A_132 : vector<16xf32>
        %add3A_134 = arith.addf %add3A_131, %scan3A_121#11 : vector<16xf32>
        %mul3A_135 = arith.mulf %scan3A_121#4, %scan3A_121#4 : vector<16xf32>
        %add3A_136 = arith.addf %add3A_133, %mul3A_135 : vector<16xf32>
        %add3A_137 = arith.addf %add3A_134, %scan3A_121#12 : vector<16xf32>
        %mul3A_138 = arith.mulf %scan3A_121#5, %scan3A_121#5 : vector<16xf32>
        %add3A_139 = arith.addf %add3A_136, %mul3A_138 : vector<16xf32>
        %add3A_140 = arith.addf %add3A_137, %scan3A_121#13 : vector<16xf32>
        %mul3A_141 = arith.mulf %scan3A_121#6, %scan3A_121#6 : vector<16xf32>
        %add3A_142 = arith.addf %add3A_139, %mul3A_141 : vector<16xf32>
        %add3A_143 = arith.addf %add3A_140, %scan3A_121#14 : vector<16xf32>
        %mul3A_144 = arith.mulf %scan3A_121#7, %scan3A_121#7 : vector<16xf32>
        %add3A_145 = arith.addf %add3A_142, %mul3A_144 : vector<16xf32>
        %add3A_146 = arith.addf %add3A_143, %scan3A_121#15 : vector<16xf32>
        %sub3A_147 = arith.subf %add3A_145, %add3A_146 : vector<16xf32>
        %mul3A_148 = arith.constant 5.000000e-01 : f32
        %mul3A_149 = vector.broadcast %mul3A_148 : f32 to vector<16xf32>
        %mul3A_150 = arith.mulf %mul3A_149, %sub3A_147 : vector<16xf32>
        %add3A_151 = arith.addf %scan3A_121#16, %mul3A_150 : vector<16xf32>
        %reduce_sum3A = arith.constant true
        %reduce_sum3A_152 = vector.broadcast %reduce_sum3A : i1 to vector<16xi1>
        %reduce_sum3A_153 = tpu.scan <sum>, %add3A_151 masked %reduce_sum3A_152 : vector<16xf32>, vector<16xi1> -> vector<16xf32>
        %reduce_sum3A_154 = vector.extract %reduce_sum3A_153[15] : f32 from vector<16xf32>
        %add3A_155 = arith.addf %reduce_sum3A_154, %squeeze3A : f32
        %mul3A_156 = arith.constant 4 : i32
        %mul3A_157 = arith.muli %add3A_41, %mul3A_156 : i32
        %add3A_158 = arith.constant 0 : i32
        %add3A_159 = arith.addi %mul3A_157, %add3A_158 : i32
        %broadcast_in_dim3A_160 = vector.broadcast %add3A_159 : i32 to vector<16xi32>
        %broadcast_in_dim3A_161 = vector.broadcast %add3A_155 : f32 to vector<16xf32>
        %eq3A_162 = arith.constant 0 : i32
        %eq3A_163 = vector.broadcast %eq3A_162 : i32 to vector<16xi32>
        %eq3A_164 = arith.cmpi eq, %iota3A, %eq3A_163 : vector<16xi32>
        tpu.vector_store_idx %arg8[%broadcast_in_dim3A_160], %broadcast_in_dim3A_161 masked %eq3A_164 : memref<512xf32, #tpu.memory_space<vmem>>[vector<16xi32>], vector<16xf32>, vector<16xi1>
        %scan3A_165 = arith.constant 0 : i32
        %scan3A_166 = arith.constant 100 : i32
        %scan3A_167 = arith.addi %scan3A_165, %scan3A_166 : i32
        %scan3A_168 = arith.constant 4 : i32
        %scan3A_169:17 = scf.for %scan3A_542 = %scan3A_165 to %scan3A_167 step %scan3A_168 iter_args(%scan3A_543 = %broadcast_in_dim3A_6, %scan3A_544 = %broadcast_in_dim3A_6, %scan3A_545 = %broadcast_in_dim3A_6, %scan3A_546 = %broadcast_in_dim3A_6, %scan3A_547 = %broadcast_in_dim3A_6, %scan3A_548 = %broadcast_in_dim3A_6, %scan3A_549 = %broadcast_in_dim3A_6, %scan3A_550 = %broadcast_in_dim3A_6, %scan3A_551 = %broadcast_in_dim3A_6, %scan3A_552 = %broadcast_in_dim3A_6, %scan3A_553 = %broadcast_in_dim3A_6, %scan3A_554 = %broadcast_in_dim3A_6, %scan3A_555 = %broadcast_in_dim3A_6, %scan3A_556 = %broadcast_in_dim3A_6, %scan3A_557 = %broadcast_in_dim3A_6, %scan3A_558 = %broadcast_in_dim3A_6, %scan3A_559 = %broadcast_in_dim3A_6) -> (vector<16xf32>, vector<16xf32>, vector<16xf32>, vector<16xf32>, vector<16xf32>, vector<16xf32>, vector<16xf32>, vector<16xf32>, vector<16xf32>, vector<16xf32>, vector<16xf32>, vector<16xf32>, vector<16xf32>, vector<16xf32>, vector<16xf32>, vector<16xf32>, vector<16xf32>)  : i32 {
          %add3A_560 = arith.constant 100 : i32
          %add3A_561 = arith.addi %add3A_560, %scan3A_542 : i32
          %get3A_562 = arith.constant 0 : i32
          %get3A_563 = arith.index_cast %get3A_562 : i32 to index
          %get3A_564 = arith.index_cast %add3A_561 : i32 to index
          %get3A_565 = arith.constant 0 : index
          %get3A_566 = tpu.vector_load %arg7[%get3A_563, %get3A_564, %get3A_565] {strides = array<i32>} : memref<2x400x144xf32, #tpu.memory_space<vmem>>, vector<16xf32>,
          %add3A_567 = arith.addf %scan3A_543, %get3A_566 : vector<16xf32>
          %mul3A_568 = arith.mulf %get3A_566, %get3A_566 : vector<16xf32>
          %add3A_569 = arith.addf %scan3A_551, %mul3A_568 : vector<16xf32>
          %get3A_570 = arith.constant 0 : i32
          %get3A_571 = arith.index_cast %get3A_570 : i32 to index
          %get3A_572 = arith.index_cast %add3A_561 : i32 to index
          %get3A_573 = arith.constant 16 : index
          %get3A_574 = tpu.vector_load %arg7[%get3A_571, %get3A_572, %get3A_573] {strides = array<i32>} : memref<2x400x144xf32, #tpu.memory_space<vmem>>, vector<16xf32>,
          %add3A_575 = arith.addf %scan3A_544, %get3A_574 : vector<16xf32>
          %mul3A_576 = arith.mulf %get3A_574, %get3A_574 : vector<16xf32>
          %add3A_577 = arith.addf %scan3A_552, %mul3A_576 : vector<16xf32>
          %get3A_578 = arith.constant 0 : i32
          %get3A_579 = arith.index_cast %get3A_578 : i32 to index
          %get3A_580 = arith.index_cast %add3A_561 : i32 to index
          %get3A_581 = arith.constant 32 : index
          %get3A_582 = tpu.vector_load %arg7[%get3A_579, %get3A_580, %get3A_581] {strides = array<i32>} : memref<2x400x144xf32, #tpu.memory_space<vmem>>, vector<16xf32>,
          %add3A_583 = arith.addf %scan3A_545, %get3A_582 : vector<16xf32>
          %mul3A_584 = arith.mulf %get3A_582, %get3A_582 : vector<16xf32>
          %add3A_585 = arith.addf %scan3A_553, %mul3A_584 : vector<16xf32>
          %get3A_586 = arith.constant 0 : i32
          %get3A_587 = arith.index_cast %get3A_586 : i32 to index
          %get3A_588 = arith.index_cast %add3A_561 : i32 to index
          %get3A_589 = arith.constant 48 : index
          %get3A_590 = tpu.vector_load %arg7[%get3A_587, %get3A_588, %get3A_589] {strides = array<i32>} : memref<2x400x144xf32, #tpu.memory_space<vmem>>, vector<16xf32>,
          %add3A_591 = arith.addf %scan3A_546, %get3A_590 : vector<16xf32>
          %mul3A_592 = arith.mulf %get3A_590, %get3A_590 : vector<16xf32>
          %add3A_593 = arith.addf %scan3A_554, %mul3A_592 : vector<16xf32>
          %get3A_594 = arith.constant 0 : i32
          %get3A_595 = arith.index_cast %get3A_594 : i32 to index
          %get3A_596 = arith.index_cast %add3A_561 : i32 to index
          %get3A_597 = arith.constant 64 : index
          %get3A_598 = tpu.vector_load %arg7[%get3A_595, %get3A_596, %get3A_597] {strides = array<i32>} : memref<2x400x144xf32, #tpu.memory_space<vmem>>, vector<16xf32>,
          %add3A_599 = arith.addf %scan3A_547, %get3A_598 : vector<16xf32>
          %mul3A_600 = arith.mulf %get3A_598, %get3A_598 : vector<16xf32>
          %add3A_601 = arith.addf %scan3A_555, %mul3A_600 : vector<16xf32>
          %get3A_602 = arith.constant 0 : i32
          %get3A_603 = arith.index_cast %get3A_602 : i32 to index
          %get3A_604 = arith.index_cast %add3A_561 : i32 to index
          %get3A_605 = arith.constant 80 : index
          %get3A_606 = tpu.vector_load %arg7[%get3A_603, %get3A_604, %get3A_605] {strides = array<i32>} : memref<2x400x144xf32, #tpu.memory_space<vmem>>, vector<16xf32>,
          %add3A_607 = arith.addf %scan3A_548, %get3A_606 : vector<16xf32>
          %mul3A_608 = arith.mulf %get3A_606, %get3A_606 : vector<16xf32>
          %add3A_609 = arith.addf %scan3A_556, %mul3A_608 : vector<16xf32>
          %get3A_610 = arith.constant 0 : i32
          %get3A_611 = arith.index_cast %get3A_610 : i32 to index
          %get3A_612 = arith.index_cast %add3A_561 : i32 to index
          %get3A_613 = arith.constant 96 : index
          %get3A_614 = tpu.vector_load %arg7[%get3A_611, %get3A_612, %get3A_613] {strides = array<i32>} : memref<2x400x144xf32, #tpu.memory_space<vmem>>, vector<16xf32>,
          %add3A_615 = arith.addf %scan3A_549, %get3A_614 : vector<16xf32>
          %mul3A_616 = arith.mulf %get3A_614, %get3A_614 : vector<16xf32>
          %add3A_617 = arith.addf %scan3A_557, %mul3A_616 : vector<16xf32>
          %get3A_618 = arith.constant 0 : i32
          %get3A_619 = arith.index_cast %get3A_618 : i32 to index
          %get3A_620 = arith.index_cast %add3A_561 : i32 to index
          %get3A_621 = arith.constant 112 : index
          %get3A_622 = tpu.vector_load %arg7[%get3A_619, %get3A_620, %get3A_621] {strides = array<i32>} : memref<2x400x144xf32, #tpu.memory_space<vmem>>, vector<16xf32>,
          %add3A_623 = arith.addf %scan3A_550, %get3A_622 : vector<16xf32>
          %mul3A_624 = arith.mulf %get3A_622, %get3A_622 : vector<16xf32>
          %add3A_625 = arith.addf %scan3A_558, %mul3A_624 : vector<16xf32>
          %get3A_626 = arith.constant 0 : i32
          %get3A_627 = arith.index_cast %get3A_626 : i32 to index
          %get3A_628 = arith.index_cast %add3A_561 : i32 to index
          %get3A_629 = arith.constant 128 : index
          %get3A_630 = tpu.vector_load %arg7[%get3A_627, %get3A_628, %get3A_629] {strides = array<i32>} : memref<2x400x144xf32, #tpu.memory_space<vmem>>, vector<16xf32>,
          %add3A_631 = arith.addf %scan3A_559, %get3A_630 : vector<16xf32>
          %scan3A_632 = arith.constant 1 : i32
          %scan3A_633 = arith.addi %scan3A_542, %scan3A_632 : i32
          %add3A_634 = arith.constant 100 : i32
          %add3A_635 = arith.addi %add3A_634, %scan3A_633 : i32
          %get3A_636 = arith.constant 0 : i32
          %get3A_637 = arith.index_cast %get3A_636 : i32 to index
          %get3A_638 = arith.index_cast %add3A_635 : i32 to index
          %get3A_639 = arith.constant 0 : index
          %get3A_640 = tpu.vector_load %arg7[%get3A_637, %get3A_638, %get3A_639] {strides = array<i32>} : memref<2x400x144xf32, #tpu.memory_space<vmem>>, vector<16xf32>,
          %add3A_641 = arith.addf %add3A_567, %get3A_640 : vector<16xf32>
          %mul3A_642 = arith.mulf %get3A_640, %get3A_640 : vector<16xf32>
          %add3A_643 = arith.addf %add3A_569, %mul3A_642 : vector<16xf32>
          %get3A_644 = arith.constant 0 : i32
          %get3A_645 = arith.index_cast %get3A_644 : i32 to index
          %get3A_646 = arith.index_cast %add3A_635 : i32 to index
          %get3A_647 = arith.constant 16 : index
          %get3A_648 = tpu.vector_load %arg7[%get3A_645, %get3A_646, %get3A_647] {strides = array<i32>} : memref<2x400x144xf32, #tpu.memory_space<vmem>>, vector<16xf32>,
          %add3A_649 = arith.addf %add3A_575, %get3A_648 : vector<16xf32>
          %mul3A_650 = arith.mulf %get3A_648, %get3A_648 : vector<16xf32>
          %add3A_651 = arith.addf %add3A_577, %mul3A_650 : vector<16xf32>
          %get3A_652 = arith.constant 0 : i32
          %get3A_653 = arith.index_cast %get3A_652 : i32 to index
          %get3A_654 = arith.index_cast %add3A_635 : i32 to index
          %get3A_655 = arith.constant 32 : index
          %get3A_656 = tpu.vector_load %arg7[%get3A_653, %get3A_654, %get3A_655] {strides = array<i32>} : memref<2x400x144xf32, #tpu.memory_space<vmem>>, vector<16xf32>,
          %add3A_657 = arith.addf %add3A_583, %get3A_656 : vector<16xf32>
          %mul3A_658 = arith.mulf %get3A_656, %get3A_656 : vector<16xf32>
          %add3A_659 = arith.addf %add3A_585, %mul3A_658 : vector<16xf32>
          %get3A_660 = arith.constant 0 : i32
          %get3A_661 = arith.index_cast %get3A_660 : i32 to index
          %get3A_662 = arith.index_cast %add3A_635 : i32 to index
          %get3A_663 = arith.constant 48 : index
          %get3A_664 = tpu.vector_load %arg7[%get3A_661, %get3A_662, %get3A_663] {strides = array<i32>} : memref<2x400x144xf32, #tpu.memory_space<vmem>>, vector<16xf32>,
          %add3A_665 = arith.addf %add3A_591, %get3A_664 : vector<16xf32>
          %mul3A_666 = arith.mulf %get3A_664, %get3A_664 : vector<16xf32>
          %add3A_667 = arith.addf %add3A_593, %mul3A_666 : vector<16xf32>
          %get3A_668 = arith.constant 0 : i32
          %get3A_669 = arith.index_cast %get3A_668 : i32 to index
          %get3A_670 = arith.index_cast %add3A_635 : i32 to index
          %get3A_671 = arith.constant 64 : index
          %get3A_672 = tpu.vector_load %arg7[%get3A_669, %get3A_670, %get3A_671] {strides = array<i32>} : memref<2x400x144xf32, #tpu.memory_space<vmem>>, vector<16xf32>,
          %add3A_673 = arith.addf %add3A_599, %get3A_672 : vector<16xf32>
          %mul3A_674 = arith.mulf %get3A_672, %get3A_672 : vector<16xf32>
          %add3A_675 = arith.addf %add3A_601, %mul3A_674 : vector<16xf32>
          %get3A_676 = arith.constant 0 : i32
          %get3A_677 = arith.index_cast %get3A_676 : i32 to index
          %get3A_678 = arith.index_cast %add3A_635 : i32 to index
          %get3A_679 = arith.constant 80 : index
          %get3A_680 = tpu.vector_load %arg7[%get3A_677, %get3A_678, %get3A_679] {strides = array<i32>} : memref<2x400x144xf32, #tpu.memory_space<vmem>>, vector<16xf32>,
          %add3A_681 = arith.addf %add3A_607, %get3A_680 : vector<16xf32>
          %mul3A_682 = arith.mulf %get3A_680, %get3A_680 : vector<16xf32>
          %add3A_683 = arith.addf %add3A_609, %mul3A_682 : vector<16xf32>
          %get3A_684 = arith.constant 0 : i32
          %get3A_685 = arith.index_cast %get3A_684 : i32 to index
          %get3A_686 = arith.index_cast %add3A_635 : i32 to index
          %get3A_687 = arith.constant 96 : index
          %get3A_688 = tpu.vector_load %arg7[%get3A_685, %get3A_686, %get3A_687] {strides = array<i32>} : memref<2x400x144xf32, #tpu.memory_space<vmem>>, vector<16xf32>,
          %add3A_689 = arith.addf %add3A_615, %get3A_688 : vector<16xf32>
          %mul3A_690 = arith.mulf %get3A_688, %get3A_688 : vector<16xf32>
          %add3A_691 = arith.addf %add3A_617, %mul3A_690 : vector<16xf32>
          %get3A_692 = arith.constant 0 : i32
          %get3A_693 = arith.index_cast %get3A_692 : i32 to index
          %get3A_694 = arith.index_cast %add3A_635 : i32 to index
          %get3A_695 = arith.constant 112 : index
          %get3A_696 = tpu.vector_load %arg7[%get3A_693, %get3A_694, %get3A_695] {strides = array<i32>} : memref<2x400x144xf32, #tpu.memory_space<vmem>>, vector<16xf32>,
          %add3A_697 = arith.addf %add3A_623, %get3A_696 : vector<16xf32>
          %mul3A_698 = arith.mulf %get3A_696, %get3A_696 : vector<16xf32>
          %add3A_699 = arith.addf %add3A_625, %mul3A_698 : vector<16xf32>
          %get3A_700 = arith.constant 0 : i32
          %get3A_701 = arith.index_cast %get3A_700 : i32 to index
          %get3A_702 = arith.index_cast %add3A_635 : i32 to index
          %get3A_703 = arith.constant 128 : index
          %get3A_704 = tpu.vector_load %arg7[%get3A_701, %get3A_702, %get3A_703] {strides = array<i32>} : memref<2x400x144xf32, #tpu.memory_space<vmem>>, vector<16xf32>,
          %add3A_705 = arith.addf %add3A_631, %get3A_704 : vector<16xf32>
          %scan3A_706 = arith.constant 2 : i32
          %scan3A_707 = arith.addi %scan3A_542, %scan3A_706 : i32
          %add3A_708 = arith.constant 100 : i32
          %add3A_709 = arith.addi %add3A_708, %scan3A_707 : i32
          %get3A_710 = arith.constant 0 : i32
          %get3A_711 = arith.index_cast %get3A_710 : i32 to index
          %get3A_712 = arith.index_cast %add3A_709 : i32 to index
          %get3A_713 = arith.constant 0 : index
          %get3A_714 = tpu.vector_load %arg7[%get3A_711, %get3A_712, %get3A_713] {strides = array<i32>} : memref<2x400x144xf32, #tpu.memory_space<vmem>>, vector<16xf32>,
          %add3A_715 = arith.addf %add3A_641, %get3A_714 : vector<16xf32>
          %mul3A_716 = arith.mulf %get3A_714, %get3A_714 : vector<16xf32>
          %add3A_717 = arith.addf %add3A_643, %mul3A_716 : vector<16xf32>
          %get3A_718 = arith.constant 0 : i32
          %get3A_719 = arith.index_cast %get3A_718 : i32 to index
          %get3A_720 = arith.index_cast %add3A_709 : i32 to index
          %get3A_721 = arith.constant 16 : index
          %get3A_722 = tpu.vector_load %arg7[%get3A_719, %get3A_720, %get3A_721] {strides = array<i32>} : memref<2x400x144xf32, #tpu.memory_space<vmem>>, vector<16xf32>,
          %add3A_723 = arith.addf %add3A_649, %get3A_722 : vector<16xf32>
          %mul3A_724 = arith.mulf %get3A_722, %get3A_722 : vector<16xf32>
          %add3A_725 = arith.addf %add3A_651, %mul3A_724 : vector<16xf32>
          %get3A_726 = arith.constant 0 : i32
          %get3A_727 = arith.index_cast %get3A_726 : i32 to index
          %get3A_728 = arith.index_cast %add3A_709 : i32 to index
          %get3A_729 = arith.constant 32 : index
          %get3A_730 = tpu.vector_load %arg7[%get3A_727, %get3A_728, %get3A_729] {strides = array<i32>} : memref<2x400x144xf32, #tpu.memory_space<vmem>>, vector<16xf32>,
          %add3A_731 = arith.addf %add3A_657, %get3A_730 : vector<16xf32>
          %mul3A_732 = arith.mulf %get3A_730, %get3A_730 : vector<16xf32>
          %add3A_733 = arith.addf %add3A_659, %mul3A_732 : vector<16xf32>
          %get3A_734 = arith.constant 0 : i32
          %get3A_735 = arith.index_cast %get3A_734 : i32 to index
          %get3A_736 = arith.index_cast %add3A_709 : i32 to index
          %get3A_737 = arith.constant 48 : index
          %get3A_738 = tpu.vector_load %arg7[%get3A_735, %get3A_736, %get3A_737] {strides = array<i32>} : memref<2x400x144xf32, #tpu.memory_space<vmem>>, vector<16xf32>,
          %add3A_739 = arith.addf %add3A_665, %get3A_738 : vector<16xf32>
          %mul3A_740 = arith.mulf %get3A_738, %get3A_738 : vector<16xf32>
          %add3A_741 = arith.addf %add3A_667, %mul3A_740 : vector<16xf32>
          %get3A_742 = arith.constant 0 : i32
          %get3A_743 = arith.index_cast %get3A_742 : i32 to index
          %get3A_744 = arith.index_cast %add3A_709 : i32 to index
          %get3A_745 = arith.constant 64 : index
          %get3A_746 = tpu.vector_load %arg7[%get3A_743, %get3A_744, %get3A_745] {strides = array<i32>} : memref<2x400x144xf32, #tpu.memory_space<vmem>>, vector<16xf32>,
          %add3A_747 = arith.addf %add3A_673, %get3A_746 : vector<16xf32>
          %mul3A_748 = arith.mulf %get3A_746, %get3A_746 : vector<16xf32>
          %add3A_749 = arith.addf %add3A_675, %mul3A_748 : vector<16xf32>
          %get3A_750 = arith.constant 0 : i32
          %get3A_751 = arith.index_cast %get3A_750 : i32 to index
          %get3A_752 = arith.index_cast %add3A_709 : i32 to index
          %get3A_753 = arith.constant 80 : index
          %get3A_754 = tpu.vector_load %arg7[%get3A_751, %get3A_752, %get3A_753] {strides = array<i32>} : memref<2x400x144xf32, #tpu.memory_space<vmem>>, vector<16xf32>,
          %add3A_755 = arith.addf %add3A_681, %get3A_754 : vector<16xf32>
          %mul3A_756 = arith.mulf %get3A_754, %get3A_754 : vector<16xf32>
          %add3A_757 = arith.addf %add3A_683, %mul3A_756 : vector<16xf32>
          %get3A_758 = arith.constant 0 : i32
          %get3A_759 = arith.index_cast %get3A_758 : i32 to index
          %get3A_760 = arith.index_cast %add3A_709 : i32 to index
          %get3A_761 = arith.constant 96 : index
          %get3A_762 = tpu.vector_load %arg7[%get3A_759, %get3A_760, %get3A_761] {strides = array<i32>} : memref<2x400x144xf32, #tpu.memory_space<vmem>>, vector<16xf32>,
          %add3A_763 = arith.addf %add3A_689, %get3A_762 : vector<16xf32>
          %mul3A_764 = arith.mulf %get3A_762, %get3A_762 : vector<16xf32>
          %add3A_765 = arith.addf %add3A_691, %mul3A_764 : vector<16xf32>
          %get3A_766 = arith.constant 0 : i32
          %get3A_767 = arith.index_cast %get3A_766 : i32 to index
          %get3A_768 = arith.index_cast %add3A_709 : i32 to index
          %get3A_769 = arith.constant 112 : index
          %get3A_770 = tpu.vector_load %arg7[%get3A_767, %get3A_768, %get3A_769] {strides = array<i32>} : memref<2x400x144xf32, #tpu.memory_space<vmem>>, vector<16xf32>,
          %add3A_771 = arith.addf %add3A_697, %get3A_770 : vector<16xf32>
          %mul3A_772 = arith.mulf %get3A_770, %get3A_770 : vector<16xf32>
          %add3A_773 = arith.addf %add3A_699, %mul3A_772 : vector<16xf32>
          %get3A_774 = arith.constant 0 : i32
          %get3A_775 = arith.index_cast %get3A_774 : i32 to index
          %get3A_776 = arith.index_cast %add3A_709 : i32 to index
          %get3A_777 = arith.constant 128 : index
          %get3A_778 = tpu.vector_load %arg7[%get3A_775, %get3A_776, %get3A_777] {strides = array<i32>} : memref<2x400x144xf32, #tpu.memory_space<vmem>>, vector<16xf32>,
          %add3A_779 = arith.addf %add3A_705, %get3A_778 : vector<16xf32>
          %scan3A_780 = arith.constant 3 : i32
          %scan3A_781 = arith.addi %scan3A_542, %scan3A_780 : i32
          %add3A_782 = arith.constant 100 : i32
          %add3A_783 = arith.addi %add3A_782, %scan3A_781 : i32
          %get3A_784 = arith.constant 0 : i32
          %get3A_785 = arith.index_cast %get3A_784 : i32 to index
          %get3A_786 = arith.index_cast %add3A_783 : i32 to index
          %get3A_787 = arith.constant 0 : index
          %get3A_788 = tpu.vector_load %arg7[%get3A_785, %get3A_786, %get3A_787] {strides = array<i32>} : memref<2x400x144xf32, #tpu.memory_space<vmem>>, vector<16xf32>,
          %add3A_789 = arith.addf %add3A_715, %get3A_788 : vector<16xf32>
          %mul3A_790 = arith.mulf %get3A_788, %get3A_788 : vector<16xf32>
          %add3A_791 = arith.addf %add3A_717, %mul3A_790 : vector<16xf32>
          %get3A_792 = arith.constant 0 : i32
          %get3A_793 = arith.index_cast %get3A_792 : i32 to index
          %get3A_794 = arith.index_cast %add3A_783 : i32 to index
          %get3A_795 = arith.constant 16 : index
          %get3A_796 = tpu.vector_load %arg7[%get3A_793, %get3A_794, %get3A_795] {strides = array<i32>} : memref<2x400x144xf32, #tpu.memory_space<vmem>>, vector<16xf32>,
          %add3A_797 = arith.addf %add3A_723, %get3A_796 : vector<16xf32>
          %mul3A_798 = arith.mulf %get3A_796, %get3A_796 : vector<16xf32>
          %add3A_799 = arith.addf %add3A_725, %mul3A_798 : vector<16xf32>
          %get3A_800 = arith.constant 0 : i32
          %get3A_801 = arith.index_cast %get3A_800 : i32 to index
          %get3A_802 = arith.index_cast %add3A_783 : i32 to index
          %get3A_803 = arith.constant 32 : index
          %get3A_804 = tpu.vector_load %arg7[%get3A_801, %get3A_802, %get3A_803] {strides = array<i32>} : memref<2x400x144xf32, #tpu.memory_space<vmem>>, vector<16xf32>,
          %add3A_805 = arith.addf %add3A_731, %get3A_804 : vector<16xf32>
          %mul3A_806 = arith.mulf %get3A_804, %get3A_804 : vector<16xf32>
          %add3A_807 = arith.addf %add3A_733, %mul3A_806 : vector<16xf32>
          %get3A_808 = arith.constant 0 : i32
          %get3A_809 = arith.index_cast %get3A_808 : i32 to index
          %get3A_810 = arith.index_cast %add3A_783 : i32 to index
          %get3A_811 = arith.constant 48 : index
          %get3A_812 = tpu.vector_load %arg7[%get3A_809, %get3A_810, %get3A_811] {strides = array<i32>} : memref<2x400x144xf32, #tpu.memory_space<vmem>>, vector<16xf32>,
          %add3A_813 = arith.addf %add3A_739, %get3A_812 : vector<16xf32>
          %mul3A_814 = arith.mulf %get3A_812, %get3A_812 : vector<16xf32>
          %add3A_815 = arith.addf %add3A_741, %mul3A_814 : vector<16xf32>
          %get3A_816 = arith.constant 0 : i32
          %get3A_817 = arith.index_cast %get3A_816 : i32 to index
          %get3A_818 = arith.index_cast %add3A_783 : i32 to index
          %get3A_819 = arith.constant 64 : index
          %get3A_820 = tpu.vector_load %arg7[%get3A_817, %get3A_818, %get3A_819] {strides = array<i32>} : memref<2x400x144xf32, #tpu.memory_space<vmem>>, vector<16xf32>,
          %add3A_821 = arith.addf %add3A_747, %get3A_820 : vector<16xf32>
          %mul3A_822 = arith.mulf %get3A_820, %get3A_820 : vector<16xf32>
          %add3A_823 = arith.addf %add3A_749, %mul3A_822 : vector<16xf32>
          %get3A_824 = arith.constant 0 : i32
          %get3A_825 = arith.index_cast %get3A_824 : i32 to index
          %get3A_826 = arith.index_cast %add3A_783 : i32 to index
          %get3A_827 = arith.constant 80 : index
          %get3A_828 = tpu.vector_load %arg7[%get3A_825, %get3A_826, %get3A_827] {strides = array<i32>} : memref<2x400x144xf32, #tpu.memory_space<vmem>>, vector<16xf32>,
          %add3A_829 = arith.addf %add3A_755, %get3A_828 : vector<16xf32>
          %mul3A_830 = arith.mulf %get3A_828, %get3A_828 : vector<16xf32>
          %add3A_831 = arith.addf %add3A_757, %mul3A_830 : vector<16xf32>
          %get3A_832 = arith.constant 0 : i32
          %get3A_833 = arith.index_cast %get3A_832 : i32 to index
          %get3A_834 = arith.index_cast %add3A_783 : i32 to index
          %get3A_835 = arith.constant 96 : index
          %get3A_836 = tpu.vector_load %arg7[%get3A_833, %get3A_834, %get3A_835] {strides = array<i32>} : memref<2x400x144xf32, #tpu.memory_space<vmem>>, vector<16xf32>,
          %add3A_837 = arith.addf %add3A_763, %get3A_836 : vector<16xf32>
          %mul3A_838 = arith.mulf %get3A_836, %get3A_836 : vector<16xf32>
          %add3A_839 = arith.addf %add3A_765, %mul3A_838 : vector<16xf32>
          %get3A_840 = arith.constant 0 : i32
          %get3A_841 = arith.index_cast %get3A_840 : i32 to index
          %get3A_842 = arith.index_cast %add3A_783 : i32 to index
          %get3A_843 = arith.constant 112 : index
          %get3A_844 = tpu.vector_load %arg7[%get3A_841, %get3A_842, %get3A_843] {strides = array<i32>} : memref<2x400x144xf32, #tpu.memory_space<vmem>>, vector<16xf32>,
          %add3A_845 = arith.addf %add3A_771, %get3A_844 : vector<16xf32>
          %mul3A_846 = arith.mulf %get3A_844, %get3A_844 : vector<16xf32>
          %add3A_847 = arith.addf %add3A_773, %mul3A_846 : vector<16xf32>
          %get3A_848 = arith.constant 0 : i32
          %get3A_849 = arith.index_cast %get3A_848 : i32 to index
          %get3A_850 = arith.index_cast %add3A_783 : i32 to index
          %get3A_851 = arith.constant 128 : index
          %get3A_852 = tpu.vector_load %arg7[%get3A_849, %get3A_850, %get3A_851] {strides = array<i32>} : memref<2x400x144xf32, #tpu.memory_space<vmem>>, vector<16xf32>,
          %add3A_853 = arith.addf %add3A_779, %get3A_852 : vector<16xf32>
          scf.yield %add3A_789, %add3A_797, %add3A_805, %add3A_813, %add3A_821, %add3A_829, %add3A_837, %add3A_845, %add3A_791, %add3A_799, %add3A_807, %add3A_815, %add3A_823, %add3A_831, %add3A_839, %add3A_847, %add3A_853 : vector<16xf32>, vector<16xf32>, vector<16xf32>, vector<16xf32>, vector<16xf32>, vector<16xf32>, vector<16xf32>, vector<16xf32>, vector<16xf32>, vector<16xf32>, vector<16xf32>, vector<16xf32>, vector<16xf32>, vector<16xf32>, vector<16xf32>, vector<16xf32>, vector<16xf32>
        }
        %scan3A_170 = arith.constant 100 : i32
        %mul3A_171 = arith.mulf %scan3A_169#0, %scan3A_169#0 : vector<16xf32>
        %add3A_172 = arith.addf %broadcast_in_dim3A_6, %mul3A_171 : vector<16xf32>
        %add3A_173 = arith.addf %broadcast_in_dim3A_6, %scan3A_169#8 : vector<16xf32>
        %mul3A_174 = arith.mulf %scan3A_169#1, %scan3A_169#1 : vector<16xf32>
        %add3A_175 = arith.addf %add3A_172, %mul3A_174 : vector<16xf32>
        %add3A_176 = arith.addf %add3A_173, %scan3A_169#9 : vector<16xf32>
        %mul3A_177 = arith.mulf %scan3A_169#2, %scan3A_169#2 : vector<16xf32>
        %add3A_178 = arith.addf %add3A_175, %mul3A_177 : vector<16xf32>
        %add3A_179 = arith.addf %add3A_176, %scan3A_169#10 : vector<16xf32>
        %mul3A_180 = arith.mulf %scan3A_169#3, %scan3A_169#3 : vector<16xf32>
        %add3A_181 = arith.addf %add3A_178, %mul3A_180 : vector<16xf32>
        %add3A_182 = arith.addf %add3A_179, %scan3A_169#11 : vector<16xf32>
        %mul3A_183 = arith.mulf %scan3A_169#4, %scan3A_169#4 : vector<16xf32>
        %add3A_184 = arith.addf %add3A_181, %mul3A_183 : vector<16xf32>
        %add3A_185 = arith.addf %add3A_182, %scan3A_169#12 : vector<16xf32>
        %mul3A_186 = arith.mulf %scan3A_169#5, %scan3A_169#5 : vector<16xf32>
        %add3A_187 = arith.addf %add3A_184, %mul3A_186 : vector<16xf32>
        %add3A_188 = arith.addf %add3A_185, %scan3A_169#13 : vector<16xf32>
        %mul3A_189 = arith.mulf %scan3A_169#6, %scan3A_169#6 : vector<16xf32>
        %add3A_190 = arith.addf %add3A_187, %mul3A_189 : vector<16xf32>
        %add3A_191 = arith.addf %add3A_188, %scan3A_169#14 : vector<16xf32>
        %mul3A_192 = arith.mulf %scan3A_169#7, %scan3A_169#7 : vector<16xf32>
        %add3A_193 = arith.addf %add3A_190, %mul3A_192 : vector<16xf32>
        %add3A_194 = arith.addf %add3A_191, %scan3A_169#15 : vector<16xf32>
        %sub3A_195 = arith.subf %add3A_193, %add3A_194 : vector<16xf32>
        %mul3A_196 = arith.constant 5.000000e-01 : f32
        %mul3A_197 = vector.broadcast %mul3A_196 : f32 to vector<16xf32>
        %mul3A_198 = arith.mulf %mul3A_197, %sub3A_195 : vector<16xf32>
        %add3A_199 = arith.addf %scan3A_169#16, %mul3A_198 : vector<16xf32>
        %reduce_sum3A_200 = arith.constant true
        %reduce_sum3A_201 = vector.broadcast %reduce_sum3A_200 : i1 to vector<16xi1>
        %reduce_sum3A_202 = tpu.scan <sum>, %add3A_199 masked %reduce_sum3A_201 : vector<16xf32>, vector<16xi1> -> vector<16xf32>
        %reduce_sum3A_203 = vector.extract %reduce_sum3A_202[15] : f32 from vector<16xf32>
        %add3A_204 = arith.addf %reduce_sum3A_203, %squeeze3A : f32
        %mul3A_205 = arith.constant 4 : i32
        %mul3A_206 = arith.muli %add3A_41, %mul3A_205 : i32
        %add3A_207 = arith.constant 1 : i32
        %add3A_208 = arith.addi %mul3A_206, %add3A_207 : i32
        %broadcast_in_dim3A_209 = vector.broadcast %add3A_208 : i32 to vector<16xi32>
        %broadcast_in_dim3A_210 = vector.broadcast %add3A_204 : f32 to vector<16xf32>
        %eq3A_211 = arith.constant 0 : i32
        %eq3A_212 = vector.broadcast %eq3A_211 : i32 to vector<16xi32>
        %eq3A_213 = arith.cmpi eq, %iota3A, %eq3A_212 : vector<16xi32>
        tpu.vector_store_idx %arg8[%broadcast_in_dim3A_209], %broadcast_in_dim3A_210 masked %eq3A_213 : memref<512xf32, #tpu.memory_space<vmem>>[vector<16xi32>], vector<16xf32>, vector<16xi1>
        %scan3A_214 = arith.constant 0 : i32
        %scan3A_215 = arith.constant 100 : i32
        %scan3A_216 = arith.addi %scan3A_214, %scan3A_215 : i32
        %scan3A_217 = arith.constant 4 : i32
        %scan3A_218:17 = scf.for %scan3A_542 = %scan3A_214 to %scan3A_216 step %scan3A_217 iter_args(%scan3A_543 = %broadcast_in_dim3A_6, %scan3A_544 = %broadcast_in_dim3A_6, %scan3A_545 = %broadcast_in_dim3A_6, %scan3A_546 = %broadcast_in_dim3A_6, %scan3A_547 = %broadcast_in_dim3A_6, %scan3A_548 = %broadcast_in_dim3A_6, %scan3A_549 = %broadcast_in_dim3A_6, %scan3A_550 = %broadcast_in_dim3A_6, %scan3A_551 = %broadcast_in_dim3A_6, %scan3A_552 = %broadcast_in_dim3A_6, %scan3A_553 = %broadcast_in_dim3A_6, %scan3A_554 = %broadcast_in_dim3A_6, %scan3A_555 = %broadcast_in_dim3A_6, %scan3A_556 = %broadcast_in_dim3A_6, %scan3A_557 = %broadcast_in_dim3A_6, %scan3A_558 = %broadcast_in_dim3A_6, %scan3A_559 = %broadcast_in_dim3A_6) -> (vector<16xf32>, vector<16xf32>, vector<16xf32>, vector<16xf32>, vector<16xf32>, vector<16xf32>, vector<16xf32>, vector<16xf32>, vector<16xf32>, vector<16xf32>, vector<16xf32>, vector<16xf32>, vector<16xf32>, vector<16xf32>, vector<16xf32>, vector<16xf32>, vector<16xf32>)  : i32 {
          %add3A_560 = arith.constant 200 : i32
          %add3A_561 = arith.addi %add3A_560, %scan3A_542 : i32
          %get3A_562 = arith.constant 0 : i32
          %get3A_563 = arith.index_cast %get3A_562 : i32 to index
          %get3A_564 = arith.index_cast %add3A_561 : i32 to index
          %get3A_565 = arith.constant 0 : index
          %get3A_566 = tpu.vector_load %arg7[%get3A_563, %get3A_564, %get3A_565] {strides = array<i32>} : memref<2x400x144xf32, #tpu.memory_space<vmem>>, vector<16xf32>,
          %add3A_567 = arith.addf %scan3A_543, %get3A_566 : vector<16xf32>
          %mul3A_568 = arith.mulf %get3A_566, %get3A_566 : vector<16xf32>
          %add3A_569 = arith.addf %scan3A_551, %mul3A_568 : vector<16xf32>
          %get3A_570 = arith.constant 0 : i32
          %get3A_571 = arith.index_cast %get3A_570 : i32 to index
          %get3A_572 = arith.index_cast %add3A_561 : i32 to index
          %get3A_573 = arith.constant 16 : index
          %get3A_574 = tpu.vector_load %arg7[%get3A_571, %get3A_572, %get3A_573] {strides = array<i32>} : memref<2x400x144xf32, #tpu.memory_space<vmem>>, vector<16xf32>,
          %add3A_575 = arith.addf %scan3A_544, %get3A_574 : vector<16xf32>
          %mul3A_576 = arith.mulf %get3A_574, %get3A_574 : vector<16xf32>
          %add3A_577 = arith.addf %scan3A_552, %mul3A_576 : vector<16xf32>
          %get3A_578 = arith.constant 0 : i32
          %get3A_579 = arith.index_cast %get3A_578 : i32 to index
          %get3A_580 = arith.index_cast %add3A_561 : i32 to index
          %get3A_581 = arith.constant 32 : index
          %get3A_582 = tpu.vector_load %arg7[%get3A_579, %get3A_580, %get3A_581] {strides = array<i32>} : memref<2x400x144xf32, #tpu.memory_space<vmem>>, vector<16xf32>,
          %add3A_583 = arith.addf %scan3A_545, %get3A_582 : vector<16xf32>
          %mul3A_584 = arith.mulf %get3A_582, %get3A_582 : vector<16xf32>
          %add3A_585 = arith.addf %scan3A_553, %mul3A_584 : vector<16xf32>
          %get3A_586 = arith.constant 0 : i32
          %get3A_587 = arith.index_cast %get3A_586 : i32 to index
          %get3A_588 = arith.index_cast %add3A_561 : i32 to index
          %get3A_589 = arith.constant 48 : index
          %get3A_590 = tpu.vector_load %arg7[%get3A_587, %get3A_588, %get3A_589] {strides = array<i32>} : memref<2x400x144xf32, #tpu.memory_space<vmem>>, vector<16xf32>,
          %add3A_591 = arith.addf %scan3A_546, %get3A_590 : vector<16xf32>
          %mul3A_592 = arith.mulf %get3A_590, %get3A_590 : vector<16xf32>
          %add3A_593 = arith.addf %scan3A_554, %mul3A_592 : vector<16xf32>
          %get3A_594 = arith.constant 0 : i32
          %get3A_595 = arith.index_cast %get3A_594 : i32 to index
          %get3A_596 = arith.index_cast %add3A_561 : i32 to index
          %get3A_597 = arith.constant 64 : index
          %get3A_598 = tpu.vector_load %arg7[%get3A_595, %get3A_596, %get3A_597] {strides = array<i32>} : memref<2x400x144xf32, #tpu.memory_space<vmem>>, vector<16xf32>,
          %add3A_599 = arith.addf %scan3A_547, %get3A_598 : vector<16xf32>
          %mul3A_600 = arith.mulf %get3A_598, %get3A_598 : vector<16xf32>
          %add3A_601 = arith.addf %scan3A_555, %mul3A_600 : vector<16xf32>
          %get3A_602 = arith.constant 0 : i32
          %get3A_603 = arith.index_cast %get3A_602 : i32 to index
          %get3A_604 = arith.index_cast %add3A_561 : i32 to index
          %get3A_605 = arith.constant 80 : index
          %get3A_606 = tpu.vector_load %arg7[%get3A_603, %get3A_604, %get3A_605] {strides = array<i32>} : memref<2x400x144xf32, #tpu.memory_space<vmem>>, vector<16xf32>,
          %add3A_607 = arith.addf %scan3A_548, %get3A_606 : vector<16xf32>
          %mul3A_608 = arith.mulf %get3A_606, %get3A_606 : vector<16xf32>
          %add3A_609 = arith.addf %scan3A_556, %mul3A_608 : vector<16xf32>
          %get3A_610 = arith.constant 0 : i32
          %get3A_611 = arith.index_cast %get3A_610 : i32 to index
          %get3A_612 = arith.index_cast %add3A_561 : i32 to index
          %get3A_613 = arith.constant 96 : index
          %get3A_614 = tpu.vector_load %arg7[%get3A_611, %get3A_612, %get3A_613] {strides = array<i32>} : memref<2x400x144xf32, #tpu.memory_space<vmem>>, vector<16xf32>,
          %add3A_615 = arith.addf %scan3A_549, %get3A_614 : vector<16xf32>
          %mul3A_616 = arith.mulf %get3A_614, %get3A_614 : vector<16xf32>
          %add3A_617 = arith.addf %scan3A_557, %mul3A_616 : vector<16xf32>
          %get3A_618 = arith.constant 0 : i32
          %get3A_619 = arith.index_cast %get3A_618 : i32 to index
          %get3A_620 = arith.index_cast %add3A_561 : i32 to index
          %get3A_621 = arith.constant 112 : index
          %get3A_622 = tpu.vector_load %arg7[%get3A_619, %get3A_620, %get3A_621] {strides = array<i32>} : memref<2x400x144xf32, #tpu.memory_space<vmem>>, vector<16xf32>,
          %add3A_623 = arith.addf %scan3A_550, %get3A_622 : vector<16xf32>
          %mul3A_624 = arith.mulf %get3A_622, %get3A_622 : vector<16xf32>
          %add3A_625 = arith.addf %scan3A_558, %mul3A_624 : vector<16xf32>
          %get3A_626 = arith.constant 0 : i32
          %get3A_627 = arith.index_cast %get3A_626 : i32 to index
          %get3A_628 = arith.index_cast %add3A_561 : i32 to index
          %get3A_629 = arith.constant 128 : index
          %get3A_630 = tpu.vector_load %arg7[%get3A_627, %get3A_628, %get3A_629] {strides = array<i32>} : memref<2x400x144xf32, #tpu.memory_space<vmem>>, vector<16xf32>,
          %add3A_631 = arith.addf %scan3A_559, %get3A_630 : vector<16xf32>
          %scan3A_632 = arith.constant 1 : i32
          %scan3A_633 = arith.addi %scan3A_542, %scan3A_632 : i32
          %add3A_634 = arith.constant 200 : i32
          %add3A_635 = arith.addi %add3A_634, %scan3A_633 : i32
          %get3A_636 = arith.constant 0 : i32
          %get3A_637 = arith.index_cast %get3A_636 : i32 to index
          %get3A_638 = arith.index_cast %add3A_635 : i32 to index
          %get3A_639 = arith.constant 0 : index
          %get3A_640 = tpu.vector_load %arg7[%get3A_637, %get3A_638, %get3A_639] {strides = array<i32>} : memref<2x400x144xf32, #tpu.memory_space<vmem>>, vector<16xf32>,
          %add3A_641 = arith.addf %add3A_567, %get3A_640 : vector<16xf32>
          %mul3A_642 = arith.mulf %get3A_640, %get3A_640 : vector<16xf32>
          %add3A_643 = arith.addf %add3A_569, %mul3A_642 : vector<16xf32>
          %get3A_644 = arith.constant 0 : i32
          %get3A_645 = arith.index_cast %get3A_644 : i32 to index
          %get3A_646 = arith.index_cast %add3A_635 : i32 to index
          %get3A_647 = arith.constant 16 : index
          %get3A_648 = tpu.vector_load %arg7[%get3A_645, %get3A_646, %get3A_647] {strides = array<i32>} : memref<2x400x144xf32, #tpu.memory_space<vmem>>, vector<16xf32>,
          %add3A_649 = arith.addf %add3A_575, %get3A_648 : vector<16xf32>
          %mul3A_650 = arith.mulf %get3A_648, %get3A_648 : vector<16xf32>
          %add3A_651 = arith.addf %add3A_577, %mul3A_650 : vector<16xf32>
          %get3A_652 = arith.constant 0 : i32
          %get3A_653 = arith.index_cast %get3A_652 : i32 to index
          %get3A_654 = arith.index_cast %add3A_635 : i32 to index
          %get3A_655 = arith.constant 32 : index
          %get3A_656 = tpu.vector_load %arg7[%get3A_653, %get3A_654, %get3A_655] {strides = array<i32>} : memref<2x400x144xf32, #tpu.memory_space<vmem>>, vector<16xf32>,
          %add3A_657 = arith.addf %add3A_583, %get3A_656 : vector<16xf32>
          %mul3A_658 = arith.mulf %get3A_656, %get3A_656 : vector<16xf32>
          %add3A_659 = arith.addf %add3A_585, %mul3A_658 : vector<16xf32>
          %get3A_660 = arith.constant 0 : i32
          %get3A_661 = arith.index_cast %get3A_660 : i32 to index
          %get3A_662 = arith.index_cast %add3A_635 : i32 to index
          %get3A_663 = arith.constant 48 : index
          %get3A_664 = tpu.vector_load %arg7[%get3A_661, %get3A_662, %get3A_663] {strides = array<i32>} : memref<2x400x144xf32, #tpu.memory_space<vmem>>, vector<16xf32>,
          %add3A_665 = arith.addf %add3A_591, %get3A_664 : vector<16xf32>
          %mul3A_666 = arith.mulf %get3A_664, %get3A_664 : vector<16xf32>
          %add3A_667 = arith.addf %add3A_593, %mul3A_666 : vector<16xf32>
          %get3A_668 = arith.constant 0 : i32
          %get3A_669 = arith.index_cast %get3A_668 : i32 to index
          %get3A_670 = arith.index_cast %add3A_635 : i32 to index
          %get3A_671 = arith.constant 64 : index
          %get3A_672 = tpu.vector_load %arg7[%get3A_669, %get3A_670, %get3A_671] {strides = array<i32>} : memref<2x400x144xf32, #tpu.memory_space<vmem>>, vector<16xf32>,
          %add3A_673 = arith.addf %add3A_599, %get3A_672 : vector<16xf32>
          %mul3A_674 = arith.mulf %get3A_672, %get3A_672 : vector<16xf32>
          %add3A_675 = arith.addf %add3A_601, %mul3A_674 : vector<16xf32>
          %get3A_676 = arith.constant 0 : i32
          %get3A_677 = arith.index_cast %get3A_676 : i32 to index
          %get3A_678 = arith.index_cast %add3A_635 : i32 to index
          %get3A_679 = arith.constant 80 : index
          %get3A_680 = tpu.vector_load %arg7[%get3A_677, %get3A_678, %get3A_679] {strides = array<i32>} : memref<2x400x144xf32, #tpu.memory_space<vmem>>, vector<16xf32>,
          %add3A_681 = arith.addf %add3A_607, %get3A_680 : vector<16xf32>
          %mul3A_682 = arith.mulf %get3A_680, %get3A_680 : vector<16xf32>
          %add3A_683 = arith.addf %add3A_609, %mul3A_682 : vector<16xf32>
          %get3A_684 = arith.constant 0 : i32
          %get3A_685 = arith.index_cast %get3A_684 : i32 to index
          %get3A_686 = arith.index_cast %add3A_635 : i32 to index
          %get3A_687 = arith.constant 96 : index
          %get3A_688 = tpu.vector_load %arg7[%get3A_685, %get3A_686, %get3A_687] {strides = array<i32>} : memref<2x400x144xf32, #tpu.memory_space<vmem>>, vector<16xf32>,
          %add3A_689 = arith.addf %add3A_615, %get3A_688 : vector<16xf32>
          %mul3A_690 = arith.mulf %get3A_688, %get3A_688 : vector<16xf32>
          %add3A_691 = arith.addf %add3A_617, %mul3A_690 : vector<16xf32>
          %get3A_692 = arith.constant 0 : i32
          %get3A_693 = arith.index_cast %get3A_692 : i32 to index
          %get3A_694 = arith.index_cast %add3A_635 : i32 to index
          %get3A_695 = arith.constant 112 : index
          %get3A_696 = tpu.vector_load %arg7[%get3A_693, %get3A_694, %get3A_695] {strides = array<i32>} : memref<2x400x144xf32, #tpu.memory_space<vmem>>, vector<16xf32>,
          %add3A_697 = arith.addf %add3A_623, %get3A_696 : vector<16xf32>
          %mul3A_698 = arith.mulf %get3A_696, %get3A_696 : vector<16xf32>
          %add3A_699 = arith.addf %add3A_625, %mul3A_698 : vector<16xf32>
          %get3A_700 = arith.constant 0 : i32
          %get3A_701 = arith.index_cast %get3A_700 : i32 to index
          %get3A_702 = arith.index_cast %add3A_635 : i32 to index
          %get3A_703 = arith.constant 128 : index
          %get3A_704 = tpu.vector_load %arg7[%get3A_701, %get3A_702, %get3A_703] {strides = array<i32>} : memref<2x400x144xf32, #tpu.memory_space<vmem>>, vector<16xf32>,
          %add3A_705 = arith.addf %add3A_631, %get3A_704 : vector<16xf32>
          %scan3A_706 = arith.constant 2 : i32
          %scan3A_707 = arith.addi %scan3A_542, %scan3A_706 : i32
          %add3A_708 = arith.constant 200 : i32
          %add3A_709 = arith.addi %add3A_708, %scan3A_707 : i32
          %get3A_710 = arith.constant 0 : i32
          %get3A_711 = arith.index_cast %get3A_710 : i32 to index
          %get3A_712 = arith.index_cast %add3A_709 : i32 to index
          %get3A_713 = arith.constant 0 : index
          %get3A_714 = tpu.vector_load %arg7[%get3A_711, %get3A_712, %get3A_713] {strides = array<i32>} : memref<2x400x144xf32, #tpu.memory_space<vmem>>, vector<16xf32>,
          %add3A_715 = arith.addf %add3A_641, %get3A_714 : vector<16xf32>
          %mul3A_716 = arith.mulf %get3A_714, %get3A_714 : vector<16xf32>
          %add3A_717 = arith.addf %add3A_643, %mul3A_716 : vector<16xf32>
          %get3A_718 = arith.constant 0 : i32
          %get3A_719 = arith.index_cast %get3A_718 : i32 to index
          %get3A_720 = arith.index_cast %add3A_709 : i32 to index
          %get3A_721 = arith.constant 16 : index
          %get3A_722 = tpu.vector_load %arg7[%get3A_719, %get3A_720, %get3A_721] {strides = array<i32>} : memref<2x400x144xf32, #tpu.memory_space<vmem>>, vector<16xf32>,
          %add3A_723 = arith.addf %add3A_649, %get3A_722 : vector<16xf32>
          %mul3A_724 = arith.mulf %get3A_722, %get3A_722 : vector<16xf32>
          %add3A_725 = arith.addf %add3A_651, %mul3A_724 : vector<16xf32>
          %get3A_726 = arith.constant 0 : i32
          %get3A_727 = arith.index_cast %get3A_726 : i32 to index
          %get3A_728 = arith.index_cast %add3A_709 : i32 to index
          %get3A_729 = arith.constant 32 : index
          %get3A_730 = tpu.vector_load %arg7[%get3A_727, %get3A_728, %get3A_729] {strides = array<i32>} : memref<2x400x144xf32, #tpu.memory_space<vmem>>, vector<16xf32>,
          %add3A_731 = arith.addf %add3A_657, %get3A_730 : vector<16xf32>
          %mul3A_732 = arith.mulf %get3A_730, %get3A_730 : vector<16xf32>
          %add3A_733 = arith.addf %add3A_659, %mul3A_732 : vector<16xf32>
          %get3A_734 = arith.constant 0 : i32
          %get3A_735 = arith.index_cast %get3A_734 : i32 to index
          %get3A_736 = arith.index_cast %add3A_709 : i32 to index
          %get3A_737 = arith.constant 48 : index
          %get3A_738 = tpu.vector_load %arg7[%get3A_735, %get3A_736, %get3A_737] {strides = array<i32>} : memref<2x400x144xf32, #tpu.memory_space<vmem>>, vector<16xf32>,
          %add3A_739 = arith.addf %add3A_665, %get3A_738 : vector<16xf32>
          %mul3A_740 = arith.mulf %get3A_738, %get3A_738 : vector<16xf32>
          %add3A_741 = arith.addf %add3A_667, %mul3A_740 : vector<16xf32>
          %get3A_742 = arith.constant 0 : i32
          %get3A_743 = arith.index_cast %get3A_742 : i32 to index
          %get3A_744 = arith.index_cast %add3A_709 : i32 to index
          %get3A_745 = arith.constant 64 : index
          %get3A_746 = tpu.vector_load %arg7[%get3A_743, %get3A_744, %get3A_745] {strides = array<i32>} : memref<2x400x144xf32, #tpu.memory_space<vmem>>, vector<16xf32>,
          %add3A_747 = arith.addf %add3A_673, %get3A_746 : vector<16xf32>
          %mul3A_748 = arith.mulf %get3A_746, %get3A_746 : vector<16xf32>
          %add3A_749 = arith.addf %add3A_675, %mul3A_748 : vector<16xf32>
          %get3A_750 = arith.constant 0 : i32
          %get3A_751 = arith.index_cast %get3A_750 : i32 to index
          %get3A_752 = arith.index_cast %add3A_709 : i32 to index
          %get3A_753 = arith.constant 80 : index
          %get3A_754 = tpu.vector_load %arg7[%get3A_751, %get3A_752, %get3A_753] {strides = array<i32>} : memref<2x400x144xf32, #tpu.memory_space<vmem>>, vector<16xf32>,
          %add3A_755 = arith.addf %add3A_681, %get3A_754 : vector<16xf32>
          %mul3A_756 = arith.mulf %get3A_754, %get3A_754 : vector<16xf32>
          %add3A_757 = arith.addf %add3A_683, %mul3A_756 : vector<16xf32>
          %get3A_758 = arith.constant 0 : i32
          %get3A_759 = arith.index_cast %get3A_758 : i32 to index
          %get3A_760 = arith.index_cast %add3A_709 : i32 to index
          %get3A_761 = arith.constant 96 : index
          %get3A_762 = tpu.vector_load %arg7[%get3A_759, %get3A_760, %get3A_761] {strides = array<i32>} : memref<2x400x144xf32, #tpu.memory_space<vmem>>, vector<16xf32>,
          %add3A_763 = arith.addf %add3A_689, %get3A_762 : vector<16xf32>
          %mul3A_764 = arith.mulf %get3A_762, %get3A_762 : vector<16xf32>
          %add3A_765 = arith.addf %add3A_691, %mul3A_764 : vector<16xf32>
          %get3A_766 = arith.constant 0 : i32
          %get3A_767 = arith.index_cast %get3A_766 : i32 to index
          %get3A_768 = arith.index_cast %add3A_709 : i32 to index
          %get3A_769 = arith.constant 112 : index
          %get3A_770 = tpu.vector_load %arg7[%get3A_767, %get3A_768, %get3A_769] {strides = array<i32>} : memref<2x400x144xf32, #tpu.memory_space<vmem>>, vector<16xf32>,
          %add3A_771 = arith.addf %add3A_697, %get3A_770 : vector<16xf32>
          %mul3A_772 = arith.mulf %get3A_770, %get3A_770 : vector<16xf32>
          %add3A_773 = arith.addf %add3A_699, %mul3A_772 : vector<16xf32>
          %get3A_774 = arith.constant 0 : i32
          %get3A_775 = arith.index_cast %get3A_774 : i32 to index
          %get3A_776 = arith.index_cast %add3A_709 : i32 to index
          %get3A_777 = arith.constant 128 : index
          %get3A_778 = tpu.vector_load %arg7[%get3A_775, %get3A_776, %get3A_777] {strides = array<i32>} : memref<2x400x144xf32, #tpu.memory_space<vmem>>, vector<16xf32>,
          %add3A_779 = arith.addf %add3A_705, %get3A_778 : vector<16xf32>
          %scan3A_780 = arith.constant 3 : i32
          %scan3A_781 = arith.addi %scan3A_542, %scan3A_780 : i32
          %add3A_782 = arith.constant 200 : i32
          %add3A_783 = arith.addi %add3A_782, %scan3A_781 : i32
          %get3A_784 = arith.constant 0 : i32
          %get3A_785 = arith.index_cast %get3A_784 : i32 to index
          %get3A_786 = arith.index_cast %add3A_783 : i32 to index
          %get3A_787 = arith.constant 0 : index
          %get3A_788 = tpu.vector_load %arg7[%get3A_785, %get3A_786, %get3A_787] {strides = array<i32>} : memref<2x400x144xf32, #tpu.memory_space<vmem>>, vector<16xf32>,
          %add3A_789 = arith.addf %add3A_715, %get3A_788 : vector<16xf32>
          %mul3A_790 = arith.mulf %get3A_788, %get3A_788 : vector<16xf32>
          %add3A_791 = arith.addf %add3A_717, %mul3A_790 : vector<16xf32>
          %get3A_792 = arith.constant 0 : i32
          %get3A_793 = arith.index_cast %get3A_792 : i32 to index
          %get3A_794 = arith.index_cast %add3A_783 : i32 to index
          %get3A_795 = arith.constant 16 : index
          %get3A_796 = tpu.vector_load %arg7[%get3A_793, %get3A_794, %get3A_795] {strides = array<i32>} : memref<2x400x144xf32, #tpu.memory_space<vmem>>, vector<16xf32>,
          %add3A_797 = arith.addf %add3A_723, %get3A_796 : vector<16xf32>
          %mul3A_798 = arith.mulf %get3A_796, %get3A_796 : vector<16xf32>
          %add3A_799 = arith.addf %add3A_725, %mul3A_798 : vector<16xf32>
          %get3A_800 = arith.constant 0 : i32
          %get3A_801 = arith.index_cast %get3A_800 : i32 to index
          %get3A_802 = arith.index_cast %add3A_783 : i32 to index
          %get3A_803 = arith.constant 32 : index
          %get3A_804 = tpu.vector_load %arg7[%get3A_801, %get3A_802, %get3A_803] {strides = array<i32>} : memref<2x400x144xf32, #tpu.memory_space<vmem>>, vector<16xf32>,
          %add3A_805 = arith.addf %add3A_731, %get3A_804 : vector<16xf32>
          %mul3A_806 = arith.mulf %get3A_804, %get3A_804 : vector<16xf32>
          %add3A_807 = arith.addf %add3A_733, %mul3A_806 : vector<16xf32>
          %get3A_808 = arith.constant 0 : i32
          %get3A_809 = arith.index_cast %get3A_808 : i32 to index
          %get3A_810 = arith.index_cast %add3A_783 : i32 to index
          %get3A_811 = arith.constant 48 : index
          %get3A_812 = tpu.vector_load %arg7[%get3A_809, %get3A_810, %get3A_811] {strides = array<i32>} : memref<2x400x144xf32, #tpu.memory_space<vmem>>, vector<16xf32>,
          %add3A_813 = arith.addf %add3A_739, %get3A_812 : vector<16xf32>
          %mul3A_814 = arith.mulf %get3A_812, %get3A_812 : vector<16xf32>
          %add3A_815 = arith.addf %add3A_741, %mul3A_814 : vector<16xf32>
          %get3A_816 = arith.constant 0 : i32
          %get3A_817 = arith.index_cast %get3A_816 : i32 to index
          %get3A_818 = arith.index_cast %add3A_783 : i32 to index
          %get3A_819 = arith.constant 64 : index
          %get3A_820 = tpu.vector_load %arg7[%get3A_817, %get3A_818, %get3A_819] {strides = array<i32>} : memref<2x400x144xf32, #tpu.memory_space<vmem>>, vector<16xf32>,
          %add3A_821 = arith.addf %add3A_747, %get3A_820 : vector<16xf32>
          %mul3A_822 = arith.mulf %get3A_820, %get3A_820 : vector<16xf32>
          %add3A_823 = arith.addf %add3A_749, %mul3A_822 : vector<16xf32>
          %get3A_824 = arith.constant 0 : i32
          %get3A_825 = arith.index_cast %get3A_824 : i32 to index
          %get3A_826 = arith.index_cast %add3A_783 : i32 to index
          %get3A_827 = arith.constant 80 : index
          %get3A_828 = tpu.vector_load %arg7[%get3A_825, %get3A_826, %get3A_827] {strides = array<i32>} : memref<2x400x144xf32, #tpu.memory_space<vmem>>, vector<16xf32>,
          %add3A_829 = arith.addf %add3A_755, %get3A_828 : vector<16xf32>
          %mul3A_830 = arith.mulf %get3A_828, %get3A_828 : vector<16xf32>
          %add3A_831 = arith.addf %add3A_757, %mul3A_830 : vector<16xf32>
          %get3A_832 = arith.constant 0 : i32
          %get3A_833 = arith.index_cast %get3A_832 : i32 to index
          %get3A_834 = arith.index_cast %add3A_783 : i32 to index
          %get3A_835 = arith.constant 96 : index
          %get3A_836 = tpu.vector_load %arg7[%get3A_833, %get3A_834, %get3A_835] {strides = array<i32>} : memref<2x400x144xf32, #tpu.memory_space<vmem>>, vector<16xf32>,
          %add3A_837 = arith.addf %add3A_763, %get3A_836 : vector<16xf32>
          %mul3A_838 = arith.mulf %get3A_836, %get3A_836 : vector<16xf32>
          %add3A_839 = arith.addf %add3A_765, %mul3A_838 : vector<16xf32>
          %get3A_840 = arith.constant 0 : i32
          %get3A_841 = arith.index_cast %get3A_840 : i32 to index
          %get3A_842 = arith.index_cast %add3A_783 : i32 to index
          %get3A_843 = arith.constant 112 : index
          %get3A_844 = tpu.vector_load %arg7[%get3A_841, %get3A_842, %get3A_843] {strides = array<i32>} : memref<2x400x144xf32, #tpu.memory_space<vmem>>, vector<16xf32>,
          %add3A_845 = arith.addf %add3A_771, %get3A_844 : vector<16xf32>
          %mul3A_846 = arith.mulf %get3A_844, %get3A_844 : vector<16xf32>
          %add3A_847 = arith.addf %add3A_773, %mul3A_846 : vector<16xf32>
          %get3A_848 = arith.constant 0 : i32
          %get3A_849 = arith.index_cast %get3A_848 : i32 to index
          %get3A_850 = arith.index_cast %add3A_783 : i32 to index
          %get3A_851 = arith.constant 128 : index
          %get3A_852 = tpu.vector_load %arg7[%get3A_849, %get3A_850, %get3A_851] {strides = array<i32>} : memref<2x400x144xf32, #tpu.memory_space<vmem>>, vector<16xf32>,
          %add3A_853 = arith.addf %add3A_779, %get3A_852 : vector<16xf32>
          scf.yield %add3A_789, %add3A_797, %add3A_805, %add3A_813, %add3A_821, %add3A_829, %add3A_837, %add3A_845, %add3A_791, %add3A_799, %add3A_807, %add3A_815, %add3A_823, %add3A_831, %add3A_839, %add3A_847, %add3A_853 : vector<16xf32>, vector<16xf32>, vector<16xf32>, vector<16xf32>, vector<16xf32>, vector<16xf32>, vector<16xf32>, vector<16xf32>, vector<16xf32>, vector<16xf32>, vector<16xf32>, vector<16xf32>, vector<16xf32>, vector<16xf32>, vector<16xf32>, vector<16xf32>, vector<16xf32>
        }
        %scan3A_219 = arith.constant 100 : i32
        %mul3A_220 = arith.mulf %scan3A_218#0, %scan3A_218#0 : vector<16xf32>
        %add3A_221 = arith.addf %broadcast_in_dim3A_6, %mul3A_220 : vector<16xf32>
        %add3A_222 = arith.addf %broadcast_in_dim3A_6, %scan3A_218#8 : vector<16xf32>
        %mul3A_223 = arith.mulf %scan3A_218#1, %scan3A_218#1 : vector<16xf32>
        %add3A_224 = arith.addf %add3A_221, %mul3A_223 : vector<16xf32>
        %add3A_225 = arith.addf %add3A_222, %scan3A_218#9 : vector<16xf32>
        %mul3A_226 = arith.mulf %scan3A_218#2, %scan3A_218#2 : vector<16xf32>
        %add3A_227 = arith.addf %add3A_224, %mul3A_226 : vector<16xf32>
        %add3A_228 = arith.addf %add3A_225, %scan3A_218#10 : vector<16xf32>
        %mul3A_229 = arith.mulf %scan3A_218#3, %scan3A_218#3 : vector<16xf32>
        %add3A_230 = arith.addf %add3A_227, %mul3A_229 : vector<16xf32>
        %add3A_231 = arith.addf %add3A_228, %scan3A_218#11 : vector<16xf32>
        %mul3A_232 = arith.mulf %scan3A_218#4, %scan3A_218#4 : vector<16xf32>
        %add3A_233 = arith.addf %add3A_230, %mul3A_232 : vector<16xf32>
        %add3A_234 = arith.addf %add3A_231, %scan3A_218#12 : vector<16xf32>
        %mul3A_235 = arith.mulf %scan3A_218#5, %scan3A_218#5 : vector<16xf32>
        %add3A_236 = arith.addf %add3A_233, %mul3A_235 : vector<16xf32>
        %add3A_237 = arith.addf %add3A_234, %scan3A_218#13 : vector<16xf32>
        %mul3A_238 = arith.mulf %scan3A_218#6, %scan3A_218#6 : vector<16xf32>
        %add3A_239 = arith.addf %add3A_236, %mul3A_238 : vector<16xf32>
        %add3A_240 = arith.addf %add3A_237, %scan3A_218#14 : vector<16xf32>
        %mul3A_241 = arith.mulf %scan3A_218#7, %scan3A_218#7 : vector<16xf32>
        %add3A_242 = arith.addf %add3A_239, %mul3A_241 : vector<16xf32>
        %add3A_243 = arith.addf %add3A_240, %scan3A_218#15 : vector<16xf32>
        %sub3A_244 = arith.subf %add3A_242, %add3A_243 : vector<16xf32>
        %mul3A_245 = arith.constant 5.000000e-01 : f32
        %mul3A_246 = vector.broadcast %mul3A_245 : f32 to vector<16xf32>
        %mul3A_247 = arith.mulf %mul3A_246, %sub3A_244 : vector<16xf32>
        %add3A_248 = arith.addf %scan3A_218#16, %mul3A_247 : vector<16xf32>
        %reduce_sum3A_249 = arith.constant true
        %reduce_sum3A_250 = vector.broadcast %reduce_sum3A_249 : i1 to vector<16xi1>
        %reduce_sum3A_251 = tpu.scan <sum>, %add3A_248 masked %reduce_sum3A_250 : vector<16xf32>, vector<16xi1> -> vector<16xf32>
        %reduce_sum3A_252 = vector.extract %reduce_sum3A_251[15] : f32 from vector<16xf32>
        %add3A_253 = arith.addf %reduce_sum3A_252, %squeeze3A : f32
        %mul3A_254 = arith.constant 4 : i32
        %mul3A_255 = arith.muli %add3A_41, %mul3A_254 : i32
        %add3A_256 = arith.constant 2 : i32
        %add3A_257 = arith.addi %mul3A_255, %add3A_256 : i32
        %broadcast_in_dim3A_258 = vector.broadcast %add3A_257 : i32 to vector<16xi32>
        %broadcast_in_dim3A_259 = vector.broadcast %add3A_253 : f32 to vector<16xf32>
        %eq3A_260 = arith.constant 0 : i32
        %eq3A_261 = vector.broadcast %eq3A_260 : i32 to vector<16xi32>
        %eq3A_262 = arith.cmpi eq, %iota3A, %eq3A_261 : vector<16xi32>
        tpu.vector_store_idx %arg8[%broadcast_in_dim3A_258], %broadcast_in_dim3A_259 masked %eq3A_262 : memref<512xf32, #tpu.memory_space<vmem>>[vector<16xi32>], vector<16xf32>, vector<16xi1>
        %scan3A_263 = arith.constant 0 : i32
        %scan3A_264 = arith.constant 100 : i32
        %scan3A_265 = arith.addi %scan3A_263, %scan3A_264 : i32
        %scan3A_266 = arith.constant 4 : i32
        %scan3A_267:17 = scf.for %scan3A_542 = %scan3A_263 to %scan3A_265 step %scan3A_266 iter_args(%scan3A_543 = %broadcast_in_dim3A_6, %scan3A_544 = %broadcast_in_dim3A_6, %scan3A_545 = %broadcast_in_dim3A_6, %scan3A_546 = %broadcast_in_dim3A_6, %scan3A_547 = %broadcast_in_dim3A_6, %scan3A_548 = %broadcast_in_dim3A_6, %scan3A_549 = %broadcast_in_dim3A_6, %scan3A_550 = %broadcast_in_dim3A_6, %scan3A_551 = %broadcast_in_dim3A_6, %scan3A_552 = %broadcast_in_dim3A_6, %scan3A_553 = %broadcast_in_dim3A_6, %scan3A_554 = %broadcast_in_dim3A_6, %scan3A_555 = %broadcast_in_dim3A_6, %scan3A_556 = %broadcast_in_dim3A_6, %scan3A_557 = %broadcast_in_dim3A_6, %scan3A_558 = %broadcast_in_dim3A_6, %scan3A_559 = %broadcast_in_dim3A_6) -> (vector<16xf32>, vector<16xf32>, vector<16xf32>, vector<16xf32>, vector<16xf32>, vector<16xf32>, vector<16xf32>, vector<16xf32>, vector<16xf32>, vector<16xf32>, vector<16xf32>, vector<16xf32>, vector<16xf32>, vector<16xf32>, vector<16xf32>, vector<16xf32>, vector<16xf32>)  : i32 {
          %add3A_560 = arith.constant 300 : i32
          %add3A_561 = arith.addi %add3A_560, %scan3A_542 : i32
          %get3A_562 = arith.constant 0 : i32
          %get3A_563 = arith.index_cast %get3A_562 : i32 to index
          %get3A_564 = arith.index_cast %add3A_561 : i32 to index
          %get3A_565 = arith.constant 0 : index
          %get3A_566 = tpu.vector_load %arg7[%get3A_563, %get3A_564, %get3A_565] {strides = array<i32>} : memref<2x400x144xf32, #tpu.memory_space<vmem>>, vector<16xf32>,
          %add3A_567 = arith.addf %scan3A_543, %get3A_566 : vector<16xf32>
          %mul3A_568 = arith.mulf %get3A_566, %get3A_566 : vector<16xf32>
          %add3A_569 = arith.addf %scan3A_551, %mul3A_568 : vector<16xf32>
          %get3A_570 = arith.constant 0 : i32
          %get3A_571 = arith.index_cast %get3A_570 : i32 to index
          %get3A_572 = arith.index_cast %add3A_561 : i32 to index
          %get3A_573 = arith.constant 16 : index
          %get3A_574 = tpu.vector_load %arg7[%get3A_571, %get3A_572, %get3A_573] {strides = array<i32>} : memref<2x400x144xf32, #tpu.memory_space<vmem>>, vector<16xf32>,
          %add3A_575 = arith.addf %scan3A_544, %get3A_574 : vector<16xf32>
          %mul3A_576 = arith.mulf %get3A_574, %get3A_574 : vector<16xf32>
          %add3A_577 = arith.addf %scan3A_552, %mul3A_576 : vector<16xf32>
          %get3A_578 = arith.constant 0 : i32
          %get3A_579 = arith.index_cast %get3A_578 : i32 to index
          %get3A_580 = arith.index_cast %add3A_561 : i32 to index
          %get3A_581 = arith.constant 32 : index
          %get3A_582 = tpu.vector_load %arg7[%get3A_579, %get3A_580, %get3A_581] {strides = array<i32>} : memref<2x400x144xf32, #tpu.memory_space<vmem>>, vector<16xf32>,
          %add3A_583 = arith.addf %scan3A_545, %get3A_582 : vector<16xf32>
          %mul3A_584 = arith.mulf %get3A_582, %get3A_582 : vector<16xf32>
          %add3A_585 = arith.addf %scan3A_553, %mul3A_584 : vector<16xf32>
          %get3A_586 = arith.constant 0 : i32
          %get3A_587 = arith.index_cast %get3A_586 : i32 to index
          %get3A_588 = arith.index_cast %add3A_561 : i32 to index
          %get3A_589 = arith.constant 48 : index
          %get3A_590 = tpu.vector_load %arg7[%get3A_587, %get3A_588, %get3A_589] {strides = array<i32>} : memref<2x400x144xf32, #tpu.memory_space<vmem>>, vector<16xf32>,
          %add3A_591 = arith.addf %scan3A_546, %get3A_590 : vector<16xf32>
          %mul3A_592 = arith.mulf %get3A_590, %get3A_590 : vector<16xf32>
          %add3A_593 = arith.addf %scan3A_554, %mul3A_592 : vector<16xf32>
          %get3A_594 = arith.constant 0 : i32
          %get3A_595 = arith.index_cast %get3A_594 : i32 to index
          %get3A_596 = arith.index_cast %add3A_561 : i32 to index
          %get3A_597 = arith.constant 64 : index
          %get3A_598 = tpu.vector_load %arg7[%get3A_595, %get3A_596, %get3A_597] {strides = array<i32>} : memref<2x400x144xf32, #tpu.memory_space<vmem>>, vector<16xf32>,
          %add3A_599 = arith.addf %scan3A_547, %get3A_598 : vector<16xf32>
          %mul3A_600 = arith.mulf %get3A_598, %get3A_598 : vector<16xf32>
          %add3A_601 = arith.addf %scan3A_555, %mul3A_600 : vector<16xf32>
          %get3A_602 = arith.constant 0 : i32
          %get3A_603 = arith.index_cast %get3A_602 : i32 to index
          %get3A_604 = arith.index_cast %add3A_561 : i32 to index
          %get3A_605 = arith.constant 80 : index
          %get3A_606 = tpu.vector_load %arg7[%get3A_603, %get3A_604, %get3A_605] {strides = array<i32>} : memref<2x400x144xf32, #tpu.memory_space<vmem>>, vector<16xf32>,
          %add3A_607 = arith.addf %scan3A_548, %get3A_606 : vector<16xf32>
          %mul3A_608 = arith.mulf %get3A_606, %get3A_606 : vector<16xf32>
          %add3A_609 = arith.addf %scan3A_556, %mul3A_608 : vector<16xf32>
          %get3A_610 = arith.constant 0 : i32
          %get3A_611 = arith.index_cast %get3A_610 : i32 to index
          %get3A_612 = arith.index_cast %add3A_561 : i32 to index
          %get3A_613 = arith.constant 96 : index
          %get3A_614 = tpu.vector_load %arg7[%get3A_611, %get3A_612, %get3A_613] {strides = array<i32>} : memref<2x400x144xf32, #tpu.memory_space<vmem>>, vector<16xf32>,
          %add3A_615 = arith.addf %scan3A_549, %get3A_614 : vector<16xf32>
          %mul3A_616 = arith.mulf %get3A_614, %get3A_614 : vector<16xf32>
          %add3A_617 = arith.addf %scan3A_557, %mul3A_616 : vector<16xf32>
          %get3A_618 = arith.constant 0 : i32
          %get3A_619 = arith.index_cast %get3A_618 : i32 to index
          %get3A_620 = arith.index_cast %add3A_561 : i32 to index
          %get3A_621 = arith.constant 112 : index
          %get3A_622 = tpu.vector_load %arg7[%get3A_619, %get3A_620, %get3A_621] {strides = array<i32>} : memref<2x400x144xf32, #tpu.memory_space<vmem>>, vector<16xf32>,
          %add3A_623 = arith.addf %scan3A_550, %get3A_622 : vector<16xf32>
          %mul3A_624 = arith.mulf %get3A_622, %get3A_622 : vector<16xf32>
          %add3A_625 = arith.addf %scan3A_558, %mul3A_624 : vector<16xf32>
          %get3A_626 = arith.constant 0 : i32
          %get3A_627 = arith.index_cast %get3A_626 : i32 to index
          %get3A_628 = arith.index_cast %add3A_561 : i32 to index
          %get3A_629 = arith.constant 128 : index
          %get3A_630 = tpu.vector_load %arg7[%get3A_627, %get3A_628, %get3A_629] {strides = array<i32>} : memref<2x400x144xf32, #tpu.memory_space<vmem>>, vector<16xf32>,
          %add3A_631 = arith.addf %scan3A_559, %get3A_630 : vector<16xf32>
          %scan3A_632 = arith.constant 1 : i32
          %scan3A_633 = arith.addi %scan3A_542, %scan3A_632 : i32
          %add3A_634 = arith.constant 300 : i32
          %add3A_635 = arith.addi %add3A_634, %scan3A_633 : i32
          %get3A_636 = arith.constant 0 : i32
          %get3A_637 = arith.index_cast %get3A_636 : i32 to index
          %get3A_638 = arith.index_cast %add3A_635 : i32 to index
          %get3A_639 = arith.constant 0 : index
          %get3A_640 = tpu.vector_load %arg7[%get3A_637, %get3A_638, %get3A_639] {strides = array<i32>} : memref<2x400x144xf32, #tpu.memory_space<vmem>>, vector<16xf32>,
          %add3A_641 = arith.addf %add3A_567, %get3A_640 : vector<16xf32>
          %mul3A_642 = arith.mulf %get3A_640, %get3A_640 : vector<16xf32>
          %add3A_643 = arith.addf %add3A_569, %mul3A_642 : vector<16xf32>
          %get3A_644 = arith.constant 0 : i32
          %get3A_645 = arith.index_cast %get3A_644 : i32 to index
          %get3A_646 = arith.index_cast %add3A_635 : i32 to index
          %get3A_647 = arith.constant 16 : index
          %get3A_648 = tpu.vector_load %arg7[%get3A_645, %get3A_646, %get3A_647] {strides = array<i32>} : memref<2x400x144xf32, #tpu.memory_space<vmem>>, vector<16xf32>,
          %add3A_649 = arith.addf %add3A_575, %get3A_648 : vector<16xf32>
          %mul3A_650 = arith.mulf %get3A_648, %get3A_648 : vector<16xf32>
          %add3A_651 = arith.addf %add3A_577, %mul3A_650 : vector<16xf32>
          %get3A_652 = arith.constant 0 : i32
          %get3A_653 = arith.index_cast %get3A_652 : i32 to index
          %get3A_654 = arith.index_cast %add3A_635 : i32 to index
          %get3A_655 = arith.constant 32 : index
          %get3A_656 = tpu.vector_load %arg7[%get3A_653, %get3A_654, %get3A_655] {strides = array<i32>} : memref<2x400x144xf32, #tpu.memory_space<vmem>>, vector<16xf32>,
          %add3A_657 = arith.addf %add3A_583, %get3A_656 : vector<16xf32>
          %mul3A_658 = arith.mulf %get3A_656, %get3A_656 : vector<16xf32>
          %add3A_659 = arith.addf %add3A_585, %mul3A_658 : vector<16xf32>
          %get3A_660 = arith.constant 0 : i32
          %get3A_661 = arith.index_cast %get3A_660 : i32 to index
          %get3A_662 = arith.index_cast %add3A_635 : i32 to index
          %get3A_663 = arith.constant 48 : index
          %get3A_664 = tpu.vector_load %arg7[%get3A_661, %get3A_662, %get3A_663] {strides = array<i32>} : memref<2x400x144xf32, #tpu.memory_space<vmem>>, vector<16xf32>,
          %add3A_665 = arith.addf %add3A_591, %get3A_664 : vector<16xf32>
          %mul3A_666 = arith.mulf %get3A_664, %get3A_664 : vector<16xf32>
          %add3A_667 = arith.addf %add3A_593, %mul3A_666 : vector<16xf32>
          %get3A_668 = arith.constant 0 : i32
          %get3A_669 = arith.index_cast %get3A_668 : i32 to index
          %get3A_670 = arith.index_cast %add3A_635 : i32 to index
          %get3A_671 = arith.constant 64 : index
          %get3A_672 = tpu.vector_load %arg7[%get3A_669, %get3A_670, %get3A_671] {strides = array<i32>} : memref<2x400x144xf32, #tpu.memory_space<vmem>>, vector<16xf32>,
          %add3A_673 = arith.addf %add3A_599, %get3A_672 : vector<16xf32>
          %mul3A_674 = arith.mulf %get3A_672, %get3A_672 : vector<16xf32>
          %add3A_675 = arith.addf %add3A_601, %mul3A_674 : vector<16xf32>
          %get3A_676 = arith.constant 0 : i32
          %get3A_677 = arith.index_cast %get3A_676 : i32 to index
          %get3A_678 = arith.index_cast %add3A_635 : i32 to index
          %get3A_679 = arith.constant 80 : index
          %get3A_680 = tpu.vector_load %arg7[%get3A_677, %get3A_678, %get3A_679] {strides = array<i32>} : memref<2x400x144xf32, #tpu.memory_space<vmem>>, vector<16xf32>,
          %add3A_681 = arith.addf %add3A_607, %get3A_680 : vector<16xf32>
          %mul3A_682 = arith.mulf %get3A_680, %get3A_680 : vector<16xf32>
          %add3A_683 = arith.addf %add3A_609, %mul3A_682 : vector<16xf32>
          %get3A_684 = arith.constant 0 : i32
          %get3A_685 = arith.index_cast %get3A_684 : i32 to index
          %get3A_686 = arith.index_cast %add3A_635 : i32 to index
          %get3A_687 = arith.constant 96 : index
          %get3A_688 = tpu.vector_load %arg7[%get3A_685, %get3A_686, %get3A_687] {strides = array<i32>} : memref<2x400x144xf32, #tpu.memory_space<vmem>>, vector<16xf32>,
          %add3A_689 = arith.addf %add3A_615, %get3A_688 : vector<16xf32>
          %mul3A_690 = arith.mulf %get3A_688, %get3A_688 : vector<16xf32>
          %add3A_691 = arith.addf %add3A_617, %mul3A_690 : vector<16xf32>
          %get3A_692 = arith.constant 0 : i32
          %get3A_693 = arith.index_cast %get3A_692 : i32 to index
          %get3A_694 = arith.index_cast %add3A_635 : i32 to index
          %get3A_695 = arith.constant 112 : index
          %get3A_696 = tpu.vector_load %arg7[%get3A_693, %get3A_694, %get3A_695] {strides = array<i32>} : memref<2x400x144xf32, #tpu.memory_space<vmem>>, vector<16xf32>,
          %add3A_697 = arith.addf %add3A_623, %get3A_696 : vector<16xf32>
          %mul3A_698 = arith.mulf %get3A_696, %get3A_696 : vector<16xf32>
          %add3A_699 = arith.addf %add3A_625, %mul3A_698 : vector<16xf32>
          %get3A_700 = arith.constant 0 : i32
          %get3A_701 = arith.index_cast %get3A_700 : i32 to index
          %get3A_702 = arith.index_cast %add3A_635 : i32 to index
          %get3A_703 = arith.constant 128 : index
          %get3A_704 = tpu.vector_load %arg7[%get3A_701, %get3A_702, %get3A_703] {strides = array<i32>} : memref<2x400x144xf32, #tpu.memory_space<vmem>>, vector<16xf32>,
          %add3A_705 = arith.addf %add3A_631, %get3A_704 : vector<16xf32>
          %scan3A_706 = arith.constant 2 : i32
          %scan3A_707 = arith.addi %scan3A_542, %scan3A_706 : i32
          %add3A_708 = arith.constant 300 : i32
          %add3A_709 = arith.addi %add3A_708, %scan3A_707 : i32
          %get3A_710 = arith.constant 0 : i32
          %get3A_711 = arith.index_cast %get3A_710 : i32 to index
          %get3A_712 = arith.index_cast %add3A_709 : i32 to index
          %get3A_713 = arith.constant 0 : index
          %get3A_714 = tpu.vector_load %arg7[%get3A_711, %get3A_712, %get3A_713] {strides = array<i32>} : memref<2x400x144xf32, #tpu.memory_space<vmem>>, vector<16xf32>,
          %add3A_715 = arith.addf %add3A_641, %get3A_714 : vector<16xf32>
          %mul3A_716 = arith.mulf %get3A_714, %get3A_714 : vector<16xf32>
          %add3A_717 = arith.addf %add3A_643, %mul3A_716 : vector<16xf32>
          %get3A_718 = arith.constant 0 : i32
          %get3A_719 = arith.index_cast %get3A_718 : i32 to index
          %get3A_720 = arith.index_cast %add3A_709 : i32 to index
          %get3A_721 = arith.constant 16 : index
          %get3A_722 = tpu.vector_load %arg7[%get3A_719, %get3A_720, %get3A_721] {strides = array<i32>} : memref<2x400x144xf32, #tpu.memory_space<vmem>>, vector<16xf32>,
          %add3A_723 = arith.addf %add3A_649, %get3A_722 : vector<16xf32>
          %mul3A_724 = arith.mulf %get3A_722, %get3A_722 : vector<16xf32>
          %add3A_725 = arith.addf %add3A_651, %mul3A_724 : vector<16xf32>
          %get3A_726 = arith.constant 0 : i32
          %get3A_727 = arith.index_cast %get3A_726 : i32 to index
          %get3A_728 = arith.index_cast %add3A_709 : i32 to index
          %get3A_729 = arith.constant 32 : index
          %get3A_730 = tpu.vector_load %arg7[%get3A_727, %get3A_728, %get3A_729] {strides = array<i32>} : memref<2x400x144xf32, #tpu.memory_space<vmem>>, vector<16xf32>,
          %add3A_731 = arith.addf %add3A_657, %get3A_730 : vector<16xf32>
          %mul3A_732 = arith.mulf %get3A_730, %get3A_730 : vector<16xf32>
          %add3A_733 = arith.addf %add3A_659, %mul3A_732 : vector<16xf32>
          %get3A_734 = arith.constant 0 : i32
          %get3A_735 = arith.index_cast %get3A_734 : i32 to index
          %get3A_736 = arith.index_cast %add3A_709 : i32 to index
          %get3A_737 = arith.constant 48 : index
          %get3A_738 = tpu.vector_load %arg7[%get3A_735, %get3A_736, %get3A_737] {strides = array<i32>} : memref<2x400x144xf32, #tpu.memory_space<vmem>>, vector<16xf32>,
          %add3A_739 = arith.addf %add3A_665, %get3A_738 : vector<16xf32>
          %mul3A_740 = arith.mulf %get3A_738, %get3A_738 : vector<16xf32>
          %add3A_741 = arith.addf %add3A_667, %mul3A_740 : vector<16xf32>
          %get3A_742 = arith.constant 0 : i32
          %get3A_743 = arith.index_cast %get3A_742 : i32 to index
          %get3A_744 = arith.index_cast %add3A_709 : i32 to index
          %get3A_745 = arith.constant 64 : index
          %get3A_746 = tpu.vector_load %arg7[%get3A_743, %get3A_744, %get3A_745] {strides = array<i32>} : memref<2x400x144xf32, #tpu.memory_space<vmem>>, vector<16xf32>,
          %add3A_747 = arith.addf %add3A_673, %get3A_746 : vector<16xf32>
          %mul3A_748 = arith.mulf %get3A_746, %get3A_746 : vector<16xf32>
          %add3A_749 = arith.addf %add3A_675, %mul3A_748 : vector<16xf32>
          %get3A_750 = arith.constant 0 : i32
          %get3A_751 = arith.index_cast %get3A_750 : i32 to index
          %get3A_752 = arith.index_cast %add3A_709 : i32 to index
          %get3A_753 = arith.constant 80 : index
          %get3A_754 = tpu.vector_load %arg7[%get3A_751, %get3A_752, %get3A_753] {strides = array<i32>} : memref<2x400x144xf32, #tpu.memory_space<vmem>>, vector<16xf32>,
          %add3A_755 = arith.addf %add3A_681, %get3A_754 : vector<16xf32>
          %mul3A_756 = arith.mulf %get3A_754, %get3A_754 : vector<16xf32>
          %add3A_757 = arith.addf %add3A_683, %mul3A_756 : vector<16xf32>
          %get3A_758 = arith.constant 0 : i32
          %get3A_759 = arith.index_cast %get3A_758 : i32 to index
          %get3A_760 = arith.index_cast %add3A_709 : i32 to index
          %get3A_761 = arith.constant 96 : index
          %get3A_762 = tpu.vector_load %arg7[%get3A_759, %get3A_760, %get3A_761] {strides = array<i32>} : memref<2x400x144xf32, #tpu.memory_space<vmem>>, vector<16xf32>,
          %add3A_763 = arith.addf %add3A_689, %get3A_762 : vector<16xf32>
          %mul3A_764 = arith.mulf %get3A_762, %get3A_762 : vector<16xf32>
          %add3A_765 = arith.addf %add3A_691, %mul3A_764 : vector<16xf32>
          %get3A_766 = arith.constant 0 : i32
          %get3A_767 = arith.index_cast %get3A_766 : i32 to index
          %get3A_768 = arith.index_cast %add3A_709 : i32 to index
          %get3A_769 = arith.constant 112 : index
          %get3A_770 = tpu.vector_load %arg7[%get3A_767, %get3A_768, %get3A_769] {strides = array<i32>} : memref<2x400x144xf32, #tpu.memory_space<vmem>>, vector<16xf32>,
          %add3A_771 = arith.addf %add3A_697, %get3A_770 : vector<16xf32>
          %mul3A_772 = arith.mulf %get3A_770, %get3A_770 : vector<16xf32>
          %add3A_773 = arith.addf %add3A_699, %mul3A_772 : vector<16xf32>
          %get3A_774 = arith.constant 0 : i32
          %get3A_775 = arith.index_cast %get3A_774 : i32 to index
          %get3A_776 = arith.index_cast %add3A_709 : i32 to index
          %get3A_777 = arith.constant 128 : index
          %get3A_778 = tpu.vector_load %arg7[%get3A_775, %get3A_776, %get3A_777] {strides = array<i32>} : memref<2x400x144xf32, #tpu.memory_space<vmem>>, vector<16xf32>,
          %add3A_779 = arith.addf %add3A_705, %get3A_778 : vector<16xf32>
          %scan3A_780 = arith.constant 3 : i32
          %scan3A_781 = arith.addi %scan3A_542, %scan3A_780 : i32
          %add3A_782 = arith.constant 300 : i32
          %add3A_783 = arith.addi %add3A_782, %scan3A_781 : i32
          %get3A_784 = arith.constant 0 : i32
          %get3A_785 = arith.index_cast %get3A_784 : i32 to index
          %get3A_786 = arith.index_cast %add3A_783 : i32 to index
          %get3A_787 = arith.constant 0 : index
          %get3A_788 = tpu.vector_load %arg7[%get3A_785, %get3A_786, %get3A_787] {strides = array<i32>} : memref<2x400x144xf32, #tpu.memory_space<vmem>>, vector<16xf32>,
          %add3A_789 = arith.addf %add3A_715, %get3A_788 : vector<16xf32>
          %mul3A_790 = arith.mulf %get3A_788, %get3A_788 : vector<16xf32>
          %add3A_791 = arith.addf %add3A_717, %mul3A_790 : vector<16xf32>
          %get3A_792 = arith.constant 0 : i32
          %get3A_793 = arith.index_cast %get3A_792 : i32 to index
          %get3A_794 = arith.index_cast %add3A_783 : i32 to index
          %get3A_795 = arith.constant 16 : index
          %get3A_796 = tpu.vector_load %arg7[%get3A_793, %get3A_794, %get3A_795] {strides = array<i32>} : memref<2x400x144xf32, #tpu.memory_space<vmem>>, vector<16xf32>,
          %add3A_797 = arith.addf %add3A_723, %get3A_796 : vector<16xf32>
          %mul3A_798 = arith.mulf %get3A_796, %get3A_796 : vector<16xf32>
          %add3A_799 = arith.addf %add3A_725, %mul3A_798 : vector<16xf32>
          %get3A_800 = arith.constant 0 : i32
          %get3A_801 = arith.index_cast %get3A_800 : i32 to index
          %get3A_802 = arith.index_cast %add3A_783 : i32 to index
          %get3A_803 = arith.constant 32 : index
          %get3A_804 = tpu.vector_load %arg7[%get3A_801, %get3A_802, %get3A_803] {strides = array<i32>} : memref<2x400x144xf32, #tpu.memory_space<vmem>>, vector<16xf32>,
          %add3A_805 = arith.addf %add3A_731, %get3A_804 : vector<16xf32>
          %mul3A_806 = arith.mulf %get3A_804, %get3A_804 : vector<16xf32>
          %add3A_807 = arith.addf %add3A_733, %mul3A_806 : vector<16xf32>
          %get3A_808 = arith.constant 0 : i32
          %get3A_809 = arith.index_cast %get3A_808 : i32 to index
          %get3A_810 = arith.index_cast %add3A_783 : i32 to index
          %get3A_811 = arith.constant 48 : index
          %get3A_812 = tpu.vector_load %arg7[%get3A_809, %get3A_810, %get3A_811] {strides = array<i32>} : memref<2x400x144xf32, #tpu.memory_space<vmem>>, vector<16xf32>,
          %add3A_813 = arith.addf %add3A_739, %get3A_812 : vector<16xf32>
          %mul3A_814 = arith.mulf %get3A_812, %get3A_812 : vector<16xf32>
          %add3A_815 = arith.addf %add3A_741, %mul3A_814 : vector<16xf32>
          %get3A_816 = arith.constant 0 : i32
          %get3A_817 = arith.index_cast %get3A_816 : i32 to index
          %get3A_818 = arith.index_cast %add3A_783 : i32 to index
          %get3A_819 = arith.constant 64 : index
          %get3A_820 = tpu.vector_load %arg7[%get3A_817, %get3A_818, %get3A_819] {strides = array<i32>} : memref<2x400x144xf32, #tpu.memory_space<vmem>>, vector<16xf32>,
          %add3A_821 = arith.addf %add3A_747, %get3A_820 : vector<16xf32>
          %mul3A_822 = arith.mulf %get3A_820, %get3A_820 : vector<16xf32>
          %add3A_823 = arith.addf %add3A_749, %mul3A_822 : vector<16xf32>
          %get3A_824 = arith.constant 0 : i32
          %get3A_825 = arith.index_cast %get3A_824 : i32 to index
          %get3A_826 = arith.index_cast %add3A_783 : i32 to index
          %get3A_827 = arith.constant 80 : index
          %get3A_828 = tpu.vector_load %arg7[%get3A_825, %get3A_826, %get3A_827] {strides = array<i32>} : memref<2x400x144xf32, #tpu.memory_space<vmem>>, vector<16xf32>,
          %add3A_829 = arith.addf %add3A_755, %get3A_828 : vector<16xf32>
          %mul3A_830 = arith.mulf %get3A_828, %get3A_828 : vector<16xf32>
          %add3A_831 = arith.addf %add3A_757, %mul3A_830 : vector<16xf32>
          %get3A_832 = arith.constant 0 : i32
          %get3A_833 = arith.index_cast %get3A_832 : i32 to index
          %get3A_834 = arith.index_cast %add3A_783 : i32 to index
          %get3A_835 = arith.constant 96 : index
          %get3A_836 = tpu.vector_load %arg7[%get3A_833, %get3A_834, %get3A_835] {strides = array<i32>} : memref<2x400x144xf32, #tpu.memory_space<vmem>>, vector<16xf32>,
          %add3A_837 = arith.addf %add3A_763, %get3A_836 : vector<16xf32>
          %mul3A_838 = arith.mulf %get3A_836, %get3A_836 : vector<16xf32>
          %add3A_839 = arith.addf %add3A_765, %mul3A_838 : vector<16xf32>
          %get3A_840 = arith.constant 0 : i32
          %get3A_841 = arith.index_cast %get3A_840 : i32 to index
          %get3A_842 = arith.index_cast %add3A_783 : i32 to index
          %get3A_843 = arith.constant 112 : index
          %get3A_844 = tpu.vector_load %arg7[%get3A_841, %get3A_842, %get3A_843] {strides = array<i32>} : memref<2x400x144xf32, #tpu.memory_space<vmem>>, vector<16xf32>,
          %add3A_845 = arith.addf %add3A_771, %get3A_844 : vector<16xf32>
          %mul3A_846 = arith.mulf %get3A_844, %get3A_844 : vector<16xf32>
          %add3A_847 = arith.addf %add3A_773, %mul3A_846 : vector<16xf32>
          %get3A_848 = arith.constant 0 : i32
          %get3A_849 = arith.index_cast %get3A_848 : i32 to index
          %get3A_850 = arith.index_cast %add3A_783 : i32 to index
          %get3A_851 = arith.constant 128 : index
          %get3A_852 = tpu.vector_load %arg7[%get3A_849, %get3A_850, %get3A_851] {strides = array<i32>} : memref<2x400x144xf32, #tpu.memory_space<vmem>>, vector<16xf32>,
          %add3A_853 = arith.addf %add3A_779, %get3A_852 : vector<16xf32>
          scf.yield %add3A_789, %add3A_797, %add3A_805, %add3A_813, %add3A_821, %add3A_829, %add3A_837, %add3A_845, %add3A_791, %add3A_799, %add3A_807, %add3A_815, %add3A_823, %add3A_831, %add3A_839, %add3A_847, %add3A_853 : vector<16xf32>, vector<16xf32>, vector<16xf32>, vector<16xf32>, vector<16xf32>, vector<16xf32>, vector<16xf32>, vector<16xf32>, vector<16xf32>, vector<16xf32>, vector<16xf32>, vector<16xf32>, vector<16xf32>, vector<16xf32>, vector<16xf32>, vector<16xf32>, vector<16xf32>
        }
        %scan3A_268 = arith.constant 100 : i32
        %mul3A_269 = arith.mulf %scan3A_267#0, %scan3A_267#0 : vector<16xf32>
        %add3A_270 = arith.addf %broadcast_in_dim3A_6, %mul3A_269 : vector<16xf32>
        %add3A_271 = arith.addf %broadcast_in_dim3A_6, %scan3A_267#8 : vector<16xf32>
        %mul3A_272 = arith.mulf %scan3A_267#1, %scan3A_267#1 : vector<16xf32>
        %add3A_273 = arith.addf %add3A_270, %mul3A_272 : vector<16xf32>
        %add3A_274 = arith.addf %add3A_271, %scan3A_267#9 : vector<16xf32>
        %mul3A_275 = arith.mulf %scan3A_267#2, %scan3A_267#2 : vector<16xf32>
        %add3A_276 = arith.addf %add3A_273, %mul3A_275 : vector<16xf32>
        %add3A_277 = arith.addf %add3A_274, %scan3A_267#10 : vector<16xf32>
        %mul3A_278 = arith.mulf %scan3A_267#3, %scan3A_267#3 : vector<16xf32>
        %add3A_279 = arith.addf %add3A_276, %mul3A_278 : vector<16xf32>
        %add3A_280 = arith.addf %add3A_277, %scan3A_267#11 : vector<16xf32>
        %mul3A_281 = arith.mulf %scan3A_267#4, %scan3A_267#4 : vector<16xf32>
        %add3A_282 = arith.addf %add3A_279, %mul3A_281 : vector<16xf32>
        %add3A_283 = arith.addf %add3A_280, %scan3A_267#12 : vector<16xf32>
        %mul3A_284 = arith.mulf %scan3A_267#5, %scan3A_267#5 : vector<16xf32>
        %add3A_285 = arith.addf %add3A_282, %mul3A_284 : vector<16xf32>
        %add3A_286 = arith.addf %add3A_283, %scan3A_267#13 : vector<16xf32>
        %mul3A_287 = arith.mulf %scan3A_267#6, %scan3A_267#6 : vector<16xf32>
        %add3A_288 = arith.addf %add3A_285, %mul3A_287 : vector<16xf32>
        %add3A_289 = arith.addf %add3A_286, %scan3A_267#14 : vector<16xf32>
        %mul3A_290 = arith.mulf %scan3A_267#7, %scan3A_267#7 : vector<16xf32>
        %add3A_291 = arith.addf %add3A_288, %mul3A_290 : vector<16xf32>
        %add3A_292 = arith.addf %add3A_289, %scan3A_267#15 : vector<16xf32>
        %sub3A_293 = arith.subf %add3A_291, %add3A_292 : vector<16xf32>
        %mul3A_294 = arith.constant 5.000000e-01 : f32
        %mul3A_295 = vector.broadcast %mul3A_294 : f32 to vector<16xf32>
        %mul3A_296 = arith.mulf %mul3A_295, %sub3A_293 : vector<16xf32>
        %add3A_297 = arith.addf %scan3A_267#16, %mul3A_296 : vector<16xf32>
        %reduce_sum3A_298 = arith.constant true
        %reduce_sum3A_299 = vector.broadcast %reduce_sum3A_298 : i1 to vector<16xi1>
        %reduce_sum3A_300 = tpu.scan <sum>, %add3A_297 masked %reduce_sum3A_299 : vector<16xf32>, vector<16xi1> -> vector<16xf32>
        %reduce_sum3A_301 = vector.extract %reduce_sum3A_300[15] : f32 from vector<16xf32>
        %add3A_302 = arith.addf %reduce_sum3A_301, %squeeze3A : f32
        %mul3A_303 = arith.constant 4 : i32
        %mul3A_304 = arith.muli %add3A_41, %mul3A_303 : i32
        %add3A_305 = arith.constant 3 : i32
        %add3A_306 = arith.addi %mul3A_304, %add3A_305 : i32
        %broadcast_in_dim3A_307 = vector.broadcast %add3A_306 : i32 to vector<16xi32>
        %broadcast_in_dim3A_308 = vector.broadcast %add3A_302 : f32 to vector<16xf32>
        %eq3A_309 = arith.constant 0 : i32
        %eq3A_310 = vector.broadcast %eq3A_309 : i32 to vector<16xi32>
        %eq3A_311 = arith.cmpi eq, %iota3A, %eq3A_310 : vector<16xi32>
        tpu.vector_store_idx %arg8[%broadcast_in_dim3A_307], %broadcast_in_dim3A_308 masked %eq3A_311 : memref<512xf32, #tpu.memory_space<vmem>>[vector<16xi32>], vector<16xf32>, vector<16xi1>
        %eq3A_312 = arith.constant 3 : i32
        %eq3A_313 = arith.cmpi eq, %scan3A_36, %eq3A_312 : i32
        %add3A_314 = arith.constant 1 : i32
        %add3A_315 = arith.addi %scan3A_25, %add3A_314 : i32
        %lt3A_316 = arith.constant 16 : i32
        %lt3A_317 = arith.cmpi slt, %add3A_315, %lt3A_316 : i32
        %and3A_318 = arith.andi %eq3A_313, %lt3A_317 : i1
        %convert_element_type3A_319 = arith.extui %and3A_318 : i1 to i32
        %cond3A_320 = arith.constant 0 : i32
        %cond3A_321 = arith.cmpi ne, %convert_element_type3A_319, %cond3A_320 : i32
        scf.if %cond3A_321 {
          %dma_wait3A_542 = arith.constant 0 : i32
          %dma_wait3A_543 = arith.constant 0 : i32
          %dma_wait3A_544 = tpu.memref_slice %arg6[%dma_wait3A_542, %dma_wait3A_543] : memref<2x3200xi32, #tpu.memory_space<vmem>> -> memref<1x3200xi32, #tpu.memory_space<vmem>>
          %dma_wait3A_545 = tpu.memref_squeeze %dma_wait3A_544 : memref<1x3200xi32, #tpu.memory_space<vmem>> -> memref<3200xi32, #tpu.memory_space<vmem>>
          %dma_wait3A_546 = arith.constant 0 : i32
          %dma_wait3A_547 = tpu.memref_slice %arg2[%dma_wait3A_546] : memref<1638400xi32, #tpu.memory_space<hbm>> -> memref<3200xi32, #tpu.memory_space<hbm>>
          %dma_wait3A_548 = arith.constant 0 : i32
          %dma_wait3A_549 = tpu.memref_slice %arg6[%dma_wait3A_542, %dma_wait3A_548] : memref<2x3200xi32, #tpu.memory_space<vmem>> -> memref<1x3200xi32, #tpu.memory_space<vmem>>
          %dma_wait3A_550 = tpu.memref_squeeze %dma_wait3A_549 : memref<1x3200xi32, #tpu.memory_space<vmem>> -> memref<3200xi32, #tpu.memory_space<vmem>>
          %dma_wait3A_551 = arith.constant 0 : i32
          %dma_wait3A_552 = tpu.memref_slice %arg2[%dma_wait3A_551] : memref<1638400xi32, #tpu.memory_space<hbm>> -> memref<3200xi32, #tpu.memory_space<hbm>>
          tpu.wait_dma2 semaphore(%arg12 : memref<!tpu.dma_semaphore, #tpu.memory_space<semaphore_mem>>) src(%dma_wait3A_552 : memref<3200xi32, #tpu.memory_space<hbm>>) dst(%dma_wait3A_550 : memref<3200xi32, #tpu.memory_space<vmem>>)
        } else {
        }
        %add3A_322 = arith.constant 2 : i32
        %add3A_323 = arith.addi %add3A_41, %add3A_322 : i32
        %lt3A_324 = arith.constant 128 : i32
        %lt3A_325 = arith.cmpi slt, %add3A_323, %lt3A_324 : i32
        %convert_element_type3A_326 = arith.extui %lt3A_325 : i1 to i32
        %cond3A_327 = arith.constant 0 : i32
        %cond3A_328 = arith.cmpi ne, %convert_element_type3A_326, %cond3A_327 : i32
        scf.if %cond3A_328 {
          %add3A_542 = arith.constant 2 : i32
          %add3A_543 = arith.addi %add3A_41, %add3A_542 : i32
          %jit3A_544 = arith.constant 8 : i32
          %div3A_545 = arith.divsi %add3A_543, %jit3A_544 : i32
          %sign3A_546 = arith.constant 0 : i32
          %sign3A_547 = arith.cmpi sgt, %add3A_543, %sign3A_546 : i32
          %sign3A_548 = arith.extui %sign3A_547 : i1 to i32
          %sign3A_549 = arith.constant 0 : i32
          %sign3A_550 = arith.cmpi slt, %add3A_543, %sign3A_549 : i32
          %sign3A_551 = arith.extui %sign3A_550 : i1 to i32
          %sign3A_552 = arith.subi %sign3A_548, %sign3A_551 : i32
          %sign3A_553 = arith.constant 0 : i32
          %sign3A_554 = arith.cmpi sgt, %jit3A_544, %sign3A_553 : i32
          %sign3A_555 = arith.extui %sign3A_554 : i1 to i32
          %sign3A_556 = arith.constant 0 : i32
          %sign3A_557 = arith.cmpi slt, %jit3A_544, %sign3A_556 : i32
          %sign3A_558 = arith.extui %sign3A_557 : i1 to i32
          %sign3A_559 = arith.subi %sign3A_555, %sign3A_558 : i32
          %ne3A_560 = arith.cmpi ne, %sign3A_552, %sign3A_559 : i32
          %rem3A_561 = arith.remsi %add3A_543, %jit3A_544 : i32
          %ne3A_562 = arith.constant 0 : i32
          %ne3A_563 = arith.cmpi ne, %rem3A_561, %ne3A_562 : i32
          %and3A_564 = arith.andi %ne3A_560, %ne3A_563 : i1
          %sub3A_565 = arith.constant 1 : i32
          %sub3A_566 = arith.subi %div3A_545, %sub3A_565 : i32
          %select_n3A_567 = arith.select %and3A_564, %sub3A_566, %div3A_545 : i32
          %jit3A_568 = arith.constant 2 : i32
          %eq3A_569 = arith.constant 0 : i32
          %eq3A_570 = arith.cmpi eq, %jit3A_568, %eq3A_569 : i32
          %jit3A_571 = arith.constant 1 : i32
          %select_n3A_572 = arith.select %eq3A_570, %jit3A_571, %jit3A_568 : i32
          %rem3A_573 = arith.remsi %select_n3A_567, %select_n3A_572 : i32
          %ne3A_574 = arith.constant 0 : i32
          %ne3A_575 = arith.cmpi ne, %rem3A_573, %ne3A_574 : i32
          %lt3A_576 = arith.constant 0 : i32
          %lt3A_577 = arith.cmpi slt, %rem3A_573, %lt3A_576 : i32
          %lt3A_578 = arith.constant 0 : i32
          %lt3A_579 = arith.cmpi slt, %select_n3A_572, %lt3A_578 : i32
          %ne3A_580 = arith.xori %lt3A_577, %lt3A_579 : i1
          %and3A_581 = arith.andi %ne3A_580, %ne3A_575 : i1
          %add3A_582 = arith.addi %rem3A_573, %select_n3A_572 : i32
          %select_n3A_583 = arith.select %and3A_581, %add3A_582, %rem3A_573 : i32
          %jit3A_584 = arith.constant 8 : i32
          %eq3A_585 = arith.constant 0 : i32
          %eq3A_586 = arith.cmpi eq, %jit3A_584, %eq3A_585 : i32
          %jit3A_587 = arith.constant 1 : i32
          %select_n3A_588 = arith.select %eq3A_586, %jit3A_587, %jit3A_584 : i32
          %rem3A_589 = arith.remsi %add3A_543, %select_n3A_588 : i32
          %ne3A_590 = arith.constant 0 : i32
          %ne3A_591 = arith.cmpi ne, %rem3A_589, %ne3A_590 : i32
          %lt3A_592 = arith.constant 0 : i32
          %lt3A_593 = arith.cmpi slt, %rem3A_589, %lt3A_592 : i32
          %lt3A_594 = arith.constant 0 : i32
          %lt3A_595 = arith.cmpi slt, %select_n3A_588, %lt3A_594 : i32
          %ne3A_596 = arith.xori %lt3A_593, %lt3A_595 : i1
          %and3A_597 = arith.andi %ne3A_596, %ne3A_591 : i1
          %add3A_598 = arith.addi %rem3A_589, %select_n3A_588 : i32
          %select_n3A_599 = arith.select %and3A_597, %add3A_598, %rem3A_589 : i32
          %mul3A_600 = arith.constant 400 : i32
          %mul3A_601 = arith.muli %select_n3A_599, %mul3A_600 : i32
          %dma_start3A_602 = arith.constant 0 : i32
          %dma_start3A_603 = arith.constant 0 : i32
          %dma_start3A_604 = arith.constant 0 : i32
          %dma_start3A_605 = tpu.memref_slice %arg7[%dma_start3A_602, %dma_start3A_603, %dma_start3A_604] : memref<2x400x144xf32, #tpu.memory_space<vmem>> -> memref<1x400x144xf32, #tpu.memory_space<vmem>>
          %dma_start3A_606 = tpu.memref_squeeze %dma_start3A_605 : memref<1x400x144xf32, #tpu.memory_space<vmem>> -> memref<400x144xf32, #tpu.memory_space<vmem>>
          %dma_start3A_607 = tpu.memref_slice %arg6[%select_n3A_583, %mul3A_601] : memref<2x3200xi32, #tpu.memory_space<vmem>> -> memref<1x400xi32, #tpu.memory_space<vmem>>
          %dma_start3A_608 = tpu.memref_squeeze %dma_start3A_607 : memref<1x400xi32, #tpu.memory_space<vmem>> -> memref<400xi32, #tpu.memory_space<vmem>>
          %dma_start3A_609 = arith.constant 0 : i32
          %dma_start3A_610 = arith.constant 0 : i32
          %dma_start3A_611 = tpu.memref_slice %arg3[%dma_start3A_609, %dma_start3A_610] : memref<100000x144xf32, #tpu.memory_space<hbm>> -> memref<100000x144xf32, #tpu.memory_space<hbm>>
          tpu.enqueue_indirect_dma source(%dma_start3A_611 : memref<100000x144xf32, #tpu.memory_space<hbm>>) target(%dma_start3A_606 : memref<400x144xf32, #tpu.memory_space<vmem>>) offsets(%dma_start3A_608 : memref<400xi32, #tpu.memory_space<vmem>>) semaphore(%arg10 : memref<!tpu.dma_semaphore, #tpu.memory_space<semaphore_mem>>)
        } else {
        }
        %dma_wait3A_329 = arith.constant 1 : i32
        %dma_wait3A_330 = arith.constant 0 : i32
        %dma_wait3A_331 = arith.constant 0 : i32
        %dma_wait3A_332 = tpu.memref_slice %arg7[%dma_wait3A_329, %dma_wait3A_330, %dma_wait3A_331] : memref<2x400x144xf32, #tpu.memory_space<vmem>> -> memref<1x400x144xf32, #tpu.memory_space<vmem>>
        %dma_wait3A_333 = tpu.memref_squeeze %dma_wait3A_332 : memref<1x400x144xf32, #tpu.memory_space<vmem>> -> memref<400x144xf32, #tpu.memory_space<vmem>>
        %dma_wait3A_334 = arith.constant 0 : i32
        %dma_wait3A_335 = arith.constant 0 : i32
        %dma_wait3A_336 = tpu.memref_slice %arg3[%dma_wait3A_334, %dma_wait3A_335] : memref<100000x144xf32, #tpu.memory_space<hbm>> -> memref<400x144xf32, #tpu.memory_space<hbm>>
        %dma_wait3A_337 = arith.constant 0 : i32
        %dma_wait3A_338 = arith.constant 0 : i32
        %dma_wait3A_339 = tpu.memref_slice %arg7[%dma_wait3A_329, %dma_wait3A_337, %dma_wait3A_338] : memref<2x400x144xf32, #tpu.memory_space<vmem>> -> memref<1x400x144xf32, #tpu.memory_space<vmem>>
        %dma_wait3A_340 = tpu.memref_squeeze %dma_wait3A_339 : memref<1x400x144xf32, #tpu.memory_space<vmem>> -> memref<400x144xf32, #tpu.memory_space<vmem>>
        %dma_wait3A_341 = arith.constant 0 : i32
        %dma_wait3A_342 = arith.constant 0 : i32
        %dma_wait3A_343 = tpu.memref_slice %arg3[%dma_wait3A_341, %dma_wait3A_342] : memref<100000x144xf32, #tpu.memory_space<hbm>> -> memref<400x144xf32, #tpu.memory_space<hbm>>
        tpu.wait_dma2 semaphore(%arg11 : memref<!tpu.dma_semaphore, #tpu.memory_space<semaphore_mem>>) src(%dma_wait3A_343 : memref<400x144xf32, #tpu.memory_space<hbm>>) dst(%dma_wait3A_340 : memref<400x144xf32, #tpu.memory_space<vmem>>)
        %add3A_344 = arith.constant 1 : i32
        %add3A_345 = arith.addi %add3A_41, %add3A_344 : i32
        %scan3A_346 = arith.constant 0 : i32
        %scan3A_347 = arith.constant 100 : i32
        %scan3A_348 = arith.addi %scan3A_346, %scan3A_347 : i32
        %scan3A_349 = arith.constant 4 : i32
        %scan3A_350:17 = scf.for %scan3A_542 = %scan3A_346 to %scan3A_348 step %scan3A_349 iter_args(%scan3A_543 = %broadcast_in_dim3A_6, %scan3A_544 = %broadcast_in_dim3A_6, %scan3A_545 = %broadcast_in_dim3A_6, %scan3A_546 = %broadcast_in_dim3A_6, %scan3A_547 = %broadcast_in_dim3A_6, %scan3A_548 = %broadcast_in_dim3A_6, %scan3A_549 = %broadcast_in_dim3A_6, %scan3A_550 = %broadcast_in_dim3A_6, %scan3A_551 = %broadcast_in_dim3A_6, %scan3A_552 = %broadcast_in_dim3A_6, %scan3A_553 = %broadcast_in_dim3A_6, %scan3A_554 = %broadcast_in_dim3A_6, %scan3A_555 = %broadcast_in_dim3A_6, %scan3A_556 = %broadcast_in_dim3A_6, %scan3A_557 = %broadcast_in_dim3A_6, %scan3A_558 = %broadcast_in_dim3A_6, %scan3A_559 = %broadcast_in_dim3A_6) -> (vector<16xf32>, vector<16xf32>, vector<16xf32>, vector<16xf32>, vector<16xf32>, vector<16xf32>, vector<16xf32>, vector<16xf32>, vector<16xf32>, vector<16xf32>, vector<16xf32>, vector<16xf32>, vector<16xf32>, vector<16xf32>, vector<16xf32>, vector<16xf32>, vector<16xf32>)  : i32 {
          %add3A_560 = arith.constant 0 : i32
          %add3A_561 = arith.addi %add3A_560, %scan3A_542 : i32
          %get3A_562 = arith.constant 1 : i32
          %get3A_563 = arith.index_cast %get3A_562 : i32 to index
          %get3A_564 = arith.index_cast %add3A_561 : i32 to index
          %get3A_565 = arith.constant 0 : index
          %get3A_566 = tpu.vector_load %arg7[%get3A_563, %get3A_564, %get3A_565] {strides = array<i32>} : memref<2x400x144xf32, #tpu.memory_space<vmem>>, vector<16xf32>,
          %add3A_567 = arith.addf %scan3A_543, %get3A_566 : vector<16xf32>
          %mul3A_568 = arith.mulf %get3A_566, %get3A_566 : vector<16xf32>
          %add3A_569 = arith.addf %scan3A_551, %mul3A_568 : vector<16xf32>
          %get3A_570 = arith.constant 1 : i32
          %get3A_571 = arith.index_cast %get3A_570 : i32 to index
          %get3A_572 = arith.index_cast %add3A_561 : i32 to index
          %get3A_573 = arith.constant 16 : index
          %get3A_574 = tpu.vector_load %arg7[%get3A_571, %get3A_572, %get3A_573] {strides = array<i32>} : memref<2x400x144xf32, #tpu.memory_space<vmem>>, vector<16xf32>,
          %add3A_575 = arith.addf %scan3A_544, %get3A_574 : vector<16xf32>
          %mul3A_576 = arith.mulf %get3A_574, %get3A_574 : vector<16xf32>
          %add3A_577 = arith.addf %scan3A_552, %mul3A_576 : vector<16xf32>
          %get3A_578 = arith.constant 1 : i32
          %get3A_579 = arith.index_cast %get3A_578 : i32 to index
          %get3A_580 = arith.index_cast %add3A_561 : i32 to index
          %get3A_581 = arith.constant 32 : index
          %get3A_582 = tpu.vector_load %arg7[%get3A_579, %get3A_580, %get3A_581] {strides = array<i32>} : memref<2x400x144xf32, #tpu.memory_space<vmem>>, vector<16xf32>,
          %add3A_583 = arith.addf %scan3A_545, %get3A_582 : vector<16xf32>
          %mul3A_584 = arith.mulf %get3A_582, %get3A_582 : vector<16xf32>
          %add3A_585 = arith.addf %scan3A_553, %mul3A_584 : vector<16xf32>
          %get3A_586 = arith.constant 1 : i32
          %get3A_587 = arith.index_cast %get3A_586 : i32 to index
          %get3A_588 = arith.index_cast %add3A_561 : i32 to index
          %get3A_589 = arith.constant 48 : index
          %get3A_590 = tpu.vector_load %arg7[%get3A_587, %get3A_588, %get3A_589] {strides = array<i32>} : memref<2x400x144xf32, #tpu.memory_space<vmem>>, vector<16xf32>,
          %add3A_591 = arith.addf %scan3A_546, %get3A_590 : vector<16xf32>
          %mul3A_592 = arith.mulf %get3A_590, %get3A_590 : vector<16xf32>
          %add3A_593 = arith.addf %scan3A_554, %mul3A_592 : vector<16xf32>
          %get3A_594 = arith.constant 1 : i32
          %get3A_595 = arith.index_cast %get3A_594 : i32 to index
          %get3A_596 = arith.index_cast %add3A_561 : i32 to index
          %get3A_597 = arith.constant 64 : index
          %get3A_598 = tpu.vector_load %arg7[%get3A_595, %get3A_596, %get3A_597] {strides = array<i32>} : memref<2x400x144xf32, #tpu.memory_space<vmem>>, vector<16xf32>,
          %add3A_599 = arith.addf %scan3A_547, %get3A_598 : vector<16xf32>
          %mul3A_600 = arith.mulf %get3A_598, %get3A_598 : vector<16xf32>
          %add3A_601 = arith.addf %scan3A_555, %mul3A_600 : vector<16xf32>
          %get3A_602 = arith.constant 1 : i32
          %get3A_603 = arith.index_cast %get3A_602 : i32 to index
          %get3A_604 = arith.index_cast %add3A_561 : i32 to index
          %get3A_605 = arith.constant 80 : index
          %get3A_606 = tpu.vector_load %arg7[%get3A_603, %get3A_604, %get3A_605] {strides = array<i32>} : memref<2x400x144xf32, #tpu.memory_space<vmem>>, vector<16xf32>,
          %add3A_607 = arith.addf %scan3A_548, %get3A_606 : vector<16xf32>
          %mul3A_608 = arith.mulf %get3A_606, %get3A_606 : vector<16xf32>
          %add3A_609 = arith.addf %scan3A_556, %mul3A_608 : vector<16xf32>
          %get3A_610 = arith.constant 1 : i32
          %get3A_611 = arith.index_cast %get3A_610 : i32 to index
          %get3A_612 = arith.index_cast %add3A_561 : i32 to index
          %get3A_613 = arith.constant 96 : index
          %get3A_614 = tpu.vector_load %arg7[%get3A_611, %get3A_612, %get3A_613] {strides = array<i32>} : memref<2x400x144xf32, #tpu.memory_space<vmem>>, vector<16xf32>,
          %add3A_615 = arith.addf %scan3A_549, %get3A_614 : vector<16xf32>
          %mul3A_616 = arith.mulf %get3A_614, %get3A_614 : vector<16xf32>
          %add3A_617 = arith.addf %scan3A_557, %mul3A_616 : vector<16xf32>
          %get3A_618 = arith.constant 1 : i32
          %get3A_619 = arith.index_cast %get3A_618 : i32 to index
          %get3A_620 = arith.index_cast %add3A_561 : i32 to index
          %get3A_621 = arith.constant 112 : index
          %get3A_622 = tpu.vector_load %arg7[%get3A_619, %get3A_620, %get3A_621] {strides = array<i32>} : memref<2x400x144xf32, #tpu.memory_space<vmem>>, vector<16xf32>,
          %add3A_623 = arith.addf %scan3A_550, %get3A_622 : vector<16xf32>
          %mul3A_624 = arith.mulf %get3A_622, %get3A_622 : vector<16xf32>
          %add3A_625 = arith.addf %scan3A_558, %mul3A_624 : vector<16xf32>
          %get3A_626 = arith.constant 1 : i32
          %get3A_627 = arith.index_cast %get3A_626 : i32 to index
          %get3A_628 = arith.index_cast %add3A_561 : i32 to index
          %get3A_629 = arith.constant 128 : index
          %get3A_630 = tpu.vector_load %arg7[%get3A_627, %get3A_628, %get3A_629] {strides = array<i32>} : memref<2x400x144xf32, #tpu.memory_space<vmem>>, vector<16xf32>,
          %add3A_631 = arith.addf %scan3A_559, %get3A_630 : vector<16xf32>
          %scan3A_632 = arith.constant 1 : i32
          %scan3A_633 = arith.addi %scan3A_542, %scan3A_632 : i32
          %add3A_634 = arith.constant 0 : i32
          %add3A_635 = arith.addi %add3A_634, %scan3A_633 : i32
          %get3A_636 = arith.constant 1 : i32
          %get3A_637 = arith.index_cast %get3A_636 : i32 to index
          %get3A_638 = arith.index_cast %add3A_635 : i32 to index
          %get3A_639 = arith.constant 0 : index
          %get3A_640 = tpu.vector_load %arg7[%get3A_637, %get3A_638, %get3A_639] {strides = array<i32>} : memref<2x400x144xf32, #tpu.memory_space<vmem>>, vector<16xf32>,
          %add3A_641 = arith.addf %add3A_567, %get3A_640 : vector<16xf32>
          %mul3A_642 = arith.mulf %get3A_640, %get3A_640 : vector<16xf32>
          %add3A_643 = arith.addf %add3A_569, %mul3A_642 : vector<16xf32>
          %get3A_644 = arith.constant 1 : i32
          %get3A_645 = arith.index_cast %get3A_644 : i32 to index
          %get3A_646 = arith.index_cast %add3A_635 : i32 to index
          %get3A_647 = arith.constant 16 : index
          %get3A_648 = tpu.vector_load %arg7[%get3A_645, %get3A_646, %get3A_647] {strides = array<i32>} : memref<2x400x144xf32, #tpu.memory_space<vmem>>, vector<16xf32>,
          %add3A_649 = arith.addf %add3A_575, %get3A_648 : vector<16xf32>
          %mul3A_650 = arith.mulf %get3A_648, %get3A_648 : vector<16xf32>
          %add3A_651 = arith.addf %add3A_577, %mul3A_650 : vector<16xf32>
          %get3A_652 = arith.constant 1 : i32
          %get3A_653 = arith.index_cast %get3A_652 : i32 to index
          %get3A_654 = arith.index_cast %add3A_635 : i32 to index
          %get3A_655 = arith.constant 32 : index
          %get3A_656 = tpu.vector_load %arg7[%get3A_653, %get3A_654, %get3A_655] {strides = array<i32>} : memref<2x400x144xf32, #tpu.memory_space<vmem>>, vector<16xf32>,
          %add3A_657 = arith.addf %add3A_583, %get3A_656 : vector<16xf32>
          %mul3A_658 = arith.mulf %get3A_656, %get3A_656 : vector<16xf32>
          %add3A_659 = arith.addf %add3A_585, %mul3A_658 : vector<16xf32>
          %get3A_660 = arith.constant 1 : i32
          %get3A_661 = arith.index_cast %get3A_660 : i32 to index
          %get3A_662 = arith.index_cast %add3A_635 : i32 to index
          %get3A_663 = arith.constant 48 : index
          %get3A_664 = tpu.vector_load %arg7[%get3A_661, %get3A_662, %get3A_663] {strides = array<i32>} : memref<2x400x144xf32, #tpu.memory_space<vmem>>, vector<16xf32>,
          %add3A_665 = arith.addf %add3A_591, %get3A_664 : vector<16xf32>
          %mul3A_666 = arith.mulf %get3A_664, %get3A_664 : vector<16xf32>
          %add3A_667 = arith.addf %add3A_593, %mul3A_666 : vector<16xf32>
          %get3A_668 = arith.constant 1 : i32
          %get3A_669 = arith.index_cast %get3A_668 : i32 to index
          %get3A_670 = arith.index_cast %add3A_635 : i32 to index
          %get3A_671 = arith.constant 64 : index
          %get3A_672 = tpu.vector_load %arg7[%get3A_669, %get3A_670, %get3A_671] {strides = array<i32>} : memref<2x400x144xf32, #tpu.memory_space<vmem>>, vector<16xf32>,
          %add3A_673 = arith.addf %add3A_599, %get3A_672 : vector<16xf32>
          %mul3A_674 = arith.mulf %get3A_672, %get3A_672 : vector<16xf32>
          %add3A_675 = arith.addf %add3A_601, %mul3A_674 : vector<16xf32>
          %get3A_676 = arith.constant 1 : i32
          %get3A_677 = arith.index_cast %get3A_676 : i32 to index
          %get3A_678 = arith.index_cast %add3A_635 : i32 to index
          %get3A_679 = arith.constant 80 : index
          %get3A_680 = tpu.vector_load %arg7[%get3A_677, %get3A_678, %get3A_679] {strides = array<i32>} : memref<2x400x144xf32, #tpu.memory_space<vmem>>, vector<16xf32>,
          %add3A_681 = arith.addf %add3A_607, %get3A_680 : vector<16xf32>
          %mul3A_682 = arith.mulf %get3A_680, %get3A_680 : vector<16xf32>
          %add3A_683 = arith.addf %add3A_609, %mul3A_682 : vector<16xf32>
          %get3A_684 = arith.constant 1 : i32
          %get3A_685 = arith.index_cast %get3A_684 : i32 to index
          %get3A_686 = arith.index_cast %add3A_635 : i32 to index
          %get3A_687 = arith.constant 96 : index
          %get3A_688 = tpu.vector_load %arg7[%get3A_685, %get3A_686, %get3A_687] {strides = array<i32>} : memref<2x400x144xf32, #tpu.memory_space<vmem>>, vector<16xf32>,
          %add3A_689 = arith.addf %add3A_615, %get3A_688 : vector<16xf32>
          %mul3A_690 = arith.mulf %get3A_688, %get3A_688 : vector<16xf32>
          %add3A_691 = arith.addf %add3A_617, %mul3A_690 : vector<16xf32>
          %get3A_692 = arith.constant 1 : i32
          %get3A_693 = arith.index_cast %get3A_692 : i32 to index
          %get3A_694 = arith.index_cast %add3A_635 : i32 to index
          %get3A_695 = arith.constant 112 : index
          %get3A_696 = tpu.vector_load %arg7[%get3A_693, %get3A_694, %get3A_695] {strides = array<i32>} : memref<2x400x144xf32, #tpu.memory_space<vmem>>, vector<16xf32>,
          %add3A_697 = arith.addf %add3A_623, %get3A_696 : vector<16xf32>
          %mul3A_698 = arith.mulf %get3A_696, %get3A_696 : vector<16xf32>
          %add3A_699 = arith.addf %add3A_625, %mul3A_698 : vector<16xf32>
          %get3A_700 = arith.constant 1 : i32
          %get3A_701 = arith.index_cast %get3A_700 : i32 to index
          %get3A_702 = arith.index_cast %add3A_635 : i32 to index
          %get3A_703 = arith.constant 128 : index
          %get3A_704 = tpu.vector_load %arg7[%get3A_701, %get3A_702, %get3A_703] {strides = array<i32>} : memref<2x400x144xf32, #tpu.memory_space<vmem>>, vector<16xf32>,
          %add3A_705 = arith.addf %add3A_631, %get3A_704 : vector<16xf32>
          %scan3A_706 = arith.constant 2 : i32
          %scan3A_707 = arith.addi %scan3A_542, %scan3A_706 : i32
          %add3A_708 = arith.constant 0 : i32
          %add3A_709 = arith.addi %add3A_708, %scan3A_707 : i32
          %get3A_710 = arith.constant 1 : i32
          %get3A_711 = arith.index_cast %get3A_710 : i32 to index
          %get3A_712 = arith.index_cast %add3A_709 : i32 to index
          %get3A_713 = arith.constant 0 : index
          %get3A_714 = tpu.vector_load %arg7[%get3A_711, %get3A_712, %get3A_713] {strides = array<i32>} : memref<2x400x144xf32, #tpu.memory_space<vmem>>, vector<16xf32>,
          %add3A_715 = arith.addf %add3A_641, %get3A_714 : vector<16xf32>
          %mul3A_716 = arith.mulf %get3A_714, %get3A_714 : vector<16xf32>
          %add3A_717 = arith.addf %add3A_643, %mul3A_716 : vector<16xf32>
          %get3A_718 = arith.constant 1 : i32
          %get3A_719 = arith.index_cast %get3A_718 : i32 to index
          %get3A_720 = arith.index_cast %add3A_709 : i32 to index
          %get3A_721 = arith.constant 16 : index
          %get3A_722 = tpu.vector_load %arg7[%get3A_719, %get3A_720, %get3A_721] {strides = array<i32>} : memref<2x400x144xf32, #tpu.memory_space<vmem>>, vector<16xf32>,
          %add3A_723 = arith.addf %add3A_649, %get3A_722 : vector<16xf32>
          %mul3A_724 = arith.mulf %get3A_722, %get3A_722 : vector<16xf32>
          %add3A_725 = arith.addf %add3A_651, %mul3A_724 : vector<16xf32>
          %get3A_726 = arith.constant 1 : i32
          %get3A_727 = arith.index_cast %get3A_726 : i32 to index
          %get3A_728 = arith.index_cast %add3A_709 : i32 to index
          %get3A_729 = arith.constant 32 : index
          %get3A_730 = tpu.vector_load %arg7[%get3A_727, %get3A_728, %get3A_729] {strides = array<i32>} : memref<2x400x144xf32, #tpu.memory_space<vmem>>, vector<16xf32>,
          %add3A_731 = arith.addf %add3A_657, %get3A_730 : vector<16xf32>
          %mul3A_732 = arith.mulf %get3A_730, %get3A_730 : vector<16xf32>
          %add3A_733 = arith.addf %add3A_659, %mul3A_732 : vector<16xf32>
          %get3A_734 = arith.constant 1 : i32
          %get3A_735 = arith.index_cast %get3A_734 : i32 to index
          %get3A_736 = arith.index_cast %add3A_709 : i32 to index
          %get3A_737 = arith.constant 48 : index
          %get3A_738 = tpu.vector_load %arg7[%get3A_735, %get3A_736, %get3A_737] {strides = array<i32>} : memref<2x400x144xf32, #tpu.memory_space<vmem>>, vector<16xf32>,
          %add3A_739 = arith.addf %add3A_665, %get3A_738 : vector<16xf32>
          %mul3A_740 = arith.mulf %get3A_738, %get3A_738 : vector<16xf32>
          %add3A_741 = arith.addf %add3A_667, %mul3A_740 : vector<16xf32>
          %get3A_742 = arith.constant 1 : i32
          %get3A_743 = arith.index_cast %get3A_742 : i32 to index
          %get3A_744 = arith.index_cast %add3A_709 : i32 to index
          %get3A_745 = arith.constant 64 : index
          %get3A_746 = tpu.vector_load %arg7[%get3A_743, %get3A_744, %get3A_745] {strides = array<i32>} : memref<2x400x144xf32, #tpu.memory_space<vmem>>, vector<16xf32>,
          %add3A_747 = arith.addf %add3A_673, %get3A_746 : vector<16xf32>
          %mul3A_748 = arith.mulf %get3A_746, %get3A_746 : vector<16xf32>
          %add3A_749 = arith.addf %add3A_675, %mul3A_748 : vector<16xf32>
          %get3A_750 = arith.constant 1 : i32
          %get3A_751 = arith.index_cast %get3A_750 : i32 to index
          %get3A_752 = arith.index_cast %add3A_709 : i32 to index
          %get3A_753 = arith.constant 80 : index
          %get3A_754 = tpu.vector_load %arg7[%get3A_751, %get3A_752, %get3A_753] {strides = array<i32>} : memref<2x400x144xf32, #tpu.memory_space<vmem>>, vector<16xf32>,
          %add3A_755 = arith.addf %add3A_681, %get3A_754 : vector<16xf32>
          %mul3A_756 = arith.mulf %get3A_754, %get3A_754 : vector<16xf32>
          %add3A_757 = arith.addf %add3A_683, %mul3A_756 : vector<16xf32>
          %get3A_758 = arith.constant 1 : i32
          %get3A_759 = arith.index_cast %get3A_758 : i32 to index
          %get3A_760 = arith.index_cast %add3A_709 : i32 to index
          %get3A_761 = arith.constant 96 : index
          %get3A_762 = tpu.vector_load %arg7[%get3A_759, %get3A_760, %get3A_761] {strides = array<i32>} : memref<2x400x144xf32, #tpu.memory_space<vmem>>, vector<16xf32>,
          %add3A_763 = arith.addf %add3A_689, %get3A_762 : vector<16xf32>
          %mul3A_764 = arith.mulf %get3A_762, %get3A_762 : vector<16xf32>
          %add3A_765 = arith.addf %add3A_691, %mul3A_764 : vector<16xf32>
          %get3A_766 = arith.constant 1 : i32
          %get3A_767 = arith.index_cast %get3A_766 : i32 to index
          %get3A_768 = arith.index_cast %add3A_709 : i32 to index
          %get3A_769 = arith.constant 112 : index
          %get3A_770 = tpu.vector_load %arg7[%get3A_767, %get3A_768, %get3A_769] {strides = array<i32>} : memref<2x400x144xf32, #tpu.memory_space<vmem>>, vector<16xf32>,
          %add3A_771 = arith.addf %add3A_697, %get3A_770 : vector<16xf32>
          %mul3A_772 = arith.mulf %get3A_770, %get3A_770 : vector<16xf32>
          %add3A_773 = arith.addf %add3A_699, %mul3A_772 : vector<16xf32>
          %get3A_774 = arith.constant 1 : i32
          %get3A_775 = arith.index_cast %get3A_774 : i32 to index
          %get3A_776 = arith.index_cast %add3A_709 : i32 to index
          %get3A_777 = arith.constant 128 : index
          %get3A_778 = tpu.vector_load %arg7[%get3A_775, %get3A_776, %get3A_777] {strides = array<i32>} : memref<2x400x144xf32, #tpu.memory_space<vmem>>, vector<16xf32>,
          %add3A_779 = arith.addf %add3A_705, %get3A_778 : vector<16xf32>
          %scan3A_780 = arith.constant 3 : i32
          %scan3A_781 = arith.addi %scan3A_542, %scan3A_780 : i32
          %add3A_782 = arith.constant 0 : i32
          %add3A_783 = arith.addi %add3A_782, %scan3A_781 : i32
          %get3A_784 = arith.constant 1 : i32
          %get3A_785 = arith.index_cast %get3A_784 : i32 to index
          %get3A_786 = arith.index_cast %add3A_783 : i32 to index
          %get3A_787 = arith.constant 0 : index
          %get3A_788 = tpu.vector_load %arg7[%get3A_785, %get3A_786, %get3A_787] {strides = array<i32>} : memref<2x400x144xf32, #tpu.memory_space<vmem>>, vector<16xf32>,
          %add3A_789 = arith.addf %add3A_715, %get3A_788 : vector<16xf32>
          %mul3A_790 = arith.mulf %get3A_788, %get3A_788 : vector<16xf32>
          %add3A_791 = arith.addf %add3A_717, %mul3A_790 : vector<16xf32>
          %get3A_792 = arith.constant 1 : i32
          %get3A_793 = arith.index_cast %get3A_792 : i32 to index
          %get3A_794 = arith.index_cast %add3A_783 : i32 to index
          %get3A_795 = arith.constant 16 : index
          %get3A_796 = tpu.vector_load %arg7[%get3A_793, %get3A_794, %get3A_795] {strides = array<i32>} : memref<2x400x144xf32, #tpu.memory_space<vmem>>, vector<16xf32>,
          %add3A_797 = arith.addf %add3A_723, %get3A_796 : vector<16xf32>
          %mul3A_798 = arith.mulf %get3A_796, %get3A_796 : vector<16xf32>
          %add3A_799 = arith.addf %add3A_725, %mul3A_798 : vector<16xf32>
          %get3A_800 = arith.constant 1 : i32
          %get3A_801 = arith.index_cast %get3A_800 : i32 to index
          %get3A_802 = arith.index_cast %add3A_783 : i32 to index
          %get3A_803 = arith.constant 32 : index
          %get3A_804 = tpu.vector_load %arg7[%get3A_801, %get3A_802, %get3A_803] {strides = array<i32>} : memref<2x400x144xf32, #tpu.memory_space<vmem>>, vector<16xf32>,
          %add3A_805 = arith.addf %add3A_731, %get3A_804 : vector<16xf32>
          %mul3A_806 = arith.mulf %get3A_804, %get3A_804 : vector<16xf32>
          %add3A_807 = arith.addf %add3A_733, %mul3A_806 : vector<16xf32>
          %get3A_808 = arith.constant 1 : i32
          %get3A_809 = arith.index_cast %get3A_808 : i32 to index
          %get3A_810 = arith.index_cast %add3A_783 : i32 to index
          %get3A_811 = arith.constant 48 : index
          %get3A_812 = tpu.vector_load %arg7[%get3A_809, %get3A_810, %get3A_811] {strides = array<i32>} : memref<2x400x144xf32, #tpu.memory_space<vmem>>, vector<16xf32>,
          %add3A_813 = arith.addf %add3A_739, %get3A_812 : vector<16xf32>
          %mul3A_814 = arith.mulf %get3A_812, %get3A_812 : vector<16xf32>
          %add3A_815 = arith.addf %add3A_741, %mul3A_814 : vector<16xf32>
          %get3A_816 = arith.constant 1 : i32
          %get3A_817 = arith.index_cast %get3A_816 : i32 to index
          %get3A_818 = arith.index_cast %add3A_783 : i32 to index
          %get3A_819 = arith.constant 64 : index
          %get3A_820 = tpu.vector_load %arg7[%get3A_817, %get3A_818, %get3A_819] {strides = array<i32>} : memref<2x400x144xf32, #tpu.memory_space<vmem>>, vector<16xf32>,
          %add3A_821 = arith.addf %add3A_747, %get3A_820 : vector<16xf32>
          %mul3A_822 = arith.mulf %get3A_820, %get3A_820 : vector<16xf32>
          %add3A_823 = arith.addf %add3A_749, %mul3A_822 : vector<16xf32>
          %get3A_824 = arith.constant 1 : i32
          %get3A_825 = arith.index_cast %get3A_824 : i32 to index
          %get3A_826 = arith.index_cast %add3A_783 : i32 to index
          %get3A_827 = arith.constant 80 : index
          %get3A_828 = tpu.vector_load %arg7[%get3A_825, %get3A_826, %get3A_827] {strides = array<i32>} : memref<2x400x144xf32, #tpu.memory_space<vmem>>, vector<16xf32>,
          %add3A_829 = arith.addf %add3A_755, %get3A_828 : vector<16xf32>
          %mul3A_830 = arith.mulf %get3A_828, %get3A_828 : vector<16xf32>
          %add3A_831 = arith.addf %add3A_757, %mul3A_830 : vector<16xf32>
          %get3A_832 = arith.constant 1 : i32
          %get3A_833 = arith.index_cast %get3A_832 : i32 to index
          %get3A_834 = arith.index_cast %add3A_783 : i32 to index
          %get3A_835 = arith.constant 96 : index
          %get3A_836 = tpu.vector_load %arg7[%get3A_833, %get3A_834, %get3A_835] {strides = array<i32>} : memref<2x400x144xf32, #tpu.memory_space<vmem>>, vector<16xf32>,
          %add3A_837 = arith.addf %add3A_763, %get3A_836 : vector<16xf32>
          %mul3A_838 = arith.mulf %get3A_836, %get3A_836 : vector<16xf32>
          %add3A_839 = arith.addf %add3A_765, %mul3A_838 : vector<16xf32>
          %get3A_840 = arith.constant 1 : i32
          %get3A_841 = arith.index_cast %get3A_840 : i32 to index
          %get3A_842 = arith.index_cast %add3A_783 : i32 to index
          %get3A_843 = arith.constant 112 : index
          %get3A_844 = tpu.vector_load %arg7[%get3A_841, %get3A_842, %get3A_843] {strides = array<i32>} : memref<2x400x144xf32, #tpu.memory_space<vmem>>, vector<16xf32>,
          %add3A_845 = arith.addf %add3A_771, %get3A_844 : vector<16xf32>
          %mul3A_846 = arith.mulf %get3A_844, %get3A_844 : vector<16xf32>
          %add3A_847 = arith.addf %add3A_773, %mul3A_846 : vector<16xf32>
          %get3A_848 = arith.constant 1 : i32
          %get3A_849 = arith.index_cast %get3A_848 : i32 to index
          %get3A_850 = arith.index_cast %add3A_783 : i32 to index
          %get3A_851 = arith.constant 128 : index
          %get3A_852 = tpu.vector_load %arg7[%get3A_849, %get3A_850, %get3A_851] {strides = array<i32>} : memref<2x400x144xf32, #tpu.memory_space<vmem>>, vector<16xf32>,
          %add3A_853 = arith.addf %add3A_779, %get3A_852 : vector<16xf32>
          scf.yield %add3A_789, %add3A_797, %add3A_805, %add3A_813, %add3A_821, %add3A_829, %add3A_837, %add3A_845, %add3A_791, %add3A_799, %add3A_807, %add3A_815, %add3A_823, %add3A_831, %add3A_839, %add3A_847, %add3A_853 : vector<16xf32>, vector<16xf32>, vector<16xf32>, vector<16xf32>, vector<16xf32>, vector<16xf32>, vector<16xf32>, vector<16xf32>, vector<16xf32>, vector<16xf32>, vector<16xf32>, vector<16xf32>, vector<16xf32>, vector<16xf32>, vector<16xf32>, vector<16xf32>, vector<16xf32>
        }
        %scan3A_351 = arith.constant 100 : i32
        %mul3A_352 = arith.mulf %scan3A_350#0, %scan3A_350#0 : vector<16xf32>
        %add3A_353 = arith.addf %broadcast_in_dim3A_6, %mul3A_352 : vector<16xf32>
        %add3A_354 = arith.addf %broadcast_in_dim3A_6, %scan3A_350#8 : vector<16xf32>
        %mul3A_355 = arith.mulf %scan3A_350#1, %scan3A_350#1 : vector<16xf32>
        %add3A_356 = arith.addf %add3A_353, %mul3A_355 : vector<16xf32>
        %add3A_357 = arith.addf %add3A_354, %scan3A_350#9 : vector<16xf32>
        %mul3A_358 = arith.mulf %scan3A_350#2, %scan3A_350#2 : vector<16xf32>
        %add3A_359 = arith.addf %add3A_356, %mul3A_358 : vector<16xf32>
        %add3A_360 = arith.addf %add3A_357, %scan3A_350#10 : vector<16xf32>
        %mul3A_361 = arith.mulf %scan3A_350#3, %scan3A_350#3 : vector<16xf32>
        %add3A_362 = arith.addf %add3A_359, %mul3A_361 : vector<16xf32>
        %add3A_363 = arith.addf %add3A_360, %scan3A_350#11 : vector<16xf32>
        %mul3A_364 = arith.mulf %scan3A_350#4, %scan3A_350#4 : vector<16xf32>
        %add3A_365 = arith.addf %add3A_362, %mul3A_364 : vector<16xf32>
        %add3A_366 = arith.addf %add3A_363, %scan3A_350#12 : vector<16xf32>
        %mul3A_367 = arith.mulf %scan3A_350#5, %scan3A_350#5 : vector<16xf32>
        %add3A_368 = arith.addf %add3A_365, %mul3A_367 : vector<16xf32>
        %add3A_369 = arith.addf %add3A_366, %scan3A_350#13 : vector<16xf32>
        %mul3A_370 = arith.mulf %scan3A_350#6, %scan3A_350#6 : vector<16xf32>
        %add3A_371 = arith.addf %add3A_368, %mul3A_370 : vector<16xf32>
        %add3A_372 = arith.addf %add3A_369, %scan3A_350#14 : vector<16xf32>
        %mul3A_373 = arith.mulf %scan3A_350#7, %scan3A_350#7 : vector<16xf32>
        %add3A_374 = arith.addf %add3A_371, %mul3A_373 : vector<16xf32>
        %add3A_375 = arith.addf %add3A_372, %scan3A_350#15 : vector<16xf32>
        %sub3A_376 = arith.subf %add3A_374, %add3A_375 : vector<16xf32>
        %mul3A_377 = arith.constant 5.000000e-01 : f32
        %mul3A_378 = vector.broadcast %mul3A_377 : f32 to vector<16xf32>
        %mul3A_379 = arith.mulf %mul3A_378, %sub3A_376 : vector<16xf32>
        %add3A_380 = arith.addf %scan3A_350#16, %mul3A_379 : vector<16xf32>
        %reduce_sum3A_381 = arith.constant true
        %reduce_sum3A_382 = vector.broadcast %reduce_sum3A_381 : i1 to vector<16xi1>
        %reduce_sum3A_383 = tpu.scan <sum>, %add3A_380 masked %reduce_sum3A_382 : vector<16xf32>, vector<16xi1> -> vector<16xf32>
        %reduce_sum3A_384 = vector.extract %reduce_sum3A_383[15] : f32 from vector<16xf32>
        %add3A_385 = arith.addf %reduce_sum3A_384, %squeeze3A : f32
        %mul3A_386 = arith.constant 4 : i32
        %mul3A_387 = arith.muli %add3A_345, %mul3A_386 : i32
        %add3A_388 = arith.constant 0 : i32
        %add3A_389 = arith.addi %mul3A_387, %add3A_388 : i32
        %broadcast_in_dim3A_390 = vector.broadcast %add3A_389 : i32 to vector<16xi32>
        %broadcast_in_dim3A_391 = vector.broadcast %add3A_385 : f32 to vector<16xf32>
        %eq3A_392 = arith.constant 0 : i32
        %eq3A_393 = vector.broadcast %eq3A_392 : i32 to vector<16xi32>
        %eq3A_394 = arith.cmpi eq, %iota3A, %eq3A_393 : vector<16xi32>
        tpu.vector_store_idx %arg8[%broadcast_in_dim3A_390], %broadcast_in_dim3A_391 masked %eq3A_394 : memref<512xf32, #tpu.memory_space<vmem>>[vector<16xi32>], vector<16xf32>, vector<16xi1>
        %scan3A_395 = arith.constant 0 : i32
        %scan3A_396 = arith.constant 100 : i32
        %scan3A_397 = arith.addi %scan3A_395, %scan3A_396 : i32
        %scan3A_398 = arith.constant 4 : i32
        %scan3A_399:17 = scf.for %scan3A_542 = %scan3A_395 to %scan3A_397 step %scan3A_398 iter_args(%scan3A_543 = %broadcast_in_dim3A_6, %scan3A_544 = %broadcast_in_dim3A_6, %scan3A_545 = %broadcast_in_dim3A_6, %scan3A_546 = %broadcast_in_dim3A_6, %scan3A_547 = %broadcast_in_dim3A_6, %scan3A_548 = %broadcast_in_dim3A_6, %scan3A_549 = %broadcast_in_dim3A_6, %scan3A_550 = %broadcast_in_dim3A_6, %scan3A_551 = %broadcast_in_dim3A_6, %scan3A_552 = %broadcast_in_dim3A_6, %scan3A_553 = %broadcast_in_dim3A_6, %scan3A_554 = %broadcast_in_dim3A_6, %scan3A_555 = %broadcast_in_dim3A_6, %scan3A_556 = %broadcast_in_dim3A_6, %scan3A_557 = %broadcast_in_dim3A_6, %scan3A_558 = %broadcast_in_dim3A_6, %scan3A_559 = %broadcast_in_dim3A_6) -> (vector<16xf32>, vector<16xf32>, vector<16xf32>, vector<16xf32>, vector<16xf32>, vector<16xf32>, vector<16xf32>, vector<16xf32>, vector<16xf32>, vector<16xf32>, vector<16xf32>, vector<16xf32>, vector<16xf32>, vector<16xf32>, vector<16xf32>, vector<16xf32>, vector<16xf32>)  : i32 {
          %add3A_560 = arith.constant 100 : i32
          %add3A_561 = arith.addi %add3A_560, %scan3A_542 : i32
          %get3A_562 = arith.constant 1 : i32
          %get3A_563 = arith.index_cast %get3A_562 : i32 to index
          %get3A_564 = arith.index_cast %add3A_561 : i32 to index
          %get3A_565 = arith.constant 0 : index
          %get3A_566 = tpu.vector_load %arg7[%get3A_563, %get3A_564, %get3A_565] {strides = array<i32>} : memref<2x400x144xf32, #tpu.memory_space<vmem>>, vector<16xf32>,
          %add3A_567 = arith.addf %scan3A_543, %get3A_566 : vector<16xf32>
          %mul3A_568 = arith.mulf %get3A_566, %get3A_566 : vector<16xf32>
          %add3A_569 = arith.addf %scan3A_551, %mul3A_568 : vector<16xf32>
          %get3A_570 = arith.constant 1 : i32
          %get3A_571 = arith.index_cast %get3A_570 : i32 to index
          %get3A_572 = arith.index_cast %add3A_561 : i32 to index
          %get3A_573 = arith.constant 16 : index
          %get3A_574 = tpu.vector_load %arg7[%get3A_571, %get3A_572, %get3A_573] {strides = array<i32>} : memref<2x400x144xf32, #tpu.memory_space<vmem>>, vector<16xf32>,
          %add3A_575 = arith.addf %scan3A_544, %get3A_574 : vector<16xf32>
          %mul3A_576 = arith.mulf %get3A_574, %get3A_574 : vector<16xf32>
          %add3A_577 = arith.addf %scan3A_552, %mul3A_576 : vector<16xf32>
          %get3A_578 = arith.constant 1 : i32
          %get3A_579 = arith.index_cast %get3A_578 : i32 to index
          %get3A_580 = arith.index_cast %add3A_561 : i32 to index
          %get3A_581 = arith.constant 32 : index
          %get3A_582 = tpu.vector_load %arg7[%get3A_579, %get3A_580, %get3A_581] {strides = array<i32>} : memref<2x400x144xf32, #tpu.memory_space<vmem>>, vector<16xf32>,
          %add3A_583 = arith.addf %scan3A_545, %get3A_582 : vector<16xf32>
          %mul3A_584 = arith.mulf %get3A_582, %get3A_582 : vector<16xf32>
          %add3A_585 = arith.addf %scan3A_553, %mul3A_584 : vector<16xf32>
          %get3A_586 = arith.constant 1 : i32
          %get3A_587 = arith.index_cast %get3A_586 : i32 to index
          %get3A_588 = arith.index_cast %add3A_561 : i32 to index
          %get3A_589 = arith.constant 48 : index
          %get3A_590 = tpu.vector_load %arg7[%get3A_587, %get3A_588, %get3A_589] {strides = array<i32>} : memref<2x400x144xf32, #tpu.memory_space<vmem>>, vector<16xf32>,
          %add3A_591 = arith.addf %scan3A_546, %get3A_590 : vector<16xf32>
          %mul3A_592 = arith.mulf %get3A_590, %get3A_590 : vector<16xf32>
          %add3A_593 = arith.addf %scan3A_554, %mul3A_592 : vector<16xf32>
          %get3A_594 = arith.constant 1 : i32
          %get3A_595 = arith.index_cast %get3A_594 : i32 to index
          %get3A_596 = arith.index_cast %add3A_561 : i32 to index
          %get3A_597 = arith.constant 64 : index
          %get3A_598 = tpu.vector_load %arg7[%get3A_595, %get3A_596, %get3A_597] {strides = array<i32>} : memref<2x400x144xf32, #tpu.memory_space<vmem>>, vector<16xf32>,
          %add3A_599 = arith.addf %scan3A_547, %get3A_598 : vector<16xf32>
          %mul3A_600 = arith.mulf %get3A_598, %get3A_598 : vector<16xf32>
          %add3A_601 = arith.addf %scan3A_555, %mul3A_600 : vector<16xf32>
          %get3A_602 = arith.constant 1 : i32
          %get3A_603 = arith.index_cast %get3A_602 : i32 to index
          %get3A_604 = arith.index_cast %add3A_561 : i32 to index
          %get3A_605 = arith.constant 80 : index
          %get3A_606 = tpu.vector_load %arg7[%get3A_603, %get3A_604, %get3A_605] {strides = array<i32>} : memref<2x400x144xf32, #tpu.memory_space<vmem>>, vector<16xf32>,
          %add3A_607 = arith.addf %scan3A_548, %get3A_606 : vector<16xf32>
          %mul3A_608 = arith.mulf %get3A_606, %get3A_606 : vector<16xf32>
          %add3A_609 = arith.addf %scan3A_556, %mul3A_608 : vector<16xf32>
          %get3A_610 = arith.constant 1 : i32
          %get3A_611 = arith.index_cast %get3A_610 : i32 to index
          %get3A_612 = arith.index_cast %add3A_561 : i32 to index
          %get3A_613 = arith.constant 96 : index
          %get3A_614 = tpu.vector_load %arg7[%get3A_611, %get3A_612, %get3A_613] {strides = array<i32>} : memref<2x400x144xf32, #tpu.memory_space<vmem>>, vector<16xf32>,
          %add3A_615 = arith.addf %scan3A_549, %get3A_614 : vector<16xf32>
          %mul3A_616 = arith.mulf %get3A_614, %get3A_614 : vector<16xf32>
          %add3A_617 = arith.addf %scan3A_557, %mul3A_616 : vector<16xf32>
          %get3A_618 = arith.constant 1 : i32
          %get3A_619 = arith.index_cast %get3A_618 : i32 to index
          %get3A_620 = arith.index_cast %add3A_561 : i32 to index
          %get3A_621 = arith.constant 112 : index
          %get3A_622 = tpu.vector_load %arg7[%get3A_619, %get3A_620, %get3A_621] {strides = array<i32>} : memref<2x400x144xf32, #tpu.memory_space<vmem>>, vector<16xf32>,
          %add3A_623 = arith.addf %scan3A_550, %get3A_622 : vector<16xf32>
          %mul3A_624 = arith.mulf %get3A_622, %get3A_622 : vector<16xf32>
          %add3A_625 = arith.addf %scan3A_558, %mul3A_624 : vector<16xf32>
          %get3A_626 = arith.constant 1 : i32
          %get3A_627 = arith.index_cast %get3A_626 : i32 to index
          %get3A_628 = arith.index_cast %add3A_561 : i32 to index
          %get3A_629 = arith.constant 128 : index
          %get3A_630 = tpu.vector_load %arg7[%get3A_627, %get3A_628, %get3A_629] {strides = array<i32>} : memref<2x400x144xf32, #tpu.memory_space<vmem>>, vector<16xf32>,
          %add3A_631 = arith.addf %scan3A_559, %get3A_630 : vector<16xf32>
          %scan3A_632 = arith.constant 1 : i32
          %scan3A_633 = arith.addi %scan3A_542, %scan3A_632 : i32
          %add3A_634 = arith.constant 100 : i32
          %add3A_635 = arith.addi %add3A_634, %scan3A_633 : i32
          %get3A_636 = arith.constant 1 : i32
          %get3A_637 = arith.index_cast %get3A_636 : i32 to index
          %get3A_638 = arith.index_cast %add3A_635 : i32 to index
          %get3A_639 = arith.constant 0 : index
          %get3A_640 = tpu.vector_load %arg7[%get3A_637, %get3A_638, %get3A_639] {strides = array<i32>} : memref<2x400x144xf32, #tpu.memory_space<vmem>>, vector<16xf32>,
          %add3A_641 = arith.addf %add3A_567, %get3A_640 : vector<16xf32>
          %mul3A_642 = arith.mulf %get3A_640, %get3A_640 : vector<16xf32>
          %add3A_643 = arith.addf %add3A_569, %mul3A_642 : vector<16xf32>
          %get3A_644 = arith.constant 1 : i32
          %get3A_645 = arith.index_cast %get3A_644 : i32 to index
          %get3A_646 = arith.index_cast %add3A_635 : i32 to index
          %get3A_647 = arith.constant 16 : index
          %get3A_648 = tpu.vector_load %arg7[%get3A_645, %get3A_646, %get3A_647] {strides = array<i32>} : memref<2x400x144xf32, #tpu.memory_space<vmem>>, vector<16xf32>,
          %add3A_649 = arith.addf %add3A_575, %get3A_648 : vector<16xf32>
          %mul3A_650 = arith.mulf %get3A_648, %get3A_648 : vector<16xf32>
          %add3A_651 = arith.addf %add3A_577, %mul3A_650 : vector<16xf32>
          %get3A_652 = arith.constant 1 : i32
          %get3A_653 = arith.index_cast %get3A_652 : i32 to index
          %get3A_654 = arith.index_cast %add3A_635 : i32 to index
          %get3A_655 = arith.constant 32 : index
          %get3A_656 = tpu.vector_load %arg7[%get3A_653, %get3A_654, %get3A_655] {strides = array<i32>} : memref<2x400x144xf32, #tpu.memory_space<vmem>>, vector<16xf32>,
          %add3A_657 = arith.addf %add3A_583, %get3A_656 : vector<16xf32>
          %mul3A_658 = arith.mulf %get3A_656, %get3A_656 : vector<16xf32>
          %add3A_659 = arith.addf %add3A_585, %mul3A_658 : vector<16xf32>
          %get3A_660 = arith.constant 1 : i32
          %get3A_661 = arith.index_cast %get3A_660 : i32 to index
          %get3A_662 = arith.index_cast %add3A_635 : i32 to index
          %get3A_663 = arith.constant 48 : index
          %get3A_664 = tpu.vector_load %arg7[%get3A_661, %get3A_662, %get3A_663] {strides = array<i32>} : memref<2x400x144xf32, #tpu.memory_space<vmem>>, vector<16xf32>,
          %add3A_665 = arith.addf %add3A_591, %get3A_664 : vector<16xf32>
          %mul3A_666 = arith.mulf %get3A_664, %get3A_664 : vector<16xf32>
          %add3A_667 = arith.addf %add3A_593, %mul3A_666 : vector<16xf32>
          %get3A_668 = arith.constant 1 : i32
          %get3A_669 = arith.index_cast %get3A_668 : i32 to index
          %get3A_670 = arith.index_cast %add3A_635 : i32 to index
          %get3A_671 = arith.constant 64 : index
          %get3A_672 = tpu.vector_load %arg7[%get3A_669, %get3A_670, %get3A_671] {strides = array<i32>} : memref<2x400x144xf32, #tpu.memory_space<vmem>>, vector<16xf32>,
          %add3A_673 = arith.addf %add3A_599, %get3A_672 : vector<16xf32>
          %mul3A_674 = arith.mulf %get3A_672, %get3A_672 : vector<16xf32>
          %add3A_675 = arith.addf %add3A_601, %mul3A_674 : vector<16xf32>
          %get3A_676 = arith.constant 1 : i32
          %get3A_677 = arith.index_cast %get3A_676 : i32 to index
          %get3A_678 = arith.index_cast %add3A_635 : i32 to index
          %get3A_679 = arith.constant 80 : index
          %get3A_680 = tpu.vector_load %arg7[%get3A_677, %get3A_678, %get3A_679] {strides = array<i32>} : memref<2x400x144xf32, #tpu.memory_space<vmem>>, vector<16xf32>,
          %add3A_681 = arith.addf %add3A_607, %get3A_680 : vector<16xf32>
          %mul3A_682 = arith.mulf %get3A_680, %get3A_680 : vector<16xf32>
          %add3A_683 = arith.addf %add3A_609, %mul3A_682 : vector<16xf32>
          %get3A_684 = arith.constant 1 : i32
          %get3A_685 = arith.index_cast %get3A_684 : i32 to index
          %get3A_686 = arith.index_cast %add3A_635 : i32 to index
          %get3A_687 = arith.constant 96 : index
          %get3A_688 = tpu.vector_load %arg7[%get3A_685, %get3A_686, %get3A_687] {strides = array<i32>} : memref<2x400x144xf32, #tpu.memory_space<vmem>>, vector<16xf32>,
          %add3A_689 = arith.addf %add3A_615, %get3A_688 : vector<16xf32>
          %mul3A_690 = arith.mulf %get3A_688, %get3A_688 : vector<16xf32>
          %add3A_691 = arith.addf %add3A_617, %mul3A_690 : vector<16xf32>
          %get3A_692 = arith.constant 1 : i32
          %get3A_693 = arith.index_cast %get3A_692 : i32 to index
          %get3A_694 = arith.index_cast %add3A_635 : i32 to index
          %get3A_695 = arith.constant 112 : index
          %get3A_696 = tpu.vector_load %arg7[%get3A_693, %get3A_694, %get3A_695] {strides = array<i32>} : memref<2x400x144xf32, #tpu.memory_space<vmem>>, vector<16xf32>,
          %add3A_697 = arith.addf %add3A_623, %get3A_696 : vector<16xf32>
          %mul3A_698 = arith.mulf %get3A_696, %get3A_696 : vector<16xf32>
          %add3A_699 = arith.addf %add3A_625, %mul3A_698 : vector<16xf32>
          %get3A_700 = arith.constant 1 : i32
          %get3A_701 = arith.index_cast %get3A_700 : i32 to index
          %get3A_702 = arith.index_cast %add3A_635 : i32 to index
          %get3A_703 = arith.constant 128 : index
          %get3A_704 = tpu.vector_load %arg7[%get3A_701, %get3A_702, %get3A_703] {strides = array<i32>} : memref<2x400x144xf32, #tpu.memory_space<vmem>>, vector<16xf32>,
          %add3A_705 = arith.addf %add3A_631, %get3A_704 : vector<16xf32>
          %scan3A_706 = arith.constant 2 : i32
          %scan3A_707 = arith.addi %scan3A_542, %scan3A_706 : i32
          %add3A_708 = arith.constant 100 : i32
          %add3A_709 = arith.addi %add3A_708, %scan3A_707 : i32
          %get3A_710 = arith.constant 1 : i32
          %get3A_711 = arith.index_cast %get3A_710 : i32 to index
          %get3A_712 = arith.index_cast %add3A_709 : i32 to index
          %get3A_713 = arith.constant 0 : index
          %get3A_714 = tpu.vector_load %arg7[%get3A_711, %get3A_712, %get3A_713] {strides = array<i32>} : memref<2x400x144xf32, #tpu.memory_space<vmem>>, vector<16xf32>,
          %add3A_715 = arith.addf %add3A_641, %get3A_714 : vector<16xf32>
          %mul3A_716 = arith.mulf %get3A_714, %get3A_714 : vector<16xf32>
          %add3A_717 = arith.addf %add3A_643, %mul3A_716 : vector<16xf32>
          %get3A_718 = arith.constant 1 : i32
          %get3A_719 = arith.index_cast %get3A_718 : i32 to index
          %get3A_720 = arith.index_cast %add3A_709 : i32 to index
          %get3A_721 = arith.constant 16 : index
          %get3A_722 = tpu.vector_load %arg7[%get3A_719, %get3A_720, %get3A_721] {strides = array<i32>} : memref<2x400x144xf32, #tpu.memory_space<vmem>>, vector<16xf32>,
          %add3A_723 = arith.addf %add3A_649, %get3A_722 : vector<16xf32>
          %mul3A_724 = arith.mulf %get3A_722, %get3A_722 : vector<16xf32>
          %add3A_725 = arith.addf %add3A_651, %mul3A_724 : vector<16xf32>
          %get3A_726 = arith.constant 1 : i32
          %get3A_727 = arith.index_cast %get3A_726 : i32 to index
          %get3A_728 = arith.index_cast %add3A_709 : i32 to index
          %get3A_729 = arith.constant 32 : index
          %get3A_730 = tpu.vector_load %arg7[%get3A_727, %get3A_728, %get3A_729] {strides = array<i32>} : memref<2x400x144xf32, #tpu.memory_space<vmem>>, vector<16xf32>,
          %add3A_731 = arith.addf %add3A_657, %get3A_730 : vector<16xf32>
          %mul3A_732 = arith.mulf %get3A_730, %get3A_730 : vector<16xf32>
          %add3A_733 = arith.addf %add3A_659, %mul3A_732 : vector<16xf32>
          %get3A_734 = arith.constant 1 : i32
          %get3A_735 = arith.index_cast %get3A_734 : i32 to index
          %get3A_736 = arith.index_cast %add3A_709 : i32 to index
          %get3A_737 = arith.constant 48 : index
          %get3A_738 = tpu.vector_load %arg7[%get3A_735, %get3A_736, %get3A_737] {strides = array<i32>} : memref<2x400x144xf32, #tpu.memory_space<vmem>>, vector<16xf32>,
          %add3A_739 = arith.addf %add3A_665, %get3A_738 : vector<16xf32>
          %mul3A_740 = arith.mulf %get3A_738, %get3A_738 : vector<16xf32>
          %add3A_741 = arith.addf %add3A_667, %mul3A_740 : vector<16xf32>
          %get3A_742 = arith.constant 1 : i32
          %get3A_743 = arith.index_cast %get3A_742 : i32 to index
          %get3A_744 = arith.index_cast %add3A_709 : i32 to index
          %get3A_745 = arith.constant 64 : index
          %get3A_746 = tpu.vector_load %arg7[%get3A_743, %get3A_744, %get3A_745] {strides = array<i32>} : memref<2x400x144xf32, #tpu.memory_space<vmem>>, vector<16xf32>,
          %add3A_747 = arith.addf %add3A_673, %get3A_746 : vector<16xf32>
          %mul3A_748 = arith.mulf %get3A_746, %get3A_746 : vector<16xf32>
          %add3A_749 = arith.addf %add3A_675, %mul3A_748 : vector<16xf32>
          %get3A_750 = arith.constant 1 : i32
          %get3A_751 = arith.index_cast %get3A_750 : i32 to index
          %get3A_752 = arith.index_cast %add3A_709 : i32 to index
          %get3A_753 = arith.constant 80 : index
          %get3A_754 = tpu.vector_load %arg7[%get3A_751, %get3A_752, %get3A_753] {strides = array<i32>} : memref<2x400x144xf32, #tpu.memory_space<vmem>>, vector<16xf32>,
          %add3A_755 = arith.addf %add3A_681, %get3A_754 : vector<16xf32>
          %mul3A_756 = arith.mulf %get3A_754, %get3A_754 : vector<16xf32>
          %add3A_757 = arith.addf %add3A_683, %mul3A_756 : vector<16xf32>
          %get3A_758 = arith.constant 1 : i32
          %get3A_759 = arith.index_cast %get3A_758 : i32 to index
          %get3A_760 = arith.index_cast %add3A_709 : i32 to index
          %get3A_761 = arith.constant 96 : index
          %get3A_762 = tpu.vector_load %arg7[%get3A_759, %get3A_760, %get3A_761] {strides = array<i32>} : memref<2x400x144xf32, #tpu.memory_space<vmem>>, vector<16xf32>,
          %add3A_763 = arith.addf %add3A_689, %get3A_762 : vector<16xf32>
          %mul3A_764 = arith.mulf %get3A_762, %get3A_762 : vector<16xf32>
          %add3A_765 = arith.addf %add3A_691, %mul3A_764 : vector<16xf32>
          %get3A_766 = arith.constant 1 : i32
          %get3A_767 = arith.index_cast %get3A_766 : i32 to index
          %get3A_768 = arith.index_cast %add3A_709 : i32 to index
          %get3A_769 = arith.constant 112 : index
          %get3A_770 = tpu.vector_load %arg7[%get3A_767, %get3A_768, %get3A_769] {strides = array<i32>} : memref<2x400x144xf32, #tpu.memory_space<vmem>>, vector<16xf32>,
          %add3A_771 = arith.addf %add3A_697, %get3A_770 : vector<16xf32>
          %mul3A_772 = arith.mulf %get3A_770, %get3A_770 : vector<16xf32>
          %add3A_773 = arith.addf %add3A_699, %mul3A_772 : vector<16xf32>
          %get3A_774 = arith.constant 1 : i32
          %get3A_775 = arith.index_cast %get3A_774 : i32 to index
          %get3A_776 = arith.index_cast %add3A_709 : i32 to index
          %get3A_777 = arith.constant 128 : index
          %get3A_778 = tpu.vector_load %arg7[%get3A_775, %get3A_776, %get3A_777] {strides = array<i32>} : memref<2x400x144xf32, #tpu.memory_space<vmem>>, vector<16xf32>,
          %add3A_779 = arith.addf %add3A_705, %get3A_778 : vector<16xf32>
          %scan3A_780 = arith.constant 3 : i32
          %scan3A_781 = arith.addi %scan3A_542, %scan3A_780 : i32
          %add3A_782 = arith.constant 100 : i32
          %add3A_783 = arith.addi %add3A_782, %scan3A_781 : i32
          %get3A_784 = arith.constant 1 : i32
          %get3A_785 = arith.index_cast %get3A_784 : i32 to index
          %get3A_786 = arith.index_cast %add3A_783 : i32 to index
          %get3A_787 = arith.constant 0 : index
          %get3A_788 = tpu.vector_load %arg7[%get3A_785, %get3A_786, %get3A_787] {strides = array<i32>} : memref<2x400x144xf32, #tpu.memory_space<vmem>>, vector<16xf32>,
          %add3A_789 = arith.addf %add3A_715, %get3A_788 : vector<16xf32>
          %mul3A_790 = arith.mulf %get3A_788, %get3A_788 : vector<16xf32>
          %add3A_791 = arith.addf %add3A_717, %mul3A_790 : vector<16xf32>
          %get3A_792 = arith.constant 1 : i32
          %get3A_793 = arith.index_cast %get3A_792 : i32 to index
          %get3A_794 = arith.index_cast %add3A_783 : i32 to index
          %get3A_795 = arith.constant 16 : index
          %get3A_796 = tpu.vector_load %arg7[%get3A_793, %get3A_794, %get3A_795] {strides = array<i32>} : memref<2x400x144xf32, #tpu.memory_space<vmem>>, vector<16xf32>,
          %add3A_797 = arith.addf %add3A_723, %get3A_796 : vector<16xf32>
          %mul3A_798 = arith.mulf %get3A_796, %get3A_796 : vector<16xf32>
          %add3A_799 = arith.addf %add3A_725, %mul3A_798 : vector<16xf32>
          %get3A_800 = arith.constant 1 : i32
          %get3A_801 = arith.index_cast %get3A_800 : i32 to index
          %get3A_802 = arith.index_cast %add3A_783 : i32 to index
          %get3A_803 = arith.constant 32 : index
          %get3A_804 = tpu.vector_load %arg7[%get3A_801, %get3A_802, %get3A_803] {strides = array<i32>} : memref<2x400x144xf32, #tpu.memory_space<vmem>>, vector<16xf32>,
          %add3A_805 = arith.addf %add3A_731, %get3A_804 : vector<16xf32>
          %mul3A_806 = arith.mulf %get3A_804, %get3A_804 : vector<16xf32>
          %add3A_807 = arith.addf %add3A_733, %mul3A_806 : vector<16xf32>
          %get3A_808 = arith.constant 1 : i32
          %get3A_809 = arith.index_cast %get3A_808 : i32 to index
          %get3A_810 = arith.index_cast %add3A_783 : i32 to index
          %get3A_811 = arith.constant 48 : index
          %get3A_812 = tpu.vector_load %arg7[%get3A_809, %get3A_810, %get3A_811] {strides = array<i32>} : memref<2x400x144xf32, #tpu.memory_space<vmem>>, vector<16xf32>,
          %add3A_813 = arith.addf %add3A_739, %get3A_812 : vector<16xf32>
          %mul3A_814 = arith.mulf %get3A_812, %get3A_812 : vector<16xf32>
          %add3A_815 = arith.addf %add3A_741, %mul3A_814 : vector<16xf32>
          %get3A_816 = arith.constant 1 : i32
          %get3A_817 = arith.index_cast %get3A_816 : i32 to index
          %get3A_818 = arith.index_cast %add3A_783 : i32 to index
          %get3A_819 = arith.constant 64 : index
          %get3A_820 = tpu.vector_load %arg7[%get3A_817, %get3A_818, %get3A_819] {strides = array<i32>} : memref<2x400x144xf32, #tpu.memory_space<vmem>>, vector<16xf32>,
          %add3A_821 = arith.addf %add3A_747, %get3A_820 : vector<16xf32>
          %mul3A_822 = arith.mulf %get3A_820, %get3A_820 : vector<16xf32>
          %add3A_823 = arith.addf %add3A_749, %mul3A_822 : vector<16xf32>
          %get3A_824 = arith.constant 1 : i32
          %get3A_825 = arith.index_cast %get3A_824 : i32 to index
          %get3A_826 = arith.index_cast %add3A_783 : i32 to index
          %get3A_827 = arith.constant 80 : index
          %get3A_828 = tpu.vector_load %arg7[%get3A_825, %get3A_826, %get3A_827] {strides = array<i32>} : memref<2x400x144xf32, #tpu.memory_space<vmem>>, vector<16xf32>,
          %add3A_829 = arith.addf %add3A_755, %get3A_828 : vector<16xf32>
          %mul3A_830 = arith.mulf %get3A_828, %get3A_828 : vector<16xf32>
          %add3A_831 = arith.addf %add3A_757, %mul3A_830 : vector<16xf32>
          %get3A_832 = arith.constant 1 : i32
          %get3A_833 = arith.index_cast %get3A_832 : i32 to index
          %get3A_834 = arith.index_cast %add3A_783 : i32 to index
          %get3A_835 = arith.constant 96 : index
          %get3A_836 = tpu.vector_load %arg7[%get3A_833, %get3A_834, %get3A_835] {strides = array<i32>} : memref<2x400x144xf32, #tpu.memory_space<vmem>>, vector<16xf32>,
          %add3A_837 = arith.addf %add3A_763, %get3A_836 : vector<16xf32>
          %mul3A_838 = arith.mulf %get3A_836, %get3A_836 : vector<16xf32>
          %add3A_839 = arith.addf %add3A_765, %mul3A_838 : vector<16xf32>
          %get3A_840 = arith.constant 1 : i32
          %get3A_841 = arith.index_cast %get3A_840 : i32 to index
          %get3A_842 = arith.index_cast %add3A_783 : i32 to index
          %get3A_843 = arith.constant 112 : index
          %get3A_844 = tpu.vector_load %arg7[%get3A_841, %get3A_842, %get3A_843] {strides = array<i32>} : memref<2x400x144xf32, #tpu.memory_space<vmem>>, vector<16xf32>,
          %add3A_845 = arith.addf %add3A_771, %get3A_844 : vector<16xf32>
          %mul3A_846 = arith.mulf %get3A_844, %get3A_844 : vector<16xf32>
          %add3A_847 = arith.addf %add3A_773, %mul3A_846 : vector<16xf32>
          %get3A_848 = arith.constant 1 : i32
          %get3A_849 = arith.index_cast %get3A_848 : i32 to index
          %get3A_850 = arith.index_cast %add3A_783 : i32 to index
          %get3A_851 = arith.constant 128 : index
          %get3A_852 = tpu.vector_load %arg7[%get3A_849, %get3A_850, %get3A_851] {strides = array<i32>} : memref<2x400x144xf32, #tpu.memory_space<vmem>>, vector<16xf32>,
          %add3A_853 = arith.addf %add3A_779, %get3A_852 : vector<16xf32>
          scf.yield %add3A_789, %add3A_797, %add3A_805, %add3A_813, %add3A_821, %add3A_829, %add3A_837, %add3A_845, %add3A_791, %add3A_799, %add3A_807, %add3A_815, %add3A_823, %add3A_831, %add3A_839, %add3A_847, %add3A_853 : vector<16xf32>, vector<16xf32>, vector<16xf32>, vector<16xf32>, vector<16xf32>, vector<16xf32>, vector<16xf32>, vector<16xf32>, vector<16xf32>, vector<16xf32>, vector<16xf32>, vector<16xf32>, vector<16xf32>, vector<16xf32>, vector<16xf32>, vector<16xf32>, vector<16xf32>
        }
        %scan3A_400 = arith.constant 100 : i32
        %mul3A_401 = arith.mulf %scan3A_399#0, %scan3A_399#0 : vector<16xf32>
        %add3A_402 = arith.addf %broadcast_in_dim3A_6, %mul3A_401 : vector<16xf32>
        %add3A_403 = arith.addf %broadcast_in_dim3A_6, %scan3A_399#8 : vector<16xf32>
        %mul3A_404 = arith.mulf %scan3A_399#1, %scan3A_399#1 : vector<16xf32>
        %add3A_405 = arith.addf %add3A_402, %mul3A_404 : vector<16xf32>
        %add3A_406 = arith.addf %add3A_403, %scan3A_399#9 : vector<16xf32>
        %mul3A_407 = arith.mulf %scan3A_399#2, %scan3A_399#2 : vector<16xf32>
        %add3A_408 = arith.addf %add3A_405, %mul3A_407 : vector<16xf32>
        %add3A_409 = arith.addf %add3A_406, %scan3A_399#10 : vector<16xf32>
        %mul3A_410 = arith.mulf %scan3A_399#3, %scan3A_399#3 : vector<16xf32>
        %add3A_411 = arith.addf %add3A_408, %mul3A_410 : vector<16xf32>
        %add3A_412 = arith.addf %add3A_409, %scan3A_399#11 : vector<16xf32>
        %mul3A_413 = arith.mulf %scan3A_399#4, %scan3A_399#4 : vector<16xf32>
        %add3A_414 = arith.addf %add3A_411, %mul3A_413 : vector<16xf32>
        %add3A_415 = arith.addf %add3A_412, %scan3A_399#12 : vector<16xf32>
        %mul3A_416 = arith.mulf %scan3A_399#5, %scan3A_399#5 : vector<16xf32>
        %add3A_417 = arith.addf %add3A_414, %mul3A_416 : vector<16xf32>
        %add3A_418 = arith.addf %add3A_415, %scan3A_399#13 : vector<16xf32>
        %mul3A_419 = arith.mulf %scan3A_399#6, %scan3A_399#6 : vector<16xf32>
        %add3A_420 = arith.addf %add3A_417, %mul3A_419 : vector<16xf32>
        %add3A_421 = arith.addf %add3A_418, %scan3A_399#14 : vector<16xf32>
        %mul3A_422 = arith.mulf %scan3A_399#7, %scan3A_399#7 : vector<16xf32>
        %add3A_423 = arith.addf %add3A_420, %mul3A_422 : vector<16xf32>
        %add3A_424 = arith.addf %add3A_421, %scan3A_399#15 : vector<16xf32>
        %sub3A_425 = arith.subf %add3A_423, %add3A_424 : vector<16xf32>
        %mul3A_426 = arith.constant 5.000000e-01 : f32
        %mul3A_427 = vector.broadcast %mul3A_426 : f32 to vector<16xf32>
        %mul3A_428 = arith.mulf %mul3A_427, %sub3A_425 : vector<16xf32>
        %add3A_429 = arith.addf %scan3A_399#16, %mul3A_428 : vector<16xf32>
        %reduce_sum3A_430 = arith.constant true
        %reduce_sum3A_431 = vector.broadcast %reduce_sum3A_430 : i1 to vector<16xi1>
        %reduce_sum3A_432 = tpu.scan <sum>, %add3A_429 masked %reduce_sum3A_431 : vector<16xf32>, vector<16xi1> -> vector<16xf32>
        %reduce_sum3A_433 = vector.extract %reduce_sum3A_432[15] : f32 from vector<16xf32>
        %add3A_434 = arith.addf %reduce_sum3A_433, %squeeze3A : f32
        %mul3A_435 = arith.constant 4 : i32
        %mul3A_436 = arith.muli %add3A_345, %mul3A_435 : i32
        %add3A_437 = arith.constant 1 : i32
        %add3A_438 = arith.addi %mul3A_436, %add3A_437 : i32
        %broadcast_in_dim3A_439 = vector.broadcast %add3A_438 : i32 to vector<16xi32>
        %broadcast_in_dim3A_440 = vector.broadcast %add3A_434 : f32 to vector<16xf32>
        %eq3A_441 = arith.constant 0 : i32
        %eq3A_442 = vector.broadcast %eq3A_441 : i32 to vector<16xi32>
        %eq3A_443 = arith.cmpi eq, %iota3A, %eq3A_442 : vector<16xi32>
        tpu.vector_store_idx %arg8[%broadcast_in_dim3A_439], %broadcast_in_dim3A_440 masked %eq3A_443 : memref<512xf32, #tpu.memory_space<vmem>>[vector<16xi32>], vector<16xf32>, vector<16xi1>
        %scan3A_444 = arith.constant 0 : i32
        %scan3A_445 = arith.constant 100 : i32
        %scan3A_446 = arith.addi %scan3A_444, %scan3A_445 : i32
        %scan3A_447 = arith.constant 4 : i32
        %scan3A_448:17 = scf.for %scan3A_542 = %scan3A_444 to %scan3A_446 step %scan3A_447 iter_args(%scan3A_543 = %broadcast_in_dim3A_6, %scan3A_544 = %broadcast_in_dim3A_6, %scan3A_545 = %broadcast_in_dim3A_6, %scan3A_546 = %broadcast_in_dim3A_6, %scan3A_547 = %broadcast_in_dim3A_6, %scan3A_548 = %broadcast_in_dim3A_6, %scan3A_549 = %broadcast_in_dim3A_6, %scan3A_550 = %broadcast_in_dim3A_6, %scan3A_551 = %broadcast_in_dim3A_6, %scan3A_552 = %broadcast_in_dim3A_6, %scan3A_553 = %broadcast_in_dim3A_6, %scan3A_554 = %broadcast_in_dim3A_6, %scan3A_555 = %broadcast_in_dim3A_6, %scan3A_556 = %broadcast_in_dim3A_6, %scan3A_557 = %broadcast_in_dim3A_6, %scan3A_558 = %broadcast_in_dim3A_6, %scan3A_559 = %broadcast_in_dim3A_6) -> (vector<16xf32>, vector<16xf32>, vector<16xf32>, vector<16xf32>, vector<16xf32>, vector<16xf32>, vector<16xf32>, vector<16xf32>, vector<16xf32>, vector<16xf32>, vector<16xf32>, vector<16xf32>, vector<16xf32>, vector<16xf32>, vector<16xf32>, vector<16xf32>, vector<16xf32>)  : i32 {
          %add3A_560 = arith.constant 200 : i32
          %add3A_561 = arith.addi %add3A_560, %scan3A_542 : i32
          %get3A_562 = arith.constant 1 : i32
          %get3A_563 = arith.index_cast %get3A_562 : i32 to index
          %get3A_564 = arith.index_cast %add3A_561 : i32 to index
          %get3A_565 = arith.constant 0 : index
          %get3A_566 = tpu.vector_load %arg7[%get3A_563, %get3A_564, %get3A_565] {strides = array<i32>} : memref<2x400x144xf32, #tpu.memory_space<vmem>>, vector<16xf32>,
          %add3A_567 = arith.addf %scan3A_543, %get3A_566 : vector<16xf32>
          %mul3A_568 = arith.mulf %get3A_566, %get3A_566 : vector<16xf32>
          %add3A_569 = arith.addf %scan3A_551, %mul3A_568 : vector<16xf32>
          %get3A_570 = arith.constant 1 : i32
          %get3A_571 = arith.index_cast %get3A_570 : i32 to index
          %get3A_572 = arith.index_cast %add3A_561 : i32 to index
          %get3A_573 = arith.constant 16 : index
          %get3A_574 = tpu.vector_load %arg7[%get3A_571, %get3A_572, %get3A_573] {strides = array<i32>} : memref<2x400x144xf32, #tpu.memory_space<vmem>>, vector<16xf32>,
          %add3A_575 = arith.addf %scan3A_544, %get3A_574 : vector<16xf32>
          %mul3A_576 = arith.mulf %get3A_574, %get3A_574 : vector<16xf32>
          %add3A_577 = arith.addf %scan3A_552, %mul3A_576 : vector<16xf32>
          %get3A_578 = arith.constant 1 : i32
          %get3A_579 = arith.index_cast %get3A_578 : i32 to index
          %get3A_580 = arith.index_cast %add3A_561 : i32 to index
          %get3A_581 = arith.constant 32 : index
          %get3A_582 = tpu.vector_load %arg7[%get3A_579, %get3A_580, %get3A_581] {strides = array<i32>} : memref<2x400x144xf32, #tpu.memory_space<vmem>>, vector<16xf32>,
          %add3A_583 = arith.addf %scan3A_545, %get3A_582 : vector<16xf32>
          %mul3A_584 = arith.mulf %get3A_582, %get3A_582 : vector<16xf32>
          %add3A_585 = arith.addf %scan3A_553, %mul3A_584 : vector<16xf32>
          %get3A_586 = arith.constant 1 : i32
          %get3A_587 = arith.index_cast %get3A_586 : i32 to index
          %get3A_588 = arith.index_cast %add3A_561 : i32 to index
          %get3A_589 = arith.constant 48 : index
          %get3A_590 = tpu.vector_load %arg7[%get3A_587, %get3A_588, %get3A_589] {strides = array<i32>} : memref<2x400x144xf32, #tpu.memory_space<vmem>>, vector<16xf32>,
          %add3A_591 = arith.addf %scan3A_546, %get3A_590 : vector<16xf32>
          %mul3A_592 = arith.mulf %get3A_590, %get3A_590 : vector<16xf32>
          %add3A_593 = arith.addf %scan3A_554, %mul3A_592 : vector<16xf32>
          %get3A_594 = arith.constant 1 : i32
          %get3A_595 = arith.index_cast %get3A_594 : i32 to index
          %get3A_596 = arith.index_cast %add3A_561 : i32 to index
          %get3A_597 = arith.constant 64 : index
          %get3A_598 = tpu.vector_load %arg7[%get3A_595, %get3A_596, %get3A_597] {strides = array<i32>} : memref<2x400x144xf32, #tpu.memory_space<vmem>>, vector<16xf32>,
          %add3A_599 = arith.addf %scan3A_547, %get3A_598 : vector<16xf32>
          %mul3A_600 = arith.mulf %get3A_598, %get3A_598 : vector<16xf32>
          %add3A_601 = arith.addf %scan3A_555, %mul3A_600 : vector<16xf32>
          %get3A_602 = arith.constant 1 : i32
          %get3A_603 = arith.index_cast %get3A_602 : i32 to index
          %get3A_604 = arith.index_cast %add3A_561 : i32 to index
          %get3A_605 = arith.constant 80 : index
          %get3A_606 = tpu.vector_load %arg7[%get3A_603, %get3A_604, %get3A_605] {strides = array<i32>} : memref<2x400x144xf32, #tpu.memory_space<vmem>>, vector<16xf32>,
          %add3A_607 = arith.addf %scan3A_548, %get3A_606 : vector<16xf32>
          %mul3A_608 = arith.mulf %get3A_606, %get3A_606 : vector<16xf32>
          %add3A_609 = arith.addf %scan3A_556, %mul3A_608 : vector<16xf32>
          %get3A_610 = arith.constant 1 : i32
          %get3A_611 = arith.index_cast %get3A_610 : i32 to index
          %get3A_612 = arith.index_cast %add3A_561 : i32 to index
          %get3A_613 = arith.constant 96 : index
          %get3A_614 = tpu.vector_load %arg7[%get3A_611, %get3A_612, %get3A_613] {strides = array<i32>} : memref<2x400x144xf32, #tpu.memory_space<vmem>>, vector<16xf32>,
          %add3A_615 = arith.addf %scan3A_549, %get3A_614 : vector<16xf32>
          %mul3A_616 = arith.mulf %get3A_614, %get3A_614 : vector<16xf32>
          %add3A_617 = arith.addf %scan3A_557, %mul3A_616 : vector<16xf32>
          %get3A_618 = arith.constant 1 : i32
          %get3A_619 = arith.index_cast %get3A_618 : i32 to index
          %get3A_620 = arith.index_cast %add3A_561 : i32 to index
          %get3A_621 = arith.constant 112 : index
          %get3A_622 = tpu.vector_load %arg7[%get3A_619, %get3A_620, %get3A_621] {strides = array<i32>} : memref<2x400x144xf32, #tpu.memory_space<vmem>>, vector<16xf32>,
          %add3A_623 = arith.addf %scan3A_550, %get3A_622 : vector<16xf32>
          %mul3A_624 = arith.mulf %get3A_622, %get3A_622 : vector<16xf32>
          %add3A_625 = arith.addf %scan3A_558, %mul3A_624 : vector<16xf32>
          %get3A_626 = arith.constant 1 : i32
          %get3A_627 = arith.index_cast %get3A_626 : i32 to index
          %get3A_628 = arith.index_cast %add3A_561 : i32 to index
          %get3A_629 = arith.constant 128 : index
          %get3A_630 = tpu.vector_load %arg7[%get3A_627, %get3A_628, %get3A_629] {strides = array<i32>} : memref<2x400x144xf32, #tpu.memory_space<vmem>>, vector<16xf32>,
          %add3A_631 = arith.addf %scan3A_559, %get3A_630 : vector<16xf32>
          %scan3A_632 = arith.constant 1 : i32
          %scan3A_633 = arith.addi %scan3A_542, %scan3A_632 : i32
          %add3A_634 = arith.constant 200 : i32
          %add3A_635 = arith.addi %add3A_634, %scan3A_633 : i32
          %get3A_636 = arith.constant 1 : i32
          %get3A_637 = arith.index_cast %get3A_636 : i32 to index
          %get3A_638 = arith.index_cast %add3A_635 : i32 to index
          %get3A_639 = arith.constant 0 : index
          %get3A_640 = tpu.vector_load %arg7[%get3A_637, %get3A_638, %get3A_639] {strides = array<i32>} : memref<2x400x144xf32, #tpu.memory_space<vmem>>, vector<16xf32>,
          %add3A_641 = arith.addf %add3A_567, %get3A_640 : vector<16xf32>
          %mul3A_642 = arith.mulf %get3A_640, %get3A_640 : vector<16xf32>
          %add3A_643 = arith.addf %add3A_569, %mul3A_642 : vector<16xf32>
          %get3A_644 = arith.constant 1 : i32
          %get3A_645 = arith.index_cast %get3A_644 : i32 to index
          %get3A_646 = arith.index_cast %add3A_635 : i32 to index
          %get3A_647 = arith.constant 16 : index
          %get3A_648 = tpu.vector_load %arg7[%get3A_645, %get3A_646, %get3A_647] {strides = array<i32>} : memref<2x400x144xf32, #tpu.memory_space<vmem>>, vector<16xf32>,
          %add3A_649 = arith.addf %add3A_575, %get3A_648 : vector<16xf32>
          %mul3A_650 = arith.mulf %get3A_648, %get3A_648 : vector<16xf32>
          %add3A_651 = arith.addf %add3A_577, %mul3A_650 : vector<16xf32>
          %get3A_652 = arith.constant 1 : i32
          %get3A_653 = arith.index_cast %get3A_652 : i32 to index
          %get3A_654 = arith.index_cast %add3A_635 : i32 to index
          %get3A_655 = arith.constant 32 : index
          %get3A_656 = tpu.vector_load %arg7[%get3A_653, %get3A_654, %get3A_655] {strides = array<i32>} : memref<2x400x144xf32, #tpu.memory_space<vmem>>, vector<16xf32>,
          %add3A_657 = arith.addf %add3A_583, %get3A_656 : vector<16xf32>
          %mul3A_658 = arith.mulf %get3A_656, %get3A_656 : vector<16xf32>
          %add3A_659 = arith.addf %add3A_585, %mul3A_658 : vector<16xf32>
          %get3A_660 = arith.constant 1 : i32
          %get3A_661 = arith.index_cast %get3A_660 : i32 to index
          %get3A_662 = arith.index_cast %add3A_635 : i32 to index
          %get3A_663 = arith.constant 48 : index
          %get3A_664 = tpu.vector_load %arg7[%get3A_661, %get3A_662, %get3A_663] {strides = array<i32>} : memref<2x400x144xf32, #tpu.memory_space<vmem>>, vector<16xf32>,
          %add3A_665 = arith.addf %add3A_591, %get3A_664 : vector<16xf32>
          %mul3A_666 = arith.mulf %get3A_664, %get3A_664 : vector<16xf32>
          %add3A_667 = arith.addf %add3A_593, %mul3A_666 : vector<16xf32>
          %get3A_668 = arith.constant 1 : i32
          %get3A_669 = arith.index_cast %get3A_668 : i32 to index
          %get3A_670 = arith.index_cast %add3A_635 : i32 to index
          %get3A_671 = arith.constant 64 : index
          %get3A_672 = tpu.vector_load %arg7[%get3A_669, %get3A_670, %get3A_671] {strides = array<i32>} : memref<2x400x144xf32, #tpu.memory_space<vmem>>, vector<16xf32>,
          %add3A_673 = arith.addf %add3A_599, %get3A_672 : vector<16xf32>
          %mul3A_674 = arith.mulf %get3A_672, %get3A_672 : vector<16xf32>
          %add3A_675 = arith.addf %add3A_601, %mul3A_674 : vector<16xf32>
          %get3A_676 = arith.constant 1 : i32
          %get3A_677 = arith.index_cast %get3A_676 : i32 to index
          %get3A_678 = arith.index_cast %add3A_635 : i32 to index
          %get3A_679 = arith.constant 80 : index
          %get3A_680 = tpu.vector_load %arg7[%get3A_677, %get3A_678, %get3A_679] {strides = array<i32>} : memref<2x400x144xf32, #tpu.memory_space<vmem>>, vector<16xf32>,
          %add3A_681 = arith.addf %add3A_607, %get3A_680 : vector<16xf32>
          %mul3A_682 = arith.mulf %get3A_680, %get3A_680 : vector<16xf32>
          %add3A_683 = arith.addf %add3A_609, %mul3A_682 : vector<16xf32>
          %get3A_684 = arith.constant 1 : i32
          %get3A_685 = arith.index_cast %get3A_684 : i32 to index
          %get3A_686 = arith.index_cast %add3A_635 : i32 to index
          %get3A_687 = arith.constant 96 : index
          %get3A_688 = tpu.vector_load %arg7[%get3A_685, %get3A_686, %get3A_687] {strides = array<i32>} : memref<2x400x144xf32, #tpu.memory_space<vmem>>, vector<16xf32>,
          %add3A_689 = arith.addf %add3A_615, %get3A_688 : vector<16xf32>
          %mul3A_690 = arith.mulf %get3A_688, %get3A_688 : vector<16xf32>
          %add3A_691 = arith.addf %add3A_617, %mul3A_690 : vector<16xf32>
          %get3A_692 = arith.constant 1 : i32
          %get3A_693 = arith.index_cast %get3A_692 : i32 to index
          %get3A_694 = arith.index_cast %add3A_635 : i32 to index
          %get3A_695 = arith.constant 112 : index
          %get3A_696 = tpu.vector_load %arg7[%get3A_693, %get3A_694, %get3A_695] {strides = array<i32>} : memref<2x400x144xf32, #tpu.memory_space<vmem>>, vector<16xf32>,
          %add3A_697 = arith.addf %add3A_623, %get3A_696 : vector<16xf32>
          %mul3A_698 = arith.mulf %get3A_696, %get3A_696 : vector<16xf32>
          %add3A_699 = arith.addf %add3A_625, %mul3A_698 : vector<16xf32>
          %get3A_700 = arith.constant 1 : i32
          %get3A_701 = arith.index_cast %get3A_700 : i32 to index
          %get3A_702 = arith.index_cast %add3A_635 : i32 to index
          %get3A_703 = arith.constant 128 : index
          %get3A_704 = tpu.vector_load %arg7[%get3A_701, %get3A_702, %get3A_703] {strides = array<i32>} : memref<2x400x144xf32, #tpu.memory_space<vmem>>, vector<16xf32>,
          %add3A_705 = arith.addf %add3A_631, %get3A_704 : vector<16xf32>
          %scan3A_706 = arith.constant 2 : i32
          %scan3A_707 = arith.addi %scan3A_542, %scan3A_706 : i32
          %add3A_708 = arith.constant 200 : i32
          %add3A_709 = arith.addi %add3A_708, %scan3A_707 : i32
          %get3A_710 = arith.constant 1 : i32
          %get3A_711 = arith.index_cast %get3A_710 : i32 to index
          %get3A_712 = arith.index_cast %add3A_709 : i32 to index
          %get3A_713 = arith.constant 0 : index
          %get3A_714 = tpu.vector_load %arg7[%get3A_711, %get3A_712, %get3A_713] {strides = array<i32>} : memref<2x400x144xf32, #tpu.memory_space<vmem>>, vector<16xf32>,
          %add3A_715 = arith.addf %add3A_641, %get3A_714 : vector<16xf32>
          %mul3A_716 = arith.mulf %get3A_714, %get3A_714 : vector<16xf32>
          %add3A_717 = arith.addf %add3A_643, %mul3A_716 : vector<16xf32>
          %get3A_718 = arith.constant 1 : i32
          %get3A_719 = arith.index_cast %get3A_718 : i32 to index
          %get3A_720 = arith.index_cast %add3A_709 : i32 to index
          %get3A_721 = arith.constant 16 : index
          %get3A_722 = tpu.vector_load %arg7[%get3A_719, %get3A_720, %get3A_721] {strides = array<i32>} : memref<2x400x144xf32, #tpu.memory_space<vmem>>, vector<16xf32>,
          %add3A_723 = arith.addf %add3A_649, %get3A_722 : vector<16xf32>
          %mul3A_724 = arith.mulf %get3A_722, %get3A_722 : vector<16xf32>
          %add3A_725 = arith.addf %add3A_651, %mul3A_724 : vector<16xf32>
          %get3A_726 = arith.constant 1 : i32
          %get3A_727 = arith.index_cast %get3A_726 : i32 to index
          %get3A_728 = arith.index_cast %add3A_709 : i32 to index
          %get3A_729 = arith.constant 32 : index
          %get3A_730 = tpu.vector_load %arg7[%get3A_727, %get3A_728, %get3A_729] {strides = array<i32>} : memref<2x400x144xf32, #tpu.memory_space<vmem>>, vector<16xf32>,
          %add3A_731 = arith.addf %add3A_657, %get3A_730 : vector<16xf32>
          %mul3A_732 = arith.mulf %get3A_730, %get3A_730 : vector<16xf32>
          %add3A_733 = arith.addf %add3A_659, %mul3A_732 : vector<16xf32>
          %get3A_734 = arith.constant 1 : i32
          %get3A_735 = arith.index_cast %get3A_734 : i32 to index
          %get3A_736 = arith.index_cast %add3A_709 : i32 to index
          %get3A_737 = arith.constant 48 : index
          %get3A_738 = tpu.vector_load %arg7[%get3A_735, %get3A_736, %get3A_737] {strides = array<i32>} : memref<2x400x144xf32, #tpu.memory_space<vmem>>, vector<16xf32>,
          %add3A_739 = arith.addf %add3A_665, %get3A_738 : vector<16xf32>
          %mul3A_740 = arith.mulf %get3A_738, %get3A_738 : vector<16xf32>
          %add3A_741 = arith.addf %add3A_667, %mul3A_740 : vector<16xf32>
          %get3A_742 = arith.constant 1 : i32
          %get3A_743 = arith.index_cast %get3A_742 : i32 to index
          %get3A_744 = arith.index_cast %add3A_709 : i32 to index
          %get3A_745 = arith.constant 64 : index
          %get3A_746 = tpu.vector_load %arg7[%get3A_743, %get3A_744, %get3A_745] {strides = array<i32>} : memref<2x400x144xf32, #tpu.memory_space<vmem>>, vector<16xf32>,
          %add3A_747 = arith.addf %add3A_673, %get3A_746 : vector<16xf32>
          %mul3A_748 = arith.mulf %get3A_746, %get3A_746 : vector<16xf32>
          %add3A_749 = arith.addf %add3A_675, %mul3A_748 : vector<16xf32>
          %get3A_750 = arith.constant 1 : i32
          %get3A_751 = arith.index_cast %get3A_750 : i32 to index
          %get3A_752 = arith.index_cast %add3A_709 : i32 to index
          %get3A_753 = arith.constant 80 : index
          %get3A_754 = tpu.vector_load %arg7[%get3A_751, %get3A_752, %get3A_753] {strides = array<i32>} : memref<2x400x144xf32, #tpu.memory_space<vmem>>, vector<16xf32>,
          %add3A_755 = arith.addf %add3A_681, %get3A_754 : vector<16xf32>
          %mul3A_756 = arith.mulf %get3A_754, %get3A_754 : vector<16xf32>
          %add3A_757 = arith.addf %add3A_683, %mul3A_756 : vector<16xf32>
          %get3A_758 = arith.constant 1 : i32
          %get3A_759 = arith.index_cast %get3A_758 : i32 to index
          %get3A_760 = arith.index_cast %add3A_709 : i32 to index
          %get3A_761 = arith.constant 96 : index
          %get3A_762 = tpu.vector_load %arg7[%get3A_759, %get3A_760, %get3A_761] {strides = array<i32>} : memref<2x400x144xf32, #tpu.memory_space<vmem>>, vector<16xf32>,
          %add3A_763 = arith.addf %add3A_689, %get3A_762 : vector<16xf32>
          %mul3A_764 = arith.mulf %get3A_762, %get3A_762 : vector<16xf32>
          %add3A_765 = arith.addf %add3A_691, %mul3A_764 : vector<16xf32>
          %get3A_766 = arith.constant 1 : i32
          %get3A_767 = arith.index_cast %get3A_766 : i32 to index
          %get3A_768 = arith.index_cast %add3A_709 : i32 to index
          %get3A_769 = arith.constant 112 : index
          %get3A_770 = tpu.vector_load %arg7[%get3A_767, %get3A_768, %get3A_769] {strides = array<i32>} : memref<2x400x144xf32, #tpu.memory_space<vmem>>, vector<16xf32>,
          %add3A_771 = arith.addf %add3A_697, %get3A_770 : vector<16xf32>
          %mul3A_772 = arith.mulf %get3A_770, %get3A_770 : vector<16xf32>
          %add3A_773 = arith.addf %add3A_699, %mul3A_772 : vector<16xf32>
          %get3A_774 = arith.constant 1 : i32
          %get3A_775 = arith.index_cast %get3A_774 : i32 to index
          %get3A_776 = arith.index_cast %add3A_709 : i32 to index
          %get3A_777 = arith.constant 128 : index
          %get3A_778 = tpu.vector_load %arg7[%get3A_775, %get3A_776, %get3A_777] {strides = array<i32>} : memref<2x400x144xf32, #tpu.memory_space<vmem>>, vector<16xf32>,
          %add3A_779 = arith.addf %add3A_705, %get3A_778 : vector<16xf32>
          %scan3A_780 = arith.constant 3 : i32
          %scan3A_781 = arith.addi %scan3A_542, %scan3A_780 : i32
          %add3A_782 = arith.constant 200 : i32
          %add3A_783 = arith.addi %add3A_782, %scan3A_781 : i32
          %get3A_784 = arith.constant 1 : i32
          %get3A_785 = arith.index_cast %get3A_784 : i32 to index
          %get3A_786 = arith.index_cast %add3A_783 : i32 to index
          %get3A_787 = arith.constant 0 : index
          %get3A_788 = tpu.vector_load %arg7[%get3A_785, %get3A_786, %get3A_787] {strides = array<i32>} : memref<2x400x144xf32, #tpu.memory_space<vmem>>, vector<16xf32>,
          %add3A_789 = arith.addf %add3A_715, %get3A_788 : vector<16xf32>
          %mul3A_790 = arith.mulf %get3A_788, %get3A_788 : vector<16xf32>
          %add3A_791 = arith.addf %add3A_717, %mul3A_790 : vector<16xf32>
          %get3A_792 = arith.constant 1 : i32
          %get3A_793 = arith.index_cast %get3A_792 : i32 to index
          %get3A_794 = arith.index_cast %add3A_783 : i32 to index
          %get3A_795 = arith.constant 16 : index
          %get3A_796 = tpu.vector_load %arg7[%get3A_793, %get3A_794, %get3A_795] {strides = array<i32>} : memref<2x400x144xf32, #tpu.memory_space<vmem>>, vector<16xf32>,
          %add3A_797 = arith.addf %add3A_723, %get3A_796 : vector<16xf32>
          %mul3A_798 = arith.mulf %get3A_796, %get3A_796 : vector<16xf32>
          %add3A_799 = arith.addf %add3A_725, %mul3A_798 : vector<16xf32>
          %get3A_800 = arith.constant 1 : i32
          %get3A_801 = arith.index_cast %get3A_800 : i32 to index
          %get3A_802 = arith.index_cast %add3A_783 : i32 to index
          %get3A_803 = arith.constant 32 : index
          %get3A_804 = tpu.vector_load %arg7[%get3A_801, %get3A_802, %get3A_803] {strides = array<i32>} : memref<2x400x144xf32, #tpu.memory_space<vmem>>, vector<16xf32>,
          %add3A_805 = arith.addf %add3A_731, %get3A_804 : vector<16xf32>
          %mul3A_806 = arith.mulf %get3A_804, %get3A_804 : vector<16xf32>
          %add3A_807 = arith.addf %add3A_733, %mul3A_806 : vector<16xf32>
          %get3A_808 = arith.constant 1 : i32
          %get3A_809 = arith.index_cast %get3A_808 : i32 to index
          %get3A_810 = arith.index_cast %add3A_783 : i32 to index
          %get3A_811 = arith.constant 48 : index
          %get3A_812 = tpu.vector_load %arg7[%get3A_809, %get3A_810, %get3A_811] {strides = array<i32>} : memref<2x400x144xf32, #tpu.memory_space<vmem>>, vector<16xf32>,
          %add3A_813 = arith.addf %add3A_739, %get3A_812 : vector<16xf32>
          %mul3A_814 = arith.mulf %get3A_812, %get3A_812 : vector<16xf32>
          %add3A_815 = arith.addf %add3A_741, %mul3A_814 : vector<16xf32>
          %get3A_816 = arith.constant 1 : i32
          %get3A_817 = arith.index_cast %get3A_816 : i32 to index
          %get3A_818 = arith.index_cast %add3A_783 : i32 to index
          %get3A_819 = arith.constant 64 : index
          %get3A_820 = tpu.vector_load %arg7[%get3A_817, %get3A_818, %get3A_819] {strides = array<i32>} : memref<2x400x144xf32, #tpu.memory_space<vmem>>, vector<16xf32>,
          %add3A_821 = arith.addf %add3A_747, %get3A_820 : vector<16xf32>
          %mul3A_822 = arith.mulf %get3A_820, %get3A_820 : vector<16xf32>
          %add3A_823 = arith.addf %add3A_749, %mul3A_822 : vector<16xf32>
          %get3A_824 = arith.constant 1 : i32
          %get3A_825 = arith.index_cast %get3A_824 : i32 to index
          %get3A_826 = arith.index_cast %add3A_783 : i32 to index
          %get3A_827 = arith.constant 80 : index
          %get3A_828 = tpu.vector_load %arg7[%get3A_825, %get3A_826, %get3A_827] {strides = array<i32>} : memref<2x400x144xf32, #tpu.memory_space<vmem>>, vector<16xf32>,
          %add3A_829 = arith.addf %add3A_755, %get3A_828 : vector<16xf32>
          %mul3A_830 = arith.mulf %get3A_828, %get3A_828 : vector<16xf32>
          %add3A_831 = arith.addf %add3A_757, %mul3A_830 : vector<16xf32>
          %get3A_832 = arith.constant 1 : i32
          %get3A_833 = arith.index_cast %get3A_832 : i32 to index
          %get3A_834 = arith.index_cast %add3A_783 : i32 to index
          %get3A_835 = arith.constant 96 : index
          %get3A_836 = tpu.vector_load %arg7[%get3A_833, %get3A_834, %get3A_835] {strides = array<i32>} : memref<2x400x144xf32, #tpu.memory_space<vmem>>, vector<16xf32>,
          %add3A_837 = arith.addf %add3A_763, %get3A_836 : vector<16xf32>
          %mul3A_838 = arith.mulf %get3A_836, %get3A_836 : vector<16xf32>
          %add3A_839 = arith.addf %add3A_765, %mul3A_838 : vector<16xf32>
          %get3A_840 = arith.constant 1 : i32
          %get3A_841 = arith.index_cast %get3A_840 : i32 to index
          %get3A_842 = arith.index_cast %add3A_783 : i32 to index
          %get3A_843 = arith.constant 112 : index
          %get3A_844 = tpu.vector_load %arg7[%get3A_841, %get3A_842, %get3A_843] {strides = array<i32>} : memref<2x400x144xf32, #tpu.memory_space<vmem>>, vector<16xf32>,
          %add3A_845 = arith.addf %add3A_771, %get3A_844 : vector<16xf32>
          %mul3A_846 = arith.mulf %get3A_844, %get3A_844 : vector<16xf32>
          %add3A_847 = arith.addf %add3A_773, %mul3A_846 : vector<16xf32>
          %get3A_848 = arith.constant 1 : i32
          %get3A_849 = arith.index_cast %get3A_848 : i32 to index
          %get3A_850 = arith.index_cast %add3A_783 : i32 to index
          %get3A_851 = arith.constant 128 : index
          %get3A_852 = tpu.vector_load %arg7[%get3A_849, %get3A_850, %get3A_851] {strides = array<i32>} : memref<2x400x144xf32, #tpu.memory_space<vmem>>, vector<16xf32>,
          %add3A_853 = arith.addf %add3A_779, %get3A_852 : vector<16xf32>
          scf.yield %add3A_789, %add3A_797, %add3A_805, %add3A_813, %add3A_821, %add3A_829, %add3A_837, %add3A_845, %add3A_791, %add3A_799, %add3A_807, %add3A_815, %add3A_823, %add3A_831, %add3A_839, %add3A_847, %add3A_853 : vector<16xf32>, vector<16xf32>, vector<16xf32>, vector<16xf32>, vector<16xf32>, vector<16xf32>, vector<16xf32>, vector<16xf32>, vector<16xf32>, vector<16xf32>, vector<16xf32>, vector<16xf32>, vector<16xf32>, vector<16xf32>, vector<16xf32>, vector<16xf32>, vector<16xf32>
        }
        %scan3A_449 = arith.constant 100 : i32
        %mul3A_450 = arith.mulf %scan3A_448#0, %scan3A_448#0 : vector<16xf32>
        %add3A_451 = arith.addf %broadcast_in_dim3A_6, %mul3A_450 : vector<16xf32>
        %add3A_452 = arith.addf %broadcast_in_dim3A_6, %scan3A_448#8 : vector<16xf32>
        %mul3A_453 = arith.mulf %scan3A_448#1, %scan3A_448#1 : vector<16xf32>
        %add3A_454 = arith.addf %add3A_451, %mul3A_453 : vector<16xf32>
        %add3A_455 = arith.addf %add3A_452, %scan3A_448#9 : vector<16xf32>
        %mul3A_456 = arith.mulf %scan3A_448#2, %scan3A_448#2 : vector<16xf32>
        %add3A_457 = arith.addf %add3A_454, %mul3A_456 : vector<16xf32>
        %add3A_458 = arith.addf %add3A_455, %scan3A_448#10 : vector<16xf32>
        %mul3A_459 = arith.mulf %scan3A_448#3, %scan3A_448#3 : vector<16xf32>
        %add3A_460 = arith.addf %add3A_457, %mul3A_459 : vector<16xf32>
        %add3A_461 = arith.addf %add3A_458, %scan3A_448#11 : vector<16xf32>
        %mul3A_462 = arith.mulf %scan3A_448#4, %scan3A_448#4 : vector<16xf32>
        %add3A_463 = arith.addf %add3A_460, %mul3A_462 : vector<16xf32>
        %add3A_464 = arith.addf %add3A_461, %scan3A_448#12 : vector<16xf32>
        %mul3A_465 = arith.mulf %scan3A_448#5, %scan3A_448#5 : vector<16xf32>
        %add3A_466 = arith.addf %add3A_463, %mul3A_465 : vector<16xf32>
        %add3A_467 = arith.addf %add3A_464, %scan3A_448#13 : vector<16xf32>
        %mul3A_468 = arith.mulf %scan3A_448#6, %scan3A_448#6 : vector<16xf32>
        %add3A_469 = arith.addf %add3A_466, %mul3A_468 : vector<16xf32>
        %add3A_470 = arith.addf %add3A_467, %scan3A_448#14 : vector<16xf32>
        %mul3A_471 = arith.mulf %scan3A_448#7, %scan3A_448#7 : vector<16xf32>
        %add3A_472 = arith.addf %add3A_469, %mul3A_471 : vector<16xf32>
        %add3A_473 = arith.addf %add3A_470, %scan3A_448#15 : vector<16xf32>
        %sub3A_474 = arith.subf %add3A_472, %add3A_473 : vector<16xf32>
        %mul3A_475 = arith.constant 5.000000e-01 : f32
        %mul3A_476 = vector.broadcast %mul3A_475 : f32 to vector<16xf32>
        %mul3A_477 = arith.mulf %mul3A_476, %sub3A_474 : vector<16xf32>
        %add3A_478 = arith.addf %scan3A_448#16, %mul3A_477 : vector<16xf32>
        %reduce_sum3A_479 = arith.constant true
        %reduce_sum3A_480 = vector.broadcast %reduce_sum3A_479 : i1 to vector<16xi1>
        %reduce_sum3A_481 = tpu.scan <sum>, %add3A_478 masked %reduce_sum3A_480 : vector<16xf32>, vector<16xi1> -> vector<16xf32>
        %reduce_sum3A_482 = vector.extract %reduce_sum3A_481[15] : f32 from vector<16xf32>
        %add3A_483 = arith.addf %reduce_sum3A_482, %squeeze3A : f32
        %mul3A_484 = arith.constant 4 : i32
        %mul3A_485 = arith.muli %add3A_345, %mul3A_484 : i32
        %add3A_486 = arith.constant 2 : i32
        %add3A_487 = arith.addi %mul3A_485, %add3A_486 : i32
        %broadcast_in_dim3A_488 = vector.broadcast %add3A_487 : i32 to vector<16xi32>
        %broadcast_in_dim3A_489 = vector.broadcast %add3A_483 : f32 to vector<16xf32>
        %eq3A_490 = arith.constant 0 : i32
        %eq3A_491 = vector.broadcast %eq3A_490 : i32 to vector<16xi32>
        %eq3A_492 = arith.cmpi eq, %iota3A, %eq3A_491 : vector<16xi32>
        tpu.vector_store_idx %arg8[%broadcast_in_dim3A_488], %broadcast_in_dim3A_489 masked %eq3A_492 : memref<512xf32, #tpu.memory_space<vmem>>[vector<16xi32>], vector<16xf32>, vector<16xi1>
        %scan3A_493 = arith.constant 0 : i32
        %scan3A_494 = arith.constant 100 : i32
        %scan3A_495 = arith.addi %scan3A_493, %scan3A_494 : i32
        %scan3A_496 = arith.constant 4 : i32
        %scan3A_497:17 = scf.for %scan3A_542 = %scan3A_493 to %scan3A_495 step %scan3A_496 iter_args(%scan3A_543 = %broadcast_in_dim3A_6, %scan3A_544 = %broadcast_in_dim3A_6, %scan3A_545 = %broadcast_in_dim3A_6, %scan3A_546 = %broadcast_in_dim3A_6, %scan3A_547 = %broadcast_in_dim3A_6, %scan3A_548 = %broadcast_in_dim3A_6, %scan3A_549 = %broadcast_in_dim3A_6, %scan3A_550 = %broadcast_in_dim3A_6, %scan3A_551 = %broadcast_in_dim3A_6, %scan3A_552 = %broadcast_in_dim3A_6, %scan3A_553 = %broadcast_in_dim3A_6, %scan3A_554 = %broadcast_in_dim3A_6, %scan3A_555 = %broadcast_in_dim3A_6, %scan3A_556 = %broadcast_in_dim3A_6, %scan3A_557 = %broadcast_in_dim3A_6, %scan3A_558 = %broadcast_in_dim3A_6, %scan3A_559 = %broadcast_in_dim3A_6) -> (vector<16xf32>, vector<16xf32>, vector<16xf32>, vector<16xf32>, vector<16xf32>, vector<16xf32>, vector<16xf32>, vector<16xf32>, vector<16xf32>, vector<16xf32>, vector<16xf32>, vector<16xf32>, vector<16xf32>, vector<16xf32>, vector<16xf32>, vector<16xf32>, vector<16xf32>)  : i32 {
          %add3A_560 = arith.constant 300 : i32
          %add3A_561 = arith.addi %add3A_560, %scan3A_542 : i32
          %get3A_562 = arith.constant 1 : i32
          %get3A_563 = arith.index_cast %get3A_562 : i32 to index
          %get3A_564 = arith.index_cast %add3A_561 : i32 to index
          %get3A_565 = arith.constant 0 : index
          %get3A_566 = tpu.vector_load %arg7[%get3A_563, %get3A_564, %get3A_565] {strides = array<i32>} : memref<2x400x144xf32, #tpu.memory_space<vmem>>, vector<16xf32>,
          %add3A_567 = arith.addf %scan3A_543, %get3A_566 : vector<16xf32>
          %mul3A_568 = arith.mulf %get3A_566, %get3A_566 : vector<16xf32>
          %add3A_569 = arith.addf %scan3A_551, %mul3A_568 : vector<16xf32>
          %get3A_570 = arith.constant 1 : i32
          %get3A_571 = arith.index_cast %get3A_570 : i32 to index
          %get3A_572 = arith.index_cast %add3A_561 : i32 to index
          %get3A_573 = arith.constant 16 : index
          %get3A_574 = tpu.vector_load %arg7[%get3A_571, %get3A_572, %get3A_573] {strides = array<i32>} : memref<2x400x144xf32, #tpu.memory_space<vmem>>, vector<16xf32>,
          %add3A_575 = arith.addf %scan3A_544, %get3A_574 : vector<16xf32>
          %mul3A_576 = arith.mulf %get3A_574, %get3A_574 : vector<16xf32>
          %add3A_577 = arith.addf %scan3A_552, %mul3A_576 : vector<16xf32>
          %get3A_578 = arith.constant 1 : i32
          %get3A_579 = arith.index_cast %get3A_578 : i32 to index
          %get3A_580 = arith.index_cast %add3A_561 : i32 to index
          %get3A_581 = arith.constant 32 : index
          %get3A_582 = tpu.vector_load %arg7[%get3A_579, %get3A_580, %get3A_581] {strides = array<i32>} : memref<2x400x144xf32, #tpu.memory_space<vmem>>, vector<16xf32>,
          %add3A_583 = arith.addf %scan3A_545, %get3A_582 : vector<16xf32>
          %mul3A_584 = arith.mulf %get3A_582, %get3A_582 : vector<16xf32>
          %add3A_585 = arith.addf %scan3A_553, %mul3A_584 : vector<16xf32>
          %get3A_586 = arith.constant 1 : i32
          %get3A_587 = arith.index_cast %get3A_586 : i32 to index
          %get3A_588 = arith.index_cast %add3A_561 : i32 to index
          %get3A_589 = arith.constant 48 : index
          %get3A_590 = tpu.vector_load %arg7[%get3A_587, %get3A_588, %get3A_589] {strides = array<i32>} : memref<2x400x144xf32, #tpu.memory_space<vmem>>, vector<16xf32>,
          %add3A_591 = arith.addf %scan3A_546, %get3A_590 : vector<16xf32>
          %mul3A_592 = arith.mulf %get3A_590, %get3A_590 : vector<16xf32>
          %add3A_593 = arith.addf %scan3A_554, %mul3A_592 : vector<16xf32>
          %get3A_594 = arith.constant 1 : i32
          %get3A_595 = arith.index_cast %get3A_594 : i32 to index
          %get3A_596 = arith.index_cast %add3A_561 : i32 to index
          %get3A_597 = arith.constant 64 : index
          %get3A_598 = tpu.vector_load %arg7[%get3A_595, %get3A_596, %get3A_597] {strides = array<i32>} : memref<2x400x144xf32, #tpu.memory_space<vmem>>, vector<16xf32>,
          %add3A_599 = arith.addf %scan3A_547, %get3A_598 : vector<16xf32>
          %mul3A_600 = arith.mulf %get3A_598, %get3A_598 : vector<16xf32>
          %add3A_601 = arith.addf %scan3A_555, %mul3A_600 : vector<16xf32>
          %get3A_602 = arith.constant 1 : i32
          %get3A_603 = arith.index_cast %get3A_602 : i32 to index
          %get3A_604 = arith.index_cast %add3A_561 : i32 to index
          %get3A_605 = arith.constant 80 : index
          %get3A_606 = tpu.vector_load %arg7[%get3A_603, %get3A_604, %get3A_605] {strides = array<i32>} : memref<2x400x144xf32, #tpu.memory_space<vmem>>, vector<16xf32>,
          %add3A_607 = arith.addf %scan3A_548, %get3A_606 : vector<16xf32>
          %mul3A_608 = arith.mulf %get3A_606, %get3A_606 : vector<16xf32>
          %add3A_609 = arith.addf %scan3A_556, %mul3A_608 : vector<16xf32>
          %get3A_610 = arith.constant 1 : i32
          %get3A_611 = arith.index_cast %get3A_610 : i32 to index
          %get3A_612 = arith.index_cast %add3A_561 : i32 to index
          %get3A_613 = arith.constant 96 : index
          %get3A_614 = tpu.vector_load %arg7[%get3A_611, %get3A_612, %get3A_613] {strides = array<i32>} : memref<2x400x144xf32, #tpu.memory_space<vmem>>, vector<16xf32>,
          %add3A_615 = arith.addf %scan3A_549, %get3A_614 : vector<16xf32>
          %mul3A_616 = arith.mulf %get3A_614, %get3A_614 : vector<16xf32>
          %add3A_617 = arith.addf %scan3A_557, %mul3A_616 : vector<16xf32>
          %get3A_618 = arith.constant 1 : i32
          %get3A_619 = arith.index_cast %get3A_618 : i32 to index
          %get3A_620 = arith.index_cast %add3A_561 : i32 to index
          %get3A_621 = arith.constant 112 : index
          %get3A_622 = tpu.vector_load %arg7[%get3A_619, %get3A_620, %get3A_621] {strides = array<i32>} : memref<2x400x144xf32, #tpu.memory_space<vmem>>, vector<16xf32>,
          %add3A_623 = arith.addf %scan3A_550, %get3A_622 : vector<16xf32>
          %mul3A_624 = arith.mulf %get3A_622, %get3A_622 : vector<16xf32>
          %add3A_625 = arith.addf %scan3A_558, %mul3A_624 : vector<16xf32>
          %get3A_626 = arith.constant 1 : i32
          %get3A_627 = arith.index_cast %get3A_626 : i32 to index
          %get3A_628 = arith.index_cast %add3A_561 : i32 to index
          %get3A_629 = arith.constant 128 : index
          %get3A_630 = tpu.vector_load %arg7[%get3A_627, %get3A_628, %get3A_629] {strides = array<i32>} : memref<2x400x144xf32, #tpu.memory_space<vmem>>, vector<16xf32>,
          %add3A_631 = arith.addf %scan3A_559, %get3A_630 : vector<16xf32>
          %scan3A_632 = arith.constant 1 : i32
          %scan3A_633 = arith.addi %scan3A_542, %scan3A_632 : i32
          %add3A_634 = arith.constant 300 : i32
          %add3A_635 = arith.addi %add3A_634, %scan3A_633 : i32
          %get3A_636 = arith.constant 1 : i32
          %get3A_637 = arith.index_cast %get3A_636 : i32 to index
          %get3A_638 = arith.index_cast %add3A_635 : i32 to index
          %get3A_639 = arith.constant 0 : index
          %get3A_640 = tpu.vector_load %arg7[%get3A_637, %get3A_638, %get3A_639] {strides = array<i32>} : memref<2x400x144xf32, #tpu.memory_space<vmem>>, vector<16xf32>,
          %add3A_641 = arith.addf %add3A_567, %get3A_640 : vector<16xf32>
          %mul3A_642 = arith.mulf %get3A_640, %get3A_640 : vector<16xf32>
          %add3A_643 = arith.addf %add3A_569, %mul3A_642 : vector<16xf32>
          %get3A_644 = arith.constant 1 : i32
          %get3A_645 = arith.index_cast %get3A_644 : i32 to index
          %get3A_646 = arith.index_cast %add3A_635 : i32 to index
          %get3A_647 = arith.constant 16 : index
          %get3A_648 = tpu.vector_load %arg7[%get3A_645, %get3A_646, %get3A_647] {strides = array<i32>} : memref<2x400x144xf32, #tpu.memory_space<vmem>>, vector<16xf32>,
          %add3A_649 = arith.addf %add3A_575, %get3A_648 : vector<16xf32>
          %mul3A_650 = arith.mulf %get3A_648, %get3A_648 : vector<16xf32>
          %add3A_651 = arith.addf %add3A_577, %mul3A_650 : vector<16xf32>
          %get3A_652 = arith.constant 1 : i32
          %get3A_653 = arith.index_cast %get3A_652 : i32 to index
          %get3A_654 = arith.index_cast %add3A_635 : i32 to index
          %get3A_655 = arith.constant 32 : index
          %get3A_656 = tpu.vector_load %arg7[%get3A_653, %get3A_654, %get3A_655] {strides = array<i32>} : memref<2x400x144xf32, #tpu.memory_space<vmem>>, vector<16xf32>,
          %add3A_657 = arith.addf %add3A_583, %get3A_656 : vector<16xf32>
          %mul3A_658 = arith.mulf %get3A_656, %get3A_656 : vector<16xf32>
          %add3A_659 = arith.addf %add3A_585, %mul3A_658 : vector<16xf32>
          %get3A_660 = arith.constant 1 : i32
          %get3A_661 = arith.index_cast %get3A_660 : i32 to index
          %get3A_662 = arith.index_cast %add3A_635 : i32 to index
          %get3A_663 = arith.constant 48 : index
          %get3A_664 = tpu.vector_load %arg7[%get3A_661, %get3A_662, %get3A_663] {strides = array<i32>} : memref<2x400x144xf32, #tpu.memory_space<vmem>>, vector<16xf32>,
          %add3A_665 = arith.addf %add3A_591, %get3A_664 : vector<16xf32>
          %mul3A_666 = arith.mulf %get3A_664, %get3A_664 : vector<16xf32>
          %add3A_667 = arith.addf %add3A_593, %mul3A_666 : vector<16xf32>
          %get3A_668 = arith.constant 1 : i32
          %get3A_669 = arith.index_cast %get3A_668 : i32 to index
          %get3A_670 = arith.index_cast %add3A_635 : i32 to index
          %get3A_671 = arith.constant 64 : index
          %get3A_672 = tpu.vector_load %arg7[%get3A_669, %get3A_670, %get3A_671] {strides = array<i32>} : memref<2x400x144xf32, #tpu.memory_space<vmem>>, vector<16xf32>,
          %add3A_673 = arith.addf %add3A_599, %get3A_672 : vector<16xf32>
          %mul3A_674 = arith.mulf %get3A_672, %get3A_672 : vector<16xf32>
          %add3A_675 = arith.addf %add3A_601, %mul3A_674 : vector<16xf32>
          %get3A_676 = arith.constant 1 : i32
          %get3A_677 = arith.index_cast %get3A_676 : i32 to index
          %get3A_678 = arith.index_cast %add3A_635 : i32 to index
          %get3A_679 = arith.constant 80 : index
          %get3A_680 = tpu.vector_load %arg7[%get3A_677, %get3A_678, %get3A_679] {strides = array<i32>} : memref<2x400x144xf32, #tpu.memory_space<vmem>>, vector<16xf32>,
          %add3A_681 = arith.addf %add3A_607, %get3A_680 : vector<16xf32>
          %mul3A_682 = arith.mulf %get3A_680, %get3A_680 : vector<16xf32>
          %add3A_683 = arith.addf %add3A_609, %mul3A_682 : vector<16xf32>
          %get3A_684 = arith.constant 1 : i32
          %get3A_685 = arith.index_cast %get3A_684 : i32 to index
          %get3A_686 = arith.index_cast %add3A_635 : i32 to index
          %get3A_687 = arith.constant 96 : index
          %get3A_688 = tpu.vector_load %arg7[%get3A_685, %get3A_686, %get3A_687] {strides = array<i32>} : memref<2x400x144xf32, #tpu.memory_space<vmem>>, vector<16xf32>,
          %add3A_689 = arith.addf %add3A_615, %get3A_688 : vector<16xf32>
          %mul3A_690 = arith.mulf %get3A_688, %get3A_688 : vector<16xf32>
          %add3A_691 = arith.addf %add3A_617, %mul3A_690 : vector<16xf32>
          %get3A_692 = arith.constant 1 : i32
          %get3A_693 = arith.index_cast %get3A_692 : i32 to index
          %get3A_694 = arith.index_cast %add3A_635 : i32 to index
          %get3A_695 = arith.constant 112 : index
          %get3A_696 = tpu.vector_load %arg7[%get3A_693, %get3A_694, %get3A_695] {strides = array<i32>} : memref<2x400x144xf32, #tpu.memory_space<vmem>>, vector<16xf32>,
          %add3A_697 = arith.addf %add3A_623, %get3A_696 : vector<16xf32>
          %mul3A_698 = arith.mulf %get3A_696, %get3A_696 : vector<16xf32>
          %add3A_699 = arith.addf %add3A_625, %mul3A_698 : vector<16xf32>
          %get3A_700 = arith.constant 1 : i32
          %get3A_701 = arith.index_cast %get3A_700 : i32 to index
          %get3A_702 = arith.index_cast %add3A_635 : i32 to index
          %get3A_703 = arith.constant 128 : index
          %get3A_704 = tpu.vector_load %arg7[%get3A_701, %get3A_702, %get3A_703] {strides = array<i32>} : memref<2x400x144xf32, #tpu.memory_space<vmem>>, vector<16xf32>,
          %add3A_705 = arith.addf %add3A_631, %get3A_704 : vector<16xf32>
          %scan3A_706 = arith.constant 2 : i32
          %scan3A_707 = arith.addi %scan3A_542, %scan3A_706 : i32
          %add3A_708 = arith.constant 300 : i32
          %add3A_709 = arith.addi %add3A_708, %scan3A_707 : i32
          %get3A_710 = arith.constant 1 : i32
          %get3A_711 = arith.index_cast %get3A_710 : i32 to index
          %get3A_712 = arith.index_cast %add3A_709 : i32 to index
          %get3A_713 = arith.constant 0 : index
          %get3A_714 = tpu.vector_load %arg7[%get3A_711, %get3A_712, %get3A_713] {strides = array<i32>} : memref<2x400x144xf32, #tpu.memory_space<vmem>>, vector<16xf32>,
          %add3A_715 = arith.addf %add3A_641, %get3A_714 : vector<16xf32>
          %mul3A_716 = arith.mulf %get3A_714, %get3A_714 : vector<16xf32>
          %add3A_717 = arith.addf %add3A_643, %mul3A_716 : vector<16xf32>
          %get3A_718 = arith.constant 1 : i32
          %get3A_719 = arith.index_cast %get3A_718 : i32 to index
          %get3A_720 = arith.index_cast %add3A_709 : i32 to index
          %get3A_721 = arith.constant 16 : index
          %get3A_722 = tpu.vector_load %arg7[%get3A_719, %get3A_720, %get3A_721] {strides = array<i32>} : memref<2x400x144xf32, #tpu.memory_space<vmem>>, vector<16xf32>,
          %add3A_723 = arith.addf %add3A_649, %get3A_722 : vector<16xf32>
          %mul3A_724 = arith.mulf %get3A_722, %get3A_722 : vector<16xf32>
          %add3A_725 = arith.addf %add3A_651, %mul3A_724 : vector<16xf32>
          %get3A_726 = arith.constant 1 : i32
          %get3A_727 = arith.index_cast %get3A_726 : i32 to index
          %get3A_728 = arith.index_cast %add3A_709 : i32 to index
          %get3A_729 = arith.constant 32 : index
          %get3A_730 = tpu.vector_load %arg7[%get3A_727, %get3A_728, %get3A_729] {strides = array<i32>} : memref<2x400x144xf32, #tpu.memory_space<vmem>>, vector<16xf32>,
          %add3A_731 = arith.addf %add3A_657, %get3A_730 : vector<16xf32>
          %mul3A_732 = arith.mulf %get3A_730, %get3A_730 : vector<16xf32>
          %add3A_733 = arith.addf %add3A_659, %mul3A_732 : vector<16xf32>
          %get3A_734 = arith.constant 1 : i32
          %get3A_735 = arith.index_cast %get3A_734 : i32 to index
          %get3A_736 = arith.index_cast %add3A_709 : i32 to index
          %get3A_737 = arith.constant 48 : index
          %get3A_738 = tpu.vector_load %arg7[%get3A_735, %get3A_736, %get3A_737] {strides = array<i32>} : memref<2x400x144xf32, #tpu.memory_space<vmem>>, vector<16xf32>,
          %add3A_739 = arith.addf %add3A_665, %get3A_738 : vector<16xf32>
          %mul3A_740 = arith.mulf %get3A_738, %get3A_738 : vector<16xf32>
          %add3A_741 = arith.addf %add3A_667, %mul3A_740 : vector<16xf32>
          %get3A_742 = arith.constant 1 : i32
          %get3A_743 = arith.index_cast %get3A_742 : i32 to index
          %get3A_744 = arith.index_cast %add3A_709 : i32 to index
          %get3A_745 = arith.constant 64 : index
          %get3A_746 = tpu.vector_load %arg7[%get3A_743, %get3A_744, %get3A_745] {strides = array<i32>} : memref<2x400x144xf32, #tpu.memory_space<vmem>>, vector<16xf32>,
          %add3A_747 = arith.addf %add3A_673, %get3A_746 : vector<16xf32>
          %mul3A_748 = arith.mulf %get3A_746, %get3A_746 : vector<16xf32>
          %add3A_749 = arith.addf %add3A_675, %mul3A_748 : vector<16xf32>
          %get3A_750 = arith.constant 1 : i32
          %get3A_751 = arith.index_cast %get3A_750 : i32 to index
          %get3A_752 = arith.index_cast %add3A_709 : i32 to index
          %get3A_753 = arith.constant 80 : index
          %get3A_754 = tpu.vector_load %arg7[%get3A_751, %get3A_752, %get3A_753] {strides = array<i32>} : memref<2x400x144xf32, #tpu.memory_space<vmem>>, vector<16xf32>,
          %add3A_755 = arith.addf %add3A_681, %get3A_754 : vector<16xf32>
          %mul3A_756 = arith.mulf %get3A_754, %get3A_754 : vector<16xf32>
          %add3A_757 = arith.addf %add3A_683, %mul3A_756 : vector<16xf32>
          %get3A_758 = arith.constant 1 : i32
          %get3A_759 = arith.index_cast %get3A_758 : i32 to index
          %get3A_760 = arith.index_cast %add3A_709 : i32 to index
          %get3A_761 = arith.constant 96 : index
          %get3A_762 = tpu.vector_load %arg7[%get3A_759, %get3A_760, %get3A_761] {strides = array<i32>} : memref<2x400x144xf32, #tpu.memory_space<vmem>>, vector<16xf32>,
          %add3A_763 = arith.addf %add3A_689, %get3A_762 : vector<16xf32>
          %mul3A_764 = arith.mulf %get3A_762, %get3A_762 : vector<16xf32>
          %add3A_765 = arith.addf %add3A_691, %mul3A_764 : vector<16xf32>
          %get3A_766 = arith.constant 1 : i32
          %get3A_767 = arith.index_cast %get3A_766 : i32 to index
          %get3A_768 = arith.index_cast %add3A_709 : i32 to index
          %get3A_769 = arith.constant 112 : index
          %get3A_770 = tpu.vector_load %arg7[%get3A_767, %get3A_768, %get3A_769] {strides = array<i32>} : memref<2x400x144xf32, #tpu.memory_space<vmem>>, vector<16xf32>,
          %add3A_771 = arith.addf %add3A_697, %get3A_770 : vector<16xf32>
          %mul3A_772 = arith.mulf %get3A_770, %get3A_770 : vector<16xf32>
          %add3A_773 = arith.addf %add3A_699, %mul3A_772 : vector<16xf32>
          %get3A_774 = arith.constant 1 : i32
          %get3A_775 = arith.index_cast %get3A_774 : i32 to index
          %get3A_776 = arith.index_cast %add3A_709 : i32 to index
          %get3A_777 = arith.constant 128 : index
          %get3A_778 = tpu.vector_load %arg7[%get3A_775, %get3A_776, %get3A_777] {strides = array<i32>} : memref<2x400x144xf32, #tpu.memory_space<vmem>>, vector<16xf32>,
          %add3A_779 = arith.addf %add3A_705, %get3A_778 : vector<16xf32>
          %scan3A_780 = arith.constant 3 : i32
          %scan3A_781 = arith.addi %scan3A_542, %scan3A_780 : i32
          %add3A_782 = arith.constant 300 : i32
          %add3A_783 = arith.addi %add3A_782, %scan3A_781 : i32
          %get3A_784 = arith.constant 1 : i32
          %get3A_785 = arith.index_cast %get3A_784 : i32 to index
          %get3A_786 = arith.index_cast %add3A_783 : i32 to index
          %get3A_787 = arith.constant 0 : index
          %get3A_788 = tpu.vector_load %arg7[%get3A_785, %get3A_786, %get3A_787] {strides = array<i32>} : memref<2x400x144xf32, #tpu.memory_space<vmem>>, vector<16xf32>,
          %add3A_789 = arith.addf %add3A_715, %get3A_788 : vector<16xf32>
          %mul3A_790 = arith.mulf %get3A_788, %get3A_788 : vector<16xf32>
          %add3A_791 = arith.addf %add3A_717, %mul3A_790 : vector<16xf32>
          %get3A_792 = arith.constant 1 : i32
          %get3A_793 = arith.index_cast %get3A_792 : i32 to index
          %get3A_794 = arith.index_cast %add3A_783 : i32 to index
          %get3A_795 = arith.constant 16 : index
          %get3A_796 = tpu.vector_load %arg7[%get3A_793, %get3A_794, %get3A_795] {strides = array<i32>} : memref<2x400x144xf32, #tpu.memory_space<vmem>>, vector<16xf32>,
          %add3A_797 = arith.addf %add3A_723, %get3A_796 : vector<16xf32>
          %mul3A_798 = arith.mulf %get3A_796, %get3A_796 : vector<16xf32>
          %add3A_799 = arith.addf %add3A_725, %mul3A_798 : vector<16xf32>
          %get3A_800 = arith.constant 1 : i32
          %get3A_801 = arith.index_cast %get3A_800 : i32 to index
          %get3A_802 = arith.index_cast %add3A_783 : i32 to index
          %get3A_803 = arith.constant 32 : index
          %get3A_804 = tpu.vector_load %arg7[%get3A_801, %get3A_802, %get3A_803] {strides = array<i32>} : memref<2x400x144xf32, #tpu.memory_space<vmem>>, vector<16xf32>,
          %add3A_805 = arith.addf %add3A_731, %get3A_804 : vector<16xf32>
          %mul3A_806 = arith.mulf %get3A_804, %get3A_804 : vector<16xf32>
          %add3A_807 = arith.addf %add3A_733, %mul3A_806 : vector<16xf32>
          %get3A_808 = arith.constant 1 : i32
          %get3A_809 = arith.index_cast %get3A_808 : i32 to index
          %get3A_810 = arith.index_cast %add3A_783 : i32 to index
          %get3A_811 = arith.constant 48 : index
          %get3A_812 = tpu.vector_load %arg7[%get3A_809, %get3A_810, %get3A_811] {strides = array<i32>} : memref<2x400x144xf32, #tpu.memory_space<vmem>>, vector<16xf32>,
          %add3A_813 = arith.addf %add3A_739, %get3A_812 : vector<16xf32>
          %mul3A_814 = arith.mulf %get3A_812, %get3A_812 : vector<16xf32>
          %add3A_815 = arith.addf %add3A_741, %mul3A_814 : vector<16xf32>
          %get3A_816 = arith.constant 1 : i32
          %get3A_817 = arith.index_cast %get3A_816 : i32 to index
          %get3A_818 = arith.index_cast %add3A_783 : i32 to index
          %get3A_819 = arith.constant 64 : index
          %get3A_820 = tpu.vector_load %arg7[%get3A_817, %get3A_818, %get3A_819] {strides = array<i32>} : memref<2x400x144xf32, #tpu.memory_space<vmem>>, vector<16xf32>,
          %add3A_821 = arith.addf %add3A_747, %get3A_820 : vector<16xf32>
          %mul3A_822 = arith.mulf %get3A_820, %get3A_820 : vector<16xf32>
          %add3A_823 = arith.addf %add3A_749, %mul3A_822 : vector<16xf32>
          %get3A_824 = arith.constant 1 : i32
          %get3A_825 = arith.index_cast %get3A_824 : i32 to index
          %get3A_826 = arith.index_cast %add3A_783 : i32 to index
          %get3A_827 = arith.constant 80 : index
          %get3A_828 = tpu.vector_load %arg7[%get3A_825, %get3A_826, %get3A_827] {strides = array<i32>} : memref<2x400x144xf32, #tpu.memory_space<vmem>>, vector<16xf32>,
          %add3A_829 = arith.addf %add3A_755, %get3A_828 : vector<16xf32>
          %mul3A_830 = arith.mulf %get3A_828, %get3A_828 : vector<16xf32>
          %add3A_831 = arith.addf %add3A_757, %mul3A_830 : vector<16xf32>
          %get3A_832 = arith.constant 1 : i32
          %get3A_833 = arith.index_cast %get3A_832 : i32 to index
          %get3A_834 = arith.index_cast %add3A_783 : i32 to index
          %get3A_835 = arith.constant 96 : index
          %get3A_836 = tpu.vector_load %arg7[%get3A_833, %get3A_834, %get3A_835] {strides = array<i32>} : memref<2x400x144xf32, #tpu.memory_space<vmem>>, vector<16xf32>,
          %add3A_837 = arith.addf %add3A_763, %get3A_836 : vector<16xf32>
          %mul3A_838 = arith.mulf %get3A_836, %get3A_836 : vector<16xf32>
          %add3A_839 = arith.addf %add3A_765, %mul3A_838 : vector<16xf32>
          %get3A_840 = arith.constant 1 : i32
          %get3A_841 = arith.index_cast %get3A_840 : i32 to index
          %get3A_842 = arith.index_cast %add3A_783 : i32 to index
          %get3A_843 = arith.constant 112 : index
          %get3A_844 = tpu.vector_load %arg7[%get3A_841, %get3A_842, %get3A_843] {strides = array<i32>} : memref<2x400x144xf32, #tpu.memory_space<vmem>>, vector<16xf32>,
          %add3A_845 = arith.addf %add3A_771, %get3A_844 : vector<16xf32>
          %mul3A_846 = arith.mulf %get3A_844, %get3A_844 : vector<16xf32>
          %add3A_847 = arith.addf %add3A_773, %mul3A_846 : vector<16xf32>
          %get3A_848 = arith.constant 1 : i32
          %get3A_849 = arith.index_cast %get3A_848 : i32 to index
          %get3A_850 = arith.index_cast %add3A_783 : i32 to index
          %get3A_851 = arith.constant 128 : index
          %get3A_852 = tpu.vector_load %arg7[%get3A_849, %get3A_850, %get3A_851] {strides = array<i32>} : memref<2x400x144xf32, #tpu.memory_space<vmem>>, vector<16xf32>,
          %add3A_853 = arith.addf %add3A_779, %get3A_852 : vector<16xf32>
          scf.yield %add3A_789, %add3A_797, %add3A_805, %add3A_813, %add3A_821, %add3A_829, %add3A_837, %add3A_845, %add3A_791, %add3A_799, %add3A_807, %add3A_815, %add3A_823, %add3A_831, %add3A_839, %add3A_847, %add3A_853 : vector<16xf32>, vector<16xf32>, vector<16xf32>, vector<16xf32>, vector<16xf32>, vector<16xf32>, vector<16xf32>, vector<16xf32>, vector<16xf32>, vector<16xf32>, vector<16xf32>, vector<16xf32>, vector<16xf32>, vector<16xf32>, vector<16xf32>, vector<16xf32>, vector<16xf32>
        }
        %scan3A_498 = arith.constant 100 : i32
        %mul3A_499 = arith.mulf %scan3A_497#0, %scan3A_497#0 : vector<16xf32>
        %add3A_500 = arith.addf %broadcast_in_dim3A_6, %mul3A_499 : vector<16xf32>
        %add3A_501 = arith.addf %broadcast_in_dim3A_6, %scan3A_497#8 : vector<16xf32>
        %mul3A_502 = arith.mulf %scan3A_497#1, %scan3A_497#1 : vector<16xf32>
        %add3A_503 = arith.addf %add3A_500, %mul3A_502 : vector<16xf32>
        %add3A_504 = arith.addf %add3A_501, %scan3A_497#9 : vector<16xf32>
        %mul3A_505 = arith.mulf %scan3A_497#2, %scan3A_497#2 : vector<16xf32>
        %add3A_506 = arith.addf %add3A_503, %mul3A_505 : vector<16xf32>
        %add3A_507 = arith.addf %add3A_504, %scan3A_497#10 : vector<16xf32>
        %mul3A_508 = arith.mulf %scan3A_497#3, %scan3A_497#3 : vector<16xf32>
        %add3A_509 = arith.addf %add3A_506, %mul3A_508 : vector<16xf32>
        %add3A_510 = arith.addf %add3A_507, %scan3A_497#11 : vector<16xf32>
        %mul3A_511 = arith.mulf %scan3A_497#4, %scan3A_497#4 : vector<16xf32>
        %add3A_512 = arith.addf %add3A_509, %mul3A_511 : vector<16xf32>
        %add3A_513 = arith.addf %add3A_510, %scan3A_497#12 : vector<16xf32>
        %mul3A_514 = arith.mulf %scan3A_497#5, %scan3A_497#5 : vector<16xf32>
        %add3A_515 = arith.addf %add3A_512, %mul3A_514 : vector<16xf32>
        %add3A_516 = arith.addf %add3A_513, %scan3A_497#13 : vector<16xf32>
        %mul3A_517 = arith.mulf %scan3A_497#6, %scan3A_497#6 : vector<16xf32>
        %add3A_518 = arith.addf %add3A_515, %mul3A_517 : vector<16xf32>
        %add3A_519 = arith.addf %add3A_516, %scan3A_497#14 : vector<16xf32>
        %mul3A_520 = arith.mulf %scan3A_497#7, %scan3A_497#7 : vector<16xf32>
        %add3A_521 = arith.addf %add3A_518, %mul3A_520 : vector<16xf32>
        %add3A_522 = arith.addf %add3A_519, %scan3A_497#15 : vector<16xf32>
        %sub3A_523 = arith.subf %add3A_521, %add3A_522 : vector<16xf32>
        %mul3A_524 = arith.constant 5.000000e-01 : f32
        %mul3A_525 = vector.broadcast %mul3A_524 : f32 to vector<16xf32>
        %mul3A_526 = arith.mulf %mul3A_525, %sub3A_523 : vector<16xf32>
        %add3A_527 = arith.addf %scan3A_497#16, %mul3A_526 : vector<16xf32>
        %reduce_sum3A_528 = arith.constant true
        %reduce_sum3A_529 = vector.broadcast %reduce_sum3A_528 : i1 to vector<16xi1>
        %reduce_sum3A_530 = tpu.scan <sum>, %add3A_527 masked %reduce_sum3A_529 : vector<16xf32>, vector<16xi1> -> vector<16xf32>
        %reduce_sum3A_531 = vector.extract %reduce_sum3A_530[15] : f32 from vector<16xf32>
        %add3A_532 = arith.addf %reduce_sum3A_531, %squeeze3A : f32
        %mul3A_533 = arith.constant 4 : i32
        %mul3A_534 = arith.muli %add3A_345, %mul3A_533 : i32
        %add3A_535 = arith.constant 3 : i32
        %add3A_536 = arith.addi %mul3A_534, %add3A_535 : i32
        %broadcast_in_dim3A_537 = vector.broadcast %add3A_536 : i32 to vector<16xi32>
        %broadcast_in_dim3A_538 = vector.broadcast %add3A_532 : f32 to vector<16xf32>
        %eq3A_539 = arith.constant 0 : i32
        %eq3A_540 = vector.broadcast %eq3A_539 : i32 to vector<16xi32>
        %eq3A_541 = arith.cmpi eq, %iota3A, %eq3A_540 : vector<16xi32>
        tpu.vector_store_idx %arg8[%broadcast_in_dim3A_537], %broadcast_in_dim3A_538 masked %eq3A_541 : memref<512xf32, #tpu.memory_space<vmem>>[vector<16xi32>], vector<16xf32>, vector<16xi1>
      }
      %scan3A_35 = arith.constant 4 : i32
    }
    %scan3A_22 = arith.constant 16 : i32
    %mul3A_23 = arith.constant 512 : i32
    %mul3A_24 = arith.muli %add3A, %mul3A_23 : i32
    "tpu.region"() ({
      %run_scoped3A_25 = tpu.sem_alloc : memref<!tpu.dma_semaphore, #tpu.memory_space<semaphore_mem>>
      %dma_start3A_26 = tpu.memref_slice %arg5[%mul3A_24] : memref<16384xf32, #tpu.memory_space<hbm>> -> memref<512xf32, #tpu.memory_space<hbm>>
      %dma_start3A_27 = tpu.memref_slice %arg5[%mul3A_24] : memref<16384xf32, #tpu.memory_space<hbm>> -> memref<512xf32, #tpu.memory_space<hbm>>
      tpu.enqueue_dma source(%arg8 : memref<512xf32, #tpu.memory_space<vmem>>) target(%dma_start3A_27 : memref<512xf32, #tpu.memory_space<hbm>>) target_semaphore(%run_scoped3A_25 : memref<!tpu.dma_semaphore, #tpu.memory_space<semaphore_mem>>)
      %dma_wait3A = tpu.memref_slice %arg5[%mul3A_24] : memref<16384xf32, #tpu.memory_space<hbm>> -> memref<512xf32, #tpu.memory_space<hbm>>
      %dma_wait3A_28 = tpu.memref_slice %arg5[%mul3A_24] : memref<16384xf32, #tpu.memory_space<hbm>> -> memref<512xf32, #tpu.memory_space<hbm>>
      tpu.wait_dma2 semaphore(%run_scoped3A_25 : memref<!tpu.dma_semaphore, #tpu.memory_space<semaphore_mem>>) src(%arg8 : memref<512xf32, #tpu.memory_space<vmem>>) dst(%dma_wait3A_28 : memref<512xf32, #tpu.memory_space<hbm>>)
      tpu.yield
    }) : () -> ()
    return
  }
}

</mosaic_0001>

<sc_bundles>
// kernel: kernel.3.cloned.1.call-start
scs
__scs_entry_jumppad:
0x0: {  	(pc) =	sbr.rel $0x88, $3  }
0x1: {  	(tag) =	ssettag $0x0;
	lr =	simm.s32 $0x1  }
0x2: {  	[smem:$0x3F9D] =	sst lr;
	_ =	strace $0xD0000000  }
0x3: {  	_ = 	snop  }
0x4: {  	_ = 	snop  }
0x5: {  	_ = 	snop  }
0x6: {  	_ = 	snop  }
0x7: {  	_ = 	snop  }
__scs_overlays_trampoline_lowered:
0x8: {  	[smem:$0x3FAC] =	sst s0  }
0x9: {  	[smem:$0x3FAD] =	sst s1  }
0xa: {  	[smem:$0x3FAE] =	sst s2  }
0xb: {  	[smem:$0x3FAF] =	sst s3  }
0xc: {  	[smem:$0x3FB0] =	sst s4  }
0xd: {  	[smem:$0x3FB1] =	sst s5  }
0xe: {  	[smem:$0x3FB2] =	sst s6  }
0xf: {  	[smem:$0x3FB3] =	sst s7  }
0x10: {  	[smem:$0x3FB4] =	sst s8  }
0x11: {  	[smem:$0x3FB5] =	sst s9;
	s0 =	simm.s32 @!p0 $0x0  }
0x12: {  	s1 =	sld [smem:$0x3F9B];
	s0 =	simm.s32 @p0 $0x1  }
0x13: {  	[smem:$0x3FB6] =	sst s0;
	s0 =	simm.s32 @!p1 $0x0  }
0x14: {  	s2 =	sld [smem:$0x3F9A];
	s0 =	simm.s32 @p1 $0x1  }
0x15: {  	[smem:$0x3FB7] =	sst s0;
	s0 =	simm.s32 @!p2 $0x0  }
0x16: {  	s3 =	sld [smem:$0x3FDB];
	s0 =	simm.s32 @p2 $0x1  }
0x17: {  	s4 =	simm.s32 $0x1BF5;
	[smem:$0x3FB9] =	sst s0  }
0x18: {  	s0 =	sld [smem:$0x3F9C];
	_ =	swait.ge [sflag:s4], $0x0  }
0x19: {  	s7 =	sld [smem:$0x3F9D]  }
0x1a: {  	s8 =	sadd.s32 $0xFFFFE003, lr  }
0x1b: {  	s9 =	sadd.s32 $0xFFFFFEF7, lr;
	s5 =	simm.s32 $0xFFFFFFFF;
	p2 =	slt.u32 s8, $0xFFFFF086  }
0x1c: {  	p1 =	slt.u32 s9, $0xF7A;
	s5 =	simm.s32 @!p2 $0x0  }
0x1d: {  	s5 =	simm.s32 @p1 $0x1;
	p0 =	seq.s32 s7, s2  }
0x1e: {  	s7 =	smul.u32 @!p0 $0xF7A, s2;
	p2 =	seq.s32 @!p0 s5, $0x0  }
0x1f: {  	s9 =	smul.u32 $0xF7A, s1;
	s8 =	simm.s32 @!p0 $0x1BF5;
	p2 =	por !p2, p0  }
0x20: {  	[sflag:s8] =	ssyncset.s32 @!p0 $0xFFFFF086;
	s6 =	sadd.s32 @!p0 s3, s7;
	s7 =	simm.s32 @!p0 $0x108  }
0x21: {  	s3 =	sadd.s32 s3, s9;
	s6 =	sadd.s32 @!p0 $0x88, s6;
	s7 =	simm.s32 @p2 $0x1082  }
0x22: {  	[simem:s7], [sflag:s8] =	dma.local @!p0 [hbm:s6], $0xF7A  }
0x23: {  	s9 =	sor.u32 $0xD0000000, s2;
	s6 =	simm.s32 $0x108;
	_ =	swait.ge @!p0 [sflag:s8], $0x0  }
0x24: {  	s3 =	sadd.s32 $0x88, s3;
	s6 =	simm.s32 @!p1 $0x1082;
	[sflag:s4] =	ssyncset.s32 $0xFFFFF086  }
0x25: {  	[simem:s6], [sflag:s4] =	dma.local [hbm:s3], $0xF7A  }
0x26: {  	[smem:$0x3F9D] =	sst s1;
	(tag) =	ssettag s2;
	_ =	strace s9  }
0x27: {  	s1 =	sld [smem:$0x3FAD]  }
0x28: {  	s2 =	sld [smem:$0x3FAE]  }
0x29: {  	s4 =	sld [smem:$0x3FB0]  }
0x2a: {  	p0 =	seq.s32 s5, $0x0;
	s5 =	sld [smem:$0x3FB1]  }
0x2b: {  	s6 =	sld [smem:$0x3FB2]  }
0x2c: {  	s7 =	sld [smem:$0x3FB3]  }
0x2d: {  	s3 =	simm.s32 $0x108;
	s8 =	sld [smem:$0x3FB4]  }
0x2e: {  	s3 =	simm.s32 @!p0 $0x1082;
	s9 =	sld [smem:$0x3FB5]  }
0x2f: {  	lr =	sadd.s32 s0, s3;
	s0 =	sld [smem:$0x3FAC]  }
0x30: {  	s3 =	sld [smem:$0x3FAF]  }
0x31: {  	[smem:$0x3FB8] =	sst s10  }
0x32: {  	s10 =	sld [smem:$0x3FB6];
	_ =	sdelay $0x3  }
0x33: {  	p0 =	seq.s32 s10, $0x1;
	s10 =	sld [smem:$0x3FB8];
	_ =	sdelay $0x3  }
0x34: {  	[smem:$0x3FB8] =	sst s10  }
0x35: {  	s10 =	sld [smem:$0x3FB7];
	_ =	sdelay $0x3  }
0x36: {  	p1 =	seq.s32 s10, $0x1;
	s10 =	sld [smem:$0x3FB8];
	_ =	sdelay $0x3  }
0x37: {  	[smem:$0x3FB8] =	sst s10  }
0x38: {  	s10 =	sld [smem:$0x3FB9]  }
0x39: {  	_ = 	snop;
	(pc) =	sbr.ind lr, $3  }
0x3a: {  	_ = 	snop  }
0x3b: {  	_ = 	snop  }
0x3c: {  	p2 =	seq.s32 s10, $0x1;
	s10 =	sld [smem:$0x3FB8]  }
0x3d: {  	_ =	shalt  }
0x3e: {  	_ =	shalt  }
0x3f: {  	_ =	shalt  }
0x40: {  	_ =	shalt  }
0x41: {  	_ =	shalt  }
0x42: {  	_ =	shalt  }
0x43: {  	_ =	shalt  }
0x44: {  	_ =	shalt  }
0x45: {  	_ =	shalt  }
0x46: {  	_ =	shalt  }
0x47: {  	_ =	shalt  }
0x48: {  	_ =	shalt  }
0x49: {  	_ =	shalt  }
0x4a: {  	_ =	shalt  }
0x4b: {  	_ =	shalt  }
0x4c: {  	_ =	shalt  }
0x4d: {  	_ =	shalt  }
0x4e: {  	_ =	shalt  }
0x4f: {  	_ =	shalt  }
0x50: {  	_ =	shalt  }
0x51: {  	_ =	shalt  }
0x52: {  	_ =	shalt  }
0x53: {  	_ =	shalt  }
0x54: {  	_ =	shalt  }
0x55: {  	_ =	shalt  }
0x56: {  	_ =	shalt  }
0x57: {  	_ =	shalt  }
0x58: {  	_ =	shalt  }
0x59: {  	_ =	shalt  }
0x5a: {  	_ =	shalt  }
0x5b: {  	_ =	shalt  }
0x5c: {  	_ =	shalt  }
0x5d: {  	_ =	shalt  }
0x5e: {  	_ =	shalt  }
0x5f: {  	_ =	shalt  }
0x60: {  	_ =	shalt  }
0x61: {  	_ =	shalt  }
0x62: {  	_ =	shalt  }
0x63: {  	_ =	shalt  }
0x64: {  	_ =	shalt  }
0x65: {  	_ =	shalt  }
0x66: {  	_ =	shalt  }
0x67: {  	_ =	shalt  }
0x68: {  	_ =	shalt  }
0x69: {  	_ =	shalt  }
0x6a: {  	_ =	shalt  }
0x6b: {  	_ =	shalt  }
0x6c: {  	_ =	shalt  }
0x6d: {  	_ =	shalt  }
0x6e: {  	_ =	shalt  }
0x6f: {  	_ =	shalt  }
0x70: {  	_ =	shalt  }
0x71: {  	_ =	shalt  }
0x72: {  	_ =	shalt  }
0x73: {  	_ =	shalt  }
0x74: {  	_ =	shalt  }
0x75: {  	_ =	shalt  }
0x76: {  	_ =	shalt  }
0x77: {  	_ =	shalt  }
0x78: {  	_ =	shalt  }
0x79: {  	_ =	shalt  }
0x7a: {  	_ =	shalt  }
0x7b: {  	_ =	shalt  }
0x7c: {  	_ =	shalt  }
0x7d: {  	_ =	shalt  }
0x7e: {  	_ =	shalt  }
0x7f: {  	_ =	shalt  }
0x80: {  	_ =	shalt  }
0x81: {  	_ =	shalt  }
0x82: {  	_ =	shalt  }
0x83: {  	_ =	shalt  }
0x84: {  	_ =	shalt  }
0x85: {  	_ =	shalt  }
0x86: {  	_ =	shalt  }
0x87: {  	_ =	shalt  }
.Lfunc_end0:
.L_simem_size_0:
called_computation_lowered:
.L_overlay_start_0:
0x88: {  	s2 =	sld [smem:$0x3FD9]  }
0x89: {  	s3 =	sld [smem:$0x3FFE];
	_ =	sdelay $0x1  }
0x8a: {  	s1 =	srdreg.scid  }
0x8b: {  	s0 =	sand.u32 $0x1, s1  }
0x8c: {  	s17 =	sshll.u32 s0, $0xA;
	s2 =	sadd.s32 s3, s2  }
0x8d: {  	s2 =	sadd.s32 s2, s17  }
0x8e: {  	[smem:$0x3FC4] =	sst s2  }
0x8f: {  	_ = 	snop  }
0x90: {  	s2 =	sld [smem:$0x3FD0];
	(tm) =	ssettm $0x1  }
0x91: {  	s18 =	sld [smem:$0x3FFB];
	_ =	sdelay $0x3  }
0x92: {  	_ =	strace s18  }
0x93: {  	s3 =	sld [smem:$0x3FFC];
	_ =	sdelay $0x3  }
0x94: {  	_ =	strace s3  }
0x95: {  	s3 =	sld [smem:$0x3FFD];
	_ =	sdelay $0x3  }
0x96: {  	_ =	strace s3  }
0x97: {  	_ =	strace $0x8FFFFFFF  }
0x98: {  	s19 =	sld [smem:$0x3FDB];
	_ =	sdelay $0x1  }
0x99: {  	s4 =	simm.s32 $_scs_section_size  }
0x9a: {  	s5 =	simm.s32 $_size__tile_overlayer_lowered;
	s6 =	simm.s32 $_tile_overlayer_lowered  }
0x9b: {  	s22 =	simm.s32 $0x1BFF;
	s21 =	sshll.u32 s6, $0x1;
	s3 =	sadd.s32 s4, s19  }
0x9c: {  	s7 =	simm.s32 $0x0;
	s20 =	sshll.u32 s5, $0x1;
	s5 =	sadd.s32 s21, s3  }
0x9d: {  	[timem:s7], [sflag:s22] =	dma.local [hbm:s5], s20  }
0x9e: {  	_ =	swait.ge [sflag:s22], s20  }
0x9f: {  	s4 =	ssub.s32 $0x0, s20;
	[sflag:s22] =	ssyncset.done $0x0  }
0xa0: {  	[sflag:s22] =	ssyncadd.s32 s4;
	_ =	sdelay $0x1  }
0xa1: {  	s23 =	simm.s32 $0x1B8B  }
0xa2: {  	_ =	swait.ge [sflag:s23], $0x1  }
0xa3: {  	[sflag:s23] =	ssyncset.done $0x0  }
0xa4: {  	s25 =	simm.s32 $0x1B8E;
	s24 =	sld [smem:$0x3FFE];
	[sflag:s23] =	ssyncadd.s32 $0xFFFFFFFF  }
0xa5: {  	s26 =	simm.s32 $execute0_lowered;
	[smem:$0x3FD2] =	sst s25  }
0xa6: {  	s5 =	sshll.u32 s26, $0x1;
	_ =	strace $0x80000046;
	[dreg:$0x1] =	wrdreg $0xFFFFFFFF  }
0xa7: {  	s28 =	simm.s32 $_size_execute0_lowered;
	s3 =	sadd.s32 s3, s5;
	[dreg:$0x0] =	wrdreg $0x0  }
0xa8: {  	s5 =	sshll.u32 s28, $0x1;
	[dreg:$0x2] =	wrdreg s3  }
0xa9: {  	[dreg:$0x3] =	wrdreg s5  }
0xaa: {  	[dreg:$0x4] =	wrdreg $0xC0  }
0xab: {  	_ =	task [dreg:s7], $0x5FFFF  }
0xac: {  	[dreg:$0x1] =	wrdreg $0xFFFFFFFF  }
0xad: {  	[dreg:$0x0] =	wrdreg $0x60  }
0xae: {  	[dreg:$0x2] =	wrdreg s24  }
0xaf: {  	[dreg:$0x3] =	wrdreg s2  }
0xb0: {  	[dreg:$0x4] =	wrdreg $0x9  }
0xb1: {  	_ =	task.clear_ibuf [dreg:s7], $0x5FFFF;
	_ =	strace $0x90000046  }
0xb2: {  	s29 =	simm.s32 $0x9;
	_ =	strace $0x80000048  }
0xb3: {  	_ =	swait.ge [sflag:s29], $0x1  }
0xb4: {  	[sflag:s29] =	ssyncadd.s32 $0xFFFFFFFF  }
0xb5: {  	_ =	strace $0x90000048  }
0xb6: {  	_ =	sfence  }
0xb7: {  	s30 =	sld [smem:$0x0];
	_ =	sdelay $0x2  }
0xb8: {  	s31 =	sshll.u32 s1, $0xD;
	s1 =	sshrl.u32 s1, $0x2  }
0xb9: {  	s3 =	sand.u32 $0x4000, s31;
	s1 =	sadd.s32 s1, s30  }
0xba: {  	s0 =	sor.u32 s3, s0;
	s1 =	sshll.u32 s1, $0x11  }
0xbb: {  	s0 =	sor.u32 s1, s0  }
0xbc: {  	s0 =	sadd.s32 $0x8F2B, s0  }
0xbd: {  	[sflag:s0] =	ssyncadd.remote.s32 $0x1  }
0xbe: {  	_ =	sfence.sel $0xFFFF  }
0xbf: {  	[dreg:$0x0] =	wrdreg $0xFFFFFFFF;
	(pc) =	sbr.abs _section_cstart, $3  }
0xc0: {  	[dreg:$0x1] =	wrdreg $0xFFFFFFFF  }
0xc1: {  	_ =	task.clear_ibuf [dreg:s7], $0x2FFFF;
	_ =	strace $0x9FFFFFFF  }
0xc2: {  	(tm) =	ssettm $0x7FFFFFFF  }
0xc3: {  	_ =	shalt  }
tec
execute0_lowered:
.L_overlay_start_1:
0x0: {  	(tag) =	ssettag $0x1  }
0x1: {  	s6 =	rddreg [dreg:$0x0]  }
0x2: {  	s8 =	rddreg [dreg:$0x1]  }
0x3: {  	s0 =	rddreg [dreg:$0x2];
	s2 =	simm.s32 $0x0;
	s3 =	srdreg.scid  }
0x4: {  	s1 =	stileid.u32;
	s12 =	simm.s32 $0x190;
	s13 =	simm.s32 $0x1900  }
0x5: {  	s14 =	simm.s32 $0xFA00;
	s15 =	simm.s32 $0x1;
	s16 =	simm.s32 $0x1DB00  }
0x6: {  	s17 =	simm.s32 $0x2;
	s18 =	simm.s32 $0x0;
	[smem:$0x7FF] =	sst s2  }
0x7: {  	s4 =	sand.u32 $0x1, s3;
	s30 =	sshll.u32 s1, $0x1;
	s3 =	sadd.s32 $0xC00, s6  }
0x8: {  	s5 =	sadd.s32 $0x494A00, s6;
	s7 =	sor.u32 s4, s30;
	s9 =	ssub.s32 $0x2, s4  }
0x9: {  	s6 =	sadd.s32 $0x32C00, s6;
	s4 =	smul.u32 $0xC800, s7;
	s10 =	sshrl.u32 s9, $0x1  }
0xa: {  	_ =	strace $0x80000047;
	s11 =	sshll.u32 s7, $0x6;
	s9 =	ssub.s32 s9, s10  }
0xb: {  	v0 =	vimm.s32 $0x0;
	vm0 =	vcmask $0x300;
	s8 =	sadd.s32 s8, s11;
	s10 =	simm.s32 $0x1DD00;
	s31 =	sshrl.u32 s4, $0x3  }
0xc: {  	v0 =	vsel vm0, $0x3, v0;
	s11 =	simm.s32 $0x4;
	s9 =	smax.u32 s9, $0x1;
	s7 =	sadd.s32 s3, s31  }
.LBB2_1:
0xd: {  	[tilespmem:s10], [sflag:$0x4] =	stream.linear.gather [hbm4b:s6+s2], $0x10, $0x38;
	[tilespmem:$0x1DD10] =	vst v63  }
0xe: {  	_ =	swait.ge [sflag:s11], $0x10  }
0xf: {  	[sflag:s11] =	ssyncset.done $0x0  }
0x10: {  	[sflag:s11] =	ssyncadd.s32 $0xFFFFFFF0  }
0x11: {  	v1 =	vld [tilespmem:$0x1DD00];
	_ =	sdelay $0x4  }
0x12: {  	(v2sf) =	vpush v1, $0x0;
	_ =	sdelay $0xd  }
0x13: {  	[tilespmem:s2], [sflag:$0x4] =	stream.linear.gather [hbm4b:s7+s2], $0xC80, $0x38;
	[tilespmem:$0x1DD10] =	vst v63  }
0x14: {  	s19 =	spop (v2sf)  }
0x15: {  	_ =	swait.ge [sflag:s11], $0xC80  }
0x16: {  	[sflag:s11] =	ssyncset.done $0x0  }
0x17: {  	s20 =	simm.s32 $0x0;
	[sflag:s11] =	ssyncadd.s32 $0xFFFFF380  }
0x18: {  	[tilespmem:s13], [sflag:$0x1] =	stream.indirect.gather [hbm4b:s5+s12], $0x90, s2, s12, $0xb8;
	[tilespmem:$0x1DD10] =	vst v63  }
.LBB2_3:
0x19: {  	s22 =	smov.u32 s20  }
0x1a: {  	s20 =	sadd.s32 $0x1, s20;
	p0 =	seq.s32 s22, $0xF  }
0x1b: {  	s21 =	smul.u32 @!p0 $0xC80, s20  }
0x1c: {  	s23 =	sand.u32 @!p0 $0x1, s20  }
0x1d: {  	s31 =	sand.u32 $0x1, s22;
	p1 =	seq.s32 @!p0 s23, $0x1;
	s21 =	sadd.s32 @!p0 s4, s21  }
0x1e: {  	s23 =	simm.s32 @!p0 $0xC80;
	p1 =	por !p1, p0;
	s21 =	sshrl.u32 @!p0 s21, $0x3  }
0x1f: {  	s24 =	simm.s32 @!p0 $0x0;
	s23 =	simm.s32 @p1 $0x0;
	s21 =	sadd.s32 @!p0 s3, s21  }
0x20: {  	[tilespmem:s23], [sflag:$0x3] =	stream.linear.gather @!p0 [hbm4b:s21+s24], $0xC80, $0x38;
	[tilespmem:$0x1DD10] =	vst v63  }
0x21: {  	p1 =	seq.s32 s31, $0x1;
	s21 =	simm.s32 $0xC80  }
0x22: {  	s22 =	sshll.u32 s22, $0x3;
	s23 =	simm.s32 $0x0;
	s21 =	simm.s32 @!p1 $0x0  }
.LBB2_4:
0x23: {  	s24 =	smul.u32 $0xC80, s23;
	_ =	sdelay $0x1  }
0x24: {  	s24 =	sshra.s32 s24, $0x2  }
0x25: {  	s24 =	sadd.s32 s24, s21  }
0x26: {  	s24 =	sadd.s32 $0x190, s24  }
0x27: {  	[tilespmem:s14], [sflag:$0x2] =	stream.indirect.gather [hbm4b:s5+s12], $0x90, s24, s12, $0xb8;
	[tilespmem:$0x1DD10] =	vst v63  }
0x28: {  	_ =	swait.ge [sflag:s15], $0xE100  }
0x29: {  	[sflag:s15] =	ssyncset.done $0x0  }
0x2a: {  	s24 =	simm.s32 $0x1A20;
	[sflag:s15] =	ssyncadd.s32 $0xFFFF1F00  }
0x2b: {  	v1 =	vld [tilespmem:s24+$0xA0]  }
0x2c: {  	v10 =	vld [tilespmem:s24+$0x60]  }
0x2d: {  	v12 =	vld [tilespmem:s24+$0xFFFFFFE0]  }
0x2e: {  	v4 =	vld [tilespmem:s24+$0x0]  }
0x2f: {  	v6 =	vld [tilespmem:s24+$0xFFFFFF70]  }
0x30: {  	v8 =	vld [tilespmem:s24+$0xFFFFFEE0]  }
0x31: {  	v16 =	vld [tilespmem:s24+$0xFFFFFFD0]  }
0x32: {  	v9 =	vld [tilespmem:s24+$0xFFFFFF50]  }
0x33: {  	v11 =	vld [tilespmem:s24+$0xFFFFFF40]  }
0x34: {  	v15 =	vld [tilespmem:s24+$0xFFFFFF30]  }
0x35: {  	v29 =	vld [tilespmem:s24+$0xFFFFFF60]  }
0x36: {  	v5 =	vimm.f32 $0.0e+00;
	v13 =	vld [tilespmem:s24+$0xFFFFFF20]  }
0x37: {  	v19 =	vld [tilespmem:s24+$0xFFFFFF10];
	v3 =	vmul.f32 v1, v1;
	v14 =	vadd.f32 v8, v5;
	v8 =	vmul.f32 v8, v8  }
0x38: {  	v21 =	vld [tilespmem:s24+$0xFFFFFF00];
	v18 =	vmul.f32 v4, v4;
	v20 =	vmul.f32 v10, v10  }
0x39: {  	v7 =	vld [tilespmem:s24+$0x90];
	v22 =	vadd.f32 v9, v5;
	v23 =	vmul.f32 v9, v9;
	v26 =	vadd.f32 v11, v5  }
0x3a: {  	v17 =	vld [tilespmem:s24+$0xFFFFFFC0];
	v9 =	vmul.f32 v11, v11;
	v28 =	vadd.f32 v15, v5;
	v38 =	vadd.f32 v29, v5  }
0x3b: {  	v24 =	vmul.f32 v16, v16;
	v8 =	vadd.f32 v8, v5;
	v14 =	vadd.f32 v6, v14  }
0x3c: {  	v2 =	vld [tilespmem:s24+$0x40];
	v27 =	vmul.f32 v13, v13;
	v11 =	vadd.f32 v9, v5;
	v9 =	vadd.f32 v19, v5  }
0x3d: {  	v39 =	vld [tilespmem:s24+$0xFFFFFFF0];
	v6 =	vmul.f32 v6, v6;
	v33 =	vadd.f32 v12, v22;
	v22 =	vadd.f32 v21, v5  }
0x3e: {  	v25 =	vld [tilespmem:s24+$0xFFFFFEF0];
	v21 =	vmul.f32 v21, v21;
	v30 =	vadd.f32 v23, v5;
	v23 =	vadd.f32 v16, v26  }
0x3f: {  	v37 =	vld [tilespmem:s24+$0xFFFFFF90];
	v16 =	vmul.f32 v17, v17;
	v26 =	vadd.f32 v17, v28;
	v28 =	vmul.f32 v7, v7  }
0x40: {  	v32 =	vld [tilespmem:s24+$0xFFFFFF80];
	v4 =	vadd.f32 v4, v14;
	v14 =	vmul.f32 v15, v15;
	v6 =	vadd.f32 v6, v8  }
0x41: {  	v8 =	vmul.f32 v19, v19;
	v15 =	vld [tilespmem:s24+$0x70];
	v35 =	vadd.f32 v10, v23;
	v34 =	vadd.f32 v21, v5  }
0x42: {  	v31 =	vld [tilespmem:s24+$0xF0];
	v21 =	vadd.f32 v39, v38;
	v10 =	vimm.f32 $0.0e+00;
	v4 =	vadd.f32 v7, v4  }
0x43: {  	v19 =	vld [tilespmem:s24+$0x10];
	v36 =	vadd.f32 v18, v6;
	v6 =	vmul.f32 v25, v25;
	v18 =	vadd.f32 v24, v11  }
0x44: {  	v11 =	vadd.f32 v37, v22;
	v24 =	vmul.f32 v2, v2;
	v22 =	vld [tilespmem:s24+$0xFFFFFFB0];
	v37 =	vmul.f32 v37, v37  }
0x45: {  	v23 =	vld [tilespmem:s24+$0x20];
	v18 =	vadd.f32 v20, v18;
	v20 =	vadd.f32 v25, v5;
	v25 =	vmul.f32 v32, v32  }
0x46: {  	v7 =	vld [tilespmem:s24+$0x100];
	v17 =	vadd.f32 v6, v5;
	v6 =	vadd.f32 v15, v33;
	v33 =	vmul.f32 v12, v12  }
0x47: {  	v12 =	vadd.f32 v28, v36;
	v28 =	vimm.f32 $0.0e+00;
	v29 =	vadd.f32 v32, v20;
	v20 =	vld [tilespmem:s24+$0x80]  }
0x48: {  	s25 =	simm.s32 $0x0;
	s26 =	simm.s32 $0x1C60;
	v32 =	vmul.f32 v19, v19;
	v36 =	vadd.f32 v25, v17;
	v25 =	vld [tilespmem:s24+$0xB0];
	v17 =	vimm.f32 $0.0e+00  }
.LBB2_5:
0x49: {  	v38 =	vld [tilespmem:s26+$0xA0];
	s25 =	sadd.s32 $0x4, s25;
	v5 =	vadd.f32 v27, v5;
	v27 =	vmul.f32 v22, v22;
	v35 =	vadd.f32 v31, v35  }
0x4a: {  	v13 =	vadd.f32 v13, v28;
	v31 =	vmul.f32 v31, v31;
	p1 =	slt.u32 s25, $0x60;
	v28 =	vadd.f32 v32, v36;
	v32 =	vld [tilespmem:s24+$0xD0]  }
0x4b: {  	v30 =	vadd.f32 v33, v30;
	v34 =	vadd.f32 v37, v34;
	v33 =	vmul.f32 v23, v23;
	v36 =	vld [tilespmem:s24+$0x50]  }
0x4c: {  	v15 =	vmul.f32 v15, v15;
	v37 =	vadd.f32 v20, v21;
	v20 =	vadd.f32 v3, v28;
	v39 =	vld [tilespmem:s24+$0x110]  }
0x4d: {  	v18 =	vadd.f32 v31, v18;
	v21 =	vadd.f32 v33, v34;
	v28 =	vmul.f32 v25, v25;
	v33 =	vld [tilespmem:s24+$0xC0]  }
0x4e: {  	v5 =	vadd.f32 v27, v5;
	v15 =	vadd.f32 v15, v30;
	v3 =	vmul.f32 v38, v38;
	v27 =	vld [tilespmem:s24+$0xE0]  }
0x4f: {  	v14 =	vadd.f32 v14, v17;
	v17 =	vld [tilespmem:s24+$0xFFFFFFA0];
	v21 =	vadd.f32 v28, v21;
	v28 =	vmul.f32 v32, v32  }
0x50: {  	v5 =	vadd.f32 v24, v5;
	v30 =	vld [tilespmem:s24+$0x30];
	v24 =	vadd.f32 v36, v26;
	v26 =	vmul.f32 v7, v7;
	s24 =	smov.u32 s26  }
0x51: {  	v19 =	vadd.f32 v19, v29;
	v13 =	vadd.f32 v22, v13;
	v31 =	vld [tilespmem:s26+$0x40]  }
0x52: {  	v5 =	vadd.f32 v28, v5;
	v34 =	vld [tilespmem:s26+$0x60];
	v22 =	vadd.f32 v26, v15  }
0x53: {  	v13 =	vadd.f32 v2, v13;
	v28 =	vmul.f32 v36, v36;
	v26 =	vadd.f32 v1, v19;
	v1 =	vmovc v38;
	v29 =	vld [tilespmem:s26+$0x90]  }
0x54: {  	v14 =	vadd.f32 v16, v14;
	v36 =	vld [tilespmem:s26+$0xFFFFFFE0];
	v9 =	vadd.f32 v17, v9;
	v15 =	vmul.f32 v17, v17  }
0x55: {  	v8 =	vadd.f32 v8, v10;
	v10 =	vadd.f32 v23, v11;
	v16 =	vld [tilespmem:s26+$0x0]  }
0x56: {  	v14 =	vadd.f32 v28, v14;
	v17 =	vmul.f32 v30, v30;
	v11 =	vld [tilespmem:s26+$0xFFFFFF70];
	v9 =	vadd.f32 v30, v9;
	v2 =	vmovc v31  }
0x57: {  	v8 =	vadd.f32 v15, v8;
	v15 =	vadd.f32 v25, v10;
	v10 =	vmul.f32 v27, v27;
	v19 =	vld [tilespmem:s26+$0xFFFFFEE0]  }
0x58: {  	v24 =	vadd.f32 v27, v24;
	v25 =	vmul.f32 v33, v33;
	v23 =	vld [tilespmem:s26+$0xFFFFFFD0];
	v9 =	vadd.f32 v33, v9  }
0x59: {  	v8 =	vadd.f32 v17, v8;
	v17 =	vadd.f32 v10, v14;
	v33 =	vld [tilespmem:s26+$0xFFFFFFC0]  }
0x5a: {  	v6 =	vadd.f32 v7, v6;
	v28 =	vadd.f32 v32, v13;
	v14 =	vld [tilespmem:s26+$0xFFFFFF50]  }
0x5b: {  	v10 =	vadd.f32 v25, v8;
	v25 =	vadd.f32 v39, v37;
	v7 =	vld [tilespmem:s26+$0xFFFFFF40]  }
0x5c: {  	v4 =	vadd.f32 v19, v4;
	v8 =	vmul.f32 v19, v19;
	v19 =	vld [tilespmem:s26+$0xFFFFFF30]  }
0x5d: {  	v32 =	vmul.f32 v34, v34;
	v30 =	vmul.f32 v16, v16;
	v13 =	vld [tilespmem:s26+$0xFFFFFF20]  }
0x5e: {  	v8 =	vadd.f32 v8, v12;
	v12 =	vld [tilespmem:s26+$0xFFFFFF10];
	v4 =	vadd.f32 v11, v4;
	v11 =	vmul.f32 v11, v11  }
0x5f: {  	v39 =	vmul.f32 v23, v23;
	v37 =	vld [tilespmem:s26+$0xFFFFFF00];
	v6 =	vadd.f32 v14, v6;
	v38 =	vmul.f32 v14, v14  }
0x60: {  	v40 =	vld [tilespmem:s26+$0xFFFFFEF0];
	v35 =	vadd.f32 v7, v35;
	v7 =	vmul.f32 v7, v7;
	v4 =	vadd.f32 v16, v4  }
0x61: {  	v11 =	vadd.f32 v11, v8;
	v41 =	vadd.f32 v19, v24;
	v14 =	vmul.f32 v19, v19;
	v42 =	vld [tilespmem:s26+$0xFFFFFF90]  }
0x62: {  	v27 =	vmul.f32 v13, v13;
	v7 =	vadd.f32 v7, v18;
	v16 =	vld [tilespmem:s26+$0xFFFFFF60];
	v4 =	vadd.f32 v29, v4  }
0x63: {  	v6 =	vadd.f32 v36, v6;
	v9 =	vadd.f32 v12, v9;
	v8 =	vmul.f32 v12, v12;
	v12 =	vld [tilespmem:s26+$0xFFFFFF80]  }
0x64: {  	v43 =	vadd.f32 v30, v11;
	v18 =	vadd.f32 v37, v15;
	v37 =	vmul.f32 v37, v37;
	v15 =	vld [tilespmem:s26+$0x70]  }
0x65: {  	v30 =	vadd.f32 v38, v22;
	v7 =	vadd.f32 v39, v7;
	v44 =	vmul.f32 v40, v40;
	v19 =	vld [tilespmem:s26+$0x10]  }
0x66: {  	v24 =	vmul.f32 v31, v2;
	v35 =	vadd.f32 v23, v35;
	v11 =	vadd.f32 v42, v18;
	v22 =	vld [tilespmem:s26+$0xFFFFFFB0]  }
0x67: {  	v18 =	vadd.f32 v32, v7;
	v25 =	vadd.f32 v16, v25;
	v16 =	vmul.f32 v33, v33;
	v38 =	vld [tilespmem:s26+$0xFFFFFFF0]  }
.Ltmp0:
0x68: {  	v23 =	vadd.f32 v40, v26;
	v26 =	vadd.f32 v33, v41;
	v39 =	vmul.f32 v12, v12;
	v31 =	vld [tilespmem:s26+$0xF0];
	(pc) =	sbr.rel @p1 .LBB2_5-.Ltmp0, $4  }
0x69: {  	v41 =	vmul.f32 v29, v29;
	v40 =	vadd.f32 v44, v20;
	v6 =	vadd.f32 v15, v6;
	v7 =	vld [tilespmem:s26+$0x100]  }
0x6a: {  	v35 =	vadd.f32 v34, v35;
	v29 =	vadd.f32 v12, v23;
	v32 =	vmul.f32 v19, v19;
	v23 =	vld [tilespmem:s26+$0x20]  }
0x6b: {  	v34 =	vadd.f32 v37, v21;
	v33 =	vmul.f32 v36, v36;
	v12 =	vadd.f32 v41, v43;
	v20 =	vld [tilespmem:s26+$0x80]  }
0x6c: {  	v37 =	vmul.f32 v42, v42;
	v36 =	vadd.f32 v39, v40;
	s26 =	sadd.s32 $0x240, s26;
	v21 =	vadd.f32 v38, v25;
	v25 =	vld [tilespmem:s24+$0xB0]  }
0x6d: {  	v5 =	vadd.f32 v27, v5;
	v35 =	vadd.f32 v31, v35  }
0x6e: {  	v13 =	vadd.f32 v13, v28;
	v30 =	vadd.f32 v33, v30  }
0x6f: {  	v27 =	vmul.f32 v22, v22;
	v14 =	vadd.f32 v14, v17;
	v19 =	vadd.f32 v19, v29  }
0x70: {  	v8 =	vadd.f32 v8, v10;
	v28 =	vadd.f32 v37, v34  }
0x71: {  	v58 =	vld [tilespmem:s24+$0x50];
	v32 =	vadd.f32 v32, v36;
	v5 =	vadd.f32 v27, v5  }
0x72: {  	v17 =	vld [tilespmem:s24+$0xFFFFFFA0];
	v13 =	vadd.f32 v22, v13;
	v1 =	vadd.f32 v1, v19  }
0x73: {  	v38 =	vld [tilespmem:s24+$0xD0];
	v57 =	vmul.f32 v23, v23;
	v14 =	vadd.f32 v16, v14;
	v11 =	vadd.f32 v23, v11  }
0x74: {  	v10 =	vmul.f32 v31, v31;
	v3 =	vadd.f32 v3, v32;
	v5 =	vadd.f32 v24, v5;
	v24 =	vld [tilespmem:s24+$0x30]  }
0x75: {  	v4 =	vmul.f32 v4, v4;
	v28 =	vadd.f32 v57, v28;
	v2 =	vadd.f32 v2, v13  }
0x76: {  	v59 =	vmul.f32 v25, v25;
	v11 =	vadd.f32 v25, v11;
	v22 =	vadd.f32 v58, v26;
	v26 =	vld [tilespmem:s24+$0xC0]  }
0x77: {  	v1 =	vmul.f32 v1, v1;
	v9 =	vadd.f32 v17, v9;
	v13 =	vmul.f32 v17, v17  }
0x78: {  	v3 =	vadd.f32 v3, v12;
	v27 =	vadd.f32 v59, v28;
	v28 =	vmul.f32 v38, v38  }
0x79: {  	v8 =	vadd.f32 v13, v8;
	v13 =	vld [tilespmem:s24+$0xE0];
	v9 =	vadd.f32 v24, v9;
	v16 =	vmul.f32 v24, v24  }
0x7a: {  	v1 =	vadd.f32 v1, v4;
	v4 =	vmul.f32 v11, v11;
	v2 =	vadd.f32 v38, v2  }
0x7b: {  	v17 =	vmul.f32 v26, v26;
	v9 =	vadd.f32 v26, v9;
	v8 =	vadd.f32 v16, v8  }
0x7c: {  	v11 =	vmul.f32 v58, v58;
	v5 =	vadd.f32 v28, v5;
	v1 =	vadd.f32 v4, v1  }
0x7d: {  	v3 =	vadd.f32 v27, v3;
	v8 =	vadd.f32 v17, v8;
	v4 =	vmul.f32 v9, v9  }
0x7e: {  	v12 =	vadd.f32 v13, v22;
	v9 =	vadd.f32 v11, v14;
	v11 =	vmul.f32 v13, v13  }
0x7f: {  	v2 =	vmul.f32 v2, v2;
	v1 =	vadd.f32 v4, v1;
	v3 =	vadd.f32 v8, v3  }
0x80: {  	v6 =	vadd.f32 v7, v6;
	v4 =	vmul.f32 v15, v15;
	v9 =	vadd.f32 v11, v9  }
0x81: {  	v1 =	vadd.f32 v2, v1;
	v2 =	vadd.f32 v5, v3;
	v3 =	vmul.f32 v12, v12  }
0x82: {  	v8 =	vadd.f32 v10, v18;
	v4 =	vadd.f32 v4, v30;
	v5 =	vmul.f32 v7, v7  }
0x83: {  	v1 =	vadd.f32 v3, v1;
	v2 =	vadd.f32 v9, v2;
	v3 =	vmul.f32 v35, v35  }
0x84: {  	v4 =	vadd.f32 v5, v4  }
0x85: {  	v1 =	vadd.f32 v3, v1;
	v2 =	vadd.f32 v8, v2;
	v3 =	vmul.f32 v6, v6  }
0x86: {  	v5 =	vld [tilespmem:s24+$0x110]  }
0x87: {  	v1 =	vadd.f32 v3, v1;
	v2 =	vadd.f32 v4, v2;
	_ =	sdelay $0x1  }
0x88: {  	v3 =	vadd.f32 v20, v21;
	v1 =	vsub.f32 v1, v2;
	_ =	sdelay $0x1  }
0x89: {  	v2 =	vadd.f32 v5, v3;
	v1 =	vmul.f32 $5.000000000e-01, v1;
	_ =	sdelay $0x1  }
0x8a: {  	v1 =	vadd.f32 v1, v2;
	_ =	sdelay $0x1  }
0x8b: {  	(xrf2) =	vadd.scan.msk.f32 $0xffff, v1;
	_ =	sdelay $0x9  }
0x8c: {  	v1, _, _ =	vpop (xrf2)  }
0x8d: {  	(v2sf) =	vpush v1, $0xF;
	_ =	sdelay $0x6  }
0x8e: {  	s30 =	sshll.u32 s23, $0x1  }
0x8f: {  	s24 =	sadd.s32 s22, s30  }
0x90: {  	s25 =	sshll.u32 s24, $0x2  }
0x91: {  	v1 =	vmov s25  }
0x92: {  	v1 =	vshrl.u32 v1, $0x3  }
0x93: {  	v1 =	vshll.u32 v1, v0  }
0x94: {  	v2 =	vbroadcast v1, $0x0;
	_ =	sdelay $0x1  }
0x95: {  	s31 =	spop (v2sf)  }
0x96: {  	s25 =	sadd.f32 s31, s19;
	_ =	sdelay $0x1  }
0x97: {  	v3 =	vmov s25  }
0x98: {  	s25 =	simm.s32 $0x5370;
	[tilespmem:v2+s16+$0x0] =	vst.idx.msk $0x1, v3  }
0x99: {  	v2 =	vld [tilespmem:s25+$0xFFFFFF90]  }
0x9a: {  	v11 =	vld [tilespmem:s25+$0xFFFFFF50]  }
0x9b: {  	v13 =	vld [tilespmem:s25+$0xFFFFFED0]  }
0x9c: {  	v5 =	vld [tilespmem:s25+$0xFFFFFEF0]  }
0x9d: {  	v7 =	vld [tilespmem:s25+$0xFFFFFE60]  }
0x9e: {  	v9 =	vld [tilespmem:s25+$0xFFFFFDD0]  }
0x9f: {  	v17 =	vld [tilespmem:s25+$0xFFFFFEC0]  }
0xa0: {  	v10 =	vld [tilespmem:s25+$0xFFFFFE40]  }
0xa1: {  	v12 =	vld [tilespmem:s25+$0xFFFFFE30]  }
0xa2: {  	v16 =	vld [tilespmem:s25+$0xFFFFFE20]  }
0xa3: {  	v15 =	vld [tilespmem:s25+$0xFFFFFE10]  }
0xa4: {  	v6 =	vimm.f32 $0.0e+00;
	v30 =	vld [tilespmem:s25+$0xFFFFFE50]  }
0xa5: {  	v60 =	vld [tilespmem:s25+$0xFFFFFE80];
	v4 =	vmul.f32 v2, v2;
	v14 =	vadd.f32 v9, v6;
	v9 =	vmul.f32 v9, v9  }
0xa6: {  	v20 =	vld [tilespmem:s25+$0xFFFFFE00];
	v19 =	vmul.f32 v5, v5;
	v21 =	vmul.f32 v11, v11  }
0xa7: {  	v22 =	vld [tilespmem:s25+$0xFFFFFDF0];
	v23 =	vadd.f32 v10, v6;
	v24 =	vmul.f32 v10, v10;
	v25 =	vmul.f32 v17, v17  }
0xa8: {  	v18 =	vld [tilespmem:s25+$0xFFFFFEB0];
	v27 =	vadd.f32 v12, v6;
	v10 =	vmul.f32 v12, v12;
	v29 =	vadd.f32 v16, v6  }
0xa9: {  	v8 =	vld [tilespmem:s25+$0xFFFFFF80];
	v28 =	vmul.f32 v15, v15;
	v39 =	vadd.f32 v30, v6;
	v34 =	vmul.f32 v13, v13  }
0xaa: {  	v38 =	vmul.f32 v60, v60;
	v9 =	vadd.f32 v9, v6;
	v14 =	vadd.f32 v7, v14  }
0xab: {  	v40 =	vld [tilespmem:s25+$0xFFFFFEE0];
	v7 =	vmul.f32 v7, v7;
	v12 =	vadd.f32 v10, v6;
	v10 =	vadd.f32 v20, v6  }
0xac: {  	v3 =	vld [tilespmem:s25+$0xFFFFFF30];
	v62 =	vadd.f32 v13, v23;
	v23 =	vadd.f32 v22, v6;
	v22 =	vmul.f32 v22, v22  }
0xad: {  	v26 =	vld [tilespmem:s25+$0xFFFFFDE0];
	v31 =	vadd.f32 v24, v6;
	v24 =	vadd.f32 v17, v27;
	v17 =	vmul.f32 v18, v18  }
0xae: {  	v61 =	vld [tilespmem:s25+$0xFFFFFE70];
	v27 =	vadd.f32 v18, v29;
	v29 =	vmul.f32 v8, v8;
	v5 =	vadd.f32 v5, v14  }
0xaf: {  	v32 =	vld [tilespmem:s25+$0xFFFFFFE0];
	v14 =	vmul.f32 v16, v16;
	v7 =	vadd.f32 v7, v9;
	v36 =	vadd.f32 v11, v24  }
0xb0: {  	v9 =	vmul.f32 v20, v20;
	v16 =	vld [tilespmem:s25+$0xFFFFFF60];
	v35 =	vadd.f32 v22, v6;
	v22 =	vadd.f32 v40, v39  }
0xb1: {  	v20 =	vld [tilespmem:s25+$0xFFFFFF00];
	v11 =	vimm.f32 $0.0e+00;
	v63 =	vadd.f32 v19, v7;
	v19 =	vadd.f32 v25, v12  }
0xb2: {  	v5 =	vadd.f32 v8, v5;
	v7 =	vmul.f32 v26, v26;
	v12 =	vadd.f32 v60, v23;
	v23 =	vld [tilespmem:s25+$0xFFFFFEA0]  }
0xb3: {  	v24 =	vld [tilespmem:s25+$0xFFFFFF10];
	v25 =	vmul.f32 v3, v3;
	v19 =	vadd.f32 v21, v19;
	v21 =	vadd.f32 v26, v6  }
0xb4: {  	v8 =	vld [tilespmem:s25+$0xFFFFFFF0];
	v26 =	vmul.f32 v61, v61;
	v18 =	vadd.f32 v7, v6;
	v13 =	vadd.f32 v29, v63  }
0xb5: {  	v29 =	vimm.f32 $0.0e+00;
	v7 =	vadd.f32 v16, v62;
	v30 =	vadd.f32 v61, v21;
	v21 =	vld [tilespmem:s25+$0xFFFFFF70]  }
0xb6: {  	s26 =	simm.s32 $0x0;
	s28 =	simm.s32 $0x55B0;
	v33 =	vmul.f32 v20, v20;
	v37 =	vadd.f32 v26, v18;
	v26 =	vld [tilespmem:s25+$0xFFFFFFA0];
	v18 =	vimm.f32 $0.0e+00  }
.LBB2_7:
0xb7: {  	v39 =	vld [tilespmem:s28+$0xFFFFFF90];
	s26 =	sadd.s32 $0x4, s26;
	v6 =	vadd.f32 v28, v6;
	v28 =	vmul.f32 v23, v23;
	v36 =	vadd.f32 v32, v36  }
0xb8: {  	v15 =	vadd.f32 v15, v29;
	v32 =	vmul.f32 v32, v32;
	p1 =	slt.u32 s26, $0x60;
	v29 =	vadd.f32 v33, v37;
	v33 =	vld [tilespmem:s25+$0xFFFFFFC0]  }
0xb9: {  	v31 =	vadd.f32 v34, v31;
	v35 =	vadd.f32 v38, v35;
	v34 =	vmul.f32 v24, v24;
	v37 =	vld [tilespmem:s25+$0xFFFFFF40]  }
0xba: {  	v16 =	vmul.f32 v16, v16;
	v38 =	vadd.f32 v21, v22;
	v21 =	vadd.f32 v4, v29;
	v40 =	vld [tilespmem:s25+$0x0]  }
0xbb: {  	v19 =	vadd.f32 v32, v19;
	v22 =	vadd.f32 v34, v35;
	v29 =	vmul.f32 v26, v26;
	v34 =	vld [tilespmem:s25+$0xFFFFFFB0]  }
0xbc: {  	v6 =	vadd.f32 v28, v6;
	v16 =	vadd.f32 v16, v31;
	v4 =	vmul.f32 v39, v39;
	v28 =	vld [tilespmem:s25+$0xFFFFFFD0]  }
0xbd: {  	v14 =	vadd.f32 v14, v18;
	v18 =	vld [tilespmem:s25+$0xFFFFFE90];
	v22 =	vadd.f32 v29, v22;
	v29 =	vmul.f32 v33, v33  }
0xbe: {  	v6 =	vadd.f32 v25, v6;
	v31 =	vld [tilespmem:s25+$0xFFFFFF20];
	v25 =	vadd.f32 v37, v27;
	v27 =	vmul.f32 v8, v8;
	s25 =	smov.u32 s28  }
0xbf: {  	v20 =	vadd.f32 v20, v30;
	v15 =	vadd.f32 v23, v15;
	v32 =	vld [tilespmem:s28+$0xFFFFFF30]  }
0xc0: {  	v6 =	vadd.f32 v29, v6;
	v35 =	vld [tilespmem:s28+$0xFFFFFF50];
	v23 =	vadd.f32 v27, v16  }
0xc1: {  	v15 =	vadd.f32 v3, v15;
	v29 =	vmul.f32 v37, v37;
	v27 =	vadd.f32 v2, v20;
	v2 =	vmovc v39;
	v30 =	vld [tilespmem:s28+$0xFFFFFF80]  }
0xc2: {  	v14 =	vadd.f32 v17, v14;
	v37 =	vld [tilespmem:s28+$0xFFFFFED0];
	v10 =	vadd.f32 v18, v10;
	v16 =	vmul.f32 v18, v18  }
0xc3: {  	v9 =	vadd.f32 v9, v11;
	v11 =	vadd.f32 v24, v12;
	v17 =	vld [tilespmem:s28+$0xFFFFFEF0]  }
0xc4: {  	v14 =	vadd.f32 v29, v14;
	v18 =	vmul.f32 v31, v31;
	v12 =	vld [tilespmem:s28+$0xFFFFFE60];
	v10 =	vadd.f32 v31, v10;
	v3 =	vmovc v32  }
0xc5: {  	v9 =	vadd.f32 v16, v9;
	v16 =	vadd.f32 v26, v11;
	v11 =	vmul.f32 v28, v28;
	v20 =	vld [tilespmem:s28+$0xFFFFFDD0]  }
0xc6: {  	v25 =	vadd.f32 v28, v25;
	v26 =	vmul.f32 v34, v34;
	v24 =	vld [tilespmem:s28+$0xFFFFFEC0];
	v10 =	vadd.f32 v34, v10  }
0xc7: {  	v9 =	vadd.f32 v18, v9;
	v18 =	vadd.f32 v11, v14;
	v34 =	vld [tilespmem:s28+$0xFFFFFEB0]  }
0xc8: {  	v7 =	vadd.f32 v8, v7;
	v29 =	vadd.f32 v33, v15;
	v14 =	vld [tilespmem:s28+$0xFFFFFE40]  }
0xc9: {  	v11 =	vadd.f32 v26, v9;
	v26 =	vadd.f32 v40, v38;
	v8 =	vld [tilespmem:s28+$0xFFFFFE30]  }
0xca: {  	v5 =	vadd.f32 v20, v5;
	v9 =	vmul.f32 v20, v20;
	v20 =	vld [tilespmem:s28+$0xFFFFFE20]  }
0xcb: {  	v33 =	vmul.f32 v35, v35;
	v31 =	vmul.f32 v17, v17;
	v15 =	vld [tilespmem:s28+$0xFFFFFE10]  }
0xcc: {  	v9 =	vadd.f32 v9, v13;
	v13 =	vld [tilespmem:s28+$0xFFFFFE00];
	v5 =	vadd.f32 v12, v5;
	v12 =	vmul.f32 v12, v12  }
0xcd: {  	v40 =	vmul.f32 v24, v24;
	v38 =	vld [tilespmem:s28+$0xFFFFFDF0];
	v7 =	vadd.f32 v14, v7;
	v39 =	vmul.f32 v14, v14  }
0xce: {  	v41 =	vld [tilespmem:s28+$0xFFFFFDE0];
	v36 =	vadd.f32 v8, v36;
	v8 =	vmul.f32 v8, v8;
	v5 =	vadd.f32 v17, v5  }
0xcf: {  	v12 =	vadd.f32 v12, v9;
	v42 =	vadd.f32 v20, v25;
	v14 =	vmul.f32 v20, v20;
	v43 =	vld [tilespmem:s28+$0xFFFFFE80]  }
0xd0: {  	v28 =	vmul.f32 v15, v15;
	v8 =	vadd.f32 v8, v19;
	v17 =	vld [tilespmem:s28+$0xFFFFFE50];
	v5 =	vadd.f32 v30, v5  }
0xd1: {  	v7 =	vadd.f32 v37, v7;
	v10 =	vadd.f32 v13, v10;
	v9 =	vmul.f32 v13, v13;
	v13 =	vld [tilespmem:s28+$0xFFFFFE70]  }
0xd2: {  	v44 =	vadd.f32 v31, v12;
	v19 =	vadd.f32 v38, v16;
	v38 =	vmul.f32 v38, v38;
	v16 =	vld [tilespmem:s28+$0xFFFFFF60]  }
0xd3: {  	v31 =	vadd.f32 v39, v23;
	v8 =	vadd.f32 v40, v8;
	v45 =	vmul.f32 v41, v41;
	v20 =	vld [tilespmem:s28+$0xFFFFFF00]  }
0xd4: {  	v25 =	vmul.f32 v32, v3;
	v36 =	vadd.f32 v24, v36;
	v12 =	vadd.f32 v43, v19;
	v23 =	vld [tilespmem:s28+$0xFFFFFEA0]  }
0xd5: {  	v19 =	vadd.f32 v33, v8;
	v26 =	vadd.f32 v17, v26;
	v17 =	vmul.f32 v34, v34;
	v39 =	vld [tilespmem:s28+$0xFFFFFEE0]  }
.Ltmp1:
0xd6: {  	v24 =	vadd.f32 v41, v27;
	v27 =	vadd.f32 v34, v42;
	v40 =	vmul.f32 v13, v13;
	v32 =	vld [tilespmem:s28+$0xFFFFFFE0];
	(pc) =	sbr.rel @p1 .LBB2_7-.Ltmp1, $4  }
0xd7: {  	v42 =	vmul.f32 v30, v30;
	v41 =	vadd.f32 v45, v21;
	v7 =	vadd.f32 v16, v7;
	v8 =	vld [tilespmem:s28+$0xFFFFFFF0]  }
0xd8: {  	v36 =	vadd.f32 v35, v36;
	v30 =	vadd.f32 v13, v24;
	v33 =	vmul.f32 v20, v20;
	v24 =	vld [tilespmem:s28+$0xFFFFFF10]  }
0xd9: {  	v35 =	vadd.f32 v38, v22;
	v34 =	vmul.f32 v37, v37;
	v13 =	vadd.f32 v42, v44;
	v21 =	vld [tilespmem:s28+$0xFFFFFF70]  }
0xda: {  	v38 =	vmul.f32 v43, v43;
	v37 =	vadd.f32 v40, v41;
	s28 =	sadd.s32 $0x240, s28;
	v22 =	vadd.f32 v39, v26;
	v26 =	vld [tilespmem:s25+$0xFFFFFFA0]  }
0xdb: {  	v6 =	vadd.f32 v28, v6;
	v15 =	vadd.f32 v15, v29  }
0xdc: {  	v36 =	vadd.f32 v32, v36;
	v31 =	vadd.f32 v34, v31  }
0xdd: {  	v28 =	vmul.f32 v23, v23;
	v14 =	vadd.f32 v14, v18;
	v20 =	vadd.f32 v20, v30  }
0xde: {  	v9 =	vadd.f32 v9, v11;
	v35 =	vadd.f32 v38, v35  }
0xdf: {  	v57 =	vld [tilespmem:s25+$0xFFFFFF40];
	v33 =	vadd.f32 v33, v37;
	v6 =	vadd.f32 v28, v6  }
0xe0: {  	v18 =	vld [tilespmem:s25+$0xFFFFFE90];
	v15 =	vadd.f32 v23, v15;
	v2 =	vadd.f32 v2, v20  }
0xe1: {  	v29 =	vld [tilespmem:s25+$0xFFFFFFC0];
	v56 =	vmul.f32 v24, v24;
	v14 =	vadd.f32 v17, v14;
	v12 =	vadd.f32 v24, v12  }
0xe2: {  	v11 =	vmul.f32 v32, v32;
	v4 =	vadd.f32 v4, v33;
	v6 =	vadd.f32 v25, v6;
	v25 =	vld [tilespmem:s25+$0xFFFFFF20]  }
0xe3: {  	v5 =	vmul.f32 v5, v5;
	v35 =	vadd.f32 v56, v35;
	v3 =	vadd.f32 v3, v15  }
0xe4: {  	v58 =	vmul.f32 v26, v26;
	v12 =	vadd.f32 v26, v12;
	v23 =	vadd.f32 v57, v27;
	v27 =	vld [tilespmem:s25+$0xFFFFFFB0]  }
0xe5: {  	v2 =	vmul.f32 v2, v2;
	v10 =	vadd.f32 v18, v10;
	v15 =	vmul.f32 v18, v18  }
0xe6: {  	v59 =	vmul.f32 v29, v29;
	v4 =	vadd.f32 v4, v13;
	v28 =	vadd.f32 v58, v35  }
0xe7: {  	v9 =	vadd.f32 v15, v9;
	v15 =	vld [tilespmem:s25+$0xFFFFFFD0];
	v10 =	vadd.f32 v25, v10;
	v17 =	vmul.f32 v25, v25  }
0xe8: {  	v2 =	vadd.f32 v2, v5;
	v5 =	vmul.f32 v12, v12;
	v3 =	vadd.f32 v29, v3  }
0xe9: {  	v18 =	vmul.f32 v27, v27;
	v10 =	vadd.f32 v27, v10;
	v9 =	vadd.f32 v17, v9  }
0xea: {  	v12 =	vmul.f32 v57, v57;
	v6 =	vadd.f32 v59, v6;
	v2 =	vadd.f32 v5, v2  }
0xeb: {  	v4 =	vadd.f32 v28, v4;
	v9 =	vadd.f32 v18, v9;
	v5 =	vmul.f32 v10, v10  }
0xec: {  	v13 =	vadd.f32 v15, v23;
	v10 =	vadd.f32 v12, v14;
	v12 =	vmul.f32 v15, v15  }
0xed: {  	v3 =	vmul.f32 v3, v3;
	v2 =	vadd.f32 v5, v2;
	v4 =	vadd.f32 v9, v4  }
0xee: {  	v7 =	vadd.f32 v8, v7;
	v5 =	vmul.f32 v16, v16;
	v10 =	vadd.f32 v12, v10  }
0xef: {  	v2 =	vadd.f32 v3, v2;
	v3 =	vadd.f32 v6, v4;
	v4 =	vmul.f32 v13, v13  }
0xf0: {  	v9 =	vadd.f32 v11, v19;
	v5 =	vadd.f32 v5, v31;
	v6 =	vmul.f32 v8, v8  }
0xf1: {  	v2 =	vadd.f32 v4, v2;
	v3 =	vadd.f32 v10, v3;
	v4 =	vmul.f32 v36, v36  }
0xf2: {  	v5 =	vadd.f32 v6, v5  }
0xf3: {  	v2 =	vadd.f32 v4, v2;
	v3 =	vadd.f32 v9, v3;
	v4 =	vmul.f32 v7, v7  }
0xf4: {  	v6 =	vld [tilespmem:s25+$0x0]  }
0xf5: {  	v2 =	vadd.f32 v4, v2;
	v3 =	vadd.f32 v5, v3;
	_ =	sdelay $0x1  }
0xf6: {  	v4 =	vadd.f32 v21, v22;
	v2 =	vsub.f32 v2, v3;
	_ =	sdelay $0x1  }
0xf7: {  	v3 =	vadd.f32 v6, v4;
	v2 =	vmul.f32 $5.000000000e-01, v2;
	_ =	sdelay $0x1  }
0xf8: {  	v2 =	vadd.f32 v2, v3;
	_ =	sdelay $0x1  }
0xf9: {  	(xrf2) =	vadd.scan.msk.f32 $0xffff, v2;
	_ =	sdelay $0x9  }
0xfa: {  	v2, _, _ =	vpop (xrf2)  }
0xfb: {  	(v2sf) =	vpush v2, $0xF;
	_ =	sdelay $0xb  }
0xfc: {  	v2 =	vadd.s32 $0x1, v1  }
0xfd: {  	v2 =	vbroadcast v2, $0x0;
	_ =	sdelay $0x1  }
0xfe: {  	s31 =	spop (v2sf)  }
0xff: {  	s25 =	sadd.f32 s31, s19;
	_ =	sdelay $0x1  }
0x100: {  	v3 =	vmov s25  }
0x101: {  	s25 =	simm.s32 $0x8980;
	[tilespmem:v2+s16+$0x0] =	vst.idx.msk $0x1, v3  }
0x102: {  	v2 =	vld [tilespmem:s25+$0x1C0]  }
0x103: {  	v11 =	vld [tilespmem:s25+$0x180]  }
0x104: {  	v13 =	vld [tilespmem:s25+$0x100]  }
0x105: {  	v5 =	vld [tilespmem:s25+$0x120]  }
0x106: {  	v7 =	vld [tilespmem:s25+$0x90]  }
0x107: {  	v9 =	vld [tilespmem:s25+$0x0]  }
0x108: {  	v17 =	vld [tilespmem:s25+$0xF0]  }
0x109: {  	v10 =	vld [tilespmem:s25+$0x70]  }
0x10a: {  	v12 =	vld [tilespmem:s25+$0x60]  }
0x10b: {  	v16 =	vld [tilespmem:s25+$0x50]  }
0x10c: {  	v15 =	vld [tilespmem:s25+$0x40]  }
0x10d: {  	v6 =	vimm.f32 $0.0e+00;
	v30 =	vld [tilespmem:s25+$0x80]  }
0x10e: {  	v60 =	vld [tilespmem:s25+$0xB0];
	v4 =	vmul.f32 v2, v2;
	v14 =	vadd.f32 v9, v6;
	v9 =	vmul.f32 v9, v9  }
0x10f: {  	v20 =	vld [tilespmem:s25+$0x30];
	v19 =	vmul.f32 v5, v5;
	v21 =	vmul.f32 v11, v11  }
0x110: {  	v22 =	vld [tilespmem:s25+$0x20];
	v23 =	vadd.f32 v10, v6;
	v24 =	vmul.f32 v10, v10;
	v25 =	vmul.f32 v17, v17  }
0x111: {  	v18 =	vld [tilespmem:s25+$0xE0];
	v27 =	vadd.f32 v12, v6;
	v10 =	vmul.f32 v12, v12;
	v29 =	vadd.f32 v16, v6  }
0x112: {  	v8 =	vld [tilespmem:s25+$0x1B0];
	v28 =	vmul.f32 v15, v15;
	v39 =	vadd.f32 v30, v6;
	v34 =	vmul.f32 v13, v13  }
0x113: {  	v38 =	vmul.f32 v60, v60;
	v9 =	vadd.f32 v9, v6;
	v14 =	vadd.f32 v7, v14  }
0x114: {  	v40 =	vld [tilespmem:s25+$0x110];
	v7 =	vmul.f32 v7, v7;
	v12 =	vadd.f32 v10, v6;
	v10 =	vadd.f32 v20, v6  }
0x115: {  	v3 =	vld [tilespmem:s25+$0x160];
	v62 =	vadd.f32 v13, v23;
	v23 =	vadd.f32 v22, v6;
	v22 =	vmul.f32 v22, v22  }
0x116: {  	v26 =	vld [tilespmem:s25+$0x10];
	v31 =	vadd.f32 v24, v6;
	v24 =	vadd.f32 v17, v27;
	v17 =	vmul.f32 v18, v18  }
0x117: {  	v61 =	vld [tilespmem:s25+$0xA0];
	v27 =	vadd.f32 v18, v29;
	v29 =	vmul.f32 v8, v8;
	v5 =	vadd.f32 v5, v14  }
0x118: {  	v32 =	vld [tilespmem:s25+$0x210];
	v14 =	vmul.f32 v16, v16;
	v7 =	vadd.f32 v7, v9;
	v36 =	vadd.f32 v11, v24  }
0x119: {  	v9 =	vmul.f32 v20, v20;
	v16 =	vld [tilespmem:s25+$0x190];
	v35 =	vadd.f32 v22, v6;
	v22 =	vadd.f32 v40, v39  }
0x11a: {  	v20 =	vld [tilespmem:s25+$0x130];
	v11 =	vimm.f32 $0.0e+00;
	v63 =	vadd.f32 v19, v7;
	v19 =	vadd.f32 v25, v12  }
0x11b: {  	v5 =	vadd.f32 v8, v5;
	v7 =	vmul.f32 v26, v26;
	v12 =	vadd.f32 v60, v23;
	v23 =	vld [tilespmem:s25+$0xD0]  }
0x11c: {  	v24 =	vld [tilespmem:s25+$0x140];
	v25 =	vmul.f32 v3, v3;
	v19 =	vadd.f32 v21, v19;
	v21 =	vadd.f32 v26, v6  }
0x11d: {  	v8 =	vld [tilespmem:s25+$0x220];
	v26 =	vmul.f32 v61, v61;
	v18 =	vadd.f32 v7, v6;
	v13 =	vadd.f32 v29, v63  }
0x11e: {  	v29 =	vimm.f32 $0.0e+00;
	v7 =	vadd.f32 v16, v62;
	v30 =	vadd.f32 v61, v21;
	v21 =	vld [tilespmem:s25+$0x1A0]  }
0x11f: {  	s26 =	simm.s32 $0x0;
	s28 =	simm.s32 $0x8BC0;
	v33 =	vmul.f32 v20, v20;
	v37 =	vadd.f32 v26, v18;
	v26 =	vld [tilespmem:s25+$0x1D0];
	v18 =	vimm.f32 $0.0e+00  }
.LBB2_9:
0x120: {  	v39 =	vld [tilespmem:s28+$0x1C0];
	s26 =	sadd.s32 $0x4, s26;
	v6 =	vadd.f32 v28, v6;
	v28 =	vmul.f32 v23, v23;
	v36 =	vadd.f32 v32, v36  }
0x121: {  	v15 =	vadd.f32 v15, v29;
	v32 =	vmul.f32 v32, v32;
	p1 =	slt.u32 s26, $0x60;
	v29 =	vadd.f32 v33, v37;
	v33 =	vld [tilespmem:s25+$0x1F0]  }
0x122: {  	v31 =	vadd.f32 v34, v31;
	v35 =	vadd.f32 v38, v35;
	v34 =	vmul.f32 v24, v24;
	v37 =	vld [tilespmem:s25+$0x170]  }
0x123: {  	v16 =	vmul.f32 v16, v16;
	v38 =	vadd.f32 v21, v22;
	v21 =	vadd.f32 v4, v29;
	v40 =	vld [tilespmem:s25+$0x230]  }
0x124: {  	v19 =	vadd.f32 v32, v19;
	v22 =	vadd.f32 v34, v35;
	v29 =	vmul.f32 v26, v26;
	v34 =	vld [tilespmem:s25+$0x1E0]  }
0x125: {  	v6 =	vadd.f32 v28, v6;
	v16 =	vadd.f32 v16, v31;
	v4 =	vmul.f32 v39, v39;
	v28 =	vld [tilespmem:s25+$0x200]  }
0x126: {  	v14 =	vadd.f32 v14, v18;
	v18 =	vld [tilespmem:s25+$0xC0];
	v22 =	vadd.f32 v29, v22;
	v29 =	vmul.f32 v33, v33  }
0x127: {  	v6 =	vadd.f32 v25, v6;
	v31 =	vld [tilespmem:s25+$0x150];
	v25 =	vadd.f32 v37, v27;
	v27 =	vmul.f32 v8, v8;
	s25 =	smov.u32 s28  }
0x128: {  	v20 =	vadd.f32 v20, v30;
	v15 =	vadd.f32 v23, v15;
	v32 =	vld [tilespmem:s28+$0x160]  }
0x129: {  	v6 =	vadd.f32 v29, v6;
	v35 =	vld [tilespmem:s28+$0x180];
	v23 =	vadd.f32 v27, v16  }
0x12a: {  	v15 =	vadd.f32 v3, v15;
	v29 =	vmul.f32 v37, v37;
	v27 =	vadd.f32 v2, v20;
	v2 =	vmovc v39;
	v30 =	vld [tilespmem:s28+$0x1B0]  }
0x12b: {  	v14 =	vadd.f32 v17, v14;
	v37 =	vld [tilespmem:s28+$0x100];
	v10 =	vadd.f32 v18, v10;
	v16 =	vmul.f32 v18, v18  }
0x12c: {  	v9 =	vadd.f32 v9, v11;
	v11 =	vadd.f32 v24, v12;
	v17 =	vld [tilespmem:s28+$0x120]  }
0x12d: {  	v14 =	vadd.f32 v29, v14;
	v18 =	vmul.f32 v31, v31;
	v12 =	vld [tilespmem:s28+$0x90];
	v10 =	vadd.f32 v31, v10;
	v3 =	vmovc v32  }
0x12e: {  	v9 =	vadd.f32 v16, v9;
	v16 =	vadd.f32 v26, v11;
	v11 =	vmul.f32 v28, v28;
	v20 =	vld [tilespmem:s28+$0x0]  }
0x12f: {  	v25 =	vadd.f32 v28, v25;
	v26 =	vmul.f32 v34, v34;
	v24 =	vld [tilespmem:s28+$0xF0];
	v10 =	vadd.f32 v34, v10  }
0x130: {  	v9 =	vadd.f32 v18, v9;
	v18 =	vadd.f32 v11, v14;
	v34 =	vld [tilespmem:s28+$0xE0]  }
0x131: {  	v7 =	vadd.f32 v8, v7;
	v29 =	vadd.f32 v33, v15;
	v14 =	vld [tilespmem:s28+$0x70]  }
0x132: {  	v11 =	vadd.f32 v26, v9;
	v26 =	vadd.f32 v40, v38;
	v8 =	vld [tilespmem:s28+$0x60]  }
0x133: {  	v5 =	vadd.f32 v20, v5;
	v9 =	vmul.f32 v20, v20;
	v20 =	vld [tilespmem:s28+$0x50]  }
0x134: {  	v33 =	vmul.f32 v35, v35;
	v31 =	vmul.f32 v17, v17;
	v15 =	vld [tilespmem:s28+$0x40]  }
0x135: {  	v9 =	vadd.f32 v9, v13;
	v13 =	vld [tilespmem:s28+$0x30];
	v5 =	vadd.f32 v12, v5;
	v12 =	vmul.f32 v12, v12  }
0x136: {  	v40 =	vmul.f32 v24, v24;
	v38 =	vld [tilespmem:s28+$0x20];
	v7 =	vadd.f32 v14, v7;
	v39 =	vmul.f32 v14, v14  }
0x137: {  	v41 =	vld [tilespmem:s28+$0x10];
	v36 =	vadd.f32 v8, v36;
	v8 =	vmul.f32 v8, v8;
	v5 =	vadd.f32 v17, v5  }
0x138: {  	v12 =	vadd.f32 v12, v9;
	v42 =	vadd.f32 v20, v25;
	v14 =	vmul.f32 v20, v20;
	v43 =	vld [tilespmem:s28+$0xB0]  }
0x139: {  	v28 =	vmul.f32 v15, v15;
	v8 =	vadd.f32 v8, v19;
	v17 =	vld [tilespmem:s28+$0x80];
	v5 =	vadd.f32 v30, v5  }
0x13a: {  	v7 =	vadd.f32 v37, v7;
	v10 =	vadd.f32 v13, v10;
	v9 =	vmul.f32 v13, v13;
	v13 =	vld [tilespmem:s28+$0xA0]  }
0x13b: {  	v44 =	vadd.f32 v31, v12;
	v19 =	vadd.f32 v38, v16;
	v38 =	vmul.f32 v38, v38;
	v16 =	vld [tilespmem:s28+$0x190]  }
0x13c: {  	v31 =	vadd.f32 v39, v23;
	v8 =	vadd.f32 v40, v8;
	v45 =	vmul.f32 v41, v41;
	v20 =	vld [tilespmem:s28+$0x130]  }
0x13d: {  	v25 =	vmul.f32 v32, v3;
	v36 =	vadd.f32 v24, v36;
	v12 =	vadd.f32 v43, v19;
	v23 =	vld [tilespmem:s28+$0xD0]  }
0x13e: {  	v19 =	vadd.f32 v33, v8;
	v26 =	vadd.f32 v17, v26;
	v17 =	vmul.f32 v34, v34;
	v39 =	vld [tilespmem:s28+$0x110]  }
.Ltmp2:
0x13f: {  	v24 =	vadd.f32 v41, v27;
	v27 =	vadd.f32 v34, v42;
	v40 =	vmul.f32 v13, v13;
	v32 =	vld [tilespmem:s28+$0x210];
	(pc) =	sbr.rel @p1 .LBB2_9-.Ltmp2, $4  }
0x140: {  	v42 =	vmul.f32 v30, v30;
	v41 =	vadd.f32 v45, v21;
	v7 =	vadd.f32 v16, v7;
	v8 =	vld [tilespmem:s28+$0x220]  }
0x141: {  	v36 =	vadd.f32 v35, v36;
	v30 =	vadd.f32 v13, v24;
	v33 =	vmul.f32 v20, v20;
	v24 =	vld [tilespmem:s28+$0x140]  }
0x142: {  	v35 =	vadd.f32 v38, v22;
	v34 =	vmul.f32 v37, v37;
	v13 =	vadd.f32 v42, v44;
	v21 =	vld [tilespmem:s28+$0x1A0]  }
0x143: {  	v38 =	vmul.f32 v43, v43;
	v37 =	vadd.f32 v40, v41;
	s28 =	sadd.s32 $0x240, s28;
	v22 =	vadd.f32 v39, v26;
	v26 =	vld [tilespmem:s25+$0x1D0]  }
0x144: {  	v6 =	vadd.f32 v28, v6;
	v15 =	vadd.f32 v15, v29  }
0x145: {  	v36 =	vadd.f32 v32, v36;
	v31 =	vadd.f32 v34, v31  }
0x146: {  	v28 =	vmul.f32 v23, v23;
	v14 =	vadd.f32 v14, v18;
	v20 =	vadd.f32 v20, v30  }
0x147: {  	v9 =	vadd.f32 v9, v11;
	v35 =	vadd.f32 v38, v35  }
0x148: {  	v57 =	vld [tilespmem:s25+$0x170];
	v33 =	vadd.f32 v33, v37;
	v6 =	vadd.f32 v28, v6  }
0x149: {  	v18 =	vld [tilespmem:s25+$0xC0];
	v15 =	vadd.f32 v23, v15;
	v2 =	vadd.f32 v2, v20  }
0x14a: {  	v29 =	vld [tilespmem:s25+$0x1F0];
	v56 =	vmul.f32 v24, v24;
	v14 =	vadd.f32 v17, v14;
	v12 =	vadd.f32 v24, v12  }
0x14b: {  	v11 =	vmul.f32 v32, v32;
	v4 =	vadd.f32 v4, v33;
	v6 =	vadd.f32 v25, v6;
	v25 =	vld [tilespmem:s25+$0x150]  }
0x14c: {  	v5 =	vmul.f32 v5, v5;
	v35 =	vadd.f32 v56, v35;
	v3 =	vadd.f32 v3, v15  }
0x14d: {  	v58 =	vmul.f32 v26, v26;
	v12 =	vadd.f32 v26, v12;
	v23 =	vadd.f32 v57, v27;
	v27 =	vld [tilespmem:s25+$0x1E0]  }
0x14e: {  	v2 =	vmul.f32 v2, v2;
	v10 =	vadd.f32 v18, v10;
	v15 =	vmul.f32 v18, v18  }
0x14f: {  	v59 =	vmul.f32 v29, v29;
	v4 =	vadd.f32 v4, v13;
	v28 =	vadd.f32 v58, v35  }
0x150: {  	v9 =	vadd.f32 v15, v9;
	v15 =	vld [tilespmem:s25+$0x200];
	v10 =	vadd.f32 v25, v10;
	v17 =	vmul.f32 v25, v25  }
0x151: {  	v2 =	vadd.f32 v2, v5;
	v5 =	vmul.f32 v12, v12;
	v3 =	vadd.f32 v29, v3  }
0x152: {  	v18 =	vmul.f32 v27, v27;
	v10 =	vadd.f32 v27, v10;
	v9 =	vadd.f32 v17, v9  }
0x153: {  	v12 =	vmul.f32 v57, v57;
	v6 =	vadd.f32 v59, v6;
	v2 =	vadd.f32 v5, v2  }
0x154: {  	v4 =	vadd.f32 v28, v4;
	v9 =	vadd.f32 v18, v9;
	v5 =	vmul.f32 v10, v10  }
0x155: {  	v13 =	vadd.f32 v15, v23;
	v10 =	vadd.f32 v12, v14;
	v12 =	vmul.f32 v15, v15  }
0x156: {  	v3 =	vmul.f32 v3, v3;
	v2 =	vadd.f32 v5, v2;
	v4 =	vadd.f32 v9, v4  }
0x157: {  	v7 =	vadd.f32 v8, v7;
	v5 =	vmul.f32 v16, v16;
	v10 =	vadd.f32 v12, v10  }
0x158: {  	v2 =	vadd.f32 v3, v2;
	v3 =	vadd.f32 v6, v4;
	v4 =	vmul.f32 v13, v13  }
0x159: {  	v9 =	vadd.f32 v11, v19;
	v5 =	vadd.f32 v5, v31;
	v6 =	vmul.f32 v8, v8  }
0x15a: {  	v2 =	vadd.f32 v4, v2;
	v3 =	vadd.f32 v10, v3;
	v4 =	vmul.f32 v36, v36  }
0x15b: {  	v5 =	vadd.f32 v6, v5  }
0x15c: {  	v2 =	vadd.f32 v4, v2;
	v3 =	vadd.f32 v9, v3;
	v4 =	vmul.f32 v7, v7  }
0x15d: {  	v6 =	vld [tilespmem:s25+$0x230]  }
0x15e: {  	v2 =	vadd.f32 v4, v2;
	v3 =	vadd.f32 v5, v3;
	_ =	sdelay $0x1  }
0x15f: {  	v4 =	vadd.f32 v21, v22;
	v2 =	vsub.f32 v2, v3;
	_ =	sdelay $0x1  }
0x160: {  	v3 =	vadd.f32 v6, v4;
	v2 =	vmul.f32 $5.000000000e-01, v2;
	_ =	sdelay $0x1  }
0x161: {  	v2 =	vadd.f32 v2, v3;
	_ =	sdelay $0x1  }
0x162: {  	(xrf2) =	vadd.scan.msk.f32 $0xffff, v2;
	_ =	sdelay $0x9  }
0x163: {  	v2, _, _ =	vpop (xrf2)  }
0x164: {  	(v2sf) =	vpush v2, $0xF;
	_ =	sdelay $0xb  }
0x165: {  	v2 =	vadd.s32 $0x2, v1  }
0x166: {  	v2 =	vbroadcast v2, $0x0;
	_ =	sdelay $0x1  }
0x167: {  	s31 =	spop (v2sf)  }
0x168: {  	s25 =	sadd.f32 s31, s19;
	_ =	sdelay $0x1  }
0x169: {  	v3 =	vmov s25  }
0x16a: {  	s25 =	simm.s32 $0xC1C0;
	[tilespmem:v2+s16+$0x0] =	vst.idx.msk $0x1, v3  }
0x16b: {  	v2 =	vld [tilespmem:s25+$0x1C0]  }
0x16c: {  	v11 =	vld [tilespmem:s25+$0x180]  }
0x16d: {  	v13 =	vld [tilespmem:s25+$0x100]  }
0x16e: {  	v5 =	vld [tilespmem:s25+$0x120]  }
0x16f: {  	v7 =	vld [tilespmem:s25+$0x90]  }
0x170: {  	v9 =	vld [tilespmem:s25+$0x0]  }
0x171: {  	v17 =	vld [tilespmem:s25+$0xF0]  }
0x172: {  	v10 =	vld [tilespmem:s25+$0x70]  }
0x173: {  	v12 =	vld [tilespmem:s25+$0x60]  }
0x174: {  	v16 =	vld [tilespmem:s25+$0x50]  }
0x175: {  	v15 =	vld [tilespmem:s25+$0x40]  }
0x176: {  	v6 =	vimm.f32 $0.0e+00;
	v30 =	vld [tilespmem:s25+$0x80]  }
0x177: {  	v60 =	vld [tilespmem:s25+$0xB0];
	v4 =	vmul.f32 v2, v2;
	v14 =	vadd.f32 v9, v6;
	v9 =	vmul.f32 v9, v9  }
0x178: {  	v20 =	vld [tilespmem:s25+$0x30];
	v19 =	vmul.f32 v5, v5;
	v21 =	vmul.f32 v11, v11  }
0x179: {  	v22 =	vld [tilespmem:s25+$0x20];
	v23 =	vadd.f32 v10, v6;
	v24 =	vmul.f32 v10, v10;
	v25 =	vmul.f32 v17, v17  }
0x17a: {  	v18 =	vld [tilespmem:s25+$0xE0];
	v27 =	vadd.f32 v12, v6;
	v10 =	vmul.f32 v12, v12;
	v29 =	vadd.f32 v16, v6  }
0x17b: {  	v8 =	vld [tilespmem:s25+$0x1B0];
	v28 =	vmul.f32 v15, v15;
	v39 =	vadd.f32 v30, v6;
	v34 =	vmul.f32 v13, v13  }
0x17c: {  	v38 =	vmul.f32 v60, v60;
	v9 =	vadd.f32 v9, v6;
	v14 =	vadd.f32 v7, v14  }
0x17d: {  	v40 =	vld [tilespmem:s25+$0x110];
	v7 =	vmul.f32 v7, v7;
	v12 =	vadd.f32 v10, v6;
	v10 =	vadd.f32 v20, v6  }
0x17e: {  	v3 =	vld [tilespmem:s25+$0x160];
	v62 =	vadd.f32 v13, v23;
	v23 =	vadd.f32 v22, v6;
	v22 =	vmul.f32 v22, v22  }
0x17f: {  	v26 =	vld [tilespmem:s25+$0x10];
	v31 =	vadd.f32 v24, v6;
	v24 =	vadd.f32 v17, v27;
	v17 =	vmul.f32 v18, v18  }
0x180: {  	v61 =	vld [tilespmem:s25+$0xA0];
	v27 =	vadd.f32 v18, v29;
	v29 =	vmul.f32 v8, v8;
	v5 =	vadd.f32 v5, v14  }
0x181: {  	v32 =	vld [tilespmem:s25+$0x210];
	v14 =	vmul.f32 v16, v16;
	v7 =	vadd.f32 v7, v9;
	v36 =	vadd.f32 v11, v24  }
0x182: {  	v9 =	vmul.f32 v20, v20;
	v16 =	vld [tilespmem:s25+$0x190];
	v35 =	vadd.f32 v22, v6;
	v22 =	vadd.f32 v40, v39  }
0x183: {  	v20 =	vld [tilespmem:s25+$0x130];
	v11 =	vimm.f32 $0.0e+00;
	v63 =	vadd.f32 v19, v7;
	v19 =	vadd.f32 v25, v12  }
0x184: {  	v5 =	vadd.f32 v8, v5;
	v7 =	vmul.f32 v26, v26;
	v12 =	vadd.f32 v60, v23;
	v23 =	vld [tilespmem:s25+$0xD0]  }
0x185: {  	v24 =	vld [tilespmem:s25+$0x140];
	v25 =	vmul.f32 v3, v3;
	v19 =	vadd.f32 v21, v19;
	v21 =	vadd.f32 v26, v6  }
0x186: {  	v8 =	vld [tilespmem:s25+$0x220];
	v26 =	vmul.f32 v61, v61;
	v18 =	vadd.f32 v7, v6;
	v13 =	vadd.f32 v29, v63  }
0x187: {  	v29 =	vimm.f32 $0.0e+00;
	v7 =	vadd.f32 v16, v62;
	v30 =	vadd.f32 v61, v21;
	v21 =	vld [tilespmem:s25+$0x1A0]  }
0x188: {  	s26 =	simm.s32 $0x0;
	s28 =	simm.s32 $0xC400;
	v33 =	vmul.f32 v20, v20;
	v37 =	vadd.f32 v26, v18;
	v26 =	vld [tilespmem:s25+$0x1D0];
	v18 =	vimm.f32 $0.0e+00  }
.LBB2_11:
0x189: {  	v39 =	vld [tilespmem:s28+$0x1C0];
	s26 =	sadd.s32 $0x4, s26;
	v6 =	vadd.f32 v28, v6;
	v28 =	vmul.f32 v23, v23;
	v36 =	vadd.f32 v32, v36  }
0x18a: {  	v15 =	vadd.f32 v15, v29;
	v32 =	vmul.f32 v32, v32;
	p1 =	slt.u32 s26, $0x60;
	v29 =	vadd.f32 v33, v37;
	v33 =	vld [tilespmem:s25+$0x1F0]  }
0x18b: {  	v31 =	vadd.f32 v34, v31;
	v35 =	vadd.f32 v38, v35;
	v34 =	vmul.f32 v24, v24;
	v37 =	vld [tilespmem:s25+$0x170]  }
0x18c: {  	v16 =	vmul.f32 v16, v16;
	v38 =	vadd.f32 v21, v22;
	v21 =	vadd.f32 v4, v29;
	v40 =	vld [tilespmem:s25+$0x230]  }
0x18d: {  	v19 =	vadd.f32 v32, v19;
	v22 =	vadd.f32 v34, v35;
	v29 =	vmul.f32 v26, v26;
	v34 =	vld [tilespmem:s25+$0x1E0]  }
0x18e: {  	v6 =	vadd.f32 v28, v6;
	v16 =	vadd.f32 v16, v31;
	v4 =	vmul.f32 v39, v39;
	v28 =	vld [tilespmem:s25+$0x200]  }
0x18f: {  	v14 =	vadd.f32 v14, v18;
	v18 =	vld [tilespmem:s25+$0xC0];
	v22 =	vadd.f32 v29, v22;
	v29 =	vmul.f32 v33, v33  }
0x190: {  	v6 =	vadd.f32 v25, v6;
	v31 =	vld [tilespmem:s25+$0x150];
	v25 =	vadd.f32 v37, v27;
	v27 =	vmul.f32 v8, v8;
	s25 =	smov.u32 s28  }
0x191: {  	v20 =	vadd.f32 v20, v30;
	v15 =	vadd.f32 v23, v15;
	v32 =	vld [tilespmem:s28+$0x160]  }
0x192: {  	v6 =	vadd.f32 v29, v6;
	v35 =	vld [tilespmem:s28+$0x180];
	v23 =	vadd.f32 v27, v16  }
0x193: {  	v15 =	vadd.f32 v3, v15;
	v29 =	vmul.f32 v37, v37;
	v27 =	vadd.f32 v2, v20;
	v2 =	vmovc v39;
	v30 =	vld [tilespmem:s28+$0x1B0]  }
0x194: {  	v14 =	vadd.f32 v17, v14;
	v37 =	vld [tilespmem:s28+$0x100];
	v10 =	vadd.f32 v18, v10;
	v16 =	vmul.f32 v18, v18  }
0x195: {  	v9 =	vadd.f32 v9, v11;
	v11 =	vadd.f32 v24, v12;
	v17 =	vld [tilespmem:s28+$0x120]  }
0x196: {  	v14 =	vadd.f32 v29, v14;
	v18 =	vmul.f32 v31, v31;
	v12 =	vld [tilespmem:s28+$0x90];
	v10 =	vadd.f32 v31, v10;
	v3 =	vmovc v32  }
0x197: {  	v9 =	vadd.f32 v16, v9;
	v16 =	vadd.f32 v26, v11;
	v11 =	vmul.f32 v28, v28;
	v20 =	vld [tilespmem:s28+$0x0]  }
0x198: {  	v25 =	vadd.f32 v28, v25;
	v26 =	vmul.f32 v34, v34;
	v24 =	vld [tilespmem:s28+$0xF0];
	v10 =	vadd.f32 v34, v10  }
0x199: {  	v9 =	vadd.f32 v18, v9;
	v18 =	vadd.f32 v11, v14;
	v34 =	vld [tilespmem:s28+$0xE0]  }
0x19a: {  	v7 =	vadd.f32 v8, v7;
	v29 =	vadd.f32 v33, v15;
	v14 =	vld [tilespmem:s28+$0x70]  }
0x19b: {  	v11 =	vadd.f32 v26, v9;
	v26 =	vadd.f32 v40, v38;
	v8 =	vld [tilespmem:s28+$0x60]  }
0x19c: {  	v5 =	vadd.f32 v20, v5;
	v9 =	vmul.f32 v20, v20;
	v20 =	vld [tilespmem:s28+$0x50]  }
0x19d: {  	v33 =	vmul.f32 v35, v35;
	v31 =	vmul.f32 v17, v17;
	v15 =	vld [tilespmem:s28+$0x40]  }
0x19e: {  	v9 =	vadd.f32 v9, v13;
	v13 =	vld [tilespmem:s28+$0x30];
	v5 =	vadd.f32 v12, v5;
	v12 =	vmul.f32 v12, v12  }
0x19f: {  	v40 =	vmul.f32 v24, v24;
	v38 =	vld [tilespmem:s28+$0x20];
	v7 =	vadd.f32 v14, v7;
	v39 =	vmul.f32 v14, v14  }
0x1a0: {  	v41 =	vld [tilespmem:s28+$0x10];
	v36 =	vadd.f32 v8, v36;
	v8 =	vmul.f32 v8, v8;
	v5 =	vadd.f32 v17, v5  }
0x1a1: {  	v12 =	vadd.f32 v12, v9;
	v42 =	vadd.f32 v20, v25;
	v14 =	vmul.f32 v20, v20;
	v43 =	vld [tilespmem:s28+$0xB0]  }
0x1a2: {  	v28 =	vmul.f32 v15, v15;
	v8 =	vadd.f32 v8, v19;
	v17 =	vld [tilespmem:s28+$0x80];
	v5 =	vadd.f32 v30, v5  }
0x1a3: {  	v7 =	vadd.f32 v37, v7;
	v10 =	vadd.f32 v13, v10;
	v9 =	vmul.f32 v13, v13;
	v13 =	vld [tilespmem:s28+$0xA0]  }
0x1a4: {  	v44 =	vadd.f32 v31, v12;
	v19 =	vadd.f32 v38, v16;
	v38 =	vmul.f32 v38, v38;
	v16 =	vld [tilespmem:s28+$0x190]  }
0x1a5: {  	v31 =	vadd.f32 v39, v23;
	v8 =	vadd.f32 v40, v8;
	v45 =	vmul.f32 v41, v41;
	v20 =	vld [tilespmem:s28+$0x130]  }
0x1a6: {  	v25 =	vmul.f32 v32, v3;
	v36 =	vadd.f32 v24, v36;
	v12 =	vadd.f32 v43, v19;
	v23 =	vld [tilespmem:s28+$0xD0]  }
0x1a7: {  	v19 =	vadd.f32 v33, v8;
	v26 =	vadd.f32 v17, v26;
	v17 =	vmul.f32 v34, v34;
	v39 =	vld [tilespmem:s28+$0x110]  }
.Ltmp3:
0x1a8: {  	v24 =	vadd.f32 v41, v27;
	v27 =	vadd.f32 v34, v42;
	v40 =	vmul.f32 v13, v13;
	v32 =	vld [tilespmem:s28+$0x210];
	(pc) =	sbr.rel @p1 .LBB2_11-.Ltmp3, $4  }
0x1a9: {  	v42 =	vmul.f32 v30, v30;
	v41 =	vadd.f32 v45, v21;
	v7 =	vadd.f32 v16, v7;
	v8 =	vld [tilespmem:s28+$0x220]  }
0x1aa: {  	v36 =	vadd.f32 v35, v36;
	v30 =	vadd.f32 v13, v24;
	v33 =	vmul.f32 v20, v20;
	v24 =	vld [tilespmem:s28+$0x140]  }
0x1ab: {  	v35 =	vadd.f32 v38, v22;
	v34 =	vmul.f32 v37, v37;
	v13 =	vadd.f32 v42, v44;
	v21 =	vld [tilespmem:s28+$0x1A0]  }
0x1ac: {  	v38 =	vmul.f32 v43, v43;
	v37 =	vadd.f32 v40, v41;
	s28 =	sadd.s32 $0x240, s28;
	v22 =	vadd.f32 v39, v26;
	v26 =	vld [tilespmem:s25+$0x1D0]  }
0x1ad: {  	v6 =	vadd.f32 v28, v6;
	v15 =	vadd.f32 v15, v29  }
0x1ae: {  	v36 =	vadd.f32 v32, v36;
	v31 =	vadd.f32 v34, v31  }
0x1af: {  	v28 =	vmul.f32 v23, v23;
	v14 =	vadd.f32 v14, v18;
	v20 =	vadd.f32 v20, v30  }
0x1b0: {  	v9 =	vadd.f32 v9, v11;
	v35 =	vadd.f32 v38, v35  }
0x1b1: {  	v57 =	vld [tilespmem:s25+$0x170];
	v33 =	vadd.f32 v33, v37;
	v6 =	vadd.f32 v28, v6  }
0x1b2: {  	v18 =	vld [tilespmem:s25+$0xC0];
	v15 =	vadd.f32 v23, v15;
	v2 =	vadd.f32 v2, v20  }
0x1b3: {  	v29 =	vld [tilespmem:s25+$0x1F0];
	v56 =	vmul.f32 v24, v24;
	v14 =	vadd.f32 v17, v14;
	v12 =	vadd.f32 v24, v12  }
0x1b4: {  	v11 =	vmul.f32 v32, v32;
	v4 =	vadd.f32 v4, v33;
	v6 =	vadd.f32 v25, v6;
	v25 =	vld [tilespmem:s25+$0x150]  }
0x1b5: {  	v5 =	vmul.f32 v5, v5;
	v35 =	vadd.f32 v56, v35;
	v3 =	vadd.f32 v3, v15  }
0x1b6: {  	v58 =	vmul.f32 v26, v26;
	v12 =	vadd.f32 v26, v12;
	v23 =	vadd.f32 v57, v27;
	v27 =	vld [tilespmem:s25+$0x1E0]  }
0x1b7: {  	v2 =	vmul.f32 v2, v2;
	v10 =	vadd.f32 v18, v10;
	v15 =	vmul.f32 v18, v18  }
0x1b8: {  	v59 =	vmul.f32 v29, v29;
	v4 =	vadd.f32 v4, v13;
	v28 =	vadd.f32 v58, v35  }
0x1b9: {  	v9 =	vadd.f32 v15, v9;
	v15 =	vld [tilespmem:s25+$0x200];
	v10 =	vadd.f32 v25, v10;
	v17 =	vmul.f32 v25, v25  }
0x1ba: {  	v2 =	vadd.f32 v2, v5;
	v5 =	vmul.f32 v12, v12;
	v3 =	vadd.f32 v29, v3  }
0x1bb: {  	v18 =	vmul.f32 v27, v27;
	v10 =	vadd.f32 v27, v10;
	v9 =	vadd.f32 v17, v9  }
0x1bc: {  	v12 =	vmul.f32 v57, v57;
	v6 =	vadd.f32 v59, v6;
	v2 =	vadd.f32 v5, v2  }
0x1bd: {  	v4 =	vadd.f32 v28, v4;
	v9 =	vadd.f32 v18, v9;
	v5 =	vmul.f32 v10, v10  }
0x1be: {  	v13 =	vadd.f32 v15, v23;
	v10 =	vadd.f32 v12, v14;
	v12 =	vmul.f32 v15, v15  }
0x1bf: {  	v3 =	vmul.f32 v3, v3;
	v2 =	vadd.f32 v5, v2;
	v4 =	vadd.f32 v9, v4  }
0x1c0: {  	v7 =	vadd.f32 v8, v7;
	v5 =	vmul.f32 v16, v16;
	v10 =	vadd.f32 v12, v10  }
0x1c1: {  	v2 =	vadd.f32 v3, v2;
	v3 =	vadd.f32 v6, v4;
	v4 =	vmul.f32 v13, v13  }
0x1c2: {  	v9 =	vadd.f32 v11, v19;
	v5 =	vadd.f32 v5, v31;
	v6 =	vmul.f32 v8, v8  }
0x1c3: {  	v2 =	vadd.f32 v4, v2;
	v3 =	vadd.f32 v10, v3;
	v4 =	vmul.f32 v36, v36  }
0x1c4: {  	v5 =	vadd.f32 v6, v5  }
0x1c5: {  	v2 =	vadd.f32 v4, v2;
	v3 =	vadd.f32 v9, v3;
	v4 =	vmul.f32 v7, v7  }
0x1c6: {  	v6 =	vld [tilespmem:s25+$0x230]  }
0x1c7: {  	v2 =	vadd.f32 v4, v2;
	v3 =	vadd.f32 v5, v3;
	_ =	sdelay $0x1  }
0x1c8: {  	v4 =	vadd.f32 v21, v22;
	v2 =	vsub.f32 v2, v3;
	_ =	sdelay $0x1  }
0x1c9: {  	v3 =	vadd.f32 v6, v4;
	v2 =	vmul.f32 $5.000000000e-01, v2;
	_ =	sdelay $0x1  }
0x1ca: {  	v2 =	vadd.f32 v2, v3;
	_ =	sdelay $0x1  }
0x1cb: {  	(xrf2) =	vadd.scan.msk.f32 $0xffff, v2;
	_ =	sdelay $0x9  }
0x1cc: {  	v2, _, _ =	vpop (xrf2)  }
0x1cd: {  	(v2sf) =	vpush v2, $0xF;
	_ =	sdelay $0xb  }
0x1ce: {  	v2 =	vadd.s32 $0x3, v1  }
0x1cf: {  	v2 =	vbroadcast v2, $0x0;
	_ =	sdelay $0x1  }
0x1d0: {  	s31 =	spop (v2sf)  }
0x1d1: {  	s25 =	sadd.f32 s31, s19  }
0x1d2: {  	p2 =	sne.s32 @!p0 s23, $0x3;
	p1 =	sgt.u32 s24, $0x7D  }
0x1d3: {  	p2 =	por p2, p0;
	s24 =	sadd.s32 @!p1 $0x2, s24;
	v3 =	vmov s25  }
0x1d4: {  	s26 =	sand.u32 @!p1 $0x6, s24;
	s25 =	simm.s32 @!p2 $0x3;
	[tilespmem:v2+s16+$0x0] =	vst.idx.msk $0x1, v3  }
0x1d5: {  	s24 =	sshll.u32 @!p1 s24, $0x1C;
	s26 =	smul.u32 @!p1 $0x640, s26;
	_ =	swait.ge @!p2 [sflag:s25], $0xC80  }
0x1d6: {  	s24 =	sshra.s32 @!p1 s24, $0x1F;
	[sflag:s25] =	ssyncset.done @!p2 $0x0  }
0x1d7: {  	s24 =	sand.u32 @!p1 $0xC80, s24;
	[sflag:s25] =	ssyncadd.s32 @!p2 $0xFFFFF380;
	s25 =	sshrl.u32 @!p1 s26, $0x2  }
0x1d8: {  	s26 =	simm.s32 @!p1 $0x1900;
	s24 =	sadd.s32 @!p1 s25, s24;
	s25 =	simm.s32 @!p1 $0x190  }
0x1d9: {  	[tilespmem:s26], [sflag:$0x1] =	stream.indirect.gather @!p1 [hbm4b:s5+s25], $0x90, s24, s25, $0xb8;
	[tilespmem:$0x1DD10] =	vst v63  }
0x1da: {  	_ =	swait.ge [sflag:s17], $0xE100  }
0x1db: {  	[sflag:s17] =	ssyncset.done $0x0  }
0x1dc: {  	s24 =	simm.s32 $0xFA00;
	[sflag:s17] =	ssyncadd.s32 $0xFFFF1F00  }
0x1dd: {  	v2 =	vld [tilespmem:s24+$0x1C0]  }
0x1de: {  	v11 =	vld [tilespmem:s24+$0x180]  }
0x1df: {  	v13 =	vld [tilespmem:s24+$0x100]  }
0x1e0: {  	v5 =	vld [tilespmem:s24+$0x120]  }
0x1e1: {  	v7 =	vld [tilespmem:s24+$0x90]  }
0x1e2: {  	v9 =	vld [tilespmem:s24+$0x0]  }
0x1e3: {  	v17 =	vld [tilespmem:s24+$0xF0]  }
0x1e4: {  	v10 =	vld [tilespmem:s24+$0x70]  }
0x1e5: {  	v12 =	vld [tilespmem:s24+$0x60]  }
0x1e6: {  	v16 =	vld [tilespmem:s24+$0x50]  }
0x1e7: {  	v15 =	vld [tilespmem:s24+$0x40]  }
0x1e8: {  	v6 =	vimm.f32 $0.0e+00;
	v30 =	vld [tilespmem:s24+$0x80]  }
0x1e9: {  	v60 =	vld [tilespmem:s24+$0xB0];
	v4 =	vmul.f32 v2, v2;
	v14 =	vadd.f32 v9, v6;
	v9 =	vmul.f32 v9, v9  }
0x1ea: {  	v20 =	vld [tilespmem:s24+$0x30];
	v19 =	vmul.f32 v5, v5;
	v21 =	vmul.f32 v11, v11  }
0x1eb: {  	v22 =	vld [tilespmem:s24+$0x20];
	v23 =	vadd.f32 v10, v6;
	v24 =	vmul.f32 v10, v10;
	v25 =	vmul.f32 v17, v17  }
0x1ec: {  	v18 =	vld [tilespmem:s24+$0xE0];
	v27 =	vadd.f32 v12, v6;
	v10 =	vmul.f32 v12, v12;
	v29 =	vadd.f32 v16, v6  }
0x1ed: {  	v8 =	vld [tilespmem:s24+$0x1B0];
	v28 =	vmul.f32 v15, v15;
	v39 =	vadd.f32 v30, v6;
	v34 =	vmul.f32 v13, v13  }
0x1ee: {  	v38 =	vmul.f32 v60, v60;
	v9 =	vadd.f32 v9, v6;
	v14 =	vadd.f32 v7, v14  }
0x1ef: {  	v40 =	vld [tilespmem:s24+$0x110];
	v7 =	vmul.f32 v7, v7;
	v12 =	vadd.f32 v10, v6;
	v10 =	vadd.f32 v20, v6  }
0x1f0: {  	v3 =	vld [tilespmem:s24+$0x160];
	v62 =	vadd.f32 v13, v23;
	v23 =	vadd.f32 v22, v6;
	v22 =	vmul.f32 v22, v22  }
0x1f1: {  	v26 =	vld [tilespmem:s24+$0x10];
	v31 =	vadd.f32 v24, v6;
	v24 =	vadd.f32 v17, v27;
	v17 =	vmul.f32 v18, v18  }
0x1f2: {  	v61 =	vld [tilespmem:s24+$0xA0];
	v27 =	vadd.f32 v18, v29;
	v29 =	vmul.f32 v8, v8;
	v5 =	vadd.f32 v5, v14  }
0x1f3: {  	v32 =	vld [tilespmem:s24+$0x210];
	v14 =	vmul.f32 v16, v16;
	v7 =	vadd.f32 v7, v9;
	v36 =	vadd.f32 v11, v24  }
0x1f4: {  	v9 =	vmul.f32 v20, v20;
	v16 =	vld [tilespmem:s24+$0x190];
	v35 =	vadd.f32 v22, v6;
	v22 =	vadd.f32 v40, v39  }
0x1f5: {  	v20 =	vld [tilespmem:s24+$0x130];
	v11 =	vimm.f32 $0.0e+00;
	v63 =	vadd.f32 v19, v7;
	v19 =	vadd.f32 v25, v12  }
0x1f6: {  	v5 =	vadd.f32 v8, v5;
	v7 =	vmul.f32 v26, v26;
	v12 =	vadd.f32 v60, v23;
	v23 =	vld [tilespmem:s24+$0xD0]  }
0x1f7: {  	v24 =	vld [tilespmem:s24+$0x140];
	v25 =	vmul.f32 v3, v3;
	v19 =	vadd.f32 v21, v19;
	v21 =	vadd.f32 v26, v6  }
0x1f8: {  	v8 =	vld [tilespmem:s24+$0x220];
	v26 =	vmul.f32 v61, v61;
	v18 =	vadd.f32 v7, v6;
	v13 =	vadd.f32 v29, v63  }
0x1f9: {  	v29 =	vimm.f32 $0.0e+00;
	v7 =	vadd.f32 v16, v62;
	v30 =	vadd.f32 v61, v21;
	v21 =	vld [tilespmem:s24+$0x1A0]  }
0x1fa: {  	s25 =	simm.s32 $0x0;
	s26 =	simm.s32 $0xFC40;
	v33 =	vmul.f32 v20, v20;
	v37 =	vadd.f32 v26, v18;
	v26 =	vld [tilespmem:s24+$0x1D0];
	v18 =	vimm.f32 $0.0e+00  }
.LBB2_13:
0x1fb: {  	v39 =	vld [tilespmem:s26+$0x1C0];
	s25 =	sadd.s32 $0x4, s25;
	v6 =	vadd.f32 v28, v6;
	v28 =	vmul.f32 v23, v23;
	v36 =	vadd.f32 v32, v36  }
0x1fc: {  	v15 =	vadd.f32 v15, v29;
	v32 =	vmul.f32 v32, v32;
	p1 =	slt.u32 s25, $0x60;
	v29 =	vadd.f32 v33, v37;
	v33 =	vld [tilespmem:s24+$0x1F0]  }
0x1fd: {  	v31 =	vadd.f32 v34, v31;
	v35 =	vadd.f32 v38, v35;
	v34 =	vmul.f32 v24, v24;
	v37 =	vld [tilespmem:s24+$0x170]  }
0x1fe: {  	v16 =	vmul.f32 v16, v16;
	v38 =	vadd.f32 v21, v22;
	v21 =	vadd.f32 v4, v29;
	v40 =	vld [tilespmem:s24+$0x230]  }
0x1ff: {  	v19 =	vadd.f32 v32, v19;
	v22 =	vadd.f32 v34, v35;
	v29 =	vmul.f32 v26, v26;
	v34 =	vld [tilespmem:s24+$0x1E0]  }
0x200: {  	v6 =	vadd.f32 v28, v6;
	v16 =	vadd.f32 v16, v31;
	v4 =	vmul.f32 v39, v39;
	v28 =	vld [tilespmem:s24+$0x200]  }
0x201: {  	v14 =	vadd.f32 v14, v18;
	v18 =	vld [tilespmem:s24+$0xC0];
	v22 =	vadd.f32 v29, v22;
	v29 =	vmul.f32 v33, v33  }
0x202: {  	v6 =	vadd.f32 v25, v6;
	v31 =	vld [tilespmem:s24+$0x150];
	v25 =	vadd.f32 v37, v27;
	v27 =	vmul.f32 v8, v8;
	s24 =	smov.u32 s26  }
0x203: {  	v20 =	vadd.f32 v20, v30;
	v15 =	vadd.f32 v23, v15;
	v32 =	vld [tilespmem:s26+$0x160]  }
0x204: {  	v6 =	vadd.f32 v29, v6;
	v35 =	vld [tilespmem:s26+$0x180];
	v23 =	vadd.f32 v27, v16  }
0x205: {  	v15 =	vadd.f32 v3, v15;
	v29 =	vmul.f32 v37, v37;
	v27 =	vadd.f32 v2, v20;
	v2 =	vmovc v39;
	v30 =	vld [tilespmem:s26+$0x1B0]  }
0x206: {  	v14 =	vadd.f32 v17, v14;
	v37 =	vld [tilespmem:s26+$0x100];
	v10 =	vadd.f32 v18, v10;
	v16 =	vmul.f32 v18, v18  }
0x207: {  	v9 =	vadd.f32 v9, v11;
	v11 =	vadd.f32 v24, v12;
	v17 =	vld [tilespmem:s26+$0x120]  }
0x208: {  	v14 =	vadd.f32 v29, v14;
	v18 =	vmul.f32 v31, v31;
	v12 =	vld [tilespmem:s26+$0x90];
	v10 =	vadd.f32 v31, v10;
	v3 =	vmovc v32  }
0x209: {  	v9 =	vadd.f32 v16, v9;
	v16 =	vadd.f32 v26, v11;
	v11 =	vmul.f32 v28, v28;
	v20 =	vld [tilespmem:s26+$0x0]  }
0x20a: {  	v25 =	vadd.f32 v28, v25;
	v26 =	vmul.f32 v34, v34;
	v24 =	vld [tilespmem:s26+$0xF0];
	v10 =	vadd.f32 v34, v10  }
0x20b: {  	v9 =	vadd.f32 v18, v9;
	v18 =	vadd.f32 v11, v14;
	v34 =	vld [tilespmem:s26+$0xE0]  }
0x20c: {  	v7 =	vadd.f32 v8, v7;
	v29 =	vadd.f32 v33, v15;
	v14 =	vld [tilespmem:s26+$0x70]  }
0x20d: {  	v11 =	vadd.f32 v26, v9;
	v26 =	vadd.f32 v40, v38;
	v8 =	vld [tilespmem:s26+$0x60]  }
0x20e: {  	v5 =	vadd.f32 v20, v5;
	v9 =	vmul.f32 v20, v20;
	v20 =	vld [tilespmem:s26+$0x50]  }
0x20f: {  	v33 =	vmul.f32 v35, v35;
	v31 =	vmul.f32 v17, v17;
	v15 =	vld [tilespmem:s26+$0x40]  }
0x210: {  	v9 =	vadd.f32 v9, v13;
	v13 =	vld [tilespmem:s26+$0x30];
	v5 =	vadd.f32 v12, v5;
	v12 =	vmul.f32 v12, v12  }
0x211: {  	v40 =	vmul.f32 v24, v24;
	v38 =	vld [tilespmem:s26+$0x20];
	v7 =	vadd.f32 v14, v7;
	v39 =	vmul.f32 v14, v14  }
0x212: {  	v41 =	vld [tilespmem:s26+$0x10];
	v36 =	vadd.f32 v8, v36;
	v8 =	vmul.f32 v8, v8;
	v5 =	vadd.f32 v17, v5  }
0x213: {  	v12 =	vadd.f32 v12, v9;
	v42 =	vadd.f32 v20, v25;
	v14 =	vmul.f32 v20, v20;
	v43 =	vld [tilespmem:s26+$0xB0]  }
0x214: {  	v28 =	vmul.f32 v15, v15;
	v8 =	vadd.f32 v8, v19;
	v17 =	vld [tilespmem:s26+$0x80];
	v5 =	vadd.f32 v30, v5  }
0x215: {  	v7 =	vadd.f32 v37, v7;
	v10 =	vadd.f32 v13, v10;
	v9 =	vmul.f32 v13, v13;
	v13 =	vld [tilespmem:s26+$0xA0]  }
0x216: {  	v44 =	vadd.f32 v31, v12;
	v19 =	vadd.f32 v38, v16;
	v38 =	vmul.f32 v38, v38;
	v16 =	vld [tilespmem:s26+$0x190]  }
0x217: {  	v31 =	vadd.f32 v39, v23;
	v8 =	vadd.f32 v40, v8;
	v45 =	vmul.f32 v41, v41;
	v20 =	vld [tilespmem:s26+$0x130]  }
0x218: {  	v25 =	vmul.f32 v32, v3;
	v36 =	vadd.f32 v24, v36;
	v12 =	vadd.f32 v43, v19;
	v23 =	vld [tilespmem:s26+$0xD0]  }
0x219: {  	v19 =	vadd.f32 v33, v8;
	v26 =	vadd.f32 v17, v26;
	v17 =	vmul.f32 v34, v34;
	v39 =	vld [tilespmem:s26+$0x110]  }
.Ltmp4:
0x21a: {  	v24 =	vadd.f32 v41, v27;
	v27 =	vadd.f32 v34, v42;
	v40 =	vmul.f32 v13, v13;
	v32 =	vld [tilespmem:s26+$0x210];
	(pc) =	sbr.rel @p1 .LBB2_13-.Ltmp4, $4  }
0x21b: {  	v42 =	vmul.f32 v30, v30;
	v41 =	vadd.f32 v45, v21;
	v7 =	vadd.f32 v16, v7;
	v8 =	vld [tilespmem:s26+$0x220]  }
0x21c: {  	v36 =	vadd.f32 v35, v36;
	v30 =	vadd.f32 v13, v24;
	v33 =	vmul.f32 v20, v20;
	v24 =	vld [tilespmem:s26+$0x140]  }
0x21d: {  	v35 =	vadd.f32 v38, v22;
	v34 =	vmul.f32 v37, v37;
	v13 =	vadd.f32 v42, v44;
	v21 =	vld [tilespmem:s26+$0x1A0]  }
0x21e: {  	v38 =	vmul.f32 v43, v43;
	v37 =	vadd.f32 v40, v41;
	s26 =	sadd.s32 $0x240, s26;
	v22 =	vadd.f32 v39, v26;
	v26 =	vld [tilespmem:s24+$0x1D0]  }
0x21f: {  	v6 =	vadd.f32 v28, v6;
	v15 =	vadd.f32 v15, v29  }
0x220: {  	v36 =	vadd.f32 v32, v36;
	v31 =	vadd.f32 v34, v31  }
0x221: {  	v28 =	vmul.f32 v23, v23;
	v14 =	vadd.f32 v14, v18;
	v20 =	vadd.f32 v20, v30  }
0x222: {  	v9 =	vadd.f32 v9, v11;
	v35 =	vadd.f32 v38, v35  }
0x223: {  	v57 =	vld [tilespmem:s24+$0x170];
	v33 =	vadd.f32 v33, v37;
	v6 =	vadd.f32 v28, v6  }
0x224: {  	v18 =	vld [tilespmem:s24+$0xC0];
	v15 =	vadd.f32 v23, v15;
	v2 =	vadd.f32 v2, v20  }
0x225: {  	v29 =	vld [tilespmem:s24+$0x1F0];
	v56 =	vmul.f32 v24, v24;
	v14 =	vadd.f32 v17, v14;
	v12 =	vadd.f32 v24, v12  }
0x226: {  	v11 =	vmul.f32 v32, v32;
	v4 =	vadd.f32 v4, v33;
	v6 =	vadd.f32 v25, v6;
	v25 =	vld [tilespmem:s24+$0x150]  }
0x227: {  	v5 =	vmul.f32 v5, v5;
	v35 =	vadd.f32 v56, v35;
	v3 =	vadd.f32 v3, v15  }
0x228: {  	v58 =	vmul.f32 v26, v26;
	v12 =	vadd.f32 v26, v12;
	v23 =	vadd.f32 v57, v27;
	v27 =	vld [tilespmem:s24+$0x1E0]  }
0x229: {  	v2 =	vmul.f32 v2, v2;
	v10 =	vadd.f32 v18, v10;
	v15 =	vmul.f32 v18, v18  }
0x22a: {  	v59 =	vmul.f32 v29, v29;
	v4 =	vadd.f32 v4, v13;
	v28 =	vadd.f32 v58, v35  }
0x22b: {  	v9 =	vadd.f32 v15, v9;
	v15 =	vld [tilespmem:s24+$0x200];
	v10 =	vadd.f32 v25, v10;
	v17 =	vmul.f32 v25, v25  }
0x22c: {  	v2 =	vadd.f32 v2, v5;
	v5 =	vmul.f32 v12, v12;
	v3 =	vadd.f32 v29, v3  }
0x22d: {  	v18 =	vmul.f32 v27, v27;
	v10 =	vadd.f32 v27, v10;
	v9 =	vadd.f32 v17, v9  }
0x22e: {  	v12 =	vmul.f32 v57, v57;
	v6 =	vadd.f32 v59, v6;
	v2 =	vadd.f32 v5, v2  }
0x22f: {  	v4 =	vadd.f32 v28, v4;
	v9 =	vadd.f32 v18, v9;
	v5 =	vmul.f32 v10, v10  }
0x230: {  	v13 =	vadd.f32 v15, v23;
	v10 =	vadd.f32 v12, v14;
	v12 =	vmul.f32 v15, v15  }
0x231: {  	v3 =	vmul.f32 v3, v3;
	v2 =	vadd.f32 v5, v2;
	v4 =	vadd.f32 v9, v4  }
0x232: {  	v7 =	vadd.f32 v8, v7;
	v5 =	vmul.f32 v16, v16;
	v10 =	vadd.f32 v12, v10  }
0x233: {  	v2 =	vadd.f32 v3, v2;
	v3 =	vadd.f32 v6, v4;
	v4 =	vmul.f32 v13, v13  }
0x234: {  	v9 =	vadd.f32 v11, v19;
	v5 =	vadd.f32 v5, v31;
	v6 =	vmul.f32 v8, v8  }
0x235: {  	v2 =	vadd.f32 v4, v2;
	v3 =	vadd.f32 v10, v3;
	v4 =	vmul.f32 v36, v36  }
0x236: {  	v5 =	vadd.f32 v6, v5  }
0x237: {  	v2 =	vadd.f32 v4, v2;
	v3 =	vadd.f32 v9, v3;
	v4 =	vmul.f32 v7, v7  }
0x238: {  	v6 =	vld [tilespmem:s24+$0x230]  }
0x239: {  	v2 =	vadd.f32 v4, v2;
	v3 =	vadd.f32 v5, v3;
	_ =	sdelay $0x1  }
0x23a: {  	v4 =	vadd.f32 v21, v22;
	v2 =	vsub.f32 v2, v3;
	_ =	sdelay $0x1  }
0x23b: {  	v3 =	vadd.f32 v6, v4;
	v2 =	vmul.f32 $5.000000000e-01, v2;
	_ =	sdelay $0x1  }
0x23c: {  	v2 =	vadd.f32 v2, v3;
	_ =	sdelay $0x1  }
0x23d: {  	(xrf2) =	vadd.scan.msk.f32 $0xffff, v2;
	_ =	sdelay $0x9  }
0x23e: {  	v2, _, _ =	vpop (xrf2)  }
0x23f: {  	(v2sf) =	vpush v2, $0xF;
	_ =	sdelay $0xb  }
0x240: {  	v2 =	vadd.s32 $0x4, v1  }
0x241: {  	v2 =	vbroadcast v2, $0x0;
	_ =	sdelay $0x1  }
0x242: {  	s31 =	spop (v2sf)  }
0x243: {  	s24 =	sadd.f32 s31, s19;
	_ =	sdelay $0x1  }
0x244: {  	v3 =	vmov s24  }
0x245: {  	s24 =	simm.s32 $0x13240;
	[tilespmem:v2+s16+$0x0] =	vst.idx.msk $0x1, v3  }
0x246: {  	v2 =	vld [tilespmem:s24+$0x1C0]  }
0x247: {  	v11 =	vld [tilespmem:s24+$0x180]  }
0x248: {  	v13 =	vld [tilespmem:s24+$0x100]  }
0x249: {  	v5 =	vld [tilespmem:s24+$0x120]  }
0x24a: {  	v7 =	vld [tilespmem:s24+$0x90]  }
0x24b: {  	v9 =	vld [tilespmem:s24+$0x0]  }
0x24c: {  	v17 =	vld [tilespmem:s24+$0xF0]  }
0x24d: {  	v10 =	vld [tilespmem:s24+$0x70]  }
0x24e: {  	v12 =	vld [tilespmem:s24+$0x60]  }
0x24f: {  	v16 =	vld [tilespmem:s24+$0x50]  }
0x250: {  	v15 =	vld [tilespmem:s24+$0x40]  }
0x251: {  	v6 =	vimm.f32 $0.0e+00;
	v30 =	vld [tilespmem:s24+$0x80]  }
0x252: {  	v60 =	vld [tilespmem:s24+$0xB0];
	v4 =	vmul.f32 v2, v2;
	v14 =	vadd.f32 v9, v6;
	v9 =	vmul.f32 v9, v9  }
0x253: {  	v20 =	vld [tilespmem:s24+$0x30];
	v19 =	vmul.f32 v5, v5;
	v21 =	vmul.f32 v11, v11  }
0x254: {  	v22 =	vld [tilespmem:s24+$0x20];
	v23 =	vadd.f32 v10, v6;
	v24 =	vmul.f32 v10, v10;
	v25 =	vmul.f32 v17, v17  }
0x255: {  	v18 =	vld [tilespmem:s24+$0xE0];
	v27 =	vadd.f32 v12, v6;
	v10 =	vmul.f32 v12, v12;
	v29 =	vadd.f32 v16, v6  }
0x256: {  	v8 =	vld [tilespmem:s24+$0x1B0];
	v28 =	vmul.f32 v15, v15;
	v39 =	vadd.f32 v30, v6;
	v34 =	vmul.f32 v13, v13  }
0x257: {  	v38 =	vmul.f32 v60, v60;
	v9 =	vadd.f32 v9, v6;
	v14 =	vadd.f32 v7, v14  }
0x258: {  	v40 =	vld [tilespmem:s24+$0x110];
	v7 =	vmul.f32 v7, v7;
	v12 =	vadd.f32 v10, v6;
	v10 =	vadd.f32 v20, v6  }
0x259: {  	v3 =	vld [tilespmem:s24+$0x160];
	v62 =	vadd.f32 v13, v23;
	v23 =	vadd.f32 v22, v6;
	v22 =	vmul.f32 v22, v22  }
0x25a: {  	v26 =	vld [tilespmem:s24+$0x10];
	v31 =	vadd.f32 v24, v6;
	v24 =	vadd.f32 v17, v27;
	v17 =	vmul.f32 v18, v18  }
0x25b: {  	v61 =	vld [tilespmem:s24+$0xA0];
	v27 =	vadd.f32 v18, v29;
	v29 =	vmul.f32 v8, v8;
	v5 =	vadd.f32 v5, v14  }
0x25c: {  	v32 =	vld [tilespmem:s24+$0x210];
	v14 =	vmul.f32 v16, v16;
	v7 =	vadd.f32 v7, v9;
	v36 =	vadd.f32 v11, v24  }
0x25d: {  	v9 =	vmul.f32 v20, v20;
	v16 =	vld [tilespmem:s24+$0x190];
	v35 =	vadd.f32 v22, v6;
	v22 =	vadd.f32 v40, v39  }
0x25e: {  	v20 =	vld [tilespmem:s24+$0x130];
	v11 =	vimm.f32 $0.0e+00;
	v63 =	vadd.f32 v19, v7;
	v19 =	vadd.f32 v25, v12  }
0x25f: {  	v5 =	vadd.f32 v8, v5;
	v7 =	vmul.f32 v26, v26;
	v12 =	vadd.f32 v60, v23;
	v23 =	vld [tilespmem:s24+$0xD0]  }
0x260: {  	v24 =	vld [tilespmem:s24+$0x140];
	v25 =	vmul.f32 v3, v3;
	v19 =	vadd.f32 v21, v19;
	v21 =	vadd.f32 v26, v6  }
0x261: {  	v8 =	vld [tilespmem:s24+$0x220];
	v26 =	vmul.f32 v61, v61;
	v18 =	vadd.f32 v7, v6;
	v13 =	vadd.f32 v29, v63  }
0x262: {  	v29 =	vimm.f32 $0.0e+00;
	v7 =	vadd.f32 v16, v62;
	v30 =	vadd.f32 v61, v21;
	v21 =	vld [tilespmem:s24+$0x1A0]  }
0x263: {  	s25 =	simm.s32 $0x0;
	s26 =	simm.s32 $0x13480;
	v33 =	vmul.f32 v20, v20;
	v37 =	vadd.f32 v26, v18;
	v26 =	vld [tilespmem:s24+$0x1D0];
	v18 =	vimm.f32 $0.0e+00  }
.LBB2_15:
0x264: {  	v39 =	vld [tilespmem:s26+$0x1C0];
	s25 =	sadd.s32 $0x4, s25;
	v6 =	vadd.f32 v28, v6;
	v28 =	vmul.f32 v23, v23;
	v36 =	vadd.f32 v32, v36  }
0x265: {  	v15 =	vadd.f32 v15, v29;
	v32 =	vmul.f32 v32, v32;
	p1 =	slt.u32 s25, $0x60;
	v29 =	vadd.f32 v33, v37;
	v33 =	vld [tilespmem:s24+$0x1F0]  }
0x266: {  	v31 =	vadd.f32 v34, v31;
	v35 =	vadd.f32 v38, v35;
	v34 =	vmul.f32 v24, v24;
	v37 =	vld [tilespmem:s24+$0x170]  }
0x267: {  	v16 =	vmul.f32 v16, v16;
	v38 =	vadd.f32 v21, v22;
	v21 =	vadd.f32 v4, v29;
	v40 =	vld [tilespmem:s24+$0x230]  }
0x268: {  	v19 =	vadd.f32 v32, v19;
	v22 =	vadd.f32 v34, v35;
	v29 =	vmul.f32 v26, v26;
	v34 =	vld [tilespmem:s24+$0x1E0]  }
0x269: {  	v6 =	vadd.f32 v28, v6;
	v16 =	vadd.f32 v16, v31;
	v4 =	vmul.f32 v39, v39;
	v28 =	vld [tilespmem:s24+$0x200]  }
0x26a: {  	v14 =	vadd.f32 v14, v18;
	v18 =	vld [tilespmem:s24+$0xC0];
	v22 =	vadd.f32 v29, v22;
	v29 =	vmul.f32 v33, v33  }
0x26b: {  	v6 =	vadd.f32 v25, v6;
	v31 =	vld [tilespmem:s24+$0x150];
	v25 =	vadd.f32 v37, v27;
	v27 =	vmul.f32 v8, v8;
	s24 =	smov.u32 s26  }
0x26c: {  	v20 =	vadd.f32 v20, v30;
	v15 =	vadd.f32 v23, v15;
	v32 =	vld [tilespmem:s26+$0x160]  }
0x26d: {  	v6 =	vadd.f32 v29, v6;
	v35 =	vld [tilespmem:s26+$0x180];
	v23 =	vadd.f32 v27, v16  }
0x26e: {  	v15 =	vadd.f32 v3, v15;
	v29 =	vmul.f32 v37, v37;
	v27 =	vadd.f32 v2, v20;
	v2 =	vmovc v39;
	v30 =	vld [tilespmem:s26+$0x1B0]  }
0x26f: {  	v14 =	vadd.f32 v17, v14;
	v37 =	vld [tilespmem:s26+$0x100];
	v10 =	vadd.f32 v18, v10;
	v16 =	vmul.f32 v18, v18  }
0x270: {  	v9 =	vadd.f32 v9, v11;
	v11 =	vadd.f32 v24, v12;
	v17 =	vld [tilespmem:s26+$0x120]  }
0x271: {  	v14 =	vadd.f32 v29, v14;
	v18 =	vmul.f32 v31, v31;
	v12 =	vld [tilespmem:s26+$0x90];
	v10 =	vadd.f32 v31, v10;
	v3 =	vmovc v32  }
0x272: {  	v9 =	vadd.f32 v16, v9;
	v16 =	vadd.f32 v26, v11;
	v11 =	vmul.f32 v28, v28;
	v20 =	vld [tilespmem:s26+$0x0]  }
0x273: {  	v25 =	vadd.f32 v28, v25;
	v26 =	vmul.f32 v34, v34;
	v24 =	vld [tilespmem:s26+$0xF0];
	v10 =	vadd.f32 v34, v10  }
0x274: {  	v9 =	vadd.f32 v18, v9;
	v18 =	vadd.f32 v11, v14;
	v34 =	vld [tilespmem:s26+$0xE0]  }
0x275: {  	v7 =	vadd.f32 v8, v7;
	v29 =	vadd.f32 v33, v15;
	v14 =	vld [tilespmem:s26+$0x70]  }
0x276: {  	v11 =	vadd.f32 v26, v9;
	v26 =	vadd.f32 v40, v38;
	v8 =	vld [tilespmem:s26+$0x60]  }
0x277: {  	v5 =	vadd.f32 v20, v5;
	v9 =	vmul.f32 v20, v20;
	v20 =	vld [tilespmem:s26+$0x50]  }
0x278: {  	v33 =	vmul.f32 v35, v35;
	v31 =	vmul.f32 v17, v17;
	v15 =	vld [tilespmem:s26+$0x40]  }
0x279: {  	v9 =	vadd.f32 v9, v13;
	v13 =	vld [tilespmem:s26+$0x30];
	v5 =	vadd.f32 v12, v5;
	v12 =	vmul.f32 v12, v12  }
0x27a: {  	v40 =	vmul.f32 v24, v24;
	v38 =	vld [tilespmem:s26+$0x20];
	v7 =	vadd.f32 v14, v7;
	v39 =	vmul.f32 v14, v14  }
0x27b: {  	v41 =	vld [tilespmem:s26+$0x10];
	v36 =	vadd.f32 v8, v36;
	v8 =	vmul.f32 v8, v8;
	v5 =	vadd.f32 v17, v5  }
0x27c: {  	v12 =	vadd.f32 v12, v9;
	v42 =	vadd.f32 v20, v25;
	v14 =	vmul.f32 v20, v20;
	v43 =	vld [tilespmem:s26+$0xB0]  }
0x27d: {  	v28 =	vmul.f32 v15, v15;
	v8 =	vadd.f32 v8, v19;
	v17 =	vld [tilespmem:s26+$0x80];
	v5 =	vadd.f32 v30, v5  }
0x27e: {  	v7 =	vadd.f32 v37, v7;
	v10 =	vadd.f32 v13, v10;
	v9 =	vmul.f32 v13, v13;
	v13 =	vld [tilespmem:s26+$0xA0]  }
0x27f: {  	v44 =	vadd.f32 v31, v12;
	v19 =	vadd.f32 v38, v16;
	v38 =	vmul.f32 v38, v38;
	v16 =	vld [tilespmem:s26+$0x190]  }
0x280: {  	v31 =	vadd.f32 v39, v23;
	v8 =	vadd.f32 v40, v8;
	v45 =	vmul.f32 v41, v41;
	v20 =	vld [tilespmem:s26+$0x130]  }
0x281: {  	v25 =	vmul.f32 v32, v3;
	v36 =	vadd.f32 v24, v36;
	v12 =	vadd.f32 v43, v19;
	v23 =	vld [tilespmem:s26+$0xD0]  }
0x282: {  	v19 =	vadd.f32 v33, v8;
	v26 =	vadd.f32 v17, v26;
	v17 =	vmul.f32 v34, v34;
	v39 =	vld [tilespmem:s26+$0x110]  }
.Ltmp5:
0x283: {  	v24 =	vadd.f32 v41, v27;
	v27 =	vadd.f32 v34, v42;
	v40 =	vmul.f32 v13, v13;
	v32 =	vld [tilespmem:s26+$0x210];
	(pc) =	sbr.rel @p1 .LBB2_15-.Ltmp5, $4  }
0x284: {  	v42 =	vmul.f32 v30, v30;
	v41 =	vadd.f32 v45, v21;
	v7 =	vadd.f32 v16, v7;
	v8 =	vld [tilespmem:s26+$0x220]  }
0x285: {  	v36 =	vadd.f32 v35, v36;
	v30 =	vadd.f32 v13, v24;
	v33 =	vmul.f32 v20, v20;
	v24 =	vld [tilespmem:s26+$0x140]  }
0x286: {  	v35 =	vadd.f32 v38, v22;
	v34 =	vmul.f32 v37, v37;
	v13 =	vadd.f32 v42, v44;
	v21 =	vld [tilespmem:s26+$0x1A0]  }
0x287: {  	v38 =	vmul.f32 v43, v43;
	v37 =	vadd.f32 v40, v41;
	s26 =	sadd.s32 $0x240, s26;
	v22 =	vadd.f32 v39, v26;
	v26 =	vld [tilespmem:s24+$0x1D0]  }
0x288: {  	v6 =	vadd.f32 v28, v6;
	v15 =	vadd.f32 v15, v29  }
0x289: {  	v36 =	vadd.f32 v32, v36;
	v31 =	vadd.f32 v34, v31  }
0x28a: {  	v28 =	vmul.f32 v23, v23;
	v14 =	vadd.f32 v14, v18;
	v20 =	vadd.f32 v20, v30  }
0x28b: {  	v9 =	vadd.f32 v9, v11;
	v35 =	vadd.f32 v38, v35  }
0x28c: {  	v57 =	vld [tilespmem:s24+$0x170];
	v33 =	vadd.f32 v33, v37;
	v6 =	vadd.f32 v28, v6  }
0x28d: {  	v18 =	vld [tilespmem:s24+$0xC0];
	v15 =	vadd.f32 v23, v15;
	v2 =	vadd.f32 v2, v20  }
0x28e: {  	v29 =	vld [tilespmem:s24+$0x1F0];
	v56 =	vmul.f32 v24, v24;
	v14 =	vadd.f32 v17, v14;
	v12 =	vadd.f32 v24, v12  }
0x28f: {  	v11 =	vmul.f32 v32, v32;
	v4 =	vadd.f32 v4, v33;
	v6 =	vadd.f32 v25, v6;
	v25 =	vld [tilespmem:s24+$0x150]  }
0x290: {  	v5 =	vmul.f32 v5, v5;
	v35 =	vadd.f32 v56, v35;
	v3 =	vadd.f32 v3, v15  }
0x291: {  	v58 =	vmul.f32 v26, v26;
	v12 =	vadd.f32 v26, v12;
	v23 =	vadd.f32 v57, v27;
	v27 =	vld [tilespmem:s24+$0x1E0]  }
0x292: {  	v2 =	vmul.f32 v2, v2;
	v10 =	vadd.f32 v18, v10;
	v15 =	vmul.f32 v18, v18  }
0x293: {  	v59 =	vmul.f32 v29, v29;
	v4 =	vadd.f32 v4, v13;
	v28 =	vadd.f32 v58, v35  }
0x294: {  	v9 =	vadd.f32 v15, v9;
	v15 =	vld [tilespmem:s24+$0x200];
	v10 =	vadd.f32 v25, v10;
	v17 =	vmul.f32 v25, v25  }
0x295: {  	v2 =	vadd.f32 v2, v5;
	v5 =	vmul.f32 v12, v12;
	v3 =	vadd.f32 v29, v3  }
0x296: {  	v18 =	vmul.f32 v27, v27;
	v10 =	vadd.f32 v27, v10;
	v9 =	vadd.f32 v17, v9  }
0x297: {  	v12 =	vmul.f32 v57, v57;
	v6 =	vadd.f32 v59, v6;
	v2 =	vadd.f32 v5, v2  }
0x298: {  	v4 =	vadd.f32 v28, v4;
	v9 =	vadd.f32 v18, v9;
	v5 =	vmul.f32 v10, v10  }
0x299: {  	v13 =	vadd.f32 v15, v23;
	v10 =	vadd.f32 v12, v14;
	v12 =	vmul.f32 v15, v15  }
0x29a: {  	v3 =	vmul.f32 v3, v3;
	v2 =	vadd.f32 v5, v2;
	v4 =	vadd.f32 v9, v4  }
0x29b: {  	v7 =	vadd.f32 v8, v7;
	v5 =	vmul.f32 v16, v16;
	v10 =	vadd.f32 v12, v10  }
0x29c: {  	v2 =	vadd.f32 v3, v2;
	v3 =	vadd.f32 v6, v4;
	v4 =	vmul.f32 v13, v13  }
0x29d: {  	v9 =	vadd.f32 v11, v19;
	v5 =	vadd.f32 v5, v31;
	v6 =	vmul.f32 v8, v8  }
0x29e: {  	v2 =	vadd.f32 v4, v2;
	v3 =	vadd.f32 v10, v3;
	v4 =	vmul.f32 v36, v36  }
0x29f: {  	v5 =	vadd.f32 v6, v5  }
0x2a0: {  	v2 =	vadd.f32 v4, v2;
	v3 =	vadd.f32 v9, v3;
	v4 =	vmul.f32 v7, v7  }
0x2a1: {  	v6 =	vld [tilespmem:s24+$0x230]  }
0x2a2: {  	v2 =	vadd.f32 v4, v2;
	v3 =	vadd.f32 v5, v3;
	_ =	sdelay $0x1  }
0x2a3: {  	v4 =	vadd.f32 v21, v22;
	v2 =	vsub.f32 v2, v3;
	_ =	sdelay $0x1  }
0x2a4: {  	v3 =	vadd.f32 v6, v4;
	v2 =	vmul.f32 $5.000000000e-01, v2;
	_ =	sdelay $0x1  }
0x2a5: {  	v2 =	vadd.f32 v2, v3;
	_ =	sdelay $0x1  }
0x2a6: {  	(xrf2) =	vadd.scan.msk.f32 $0xffff, v2;
	_ =	sdelay $0x9  }
0x2a7: {  	v2, _, _ =	vpop (xrf2)  }
0x2a8: {  	(v2sf) =	vpush v2, $0xF;
	_ =	sdelay $0xb  }
0x2a9: {  	v2 =	vadd.s32 $0x5, v1  }
0x2aa: {  	v2 =	vbroadcast v2, $0x0;
	_ =	sdelay $0x1  }
0x2ab: {  	s31 =	spop (v2sf)  }
0x2ac: {  	s24 =	sadd.f32 s31, s19;
	_ =	sdelay $0x1  }
0x2ad: {  	v3 =	vmov s24  }
0x2ae: {  	s24 =	simm.s32 $0x16A80;
	[tilespmem:v2+s16+$0x0] =	vst.idx.msk $0x1, v3  }
0x2af: {  	v2 =	vld [tilespmem:s24+$0x1C0]  }
0x2b0: {  	v11 =	vld [tilespmem:s24+$0x180]  }
0x2b1: {  	v13 =	vld [tilespmem:s24+$0x100]  }
0x2b2: {  	v5 =	vld [tilespmem:s24+$0x120]  }
0x2b3: {  	v7 =	vld [tilespmem:s24+$0x90]  }
0x2b4: {  	v9 =	vld [tilespmem:s24+$0x0]  }
0x2b5: {  	v17 =	vld [tilespmem:s24+$0xF0]  }
0x2b6: {  	v10 =	vld [tilespmem:s24+$0x70]  }
0x2b7: {  	v12 =	vld [tilespmem:s24+$0x60]  }
0x2b8: {  	v16 =	vld [tilespmem:s24+$0x50]  }
0x2b9: {  	v15 =	vld [tilespmem:s24+$0x40]  }
0x2ba: {  	v6 =	vimm.f32 $0.0e+00;
	v30 =	vld [tilespmem:s24+$0x80]  }
0x2bb: {  	v60 =	vld [tilespmem:s24+$0xB0];
	v4 =	vmul.f32 v2, v2;
	v14 =	vadd.f32 v9, v6;
	v9 =	vmul.f32 v9, v9  }
0x2bc: {  	v20 =	vld [tilespmem:s24+$0x30];
	v19 =	vmul.f32 v5, v5;
	v21 =	vmul.f32 v11, v11  }
0x2bd: {  	v22 =	vld [tilespmem:s24+$0x20];
	v23 =	vadd.f32 v10, v6;
	v24 =	vmul.f32 v10, v10;
	v25 =	vmul.f32 v17, v17  }
0x2be: {  	v18 =	vld [tilespmem:s24+$0xE0];
	v27 =	vadd.f32 v12, v6;
	v10 =	vmul.f32 v12, v12;
	v29 =	vadd.f32 v16, v6  }
0x2bf: {  	v8 =	vld [tilespmem:s24+$0x1B0];
	v28 =	vmul.f32 v15, v15;
	v39 =	vadd.f32 v30, v6;
	v34 =	vmul.f32 v13, v13  }
0x2c0: {  	v38 =	vmul.f32 v60, v60;
	v9 =	vadd.f32 v9, v6;
	v14 =	vadd.f32 v7, v14  }
0x2c1: {  	v40 =	vld [tilespmem:s24+$0x110];
	v7 =	vmul.f32 v7, v7;
	v12 =	vadd.f32 v10, v6;
	v10 =	vadd.f32 v20, v6  }
0x2c2: {  	v3 =	vld [tilespmem:s24+$0x160];
	v62 =	vadd.f32 v13, v23;
	v23 =	vadd.f32 v22, v6;
	v22 =	vmul.f32 v22, v22  }
0x2c3: {  	v26 =	vld [tilespmem:s24+$0x10];
	v31 =	vadd.f32 v24, v6;
	v24 =	vadd.f32 v17, v27;
	v17 =	vmul.f32 v18, v18  }
0x2c4: {  	v61 =	vld [tilespmem:s24+$0xA0];
	v27 =	vadd.f32 v18, v29;
	v29 =	vmul.f32 v8, v8;
	v5 =	vadd.f32 v5, v14  }
0x2c5: {  	v32 =	vld [tilespmem:s24+$0x210];
	v14 =	vmul.f32 v16, v16;
	v7 =	vadd.f32 v7, v9;
	v36 =	vadd.f32 v11, v24  }
0x2c6: {  	v9 =	vmul.f32 v20, v20;
	v16 =	vld [tilespmem:s24+$0x190];
	v35 =	vadd.f32 v22, v6;
	v22 =	vadd.f32 v40, v39  }
0x2c7: {  	v20 =	vld [tilespmem:s24+$0x130];
	v11 =	vimm.f32 $0.0e+00;
	v63 =	vadd.f32 v19, v7;
	v19 =	vadd.f32 v25, v12  }
0x2c8: {  	v5 =	vadd.f32 v8, v5;
	v7 =	vmul.f32 v26, v26;
	v12 =	vadd.f32 v60, v23;
	v23 =	vld [tilespmem:s24+$0xD0]  }
0x2c9: {  	v24 =	vld [tilespmem:s24+$0x140];
	v25 =	vmul.f32 v3, v3;
	v19 =	vadd.f32 v21, v19;
	v21 =	vadd.f32 v26, v6  }
0x2ca: {  	v8 =	vld [tilespmem:s24+$0x220];
	v26 =	vmul.f32 v61, v61;
	v18 =	vadd.f32 v7, v6;
	v13 =	vadd.f32 v29, v63  }
0x2cb: {  	v29 =	vimm.f32 $0.0e+00;
	v7 =	vadd.f32 v16, v62;
	v30 =	vadd.f32 v61, v21;
	v21 =	vld [tilespmem:s24+$0x1A0]  }
0x2cc: {  	s25 =	simm.s32 $0x0;
	s26 =	simm.s32 $0x16CC0;
	v33 =	vmul.f32 v20, v20;
	v37 =	vadd.f32 v26, v18;
	v26 =	vld [tilespmem:s24+$0x1D0];
	v18 =	vimm.f32 $0.0e+00  }
.LBB2_17:
0x2cd: {  	v39 =	vld [tilespmem:s26+$0x1C0];
	s25 =	sadd.s32 $0x4, s25;
	v6 =	vadd.f32 v28, v6;
	v28 =	vmul.f32 v23, v23;
	v36 =	vadd.f32 v32, v36  }
0x2ce: {  	v15 =	vadd.f32 v15, v29;
	v32 =	vmul.f32 v32, v32;
	p1 =	slt.u32 s25, $0x60;
	v29 =	vadd.f32 v33, v37;
	v33 =	vld [tilespmem:s24+$0x1F0]  }
0x2cf: {  	v31 =	vadd.f32 v34, v31;
	v35 =	vadd.f32 v38, v35;
	v34 =	vmul.f32 v24, v24;
	v37 =	vld [tilespmem:s24+$0x170]  }
0x2d0: {  	v16 =	vmul.f32 v16, v16;
	v38 =	vadd.f32 v21, v22;
	v21 =	vadd.f32 v4, v29;
	v40 =	vld [tilespmem:s24+$0x230]  }
0x2d1: {  	v19 =	vadd.f32 v32, v19;
	v22 =	vadd.f32 v34, v35;
	v29 =	vmul.f32 v26, v26;
	v34 =	vld [tilespmem:s24+$0x1E0]  }
0x2d2: {  	v6 =	vadd.f32 v28, v6;
	v16 =	vadd.f32 v16, v31;
	v4 =	vmul.f32 v39, v39;
	v28 =	vld [tilespmem:s24+$0x200]  }
0x2d3: {  	v14 =	vadd.f32 v14, v18;
	v18 =	vld [tilespmem:s24+$0xC0];
	v22 =	vadd.f32 v29, v22;
	v29 =	vmul.f32 v33, v33  }
0x2d4: {  	v6 =	vadd.f32 v25, v6;
	v31 =	vld [tilespmem:s24+$0x150];
	v25 =	vadd.f32 v37, v27;
	v27 =	vmul.f32 v8, v8;
	s24 =	smov.u32 s26  }
0x2d5: {  	v20 =	vadd.f32 v20, v30;
	v15 =	vadd.f32 v23, v15;
	v32 =	vld [tilespmem:s26+$0x160]  }
0x2d6: {  	v6 =	vadd.f32 v29, v6;
	v35 =	vld [tilespmem:s26+$0x180];
	v23 =	vadd.f32 v27, v16  }
0x2d7: {  	v15 =	vadd.f32 v3, v15;
	v29 =	vmul.f32 v37, v37;
	v27 =	vadd.f32 v2, v20;
	v2 =	vmovc v39;
	v30 =	vld [tilespmem:s26+$0x1B0]  }
0x2d8: {  	v14 =	vadd.f32 v17, v14;
	v37 =	vld [tilespmem:s26+$0x100];
	v10 =	vadd.f32 v18, v10;
	v16 =	vmul.f32 v18, v18  }
0x2d9: {  	v9 =	vadd.f32 v9, v11;
	v11 =	vadd.f32 v24, v12;
	v17 =	vld [tilespmem:s26+$0x120]  }
0x2da: {  	v14 =	vadd.f32 v29, v14;
	v18 =	vmul.f32 v31, v31;
	v12 =	vld [tilespmem:s26+$0x90];
	v10 =	vadd.f32 v31, v10;
	v3 =	vmovc v32  }
0x2db: {  	v9 =	vadd.f32 v16, v9;
	v16 =	vadd.f32 v26, v11;
	v11 =	vmul.f32 v28, v28;
	v20 =	vld [tilespmem:s26+$0x0]  }
0x2dc: {  	v25 =	vadd.f32 v28, v25;
	v26 =	vmul.f32 v34, v34;
	v24 =	vld [tilespmem:s26+$0xF0];
	v10 =	vadd.f32 v34, v10  }
0x2dd: {  	v9 =	vadd.f32 v18, v9;
	v18 =	vadd.f32 v11, v14;
	v34 =	vld [tilespmem:s26+$0xE0]  }
0x2de: {  	v7 =	vadd.f32 v8, v7;
	v29 =	vadd.f32 v33, v15;
	v14 =	vld [tilespmem:s26+$0x70]  }
0x2df: {  	v11 =	vadd.f32 v26, v9;
	v26 =	vadd.f32 v40, v38;
	v8 =	vld [tilespmem:s26+$0x60]  }
0x2e0: {  	v5 =	vadd.f32 v20, v5;
	v9 =	vmul.f32 v20, v20;
	v20 =	vld [tilespmem:s26+$0x50]  }
0x2e1: {  	v33 =	vmul.f32 v35, v35;
	v31 =	vmul.f32 v17, v17;
	v15 =	vld [tilespmem:s26+$0x40]  }
0x2e2: {  	v9 =	vadd.f32 v9, v13;
	v13 =	vld [tilespmem:s26+$0x30];
	v5 =	vadd.f32 v12, v5;
	v12 =	vmul.f32 v12, v12  }
0x2e3: {  	v40 =	vmul.f32 v24, v24;
	v38 =	vld [tilespmem:s26+$0x20];
	v7 =	vadd.f32 v14, v7;
	v39 =	vmul.f32 v14, v14  }
0x2e4: {  	v41 =	vld [tilespmem:s26+$0x10];
	v36 =	vadd.f32 v8, v36;
	v8 =	vmul.f32 v8, v8;
	v5 =	vadd.f32 v17, v5  }
0x2e5: {  	v12 =	vadd.f32 v12, v9;
	v42 =	vadd.f32 v20, v25;
	v14 =	vmul.f32 v20, v20;
	v43 =	vld [tilespmem:s26+$0xB0]  }
0x2e6: {  	v28 =	vmul.f32 v15, v15;
	v8 =	vadd.f32 v8, v19;
	v17 =	vld [tilespmem:s26+$0x80];
	v5 =	vadd.f32 v30, v5  }
0x2e7: {  	v7 =	vadd.f32 v37, v7;
	v10 =	vadd.f32 v13, v10;
	v9 =	vmul.f32 v13, v13;
	v13 =	vld [tilespmem:s26+$0xA0]  }
0x2e8: {  	v44 =	vadd.f32 v31, v12;
	v19 =	vadd.f32 v38, v16;
	v38 =	vmul.f32 v38, v38;
	v16 =	vld [tilespmem:s26+$0x190]  }
0x2e9: {  	v31 =	vadd.f32 v39, v23;
	v8 =	vadd.f32 v40, v8;
	v45 =	vmul.f32 v41, v41;
	v20 =	vld [tilespmem:s26+$0x130]  }
0x2ea: {  	v25 =	vmul.f32 v32, v3;
	v36 =	vadd.f32 v24, v36;
	v12 =	vadd.f32 v43, v19;
	v23 =	vld [tilespmem:s26+$0xD0]  }
0x2eb: {  	v19 =	vadd.f32 v33, v8;
	v26 =	vadd.f32 v17, v26;
	v17 =	vmul.f32 v34, v34;
	v39 =	vld [tilespmem:s26+$0x110]  }
.Ltmp6:
0x2ec: {  	v24 =	vadd.f32 v41, v27;
	v27 =	vadd.f32 v34, v42;
	v40 =	vmul.f32 v13, v13;
	v32 =	vld [tilespmem:s26+$0x210];
	(pc) =	sbr.rel @p1 .LBB2_17-.Ltmp6, $4  }
0x2ed: {  	v42 =	vmul.f32 v30, v30;
	v41 =	vadd.f32 v45, v21;
	v7 =	vadd.f32 v16, v7;
	v8 =	vld [tilespmem:s26+$0x220]  }
0x2ee: {  	v36 =	vadd.f32 v35, v36;
	v30 =	vadd.f32 v13, v24;
	v33 =	vmul.f32 v20, v20;
	v24 =	vld [tilespmem:s26+$0x140]  }
0x2ef: {  	v35 =	vadd.f32 v38, v22;
	v34 =	vmul.f32 v37, v37;
	v13 =	vadd.f32 v42, v44;
	v21 =	vld [tilespmem:s26+$0x1A0]  }
0x2f0: {  	v38 =	vmul.f32 v43, v43;
	v37 =	vadd.f32 v40, v41;
	s26 =	sadd.s32 $0x240, s26;
	v22 =	vadd.f32 v39, v26;
	v26 =	vld [tilespmem:s24+$0x1D0]  }
0x2f1: {  	v6 =	vadd.f32 v28, v6;
	v15 =	vadd.f32 v15, v29  }
0x2f2: {  	v36 =	vadd.f32 v32, v36;
	v31 =	vadd.f32 v34, v31  }
0x2f3: {  	v28 =	vmul.f32 v23, v23;
	v14 =	vadd.f32 v14, v18;
	v20 =	vadd.f32 v20, v30  }
0x2f4: {  	v9 =	vadd.f32 v9, v11;
	v35 =	vadd.f32 v38, v35  }
0x2f5: {  	v57 =	vld [tilespmem:s24+$0x170];
	v33 =	vadd.f32 v33, v37;
	v6 =	vadd.f32 v28, v6  }
0x2f6: {  	v18 =	vld [tilespmem:s24+$0xC0];
	v15 =	vadd.f32 v23, v15;
	v2 =	vadd.f32 v2, v20  }
0x2f7: {  	v29 =	vld [tilespmem:s24+$0x1F0];
	v56 =	vmul.f32 v24, v24;
	v14 =	vadd.f32 v17, v14;
	v12 =	vadd.f32 v24, v12  }
0x2f8: {  	v11 =	vmul.f32 v32, v32;
	v4 =	vadd.f32 v4, v33;
	v6 =	vadd.f32 v25, v6;
	v25 =	vld [tilespmem:s24+$0x150]  }
0x2f9: {  	v5 =	vmul.f32 v5, v5;
	v35 =	vadd.f32 v56, v35;
	v3 =	vadd.f32 v3, v15  }
0x2fa: {  	v58 =	vmul.f32 v26, v26;
	v12 =	vadd.f32 v26, v12;
	v23 =	vadd.f32 v57, v27;
	v27 =	vld [tilespmem:s24+$0x1E0]  }
0x2fb: {  	v2 =	vmul.f32 v2, v2;
	v10 =	vadd.f32 v18, v10;
	v15 =	vmul.f32 v18, v18  }
0x2fc: {  	v59 =	vmul.f32 v29, v29;
	v4 =	vadd.f32 v4, v13;
	v28 =	vadd.f32 v58, v35  }
0x2fd: {  	v9 =	vadd.f32 v15, v9;
	v15 =	vld [tilespmem:s24+$0x200];
	v10 =	vadd.f32 v25, v10;
	v17 =	vmul.f32 v25, v25  }
0x2fe: {  	v2 =	vadd.f32 v2, v5;
	v5 =	vmul.f32 v12, v12;
	v3 =	vadd.f32 v29, v3  }
0x2ff: {  	v18 =	vmul.f32 v27, v27;
	v10 =	vadd.f32 v27, v10;
	v9 =	vadd.f32 v17, v9  }
0x300: {  	v12 =	vmul.f32 v57, v57;
	v6 =	vadd.f32 v59, v6;
	v2 =	vadd.f32 v5, v2  }
0x301: {  	v4 =	vadd.f32 v28, v4;
	v9 =	vadd.f32 v18, v9;
	v5 =	vmul.f32 v10, v10  }
0x302: {  	v13 =	vadd.f32 v15, v23;
	v10 =	vadd.f32 v12, v14;
	v12 =	vmul.f32 v15, v15  }
0x303: {  	v3 =	vmul.f32 v3, v3;
	v2 =	vadd.f32 v5, v2;
	v4 =	vadd.f32 v9, v4  }
0x304: {  	v7 =	vadd.f32 v8, v7;
	v5 =	vmul.f32 v16, v16;
	v10 =	vadd.f32 v12, v10  }
0x305: {  	v2 =	vadd.f32 v3, v2;
	v3 =	vadd.f32 v6, v4;
	v4 =	vmul.f32 v13, v13  }
0x306: {  	v9 =	vadd.f32 v11, v19;
	v5 =	vadd.f32 v5, v31;
	v6 =	vmul.f32 v8, v8  }
0x307: {  	v2 =	vadd.f32 v4, v2;
	v3 =	vadd.f32 v10, v3;
	v4 =	vmul.f32 v36, v36  }
0x308: {  	v5 =	vadd.f32 v6, v5  }
0x309: {  	v2 =	vadd.f32 v4, v2;
	v3 =	vadd.f32 v9, v3;
	v4 =	vmul.f32 v7, v7  }
0x30a: {  	v6 =	vld [tilespmem:s24+$0x230]  }
0x30b: {  	v2 =	vadd.f32 v4, v2;
	v3 =	vadd.f32 v5, v3;
	_ =	sdelay $0x1  }
0x30c: {  	v4 =	vadd.f32 v21, v22;
	v2 =	vsub.f32 v2, v3;
	_ =	sdelay $0x1  }
0x30d: {  	v3 =	vadd.f32 v6, v4;
	v2 =	vmul.f32 $5.000000000e-01, v2;
	_ =	sdelay $0x1  }
0x30e: {  	v2 =	vadd.f32 v2, v3;
	_ =	sdelay $0x1  }
0x30f: {  	(xrf2) =	vadd.scan.msk.f32 $0xffff, v2;
	_ =	sdelay $0x9  }
0x310: {  	v2, _, _ =	vpop (xrf2)  }
0x311: {  	(v2sf) =	vpush v2, $0xF;
	_ =	sdelay $0xb  }
0x312: {  	v2 =	vadd.s32 $0x6, v1  }
0x313: {  	v2 =	vbroadcast v2, $0x0;
	_ =	sdelay $0x1  }
0x314: {  	s31 =	spop (v2sf)  }
0x315: {  	s24 =	sadd.f32 s31, s19;
	_ =	sdelay $0x1  }
0x316: {  	v3 =	vmov s24  }
0x317: {  	s24 =	simm.s32 $0x1A2C0;
	[tilespmem:v2+s16+$0x0] =	vst.idx.msk $0x1, v3  }
0x318: {  	v2 =	vld [tilespmem:s24+$0x1C0]  }
0x319: {  	v11 =	vld [tilespmem:s24+$0x180]  }
0x31a: {  	v13 =	vld [tilespmem:s24+$0x100]  }
0x31b: {  	v5 =	vld [tilespmem:s24+$0x120]  }
0x31c: {  	v7 =	vld [tilespmem:s24+$0x90]  }
0x31d: {  	v9 =	vld [tilespmem:s24+$0x0]  }
0x31e: {  	v17 =	vld [tilespmem:s24+$0xF0]  }
0x31f: {  	v10 =	vld [tilespmem:s24+$0x70]  }
0x320: {  	v12 =	vld [tilespmem:s24+$0x60]  }
0x321: {  	v16 =	vld [tilespmem:s24+$0x50]  }
0x322: {  	v15 =	vld [tilespmem:s24+$0x40]  }
0x323: {  	v6 =	vimm.f32 $0.0e+00;
	v30 =	vld [tilespmem:s24+$0x80]  }
0x324: {  	v60 =	vld [tilespmem:s24+$0xB0];
	v4 =	vmul.f32 v2, v2;
	v14 =	vadd.f32 v9, v6;
	v9 =	vmul.f32 v9, v9  }
0x325: {  	v20 =	vld [tilespmem:s24+$0x30];
	v19 =	vmul.f32 v5, v5;
	v21 =	vmul.f32 v11, v11  }
0x326: {  	v22 =	vld [tilespmem:s24+$0x20];
	v23 =	vadd.f32 v10, v6;
	v24 =	vmul.f32 v10, v10;
	v25 =	vmul.f32 v17, v17  }
0x327: {  	v18 =	vld [tilespmem:s24+$0xE0];
	v27 =	vadd.f32 v12, v6;
	v10 =	vmul.f32 v12, v12;
	v29 =	vadd.f32 v16, v6  }
0x328: {  	v8 =	vld [tilespmem:s24+$0x1B0];
	v28 =	vmul.f32 v15, v15;
	v39 =	vadd.f32 v30, v6;
	v34 =	vmul.f32 v13, v13  }
0x329: {  	v38 =	vmul.f32 v60, v60;
	v9 =	vadd.f32 v9, v6;
	v14 =	vadd.f32 v7, v14  }
0x32a: {  	v40 =	vld [tilespmem:s24+$0x110];
	v7 =	vmul.f32 v7, v7;
	v12 =	vadd.f32 v10, v6;
	v10 =	vadd.f32 v20, v6  }
0x32b: {  	v3 =	vld [tilespmem:s24+$0x160];
	v62 =	vadd.f32 v13, v23;
	v23 =	vadd.f32 v22, v6;
	v22 =	vmul.f32 v22, v22  }
0x32c: {  	v26 =	vld [tilespmem:s24+$0x10];
	v31 =	vadd.f32 v24, v6;
	v24 =	vadd.f32 v17, v27;
	v17 =	vmul.f32 v18, v18  }
0x32d: {  	v61 =	vld [tilespmem:s24+$0xA0];
	v27 =	vadd.f32 v18, v29;
	v29 =	vmul.f32 v8, v8;
	v5 =	vadd.f32 v5, v14  }
0x32e: {  	v32 =	vld [tilespmem:s24+$0x210];
	v14 =	vmul.f32 v16, v16;
	v7 =	vadd.f32 v7, v9;
	v36 =	vadd.f32 v11, v24  }
0x32f: {  	v9 =	vmul.f32 v20, v20;
	v16 =	vld [tilespmem:s24+$0x190];
	v35 =	vadd.f32 v22, v6;
	v22 =	vadd.f32 v40, v39  }
0x330: {  	v20 =	vld [tilespmem:s24+$0x130];
	v11 =	vimm.f32 $0.0e+00;
	v63 =	vadd.f32 v19, v7;
	v19 =	vadd.f32 v25, v12  }
0x331: {  	v5 =	vadd.f32 v8, v5;
	v7 =	vmul.f32 v26, v26;
	v12 =	vadd.f32 v60, v23;
	v23 =	vld [tilespmem:s24+$0xD0]  }
0x332: {  	v24 =	vld [tilespmem:s24+$0x140];
	v25 =	vmul.f32 v3, v3;
	v19 =	vadd.f32 v21, v19;
	v21 =	vadd.f32 v26, v6  }
0x333: {  	v8 =	vld [tilespmem:s24+$0x220];
	v26 =	vmul.f32 v61, v61;
	v18 =	vadd.f32 v7, v6;
	v13 =	vadd.f32 v29, v63  }
0x334: {  	v29 =	vimm.f32 $0.0e+00;
	v7 =	vadd.f32 v16, v62;
	v30 =	vadd.f32 v61, v21;
	v21 =	vld [tilespmem:s24+$0x1A0]  }
0x335: {  	s25 =	simm.s32 $0x0;
	s26 =	simm.s32 $0x1A500;
	v33 =	vmul.f32 v20, v20;
	v37 =	vadd.f32 v26, v18;
	v26 =	vld [tilespmem:s24+$0x1D0];
	v18 =	vimm.f32 $0.0e+00  }
.LBB2_19:
0x336: {  	v39 =	vld [tilespmem:s26+$0x1C0];
	s25 =	sadd.s32 $0x4, s25;
	v6 =	vadd.f32 v28, v6;
	v28 =	vmul.f32 v23, v23;
	v36 =	vadd.f32 v32, v36  }
0x337: {  	v15 =	vadd.f32 v15, v29;
	v32 =	vmul.f32 v32, v32;
	p1 =	slt.u32 s25, $0x60;
	v29 =	vadd.f32 v33, v37;
	v33 =	vld [tilespmem:s24+$0x1F0]  }
0x338: {  	v31 =	vadd.f32 v34, v31;
	v35 =	vadd.f32 v38, v35;
	v34 =	vmul.f32 v24, v24;
	v37 =	vld [tilespmem:s24+$0x170]  }
0x339: {  	v16 =	vmul.f32 v16, v16;
	v38 =	vadd.f32 v21, v22;
	v21 =	vadd.f32 v4, v29;
	v40 =	vld [tilespmem:s24+$0x230]  }
0x33a: {  	v19 =	vadd.f32 v32, v19;
	v22 =	vadd.f32 v34, v35;
	v29 =	vmul.f32 v26, v26;
	v34 =	vld [tilespmem:s24+$0x1E0]  }
0x33b: {  	v6 =	vadd.f32 v28, v6;
	v16 =	vadd.f32 v16, v31;
	v4 =	vmul.f32 v39, v39;
	v28 =	vld [tilespmem:s24+$0x200]  }
0x33c: {  	v14 =	vadd.f32 v14, v18;
	v18 =	vld [tilespmem:s24+$0xC0];
	v22 =	vadd.f32 v29, v22;
	v29 =	vmul.f32 v33, v33  }
0x33d: {  	v6 =	vadd.f32 v25, v6;
	v31 =	vld [tilespmem:s24+$0x150];
	v25 =	vadd.f32 v37, v27;
	v27 =	vmul.f32 v8, v8;
	s24 =	smov.u32 s26  }
0x33e: {  	v20 =	vadd.f32 v20, v30;
	v15 =	vadd.f32 v23, v15;
	v32 =	vld [tilespmem:s26+$0x160]  }
0x33f: {  	v6 =	vadd.f32 v29, v6;
	v35 =	vld [tilespmem:s26+$0x180];
	v23 =	vadd.f32 v27, v16  }
0x340: {  	v15 =	vadd.f32 v3, v15;
	v29 =	vmul.f32 v37, v37;
	v27 =	vadd.f32 v2, v20;
	v2 =	vmovc v39;
	v30 =	vld [tilespmem:s26+$0x1B0]  }
0x341: {  	v14 =	vadd.f32 v17, v14;
	v37 =	vld [tilespmem:s26+$0x100];
	v10 =	vadd.f32 v18, v10;
	v16 =	vmul.f32 v18, v18  }
0x342: {  	v9 =	vadd.f32 v9, v11;
	v11 =	vadd.f32 v24, v12;
	v17 =	vld [tilespmem:s26+$0x120]  }
0x343: {  	v14 =	vadd.f32 v29, v14;
	v18 =	vmul.f32 v31, v31;
	v12 =	vld [tilespmem:s26+$0x90];
	v10 =	vadd.f32 v31, v10;
	v3 =	vmovc v32  }
0x344: {  	v9 =	vadd.f32 v16, v9;
	v16 =	vadd.f32 v26, v11;
	v11 =	vmul.f32 v28, v28;
	v20 =	vld [tilespmem:s26+$0x0]  }
0x345: {  	v25 =	vadd.f32 v28, v25;
	v26 =	vmul.f32 v34, v34;
	v24 =	vld [tilespmem:s26+$0xF0];
	v10 =	vadd.f32 v34, v10  }
0x346: {  	v9 =	vadd.f32 v18, v9;
	v18 =	vadd.f32 v11, v14;
	v34 =	vld [tilespmem:s26+$0xE0]  }
0x347: {  	v7 =	vadd.f32 v8, v7;
	v29 =	vadd.f32 v33, v15;
	v14 =	vld [tilespmem:s26+$0x70]  }
0x348: {  	v11 =	vadd.f32 v26, v9;
	v26 =	vadd.f32 v40, v38;
	v8 =	vld [tilespmem:s26+$0x60]  }
0x349: {  	v5 =	vadd.f32 v20, v5;
	v9 =	vmul.f32 v20, v20;
	v20 =	vld [tilespmem:s26+$0x50]  }
0x34a: {  	v33 =	vmul.f32 v35, v35;
	v31 =	vmul.f32 v17, v17;
	v15 =	vld [tilespmem:s26+$0x40]  }
0x34b: {  	v9 =	vadd.f32 v9, v13;
	v13 =	vld [tilespmem:s26+$0x30];
	v5 =	vadd.f32 v12, v5;
	v12 =	vmul.f32 v12, v12  }
0x34c: {  	v40 =	vmul.f32 v24, v24;
	v38 =	vld [tilespmem:s26+$0x20];
	v7 =	vadd.f32 v14, v7;
	v39 =	vmul.f32 v14, v14  }
0x34d: {  	v41 =	vld [tilespmem:s26+$0x10];
	v36 =	vadd.f32 v8, v36;
	v8 =	vmul.f32 v8, v8;
	v5 =	vadd.f32 v17, v5  }
0x34e: {  	v12 =	vadd.f32 v12, v9;
	v42 =	vadd.f32 v20, v25;
	v14 =	vmul.f32 v20, v20;
	v43 =	vld [tilespmem:s26+$0xB0]  }
0x34f: {  	v28 =	vmul.f32 v15, v15;
	v8 =	vadd.f32 v8, v19;
	v17 =	vld [tilespmem:s26+$0x80];
	v5 =	vadd.f32 v30, v5  }
0x350: {  	v7 =	vadd.f32 v37, v7;
	v10 =	vadd.f32 v13, v10;
	v9 =	vmul.f32 v13, v13;
	v13 =	vld [tilespmem:s26+$0xA0]  }
0x351: {  	v44 =	vadd.f32 v31, v12;
	v19 =	vadd.f32 v38, v16;
	v38 =	vmul.f32 v38, v38;
	v16 =	vld [tilespmem:s26+$0x190]  }
0x352: {  	v31 =	vadd.f32 v39, v23;
	v8 =	vadd.f32 v40, v8;
	v45 =	vmul.f32 v41, v41;
	v20 =	vld [tilespmem:s26+$0x130]  }
0x353: {  	v25 =	vmul.f32 v32, v3;
	v36 =	vadd.f32 v24, v36;
	v12 =	vadd.f32 v43, v19;
	v23 =	vld [tilespmem:s26+$0xD0]  }
0x354: {  	v19 =	vadd.f32 v33, v8;
	v26 =	vadd.f32 v17, v26;
	v17 =	vmul.f32 v34, v34;
	v39 =	vld [tilespmem:s26+$0x110]  }
.Ltmp7:
0x355: {  	v24 =	vadd.f32 v41, v27;
	v27 =	vadd.f32 v34, v42;
	v40 =	vmul.f32 v13, v13;
	v32 =	vld [tilespmem:s26+$0x210];
	(pc) =	sbr.rel @p1 .LBB2_19-.Ltmp7, $4  }
0x356: {  	v42 =	vmul.f32 v30, v30;
	v41 =	vadd.f32 v45, v21;
	v7 =	vadd.f32 v16, v7;
	v8 =	vld [tilespmem:s26+$0x220]  }
0x357: {  	v36 =	vadd.f32 v35, v36;
	v30 =	vadd.f32 v13, v24;
	v33 =	vmul.f32 v20, v20;
	v24 =	vld [tilespmem:s26+$0x140]  }
0x358: {  	v35 =	vadd.f32 v38, v22;
	v34 =	vmul.f32 v37, v37;
	v13 =	vadd.f32 v42, v44;
	v21 =	vld [tilespmem:s26+$0x1A0]  }
0x359: {  	v38 =	vmul.f32 v43, v43;
	v37 =	vadd.f32 v40, v41;
	s26 =	sadd.s32 $0x240, s26;
	v22 =	vadd.f32 v39, v26;
	v26 =	vld [tilespmem:s24+$0x1D0]  }
0x35a: {  	v6 =	vadd.f32 v28, v6  }
0x35b: {  	v15 =	vadd.f32 v15, v29;
	v36 =	vadd.f32 v32, v36  }
0x35c: {  	v31 =	vadd.f32 v34, v31;
	v14 =	vadd.f32 v14, v18  }
0x35d: {  	v59 =	vmul.f32 v23, v23;
	v20 =	vadd.f32 v20, v30;
	v9 =	vadd.f32 v9, v11  }
0x35e: {  	v62 =	vld [tilespmem:s24+$0x170];
	v35 =	vadd.f32 v38, v35;
	v33 =	vadd.f32 v33, v37  }
0x35f: {  	v39 =	vld [tilespmem:s24+$0xC0];
	v46 =	vmul.f32 v32, v32;
	v6 =	vadd.f32 v59, v6;
	v15 =	vadd.f32 v23, v15  }
0x360: {  	v60 =	vld [tilespmem:s24+$0x1F0];
	v61 =	vmul.f32 v24, v24;
	v2 =	vadd.f32 v2, v20;
	v14 =	vadd.f32 v17, v14  }
0x361: {  	v42 =	vld [tilespmem:s24+$0x150];
	v5 =	vmul.f32 v5, v5;
	v12 =	vadd.f32 v24, v12;
	v4 =	vadd.f32 v4, v33  }
0x362: {  	v35 =	vadd.f32 v61, v35;
	v63 =	vmul.f32 v26, v26;
	v6 =	vadd.f32 v25, v6  }
0x363: {  	v44 =	vld [tilespmem:s24+$0x1E0];
	v3 =	vadd.f32 v3, v15;
	v12 =	vadd.f32 v26, v12;
	v2 =	vmul.f32 v2, v2  }
0x364: {  	v43 =	vadd.f32 v62, v27;
	v10 =	vadd.f32 v39, v10;
	v45 =	vmul.f32 v39, v39  }
0x365: {  	v41 =	vmul.f32 v60, v60;
	v4 =	vadd.f32 v4, v13;
	v40 =	vadd.f32 v63, v35  }
0x366: {  	v48 =	vld [tilespmem:s24+$0x200];
	v47 =	vmul.f32 v42, v42;
	v10 =	vadd.f32 v42, v10;
	v9 =	vadd.f32 v45, v9  }
0x367: {  	v2 =	vadd.f32 v2, v5;
	v50 =	vmul.f32 v12, v12;
	v3 =	vadd.f32 v60, v3  }
0x368: {  	v49 =	vmul.f32 v44, v44;
	v10 =	vadd.f32 v44, v10;
	v9 =	vadd.f32 v47, v9  }
0x369: {  	v51 =	vmul.f32 v62, v62;
	v6 =	vadd.f32 v41, v6;
	v2 =	vadd.f32 v50, v2  }
0x36a: {  	v4 =	vadd.f32 v40, v4;
	v9 =	vadd.f32 v49, v9;
	v52 =	vmul.f32 v10, v10  }
0x36b: {  	v54 =	vmul.f32 v48, v48;
	v53 =	vadd.f32 v51, v14;
	v55 =	vadd.f32 v48, v43  }
0x36c: {  	v3 =	vmul.f32 v3, v3;
	v2 =	vadd.f32 v52, v2;
	v4 =	vadd.f32 v9, v4  }
0x36d: {  	v56 =	vmul.f32 v16, v16;
	v7 =	vadd.f32 v8, v7;
	v10 =	vadd.f32 v54, v53  }
0x36e: {  	v58 =	vmul.f32 v55, v55;
	v2 =	vadd.f32 v3, v2;
	v3 =	vadd.f32 v6, v4  }
0x36f: {  	v57 =	vadd.f32 v46, v19;
	v59 =	vmul.f32 v8, v8;
	v5 =	vadd.f32 v56, v31  }
0x370: {  	v60 =	vmul.f32 v36, v36;
	v2 =	vadd.f32 v58, v2;
	v3 =	vadd.f32 v10, v3  }
0x371: {  	v5 =	vadd.f32 v59, v5  }
0x372: {  	v61 =	vmul.f32 v7, v7;
	v2 =	vadd.f32 v60, v2;
	v3 =	vadd.f32 v57, v3  }
0x373: {  	v62 =	vld [tilespmem:s24+$0x230]  }
0x374: {  	v2 =	vadd.f32 v61, v2;
	v3 =	vadd.f32 v5, v3;
	_ =	sdelay $0x1  }
0x375: {  	v63 =	vadd.f32 v21, v22;
	v2 =	vsub.f32 v2, v3;
	_ =	sdelay $0x1  }
0x376: {  	v3 =	vadd.f32 v62, v63;
	v2 =	vmul.f32 $5.000000000e-01, v2;
	_ =	sdelay $0x1  }
0x377: {  	v2 =	vadd.f32 v2, v3;
	_ =	sdelay $0x1  }
0x378: {  	(xrf2) =	vadd.scan.msk.f32 $0xffff, v2;
	_ =	sdelay $0x9  }
0x379: {  	v2, _, _ =	vpop (xrf2)  }
0x37a: {  	(v2sf) =	vpush v2, $0xF;
	_ =	sdelay $0xb  }
0x37b: {  	v1 =	vadd.s32 $0x7, v1  }
0x37c: {  	s23 =	sadd.s32 $0x1, s23;
	v1 =	vbroadcast v1, $0x0  }
0x37d: {  	p1 =	seq.s32 s23, $0x4  }
.Ltmp8:
0x37e: {  	s31 =	spop (v2sf);
	(pc) =	sbr.rel @!p1 .LBB2_4-.Ltmp8, $3  }
0x37f: {  	s24 =	sadd.f32 s31, s19;
	_ =	sdelay $0x1  }
0x380: {  	v2 =	vmov s24  }
0x381: {  	[tilespmem:v1+s16+$0x0] =	vst.idx.msk $0x1, v2  }
0x382: {  	p0 =	seq.s32 s20, $0x10  }
.Ltmp9:
0x383: {  	_ = 	snop;
	(pc) =	sbr.rel @!p0 .LBB2_3-.Ltmp9, $1  }
0x384: {  	_ =	sdelay $0x3  }
0x385: {  	s18 =	sadd.s32 $0x1, s18  }
0x386: {  	p0 =	sne.s32 s18, s9  }
.Ltmp10:
0x387: {  	_ = 	snop;
	(pc) =	sbr.rel @p0 .LBB2_1-.Ltmp10, $4  }
0x388: {  	[hbm4b:s8+s2] =	stream.linear.scatter [tilespmem:s16], [sflag:$0x4], $0x200, $0x38;
	[tilespmem:$0x1DD10] =	vst v63  }
0x389: {  	_ =	swait.ge [sflag:s11], $0x200  }
0x38a: {  	[sflag:s11] =	ssyncset.done $0x0  }
0x38b: {  	[sflag:s11] =	ssyncadd.s32 $0xFFFFFE00  }
0x38c: {  	_ =	sfence.sel $0x180000  }
0x38d: {  	[bflag:$0x0] =	sbarrier.arrive $0xFFFF  }
0x38e: {  	p0 =	sne.s32 s1, $0x0;
	_ =	strace $0x90000047  }
0x38f: {  	s0 =	sadd.s32 @!p0 $0x100000, s0;
	[bflag:$0x2] =	sbarrier.arrive $0xFFFF  }
0x390: {  	[sflag:s0] =	ssyncadd.tile.s32 @!p0 $0x1;
	_ =	shalt  }
.Lfunc_end2:
_tile_overlayer_lowered:
.L_overlay_start_2:
0x391: {  	(tag) =	ssettag $0x2  }
0x392: {  	s0 =	rddreg [dreg:$0x0];
	s2 =	stileid.u32  }
0x393: {  	s1 =	rddreg [dreg:$0x1];
	p0 =	sne.s32 s2, $0x0  }
0x394: {  	s3 =	rddreg [dreg:$0x2];
	[bflag:$0x3] =	sbarrier.arrive $0xFFFF;
	s2 =	simm.s32 @!p0 $0x1C04  }
0x395: {  	[timem:s3], [sflag:s2] =	dma.local @!p0 [hbm:s0], s1  }
0x396: {  	s0 =	simm.s32 @!p0 $0x4  }
0x397: {  	_ =	swait.ge @!p0 [sflag:s0], s1  }
0x398: {  	s1 =	ssub.s32 @!p0 $0x0, s1;
	[sflag:s0] =	ssyncset.done @!p0 $0x0  }
0x399: {  	[sflag:s0] =	ssyncadd.s32 @!p0 s1  }
0x39a: {  	[bflag:$0x3] =	sbarrier.arrive $0xFFFF  }
0x39b: {  	_ =	shalt  }

</sc_bundles>
